<compile_context>
chip_gen: v7x
topology: tpu7x:2x2x1
jax: 0.10.2.dev20260603
libtpu: 0.0.44.dev20260713+nightly
codegen_flags: <defaults>
</compile_context>

<pallas_src>
import functools

import jax
import jax.numpy as jnp
import numpy as np
from jax import lax
from jax.experimental import pallas as pl
from jax.experimental.pallas import tpu as pltpu
from jax.experimental.pallas import tpu_sc as plsc

DELTA_VAR = 1.0
DELTA_DIST = 2.0


def _sc_segsum(D, HSC, W, K, NC, NW, HPB, data_hbm, lab_hbm, sums_pp,
               counts_pp, dbuf0, dbuf1, lbuf0, lbuf1, acc, acc2, cred,
               sem0, sem1, lsem0, lsem1):
    HPW = HSC // NW
    NBLK = HPW // HPB

    wid = lax.axis_index("s") * NC + lax.axis_index("c")
    lane = lax.iota(jnp.int32, 16)
    ones = jnp.full((16,), 1.0, jnp.float32)
    zeros = jnp.zeros((16,), jnp.float32)

    @plsc.parallel_loop(0, (K * D * 16 + K * 16) // 16)
    def zero_body(j):
        acc[pl.ds(j * 16, 16)] = zeros

    dbufs = (dbuf0, dbuf1)
    lbufs = (lbuf0, lbuf1)
    sems = (sem0, sem1)
    lsems = (lsem0, lsem1)
    h_base = wid * HPW

    def start(blk):
        b = blk % 2
        pltpu.async_copy(data_hbm.at[:, pl.ds(h_base + blk * HPB, HPB), :],
                         dbufs[b], sems[b])
        pltpu.async_copy(lab_hbm.at[pl.ds(h_base + blk * HPB, HPB), :],
                         lbufs[b], lsems[b])

    def wait(blk):
        b = blk % 2
        pltpu.make_async_copy(data_hbm.at[:, pl.ds(h_base + blk * HPB, HPB), :],
                              dbufs[b], sems[b]).wait()
        pltpu.make_async_copy(lab_hbm.at[pl.ds(h_base + blk * HPB, HPB), :],
                              lbufs[b], lsems[b]).wait()

    start(0)
    for blk in range(NBLK):
        b = blk % 2
        wait(blk)
        if blk + 1 < NBLK:
            start(blk + 1)
        dbuf = dbufs[b]
        lbuf = lbufs[b]
        for row in range(HPB):
            @plsc.parallel_loop(0, W // 16, unroll=2)
            def g_body(g):
                col = g * 16
                lab16 = lbuf[row, pl.ds(col, 16)]
                base = lab16 * 16 + lane
                plsc.addupdate_scatter(acc, [K * D * 16 + base], ones)
                for d in range(D):
                    v = dbuf[d, row, pl.ds(col, 16)]
                    plsc.addupdate_scatter(acc, [base + d * (K * 16)], v)

    @plsc.parallel_loop(0, D)
    def red_body(dd):
        res = zeros
        for labk in range(K):
            row16 = acc[pl.ds(dd * (K * 16) + labk * 16, 16)]
            s = jnp.sum(row16)
            res = jnp.where(lane == labk, s, res)
        acc2[dd, :] = res

    cres = zeros
    for labk in range(K):
        s = jnp.sum(acc[pl.ds(K * D * 16 + labk * 16, 16)])
        cres = jnp.where(lane == labk, s, cres)
    cred[...] = cres

    pltpu.sync_copy(acc2, sums_pp.at[wid])
    pltpu.sync_copy(cred, counts_pp.at[wid])


def _phase1_body(K, NBLK, data_ref, lab_ref, sums_ref, counts_ref):
    i = pl.program_id(0)
    hb, w = lab_ref.shape
    D = sums_ref.shape[0]
    x = data_ref[...].reshape(D, hb * w)
    lab2 = lab_ref[...].reshape(1, hb * w)
    onehot = (jax.lax.broadcasted_iota(jnp.int32, (K, hb * w), 0)
              == lab2).astype(jnp.float32)
    bsums = jax.lax.dot_general(
        x, onehot, (((1,), (1,)), ((), ())),
        preferred_element_type=jnp.float32)
    bcounts = jnp.sum(onehot, axis=1, keepdims=True).T

    @pl.when(i == 0)
    def _():
        sums_ref[...] = jnp.zeros_like(sums_ref)
        counts_ref[...] = jnp.zeros_like(counts_ref)

    sums_ref[...] += bsums
    counts_ref[...] += bcounts


def _phase2_body(K, NW, NBLK, data_ref, lab_ref, sums_ref, counts_ref,
                 sums_tc_ref, counts_tc_ref, out_ref):
    i = pl.program_id(0)
    hb, w = lab_ref.shape
    D = sums_ref.shape[1]
    sums = jnp.sum(sums_ref[...], axis=0) + sums_tc_ref[...]
    counts = (jnp.sum(counts_ref[...], axis=0, keepdims=True)
              + counts_tc_ref[...])
    centers = sums / counts
    x = data_ref[...].reshape(D, hb * w)
    lab2 = lab_ref[...].reshape(1, hb * w)
    onehot = (jax.lax.broadcasted_iota(jnp.int32, (K, hb * w), 0)
              == lab2).astype(jnp.float32)
    c_sel = jax.lax.dot_general(
        centers, onehot, (((1,), (0,)), ((), ())),
        preferred_element_type=jnp.float32)
    diff = x - c_sel
    norm2 = jnp.sum(diff * diff, axis=0, keepdims=True)
    norm = jnp.sqrt(norm2)
    h = jnp.maximum(norm - DELTA_VAR, 0.0)
    var_b = jnp.sum(h * h)

    @pl.when(i == 0)
    def _():
        out_ref[0, 0] = 0.0

    out_ref[0, 0] += var_b / K

    @pl.when(i == NBLK - 1)
    def _():
        delta_reg = float(np.sqrt(centers.shape[0]))
        n2 = jnp.sum(centers * centers, axis=0)
        gram = jax.lax.dot_general(
            centers, centers, (((0,), (0,)), ((), ())),
            preferred_element_type=jnp.float32)
        sq = jnp.maximum(n2[:, None] + n2[None, :] - 2.0 * gram, 0.0)
        eye = jnp.eye(K, dtype=jnp.float32)
        cnorm = jnp.sqrt(sq + eye)
        hinge = (jnp.maximum(2.0 * DELTA_DIST - cnorm, 0.0) ** 2) * (1.0 - eye)
        dist_term = jnp.sum(hinge) / (K * (K - 1))
        reg_term = jnp.sum(jnp.maximum(jnp.sqrt(n2) - delta_reg, 0.0)) / K
        out_ref[0, 0] += dist_term + reg_term


def kernel(data, labels, cluster_ids):
    D, H, W = data.shape
    K = cluster_ids.shape[0]
    NC, NS = 2, 16
    NW = NC * NS
    HPB = 1
    HSC = 128

    mesh = plsc.VectorSubcoreMesh(core_axis_name="c", subcore_axis_name="s")
    sc_fn = pl.kernel(
        functools.partial(_sc_segsum, D, HSC, W, K, NC, NW, HPB),
        mesh=mesh,
        compiler_params=pltpu.CompilerParams(needs_layout_passes=False),
        out_type=[
            jax.ShapeDtypeStruct((NW, D, K), jnp.float32),
            jax.ShapeDtypeStruct((NW, K), jnp.float32),
        ],
        scratch_types=[
            pltpu.VMEM((D, HPB, W), jnp.float32),
            pltpu.VMEM((D, HPB, W), jnp.float32),
            pltpu.VMEM((HPB, W), jnp.int32),
            pltpu.VMEM((HPB, W), jnp.int32),
            pltpu.VMEM((K * D * 16 + K * 16,), jnp.float32),
            pltpu.VMEM((D, K), jnp.float32),
            pltpu.VMEM((K,), jnp.float32),
            pltpu.SemaphoreType.DMA,
            pltpu.SemaphoreType.DMA,
            pltpu.SemaphoreType.DMA,
            pltpu.SemaphoreType.DMA,
        ],
    )
    sums_pp, counts_pp = sc_fn(data, labels)

    HB = 16
    OFF = HSC // HB
    NBLK_TC1 = (H - HSC) // HB
    sums_tc, counts_tc = pl.pallas_call(
        functools.partial(_phase1_body, K, NBLK_TC1),
        grid=(NBLK_TC1,),
        in_specs=[
            pl.BlockSpec((D, HB, W), lambda i: (0, i + OFF, 0)),
            pl.BlockSpec((HB, W), lambda i: (i + OFF, 0)),
        ],
        out_specs=[
            pl.BlockSpec((D, K), lambda i: (0, 0)),
            pl.BlockSpec((1, K), lambda i: (0, 0)),
        ],
        out_shape=[
            jax.ShapeDtypeStruct((D, K), jnp.float32),
            jax.ShapeDtypeStruct((1, K), jnp.float32),
        ],
    )(data, labels)

    NBLK = H // HB
    out = pl.pallas_call(
        functools.partial(_phase2_body, K, NW, NBLK),
        grid=(NBLK,),
        in_specs=[
            pl.BlockSpec((D, HB, W), lambda i: (0, i, 0)),
            pl.BlockSpec((HB, W), lambda i: (i, 0)),
            pl.BlockSpec((NW, D, K), lambda i: (0, 0, 0)),
            pl.BlockSpec((NW, K), lambda i: (0, 0)),
            pl.BlockSpec((D, K), lambda i: (0, 0)),
            pl.BlockSpec((1, K), lambda i: (0, 0)),
        ],
        out_specs=pl.BlockSpec(memory_space=pltpu.SMEM),
        out_shape=jax.ShapeDtypeStruct((1, 1), jnp.float32),
    )(data, labels, sums_pp, counts_pp, sums_tc, counts_tc)

    return out[0, 0]

# --- scband reference (transcript-rebuilt; emitter-appended) ---
"""Pipeline reference for scband-discriminative-loss-56839597195849 (READ-ONLY COPY).

The authoritative reference and input builder live on the scoring server;
editing this copy changes nothing except your own understanding.
"""

import jax, jax.numpy as jnp
import numpy as np

D, H, W, K = 32, 512, 1024, 16

def setup_inputs(seed: int = 0) -> dict:
    key = jax.random.key(seed)
    k1, k2 = jax.random.split(key)
    data = jax.random.normal(k1, (D, H, W), dtype=jnp.float32)
    labels = jax.random.randint(k2, (H, W), 0, K, dtype=jnp.int32)
    cluster_ids = jnp.arange(K, dtype=jnp.int32)
    return {"data": data, "labels": labels, "cluster_ids": cluster_ids}

def reference(data, labels, cluster_ids):
    num_clusters = cluster_ids.shape[0]
    dims = data.shape[0]
    delta_var = 1.0
    delta_dist = 2.0
    delta_reg = float(np.sqrt(dims))
    var_weight = 1.0
    dist_weight = 1.0
    reg_weight = 1.0
    flat = data.reshape(dims, -1).T          # [N, D]
    lab = labels.reshape(-1)                  # [N]
    # cluster centers via segment reduction (faithful to per-cluster masked mean)
    sums = jax.ops.segment_sum(flat, lab, num_segments=num_clusters)   # [K, D]
    counts = jax.ops.segment_sum(jnp.ones_like(lab, dtype=flat.dtype), lab, num_segments=num_clusters)
    centers = sums / counts[:, None]
    # variance term: every pixel belongs to exactly one cluster in cluster_ids
    diff = flat - centers[lab]                # gather of centers per pixel
    norms = jnp.sqrt(jnp.sum(diff * diff, axis=1))
    var_term = jnp.sum(jnp.clip(norms - delta_var, 0.0) ** 2) / num_clusters
    # distance term over all ordered pairs i != j
    cdiff = centers[:, None, :] - centers[None, :, :]
    sq = jnp.sum(cdiff * cdiff, axis=-1)
    eye = jnp.eye(num_clusters, dtype=sq.dtype)
    cnorm = jnp.sqrt(sq + eye)                # eye keeps diagonal sqrt-safe; masked below
    hinge = (jnp.clip(2.0 * delta_dist - cnorm, 0.0) ** 2) * (1.0 - eye)
    dist_term = jnp.sum(hinge) / (num_clusters * (num_clusters - 1))
    # regularization term
    center_norms = jnp.sqrt(jnp.sum(centers * centers, axis=1))
    reg_term = jnp.sum(jnp.clip(center_norms - delta_reg, 0.0)) / num_clusters
    return var_weight * var_term + dist_weight * dist_term + reg_weight * reg_term

if __name__ == "__main__":
    import jax
    _d = setup_inputs()
    print(jax.jit(kernel)(*tuple(_d.values())))

</pallas_src>

<mosaic_0001>
#map = affine_map<(d0, d1) -> (0, 0, 0)>
#map1 = affine_map<(d0, d1) -> (0, 0)>
module attributes {stable_mosaic.version = 14 : i64} {
  func.func @_sc_segsum(%arg0: i32, %arg1: i32, %arg2: memref<32x512x1024xf32, #tpu.memory_space<hbm>>, %arg3: memref<512x1024xi32, #tpu.memory_space<hbm>>, %arg4: memref<32x32x16xf32, #tpu.memory_space<hbm>>, %arg5: memref<32x16xf32, #tpu.memory_space<hbm>>, %arg6: memref<32x1x1024xf32, #tpu.memory_space<vmem>>, %arg7: memref<32x1x1024xf32, #tpu.memory_space<vmem>>, %arg8: memref<1x1024xi32, #tpu.memory_space<vmem>>, %arg9: memref<1x1024xi32, #tpu.memory_space<vmem>>, %arg10: memref<8448xf32, #tpu.memory_space<vmem>>, %arg11: memref<32x16xf32, #tpu.memory_space<vmem>>, %arg12: memref<16xf32, #tpu.memory_space<vmem>>, %arg13: memref<!tpu.dma_semaphore, #tpu.memory_space<semaphore_mem>>, %arg14: memref<!tpu.dma_semaphore, #tpu.memory_space<semaphore_mem>>, %arg15: memref<!tpu.dma_semaphore, #tpu.memory_space<semaphore_mem>>, %arg16: memref<!tpu.dma_semaphore, #tpu.memory_space<semaphore_mem>>) attributes {dimension_semantics = [#tpu.dimension_semantics<core_parallel>, #tpu.dimension_semantics<subcore_parallel>], iteration_bounds = array<i64: 2, 16>, scalar_prefetch = 0 : i64, scratch_operands = 11 : i64, tpu.core_type = #tpu.core_type<sc_vector_subcore>, window_params = [{transform_indices = #map}, {transform_indices = #map1}, {transform_indices = #map}, {transform_indices = #map1}]} {
    %mul3A = arith.constant 2 : i32
    %mul3A_0 = arith.muli %arg1, %mul3A : i32
    %add3A = arith.addi %mul3A_0, %arg0 : i32
    %iota3A = tpu.iota {dimensions = array<i32: 0>} : vector<16xi32>
    %broadcast_in_dim3A = arith.constant 1.000000e+00 : f32
    %broadcast_in_dim3A_1 = vector.broadcast %broadcast_in_dim3A : f32 to vector<16xf32>
    %broadcast_in_dim3A_2 = arith.constant 0.000000e+00 : f32
    %broadcast_in_dim3A_3 = vector.broadcast %broadcast_in_dim3A_2 : f32 to vector<16xf32>
    %parallel_loop3A = arith.constant 0 : i32
    %parallel_loop3A_4 = arith.constant 528 : i32
    %parallel_loop3A_5 = arith.constant 1 : i32
    scf.for %parallel_loop3A_306 = %parallel_loop3A to %parallel_loop3A_4 step %parallel_loop3A_5  : i32 {
      %parallel_loop3A_307 = arith.constant 16 : i32
      %parallel_loop3A_308 = arith.muli %parallel_loop3A_306, %parallel_loop3A_307 : i32
      %parallel_loop3A_309 = arith.index_cast %parallel_loop3A_308 : i32 to index
      %parallel_loop3A_310 = tpu.vector_load %arg10[%parallel_loop3A_309] {strides = array<i32>} : memref<8448xf32, #tpu.memory_space<vmem>>, vector<16xf32>,
      tpu.vector_store %arg10[%parallel_loop3A_309], %broadcast_in_dim3A_3 {strides = array<i32>} : memref<8448xf32, #tpu.memory_space<vmem>>, vector<16xf32>,
    } {sc.loop_unroll_factor = 1 : i64, sc.parallel_access}
    %mul3A_6 = arith.constant 4 : i32
    %mul3A_7 = arith.muli %add3A, %mul3A_6 : i32
    %add3A_8 = arith.constant 0 : i32
    %add3A_9 = arith.addi %mul3A_7, %add3A_8 : i32
    %dma_start3A = arith.constant 0 : i32
    %dma_start3A_10 = arith.constant 0 : i32
    %dma_start3A_11 = tpu.memref_slice %arg2[%dma_start3A, %add3A_9, %dma_start3A_10] : memref<32x512x1024xf32, #tpu.memory_space<hbm>> -> memref<32x1x1024xf32, #tpu.memory_space<hbm>>
    %dma_start3A_12 = arith.constant 0 : i32
    %dma_start3A_13 = arith.constant 0 : i32
    %dma_start3A_14 = tpu.memref_slice %arg2[%dma_start3A_12, %add3A_9, %dma_start3A_13] : memref<32x512x1024xf32, #tpu.memory_space<hbm>> -> memref<32x1x1024xf32, #tpu.memory_space<hbm>>
    tpu.enqueue_dma source(%dma_start3A_14 : memref<32x1x1024xf32, #tpu.memory_space<hbm>>) target(%arg6 : memref<32x1x1024xf32, #tpu.memory_space<vmem>>) target_semaphore(%arg13 : memref<!tpu.dma_semaphore, #tpu.memory_space<semaphore_mem>>)
    %add3A_15 = arith.constant 0 : i32
    %add3A_16 = arith.addi %mul3A_7, %add3A_15 : i32
    %dma_start3A_17 = arith.constant 0 : i32
    %dma_start3A_18 = tpu.memref_slice %arg3[%add3A_16, %dma_start3A_17] : memref<512x1024xi32, #tpu.memory_space<hbm>> -> memref<1x1024xi32, #tpu.memory_space<hbm>>
    %dma_start3A_19 = arith.constant 0 : i32
    %dma_start3A_20 = tpu.memref_slice %arg3[%add3A_16, %dma_start3A_19] : memref<512x1024xi32, #tpu.memory_space<hbm>> -> memref<1x1024xi32, #tpu.memory_space<hbm>>
    tpu.enqueue_dma source(%dma_start3A_20 : memref<1x1024xi32, #tpu.memory_space<hbm>>) target(%arg8 : memref<1x1024xi32, #tpu.memory_space<vmem>>) target_semaphore(%arg15 : memref<!tpu.dma_semaphore, #tpu.memory_space<semaphore_mem>>)
    %add3A_21 = arith.constant 0 : i32
    %add3A_22 = arith.addi %mul3A_7, %add3A_21 : i32
    %dma_wait3A = arith.constant 0 : i32
    %dma_wait3A_23 = arith.constant 0 : i32
    %dma_wait3A_24 = tpu.memref_slice %arg2[%dma_wait3A, %add3A_22, %dma_wait3A_23] : memref<32x512x1024xf32, #tpu.memory_space<hbm>> -> memref<32x1x1024xf32, #tpu.memory_space<hbm>>
    %dma_wait3A_25 = arith.constant 0 : i32
    %dma_wait3A_26 = arith.constant 0 : i32
    %dma_wait3A_27 = tpu.memref_slice %arg2[%dma_wait3A_25, %add3A_22, %dma_wait3A_26] : memref<32x512x1024xf32, #tpu.memory_space<hbm>> -> memref<32x1x1024xf32, #tpu.memory_space<hbm>>
    tpu.wait_dma2 semaphore(%arg13 : memref<!tpu.dma_semaphore, #tpu.memory_space<semaphore_mem>>) src(%dma_wait3A_27 : memref<32x1x1024xf32, #tpu.memory_space<hbm>>) dst(%arg6 : memref<32x1x1024xf32, #tpu.memory_space<vmem>>)
    %add3A_28 = arith.constant 0 : i32
    %add3A_29 = arith.addi %mul3A_7, %add3A_28 : i32
    %dma_wait3A_30 = arith.constant 0 : i32
    %dma_wait3A_31 = tpu.memref_slice %arg3[%add3A_29, %dma_wait3A_30] : memref<512x1024xi32, #tpu.memory_space<hbm>> -> memref<1x1024xi32, #tpu.memory_space<hbm>>
    %dma_wait3A_32 = arith.constant 0 : i32
    %dma_wait3A_33 = tpu.memref_slice %arg3[%add3A_29, %dma_wait3A_32] : memref<512x1024xi32, #tpu.memory_space<hbm>> -> memref<1x1024xi32, #tpu.memory_space<hbm>>
    tpu.wait_dma2 semaphore(%arg15 : memref<!tpu.dma_semaphore, #tpu.memory_space<semaphore_mem>>) src(%dma_wait3A_33 : memref<1x1024xi32, #tpu.memory_space<hbm>>) dst(%arg8 : memref<1x1024xi32, #tpu.memory_space<vmem>>)
    %add3A_34 = arith.constant 1 : i32
    %add3A_35 = arith.addi %mul3A_7, %add3A_34 : i32
    %dma_start3A_36 = arith.constant 0 : i32
    %dma_start3A_37 = arith.constant 0 : i32
    %dma_start3A_38 = tpu.memref_slice %arg2[%dma_start3A_36, %add3A_35, %dma_start3A_37] : memref<32x512x1024xf32, #tpu.memory_space<hbm>> -> memref<32x1x1024xf32, #tpu.memory_space<hbm>>
    %dma_start3A_39 = arith.constant 0 : i32
    %dma_start3A_40 = arith.constant 0 : i32
    %dma_start3A_41 = tpu.memref_slice %arg2[%dma_start3A_39, %add3A_35, %dma_start3A_40] : memref<32x512x1024xf32, #tpu.memory_space<hbm>> -> memref<32x1x1024xf32, #tpu.memory_space<hbm>>
    tpu.enqueue_dma source(%dma_start3A_41 : memref<32x1x1024xf32, #tpu.memory_space<hbm>>) target(%arg7 : memref<32x1x1024xf32, #tpu.memory_space<vmem>>) target_semaphore(%arg14 : memref<!tpu.dma_semaphore, #tpu.memory_space<semaphore_mem>>)
    %add3A_42 = arith.constant 1 : i32
    %add3A_43 = arith.addi %mul3A_7, %add3A_42 : i32
    %dma_start3A_44 = arith.constant 0 : i32
    %dma_start3A_45 = tpu.memref_slice %arg3[%add3A_43, %dma_start3A_44] : memref<512x1024xi32, #tpu.memory_space<hbm>> -> memref<1x1024xi32, #tpu.memory_space<hbm>>
    %dma_start3A_46 = arith.constant 0 : i32
    %dma_start3A_47 = tpu.memref_slice %arg3[%add3A_43, %dma_start3A_46] : memref<512x1024xi32, #tpu.memory_space<hbm>> -> memref<1x1024xi32, #tpu.memory_space<hbm>>
    tpu.enqueue_dma source(%dma_start3A_47 : memref<1x1024xi32, #tpu.memory_space<hbm>>) target(%arg9 : memref<1x1024xi32, #tpu.memory_space<vmem>>) target_semaphore(%arg16 : memref<!tpu.dma_semaphore, #tpu.memory_space<semaphore_mem>>)
    %parallel_loop3A_48 = arith.constant 0 : i32
    %parallel_loop3A_49 = arith.constant 64 : i32
    %parallel_loop3A_50 = arith.constant 1 : i32
    scf.for %parallel_loop3A_306 = %parallel_loop3A_48 to %parallel_loop3A_49 step %parallel_loop3A_50  : i32 {
      %parallel_loop3A_307 = arith.constant 16 : i32
      %parallel_loop3A_308 = arith.muli %parallel_loop3A_306, %parallel_loop3A_307 : i32
      %parallel_loop3A_309 = arith.constant 0 : i32
      %parallel_loop3A_310 = arith.index_cast %parallel_loop3A_309 : i32 to index
      %parallel_loop3A_311 = arith.index_cast %parallel_loop3A_308 : i32 to index
      %parallel_loop3A_312 = tpu.vector_load %arg8[%parallel_loop3A_310, %parallel_loop3A_311] {strides = array<i32>} : memref<1x1024xi32, #tpu.memory_space<vmem>>, vector<16xi32>,
      %parallel_loop3A_313 = arith.constant 16 : i32
      %parallel_loop3A_314 = vector.broadcast %parallel_loop3A_313 : i32 to vector<16xi32>
      %parallel_loop3A_315 = arith.muli %parallel_loop3A_312, %parallel_loop3A_314 : vector<16xi32>
      %parallel_loop3A_316 = arith.addi %parallel_loop3A_315, %iota3A : vector<16xi32>
      %parallel_loop3A_317 = arith.constant 8192 : i32
      %parallel_loop3A_318 = vector.broadcast %parallel_loop3A_317 : i32 to vector<16xi32>
      %parallel_loop3A_319 = arith.addi %parallel_loop3A_318, %parallel_loop3A_316 : vector<16xi32>
      tpu.vector_store_idx %arg10[%parallel_loop3A_319], %broadcast_in_dim3A_1 {add = true} : memref<8448xf32, #tpu.memory_space<vmem>>[vector<16xi32>], vector<16xf32>,
      %parallel_loop3A_320 = arith.constant 0 : i32
      %parallel_loop3A_321 = arith.constant 0 : i32
      %parallel_loop3A_322 = arith.index_cast %parallel_loop3A_320 : i32 to index
      %parallel_loop3A_323 = arith.index_cast %parallel_loop3A_321 : i32 to index
      %parallel_loop3A_324 = arith.index_cast %parallel_loop3A_308 : i32 to index
      %parallel_loop3A_325 = tpu.vector_load %arg6[%parallel_loop3A_322, %parallel_loop3A_323, %parallel_loop3A_324] {strides = array<i32>} : memref<32x1x1024xf32, #tpu.memory_space<vmem>>, vector<16xf32>,
      %parallel_loop3A_326 = arith.constant 0 : i32
      %parallel_loop3A_327 = vector.broadcast %parallel_loop3A_326 : i32 to vector<16xi32>
      %parallel_loop3A_328 = arith.addi %parallel_loop3A_316, %parallel_loop3A_327 : vector<16xi32>
      tpu.vector_store_idx %arg10[%parallel_loop3A_328], %parallel_loop3A_325 {add = true} : memref<8448xf32, #tpu.memory_space<vmem>>[vector<16xi32>], vector<16xf32>,
      %parallel_loop3A_329 = arith.constant 1 : i32
      %parallel_loop3A_330 = arith.constant 0 : i32
      %parallel_loop3A_331 = arith.index_cast %parallel_loop3A_329 : i32 to index
      %parallel_loop3A_332 = arith.index_cast %parallel_loop3A_330 : i32 to index
      %parallel_loop3A_333 = arith.index_cast %parallel_loop3A_308 : i32 to index
      %parallel_loop3A_334 = tpu.vector_load %arg6[%parallel_loop3A_331, %parallel_loop3A_332, %parallel_loop3A_333] {strides = array<i32>} : memref<32x1x1024xf32, #tpu.memory_space<vmem>>, vector<16xf32>,
      %parallel_loop3A_335 = arith.constant 256 : i32
      %parallel_loop3A_336 = vector.broadcast %parallel_loop3A_335 : i32 to vector<16xi32>
      %parallel_loop3A_337 = arith.addi %parallel_loop3A_316, %parallel_loop3A_336 : vector<16xi32>
      tpu.vector_store_idx %arg10[%parallel_loop3A_337], %parallel_loop3A_334 {add = true} : memref<8448xf32, #tpu.memory_space<vmem>>[vector<16xi32>], vector<16xf32>,
      %parallel_loop3A_338 = arith.constant 2 : i32
      %parallel_loop3A_339 = arith.constant 0 : i32
      %parallel_loop3A_340 = arith.index_cast %parallel_loop3A_338 : i32 to index
      %parallel_loop3A_341 = arith.index_cast %parallel_loop3A_339 : i32 to index
      %parallel_loop3A_342 = arith.index_cast %parallel_loop3A_308 : i32 to index
      %parallel_loop3A_343 = tpu.vector_load %arg6[%parallel_loop3A_340, %parallel_loop3A_341, %parallel_loop3A_342] {strides = array<i32>} : memref<32x1x1024xf32, #tpu.memory_space<vmem>>, vector<16xf32>,
      %parallel_loop3A_344 = arith.constant 512 : i32
      %parallel_loop3A_345 = vector.broadcast %parallel_loop3A_344 : i32 to vector<16xi32>
      %parallel_loop3A_346 = arith.addi %parallel_loop3A_316, %parallel_loop3A_345 : vector<16xi32>
      tpu.vector_store_idx %arg10[%parallel_loop3A_346], %parallel_loop3A_343 {add = true} : memref<8448xf32, #tpu.memory_space<vmem>>[vector<16xi32>], vector<16xf32>,
      %parallel_loop3A_347 = arith.constant 3 : i32
      %parallel_loop3A_348 = arith.constant 0 : i32
      %parallel_loop3A_349 = arith.index_cast %parallel_loop3A_347 : i32 to index
      %parallel_loop3A_350 = arith.index_cast %parallel_loop3A_348 : i32 to index
      %parallel_loop3A_351 = arith.index_cast %parallel_loop3A_308 : i32 to index
      %parallel_loop3A_352 = tpu.vector_load %arg6[%parallel_loop3A_349, %parallel_loop3A_350, %parallel_loop3A_351] {strides = array<i32>} : memref<32x1x1024xf32, #tpu.memory_space<vmem>>, vector<16xf32>,
      %parallel_loop3A_353 = arith.constant 768 : i32
      %parallel_loop3A_354 = vector.broadcast %parallel_loop3A_353 : i32 to vector<16xi32>
      %parallel_loop3A_355 = arith.addi %parallel_loop3A_316, %parallel_loop3A_354 : vector<16xi32>
      tpu.vector_store_idx %arg10[%parallel_loop3A_355], %parallel_loop3A_352 {add = true} : memref<8448xf32, #tpu.memory_space<vmem>>[vector<16xi32>], vector<16xf32>,
      %parallel_loop3A_356 = arith.constant 4 : i32
      %parallel_loop3A_357 = arith.constant 0 : i32
      %parallel_loop3A_358 = arith.index_cast %parallel_loop3A_356 : i32 to index
      %parallel_loop3A_359 = arith.index_cast %parallel_loop3A_357 : i32 to index
      %parallel_loop3A_360 = arith.index_cast %parallel_loop3A_308 : i32 to index
      %parallel_loop3A_361 = tpu.vector_load %arg6[%parallel_loop3A_358, %parallel_loop3A_359, %parallel_loop3A_360] {strides = array<i32>} : memref<32x1x1024xf32, #tpu.memory_space<vmem>>, vector<16xf32>,
      %parallel_loop3A_362 = arith.constant 1024 : i32
      %parallel_loop3A_363 = vector.broadcast %parallel_loop3A_362 : i32 to vector<16xi32>
      %parallel_loop3A_364 = arith.addi %parallel_loop3A_316, %parallel_loop3A_363 : vector<16xi32>
      tpu.vector_store_idx %arg10[%parallel_loop3A_364], %parallel_loop3A_361 {add = true} : memref<8448xf32, #tpu.memory_space<vmem>>[vector<16xi32>], vector<16xf32>,
      %parallel_loop3A_365 = arith.constant 5 : i32
      %parallel_loop3A_366 = arith.constant 0 : i32
      %parallel_loop3A_367 = arith.index_cast %parallel_loop3A_365 : i32 to index
      %parallel_loop3A_368 = arith.index_cast %parallel_loop3A_366 : i32 to index
      %parallel_loop3A_369 = arith.index_cast %parallel_loop3A_308 : i32 to index
      %parallel_loop3A_370 = tpu.vector_load %arg6[%parallel_loop3A_367, %parallel_loop3A_368, %parallel_loop3A_369] {strides = array<i32>} : memref<32x1x1024xf32, #tpu.memory_space<vmem>>, vector<16xf32>,
      %parallel_loop3A_371 = arith.constant 1280 : i32
      %parallel_loop3A_372 = vector.broadcast %parallel_loop3A_371 : i32 to vector<16xi32>
      %parallel_loop3A_373 = arith.addi %parallel_loop3A_316, %parallel_loop3A_372 : vector<16xi32>
      tpu.vector_store_idx %arg10[%parallel_loop3A_373], %parallel_loop3A_370 {add = true} : memref<8448xf32, #tpu.memory_space<vmem>>[vector<16xi32>], vector<16xf32>,
      %parallel_loop3A_374 = arith.constant 6 : i32
      %parallel_loop3A_375 = arith.constant 0 : i32
      %parallel_loop3A_376 = arith.index_cast %parallel_loop3A_374 : i32 to index
      %parallel_loop3A_377 = arith.index_cast %parallel_loop3A_375 : i32 to index
      %parallel_loop3A_378 = arith.index_cast %parallel_loop3A_308 : i32 to index
      %parallel_loop3A_379 = tpu.vector_load %arg6[%parallel_loop3A_376, %parallel_loop3A_377, %parallel_loop3A_378] {strides = array<i32>} : memref<32x1x1024xf32, #tpu.memory_space<vmem>>, vector<16xf32>,
      %parallel_loop3A_380 = arith.constant 1536 : i32
      %parallel_loop3A_381 = vector.broadcast %parallel_loop3A_380 : i32 to vector<16xi32>
      %parallel_loop3A_382 = arith.addi %parallel_loop3A_316, %parallel_loop3A_381 : vector<16xi32>
      tpu.vector_store_idx %arg10[%parallel_loop3A_382], %parallel_loop3A_379 {add = true} : memref<8448xf32, #tpu.memory_space<vmem>>[vector<16xi32>], vector<16xf32>,
      %parallel_loop3A_383 = arith.constant 7 : i32
      %parallel_loop3A_384 = arith.constant 0 : i32
      %parallel_loop3A_385 = arith.index_cast %parallel_loop3A_383 : i32 to index
      %parallel_loop3A_386 = arith.index_cast %parallel_loop3A_384 : i32 to index
      %parallel_loop3A_387 = arith.index_cast %parallel_loop3A_308 : i32 to index
      %parallel_loop3A_388 = tpu.vector_load %arg6[%parallel_loop3A_385, %parallel_loop3A_386, %parallel_loop3A_387] {strides = array<i32>} : memref<32x1x1024xf32, #tpu.memory_space<vmem>>, vector<16xf32>,
      %parallel_loop3A_389 = arith.constant 1792 : i32
      %parallel_loop3A_390 = vector.broadcast %parallel_loop3A_389 : i32 to vector<16xi32>
      %parallel_loop3A_391 = arith.addi %parallel_loop3A_316, %parallel_loop3A_390 : vector<16xi32>
      tpu.vector_store_idx %arg10[%parallel_loop3A_391], %parallel_loop3A_388 {add = true} : memref<8448xf32, #tpu.memory_space<vmem>>[vector<16xi32>], vector<16xf32>,
      %parallel_loop3A_392 = arith.constant 8 : i32
      %parallel_loop3A_393 = arith.constant 0 : i32
      %parallel_loop3A_394 = arith.index_cast %parallel_loop3A_392 : i32 to index
      %parallel_loop3A_395 = arith.index_cast %parallel_loop3A_393 : i32 to index
      %parallel_loop3A_396 = arith.index_cast %parallel_loop3A_308 : i32 to index
      %parallel_loop3A_397 = tpu.vector_load %arg6[%parallel_loop3A_394, %parallel_loop3A_395, %parallel_loop3A_396] {strides = array<i32>} : memref<32x1x1024xf32, #tpu.memory_space<vmem>>, vector<16xf32>,
      %parallel_loop3A_398 = arith.constant 2048 : i32
      %parallel_loop3A_399 = vector.broadcast %parallel_loop3A_398 : i32 to vector<16xi32>
      %parallel_loop3A_400 = arith.addi %parallel_loop3A_316, %parallel_loop3A_399 : vector<16xi32>
      tpu.vector_store_idx %arg10[%parallel_loop3A_400], %parallel_loop3A_397 {add = true} : memref<8448xf32, #tpu.memory_space<vmem>>[vector<16xi32>], vector<16xf32>,
      %parallel_loop3A_401 = arith.constant 9 : i32
      %parallel_loop3A_402 = arith.constant 0 : i32
      %parallel_loop3A_403 = arith.index_cast %parallel_loop3A_401 : i32 to index
      %parallel_loop3A_404 = arith.index_cast %parallel_loop3A_402 : i32 to index
      %parallel_loop3A_405 = arith.index_cast %parallel_loop3A_308 : i32 to index
      %parallel_loop3A_406 = tpu.vector_load %arg6[%parallel_loop3A_403, %parallel_loop3A_404, %parallel_loop3A_405] {strides = array<i32>} : memref<32x1x1024xf32, #tpu.memory_space<vmem>>, vector<16xf32>,
      %parallel_loop3A_407 = arith.constant 2304 : i32
      %parallel_loop3A_408 = vector.broadcast %parallel_loop3A_407 : i32 to vector<16xi32>
      %parallel_loop3A_409 = arith.addi %parallel_loop3A_316, %parallel_loop3A_408 : vector<16xi32>
      tpu.vector_store_idx %arg10[%parallel_loop3A_409], %parallel_loop3A_406 {add = true} : memref<8448xf32, #tpu.memory_space<vmem>>[vector<16xi32>], vector<16xf32>,
      %parallel_loop3A_410 = arith.constant 10 : i32
      %parallel_loop3A_411 = arith.constant 0 : i32
      %parallel_loop3A_412 = arith.index_cast %parallel_loop3A_410 : i32 to index
      %parallel_loop3A_413 = arith.index_cast %parallel_loop3A_411 : i32 to index
      %parallel_loop3A_414 = arith.index_cast %parallel_loop3A_308 : i32 to index
      %parallel_loop3A_415 = tpu.vector_load %arg6[%parallel_loop3A_412, %parallel_loop3A_413, %parallel_loop3A_414] {strides = array<i32>} : memref<32x1x1024xf32, #tpu.memory_space<vmem>>, vector<16xf32>,
      %parallel_loop3A_416 = arith.constant 2560 : i32
      %parallel_loop3A_417 = vector.broadcast %parallel_loop3A_416 : i32 to vector<16xi32>
      %parallel_loop3A_418 = arith.addi %parallel_loop3A_316, %parallel_loop3A_417 : vector<16xi32>
      tpu.vector_store_idx %arg10[%parallel_loop3A_418], %parallel_loop3A_415 {add = true} : memref<8448xf32, #tpu.memory_space<vmem>>[vector<16xi32>], vector<16xf32>,
      %parallel_loop3A_419 = arith.constant 11 : i32
      %parallel_loop3A_420 = arith.constant 0 : i32
      %parallel_loop3A_421 = arith.index_cast %parallel_loop3A_419 : i32 to index
      %parallel_loop3A_422 = arith.index_cast %parallel_loop3A_420 : i32 to index
      %parallel_loop3A_423 = arith.index_cast %parallel_loop3A_308 : i32 to index
      %parallel_loop3A_424 = tpu.vector_load %arg6[%parallel_loop3A_421, %parallel_loop3A_422, %parallel_loop3A_423] {strides = array<i32>} : memref<32x1x1024xf32, #tpu.memory_space<vmem>>, vector<16xf32>,
      %parallel_loop3A_425 = arith.constant 2816 : i32
      %parallel_loop3A_426 = vector.broadcast %parallel_loop3A_425 : i32 to vector<16xi32>
      %parallel_loop3A_427 = arith.addi %parallel_loop3A_316, %parallel_loop3A_426 : vector<16xi32>
      tpu.vector_store_idx %arg10[%parallel_loop3A_427], %parallel_loop3A_424 {add = true} : memref<8448xf32, #tpu.memory_space<vmem>>[vector<16xi32>], vector<16xf32>,
      %parallel_loop3A_428 = arith.constant 12 : i32
      %parallel_loop3A_429 = arith.constant 0 : i32
      %parallel_loop3A_430 = arith.index_cast %parallel_loop3A_428 : i32 to index
      %parallel_loop3A_431 = arith.index_cast %parallel_loop3A_429 : i32 to index
      %parallel_loop3A_432 = arith.index_cast %parallel_loop3A_308 : i32 to index
      %parallel_loop3A_433 = tpu.vector_load %arg6[%parallel_loop3A_430, %parallel_loop3A_431, %parallel_loop3A_432] {strides = array<i32>} : memref<32x1x1024xf32, #tpu.memory_space<vmem>>, vector<16xf32>,
      %parallel_loop3A_434 = arith.constant 3072 : i32
      %parallel_loop3A_435 = vector.broadcast %parallel_loop3A_434 : i32 to vector<16xi32>
      %parallel_loop3A_436 = arith.addi %parallel_loop3A_316, %parallel_loop3A_435 : vector<16xi32>
      tpu.vector_store_idx %arg10[%parallel_loop3A_436], %parallel_loop3A_433 {add = true} : memref<8448xf32, #tpu.memory_space<vmem>>[vector<16xi32>], vector<16xf32>,
      %parallel_loop3A_437 = arith.constant 13 : i32
      %parallel_loop3A_438 = arith.constant 0 : i32
      %parallel_loop3A_439 = arith.index_cast %parallel_loop3A_437 : i32 to index
      %parallel_loop3A_440 = arith.index_cast %parallel_loop3A_438 : i32 to index
      %parallel_loop3A_441 = arith.index_cast %parallel_loop3A_308 : i32 to index
      %parallel_loop3A_442 = tpu.vector_load %arg6[%parallel_loop3A_439, %parallel_loop3A_440, %parallel_loop3A_441] {strides = array<i32>} : memref<32x1x1024xf32, #tpu.memory_space<vmem>>, vector<16xf32>,
      %parallel_loop3A_443 = arith.constant 3328 : i32
      %parallel_loop3A_444 = vector.broadcast %parallel_loop3A_443 : i32 to vector<16xi32>
      %parallel_loop3A_445 = arith.addi %parallel_loop3A_316, %parallel_loop3A_444 : vector<16xi32>
      tpu.vector_store_idx %arg10[%parallel_loop3A_445], %parallel_loop3A_442 {add = true} : memref<8448xf32, #tpu.memory_space<vmem>>[vector<16xi32>], vector<16xf32>,
      %parallel_loop3A_446 = arith.constant 14 : i32
      %parallel_loop3A_447 = arith.constant 0 : i32
      %parallel_loop3A_448 = arith.index_cast %parallel_loop3A_446 : i32 to index
      %parallel_loop3A_449 = arith.index_cast %parallel_loop3A_447 : i32 to index
      %parallel_loop3A_450 = arith.index_cast %parallel_loop3A_308 : i32 to index
      %parallel_loop3A_451 = tpu.vector_load %arg6[%parallel_loop3A_448, %parallel_loop3A_449, %parallel_loop3A_450] {strides = array<i32>} : memref<32x1x1024xf32, #tpu.memory_space<vmem>>, vector<16xf32>,
      %parallel_loop3A_452 = arith.constant 3584 : i32
      %parallel_loop3A_453 = vector.broadcast %parallel_loop3A_452 : i32 to vector<16xi32>
      %parallel_loop3A_454 = arith.addi %parallel_loop3A_316, %parallel_loop3A_453 : vector<16xi32>
      tpu.vector_store_idx %arg10[%parallel_loop3A_454], %parallel_loop3A_451 {add = true} : memref<8448xf32, #tpu.memory_space<vmem>>[vector<16xi32>], vector<16xf32>,
      %parallel_loop3A_455 = arith.constant 15 : i32
      %parallel_loop3A_456 = arith.constant 0 : i32
      %parallel_loop3A_457 = arith.index_cast %parallel_loop3A_455 : i32 to index
      %parallel_loop3A_458 = arith.index_cast %parallel_loop3A_456 : i32 to index
      %parallel_loop3A_459 = arith.index_cast %parallel_loop3A_308 : i32 to index
      %parallel_loop3A_460 = tpu.vector_load %arg6[%parallel_loop3A_457, %parallel_loop3A_458, %parallel_loop3A_459] {strides = array<i32>} : memref<32x1x1024xf32, #tpu.memory_space<vmem>>, vector<16xf32>,
      %parallel_loop3A_461 = arith.constant 3840 : i32
      %parallel_loop3A_462 = vector.broadcast %parallel_loop3A_461 : i32 to vector<16xi32>
      %parallel_loop3A_463 = arith.addi %parallel_loop3A_316, %parallel_loop3A_462 : vector<16xi32>
      tpu.vector_store_idx %arg10[%parallel_loop3A_463], %parallel_loop3A_460 {add = true} : memref<8448xf32, #tpu.memory_space<vmem>>[vector<16xi32>], vector<16xf32>,
      %parallel_loop3A_464 = arith.constant 16 : i32
      %parallel_loop3A_465 = arith.constant 0 : i32
      %parallel_loop3A_466 = arith.index_cast %parallel_loop3A_464 : i32 to index
      %parallel_loop3A_467 = arith.index_cast %parallel_loop3A_465 : i32 to index
      %parallel_loop3A_468 = arith.index_cast %parallel_loop3A_308 : i32 to index
      %parallel_loop3A_469 = tpu.vector_load %arg6[%parallel_loop3A_466, %parallel_loop3A_467, %parallel_loop3A_468] {strides = array<i32>} : memref<32x1x1024xf32, #tpu.memory_space<vmem>>, vector<16xf32>,
      %parallel_loop3A_470 = arith.constant 4096 : i32
      %parallel_loop3A_471 = vector.broadcast %parallel_loop3A_470 : i32 to vector<16xi32>
      %parallel_loop3A_472 = arith.addi %parallel_loop3A_316, %parallel_loop3A_471 : vector<16xi32>
      tpu.vector_store_idx %arg10[%parallel_loop3A_472], %parallel_loop3A_469 {add = true} : memref<8448xf32, #tpu.memory_space<vmem>>[vector<16xi32>], vector<16xf32>,
      %parallel_loop3A_473 = arith.constant 17 : i32
      %parallel_loop3A_474 = arith.constant 0 : i32
      %parallel_loop3A_475 = arith.index_cast %parallel_loop3A_473 : i32 to index
      %parallel_loop3A_476 = arith.index_cast %parallel_loop3A_474 : i32 to index
      %parallel_loop3A_477 = arith.index_cast %parallel_loop3A_308 : i32 to index
      %parallel_loop3A_478 = tpu.vector_load %arg6[%parallel_loop3A_475, %parallel_loop3A_476, %parallel_loop3A_477] {strides = array<i32>} : memref<32x1x1024xf32, #tpu.memory_space<vmem>>, vector<16xf32>,
      %parallel_loop3A_479 = arith.constant 4352 : i32
      %parallel_loop3A_480 = vector.broadcast %parallel_loop3A_479 : i32 to vector<16xi32>
      %parallel_loop3A_481 = arith.addi %parallel_loop3A_316, %parallel_loop3A_480 : vector<16xi32>
      tpu.vector_store_idx %arg10[%parallel_loop3A_481], %parallel_loop3A_478 {add = true} : memref<8448xf32, #tpu.memory_space<vmem>>[vector<16xi32>], vector<16xf32>,
      %parallel_loop3A_482 = arith.constant 18 : i32
      %parallel_loop3A_483 = arith.constant 0 : i32
      %parallel_loop3A_484 = arith.index_cast %parallel_loop3A_482 : i32 to index
      %parallel_loop3A_485 = arith.index_cast %parallel_loop3A_483 : i32 to index
      %parallel_loop3A_486 = arith.index_cast %parallel_loop3A_308 : i32 to index
      %parallel_loop3A_487 = tpu.vector_load %arg6[%parallel_loop3A_484, %parallel_loop3A_485, %parallel_loop3A_486] {strides = array<i32>} : memref<32x1x1024xf32, #tpu.memory_space<vmem>>, vector<16xf32>,
      %parallel_loop3A_488 = arith.constant 4608 : i32
      %parallel_loop3A_489 = vector.broadcast %parallel_loop3A_488 : i32 to vector<16xi32>
      %parallel_loop3A_490 = arith.addi %parallel_loop3A_316, %parallel_loop3A_489 : vector<16xi32>
      tpu.vector_store_idx %arg10[%parallel_loop3A_490], %parallel_loop3A_487 {add = true} : memref<8448xf32, #tpu.memory_space<vmem>>[vector<16xi32>], vector<16xf32>,
      %parallel_loop3A_491 = arith.constant 19 : i32
      %parallel_loop3A_492 = arith.constant 0 : i32
      %parallel_loop3A_493 = arith.index_cast %parallel_loop3A_491 : i32 to index
      %parallel_loop3A_494 = arith.index_cast %parallel_loop3A_492 : i32 to index
      %parallel_loop3A_495 = arith.index_cast %parallel_loop3A_308 : i32 to index
      %parallel_loop3A_496 = tpu.vector_load %arg6[%parallel_loop3A_493, %parallel_loop3A_494, %parallel_loop3A_495] {strides = array<i32>} : memref<32x1x1024xf32, #tpu.memory_space<vmem>>, vector<16xf32>,
      %parallel_loop3A_497 = arith.constant 4864 : i32
      %parallel_loop3A_498 = vector.broadcast %parallel_loop3A_497 : i32 to vector<16xi32>
      %parallel_loop3A_499 = arith.addi %parallel_loop3A_316, %parallel_loop3A_498 : vector<16xi32>
      tpu.vector_store_idx %arg10[%parallel_loop3A_499], %parallel_loop3A_496 {add = true} : memref<8448xf32, #tpu.memory_space<vmem>>[vector<16xi32>], vector<16xf32>,
      %parallel_loop3A_500 = arith.constant 20 : i32
      %parallel_loop3A_501 = arith.constant 0 : i32
      %parallel_loop3A_502 = arith.index_cast %parallel_loop3A_500 : i32 to index
      %parallel_loop3A_503 = arith.index_cast %parallel_loop3A_501 : i32 to index
      %parallel_loop3A_504 = arith.index_cast %parallel_loop3A_308 : i32 to index
      %parallel_loop3A_505 = tpu.vector_load %arg6[%parallel_loop3A_502, %parallel_loop3A_503, %parallel_loop3A_504] {strides = array<i32>} : memref<32x1x1024xf32, #tpu.memory_space<vmem>>, vector<16xf32>,
      %parallel_loop3A_506 = arith.constant 5120 : i32
      %parallel_loop3A_507 = vector.broadcast %parallel_loop3A_506 : i32 to vector<16xi32>
      %parallel_loop3A_508 = arith.addi %parallel_loop3A_316, %parallel_loop3A_507 : vector<16xi32>
      tpu.vector_store_idx %arg10[%parallel_loop3A_508], %parallel_loop3A_505 {add = true} : memref<8448xf32, #tpu.memory_space<vmem>>[vector<16xi32>], vector<16xf32>,
      %parallel_loop3A_509 = arith.constant 21 : i32
      %parallel_loop3A_510 = arith.constant 0 : i32
      %parallel_loop3A_511 = arith.index_cast %parallel_loop3A_509 : i32 to index
      %parallel_loop3A_512 = arith.index_cast %parallel_loop3A_510 : i32 to index
      %parallel_loop3A_513 = arith.index_cast %parallel_loop3A_308 : i32 to index
      %parallel_loop3A_514 = tpu.vector_load %arg6[%parallel_loop3A_511, %parallel_loop3A_512, %parallel_loop3A_513] {strides = array<i32>} : memref<32x1x1024xf32, #tpu.memory_space<vmem>>, vector<16xf32>,
      %parallel_loop3A_515 = arith.constant 5376 : i32
      %parallel_loop3A_516 = vector.broadcast %parallel_loop3A_515 : i32 to vector<16xi32>
      %parallel_loop3A_517 = arith.addi %parallel_loop3A_316, %parallel_loop3A_516 : vector<16xi32>
      tpu.vector_store_idx %arg10[%parallel_loop3A_517], %parallel_loop3A_514 {add = true} : memref<8448xf32, #tpu.memory_space<vmem>>[vector<16xi32>], vector<16xf32>,
      %parallel_loop3A_518 = arith.constant 22 : i32
      %parallel_loop3A_519 = arith.constant 0 : i32
      %parallel_loop3A_520 = arith.index_cast %parallel_loop3A_518 : i32 to index
      %parallel_loop3A_521 = arith.index_cast %parallel_loop3A_519 : i32 to index
      %parallel_loop3A_522 = arith.index_cast %parallel_loop3A_308 : i32 to index
      %parallel_loop3A_523 = tpu.vector_load %arg6[%parallel_loop3A_520, %parallel_loop3A_521, %parallel_loop3A_522] {strides = array<i32>} : memref<32x1x1024xf32, #tpu.memory_space<vmem>>, vector<16xf32>,
      %parallel_loop3A_524 = arith.constant 5632 : i32
      %parallel_loop3A_525 = vector.broadcast %parallel_loop3A_524 : i32 to vector<16xi32>
      %parallel_loop3A_526 = arith.addi %parallel_loop3A_316, %parallel_loop3A_525 : vector<16xi32>
      tpu.vector_store_idx %arg10[%parallel_loop3A_526], %parallel_loop3A_523 {add = true} : memref<8448xf32, #tpu.memory_space<vmem>>[vector<16xi32>], vector<16xf32>,
      %parallel_loop3A_527 = arith.constant 23 : i32
      %parallel_loop3A_528 = arith.constant 0 : i32
      %parallel_loop3A_529 = arith.index_cast %parallel_loop3A_527 : i32 to index
      %parallel_loop3A_530 = arith.index_cast %parallel_loop3A_528 : i32 to index
      %parallel_loop3A_531 = arith.index_cast %parallel_loop3A_308 : i32 to index
      %parallel_loop3A_532 = tpu.vector_load %arg6[%parallel_loop3A_529, %parallel_loop3A_530, %parallel_loop3A_531] {strides = array<i32>} : memref<32x1x1024xf32, #tpu.memory_space<vmem>>, vector<16xf32>,
      %parallel_loop3A_533 = arith.constant 5888 : i32
      %parallel_loop3A_534 = vector.broadcast %parallel_loop3A_533 : i32 to vector<16xi32>
      %parallel_loop3A_535 = arith.addi %parallel_loop3A_316, %parallel_loop3A_534 : vector<16xi32>
      tpu.vector_store_idx %arg10[%parallel_loop3A_535], %parallel_loop3A_532 {add = true} : memref<8448xf32, #tpu.memory_space<vmem>>[vector<16xi32>], vector<16xf32>,
      %parallel_loop3A_536 = arith.constant 24 : i32
      %parallel_loop3A_537 = arith.constant 0 : i32
      %parallel_loop3A_538 = arith.index_cast %parallel_loop3A_536 : i32 to index
      %parallel_loop3A_539 = arith.index_cast %parallel_loop3A_537 : i32 to index
      %parallel_loop3A_540 = arith.index_cast %parallel_loop3A_308 : i32 to index
      %parallel_loop3A_541 = tpu.vector_load %arg6[%parallel_loop3A_538, %parallel_loop3A_539, %parallel_loop3A_540] {strides = array<i32>} : memref<32x1x1024xf32, #tpu.memory_space<vmem>>, vector<16xf32>,
      %parallel_loop3A_542 = arith.constant 6144 : i32
      %parallel_loop3A_543 = vector.broadcast %parallel_loop3A_542 : i32 to vector<16xi32>
      %parallel_loop3A_544 = arith.addi %parallel_loop3A_316, %parallel_loop3A_543 : vector<16xi32>
      tpu.vector_store_idx %arg10[%parallel_loop3A_544], %parallel_loop3A_541 {add = true} : memref<8448xf32, #tpu.memory_space<vmem>>[vector<16xi32>], vector<16xf32>,
      %parallel_loop3A_545 = arith.constant 25 : i32
      %parallel_loop3A_546 = arith.constant 0 : i32
      %parallel_loop3A_547 = arith.index_cast %parallel_loop3A_545 : i32 to index
      %parallel_loop3A_548 = arith.index_cast %parallel_loop3A_546 : i32 to index
      %parallel_loop3A_549 = arith.index_cast %parallel_loop3A_308 : i32 to index
      %parallel_loop3A_550 = tpu.vector_load %arg6[%parallel_loop3A_547, %parallel_loop3A_548, %parallel_loop3A_549] {strides = array<i32>} : memref<32x1x1024xf32, #tpu.memory_space<vmem>>, vector<16xf32>,
      %parallel_loop3A_551 = arith.constant 6400 : i32
      %parallel_loop3A_552 = vector.broadcast %parallel_loop3A_551 : i32 to vector<16xi32>
      %parallel_loop3A_553 = arith.addi %parallel_loop3A_316, %parallel_loop3A_552 : vector<16xi32>
      tpu.vector_store_idx %arg10[%parallel_loop3A_553], %parallel_loop3A_550 {add = true} : memref<8448xf32, #tpu.memory_space<vmem>>[vector<16xi32>], vector<16xf32>,
      %parallel_loop3A_554 = arith.constant 26 : i32
      %parallel_loop3A_555 = arith.constant 0 : i32
      %parallel_loop3A_556 = arith.index_cast %parallel_loop3A_554 : i32 to index
      %parallel_loop3A_557 = arith.index_cast %parallel_loop3A_555 : i32 to index
      %parallel_loop3A_558 = arith.index_cast %parallel_loop3A_308 : i32 to index
      %parallel_loop3A_559 = tpu.vector_load %arg6[%parallel_loop3A_556, %parallel_loop3A_557, %parallel_loop3A_558] {strides = array<i32>} : memref<32x1x1024xf32, #tpu.memory_space<vmem>>, vector<16xf32>,
      %parallel_loop3A_560 = arith.constant 6656 : i32
      %parallel_loop3A_561 = vector.broadcast %parallel_loop3A_560 : i32 to vector<16xi32>
      %parallel_loop3A_562 = arith.addi %parallel_loop3A_316, %parallel_loop3A_561 : vector<16xi32>
      tpu.vector_store_idx %arg10[%parallel_loop3A_562], %parallel_loop3A_559 {add = true} : memref<8448xf32, #tpu.memory_space<vmem>>[vector<16xi32>], vector<16xf32>,
      %parallel_loop3A_563 = arith.constant 27 : i32
      %parallel_loop3A_564 = arith.constant 0 : i32
      %parallel_loop3A_565 = arith.index_cast %parallel_loop3A_563 : i32 to index
      %parallel_loop3A_566 = arith.index_cast %parallel_loop3A_564 : i32 to index
      %parallel_loop3A_567 = arith.index_cast %parallel_loop3A_308 : i32 to index
      %parallel_loop3A_568 = tpu.vector_load %arg6[%parallel_loop3A_565, %parallel_loop3A_566, %parallel_loop3A_567] {strides = array<i32>} : memref<32x1x1024xf32, #tpu.memory_space<vmem>>, vector<16xf32>,
      %parallel_loop3A_569 = arith.constant 6912 : i32
      %parallel_loop3A_570 = vector.broadcast %parallel_loop3A_569 : i32 to vector<16xi32>
      %parallel_loop3A_571 = arith.addi %parallel_loop3A_316, %parallel_loop3A_570 : vector<16xi32>
      tpu.vector_store_idx %arg10[%parallel_loop3A_571], %parallel_loop3A_568 {add = true} : memref<8448xf32, #tpu.memory_space<vmem>>[vector<16xi32>], vector<16xf32>,
      %parallel_loop3A_572 = arith.constant 28 : i32
      %parallel_loop3A_573 = arith.constant 0 : i32
      %parallel_loop3A_574 = arith.index_cast %parallel_loop3A_572 : i32 to index
      %parallel_loop3A_575 = arith.index_cast %parallel_loop3A_573 : i32 to index
      %parallel_loop3A_576 = arith.index_cast %parallel_loop3A_308 : i32 to index
      %parallel_loop3A_577 = tpu.vector_load %arg6[%parallel_loop3A_574, %parallel_loop3A_575, %parallel_loop3A_576] {strides = array<i32>} : memref<32x1x1024xf32, #tpu.memory_space<vmem>>, vector<16xf32>,
      %parallel_loop3A_578 = arith.constant 7168 : i32
      %parallel_loop3A_579 = vector.broadcast %parallel_loop3A_578 : i32 to vector<16xi32>
      %parallel_loop3A_580 = arith.addi %parallel_loop3A_316, %parallel_loop3A_579 : vector<16xi32>
      tpu.vector_store_idx %arg10[%parallel_loop3A_580], %parallel_loop3A_577 {add = true} : memref<8448xf32, #tpu.memory_space<vmem>>[vector<16xi32>], vector<16xf32>,
      %parallel_loop3A_581 = arith.constant 29 : i32
      %parallel_loop3A_582 = arith.constant 0 : i32
      %parallel_loop3A_583 = arith.index_cast %parallel_loop3A_581 : i32 to index
      %parallel_loop3A_584 = arith.index_cast %parallel_loop3A_582 : i32 to index
      %parallel_loop3A_585 = arith.index_cast %parallel_loop3A_308 : i32 to index
      %parallel_loop3A_586 = tpu.vector_load %arg6[%parallel_loop3A_583, %parallel_loop3A_584, %parallel_loop3A_585] {strides = array<i32>} : memref<32x1x1024xf32, #tpu.memory_space<vmem>>, vector<16xf32>,
      %parallel_loop3A_587 = arith.constant 7424 : i32
      %parallel_loop3A_588 = vector.broadcast %parallel_loop3A_587 : i32 to vector<16xi32>
      %parallel_loop3A_589 = arith.addi %parallel_loop3A_316, %parallel_loop3A_588 : vector<16xi32>
      tpu.vector_store_idx %arg10[%parallel_loop3A_589], %parallel_loop3A_586 {add = true} : memref<8448xf32, #tpu.memory_space<vmem>>[vector<16xi32>], vector<16xf32>,
      %parallel_loop3A_590 = arith.constant 30 : i32
      %parallel_loop3A_591 = arith.constant 0 : i32
      %parallel_loop3A_592 = arith.index_cast %parallel_loop3A_590 : i32 to index
      %parallel_loop3A_593 = arith.index_cast %parallel_loop3A_591 : i32 to index
      %parallel_loop3A_594 = arith.index_cast %parallel_loop3A_308 : i32 to index
      %parallel_loop3A_595 = tpu.vector_load %arg6[%parallel_loop3A_592, %parallel_loop3A_593, %parallel_loop3A_594] {strides = array<i32>} : memref<32x1x1024xf32, #tpu.memory_space<vmem>>, vector<16xf32>,
      %parallel_loop3A_596 = arith.constant 7680 : i32
      %parallel_loop3A_597 = vector.broadcast %parallel_loop3A_596 : i32 to vector<16xi32>
      %parallel_loop3A_598 = arith.addi %parallel_loop3A_316, %parallel_loop3A_597 : vector<16xi32>
      tpu.vector_store_idx %arg10[%parallel_loop3A_598], %parallel_loop3A_595 {add = true} : memref<8448xf32, #tpu.memory_space<vmem>>[vector<16xi32>], vector<16xf32>,
      %parallel_loop3A_599 = arith.constant 31 : i32
      %parallel_loop3A_600 = arith.constant 0 : i32
      %parallel_loop3A_601 = arith.index_cast %parallel_loop3A_599 : i32 to index
      %parallel_loop3A_602 = arith.index_cast %parallel_loop3A_600 : i32 to index
      %parallel_loop3A_603 = arith.index_cast %parallel_loop3A_308 : i32 to index
      %parallel_loop3A_604 = tpu.vector_load %arg6[%parallel_loop3A_601, %parallel_loop3A_602, %parallel_loop3A_603] {strides = array<i32>} : memref<32x1x1024xf32, #tpu.memory_space<vmem>>, vector<16xf32>,
      %parallel_loop3A_605 = arith.constant 7936 : i32
      %parallel_loop3A_606 = vector.broadcast %parallel_loop3A_605 : i32 to vector<16xi32>
      %parallel_loop3A_607 = arith.addi %parallel_loop3A_316, %parallel_loop3A_606 : vector<16xi32>
      tpu.vector_store_idx %arg10[%parallel_loop3A_607], %parallel_loop3A_604 {add = true} : memref<8448xf32, #tpu.memory_space<vmem>>[vector<16xi32>], vector<16xf32>,
    } {sc.loop_unroll_factor = 2 : i64, sc.parallel_access}
    %add3A_51 = arith.constant 1 : i32
    %add3A_52 = arith.addi %mul3A_7, %add3A_51 : i32
    %dma_wait3A_53 = arith.constant 0 : i32
    %dma_wait3A_54 = arith.constant 0 : i32
    %dma_wait3A_55 = tpu.memref_slice %arg2[%dma_wait3A_53, %add3A_52, %dma_wait3A_54] : memref<32x512x1024xf32, #tpu.memory_space<hbm>> -> memref<32x1x1024xf32, #tpu.memory_space<hbm>>
    %dma_wait3A_56 = arith.constant 0 : i32
    %dma_wait3A_57 = arith.constant 0 : i32
    %dma_wait3A_58 = tpu.memref_slice %arg2[%dma_wait3A_56, %add3A_52, %dma_wait3A_57] : memref<32x512x1024xf32, #tpu.memory_space<hbm>> -> memref<32x1x1024xf32, #tpu.memory_space<hbm>>
    tpu.wait_dma2 semaphore(%arg14 : memref<!tpu.dma_semaphore, #tpu.memory_space<semaphore_mem>>) src(%dma_wait3A_58 : memref<32x1x1024xf32, #tpu.memory_space<hbm>>) dst(%arg7 : memref<32x1x1024xf32, #tpu.memory_space<vmem>>)
    %add3A_59 = arith.constant 1 : i32
    %add3A_60 = arith.addi %mul3A_7, %add3A_59 : i32
    %dma_wait3A_61 = arith.constant 0 : i32
    %dma_wait3A_62 = tpu.memref_slice %arg3[%add3A_60, %dma_wait3A_61] : memref<512x1024xi32, #tpu.memory_space<hbm>> -> memref<1x1024xi32, #tpu.memory_space<hbm>>
    %dma_wait3A_63 = arith.constant 0 : i32
    %dma_wait3A_64 = tpu.memref_slice %arg3[%add3A_60, %dma_wait3A_63] : memref<512x1024xi32, #tpu.memory_space<hbm>> -> memref<1x1024xi32, #tpu.memory_space<hbm>>
    tpu.wait_dma2 semaphore(%arg16 : memref<!tpu.dma_semaphore, #tpu.memory_space<semaphore_mem>>) src(%dma_wait3A_64 : memref<1x1024xi32, #tpu.memory_space<hbm>>) dst(%arg9 : memref<1x1024xi32, #tpu.memory_space<vmem>>)
    %add3A_65 = arith.constant 2 : i32
    %add3A_66 = arith.addi %mul3A_7, %add3A_65 : i32
    %dma_start3A_67 = arith.constant 0 : i32
    %dma_start3A_68 = arith.constant 0 : i32
    %dma_start3A_69 = tpu.memref_slice %arg2[%dma_start3A_67, %add3A_66, %dma_start3A_68] : memref<32x512x1024xf32, #tpu.memory_space<hbm>> -> memref<32x1x1024xf32, #tpu.memory_space<hbm>>
    %dma_start3A_70 = arith.constant 0 : i32
    %dma_start3A_71 = arith.constant 0 : i32
    %dma_start3A_72 = tpu.memref_slice %arg2[%dma_start3A_70, %add3A_66, %dma_start3A_71] : memref<32x512x1024xf32, #tpu.memory_space<hbm>> -> memref<32x1x1024xf32, #tpu.memory_space<hbm>>
    tpu.enqueue_dma source(%dma_start3A_72 : memref<32x1x1024xf32, #tpu.memory_space<hbm>>) target(%arg6 : memref<32x1x1024xf32, #tpu.memory_space<vmem>>) target_semaphore(%arg13 : memref<!tpu.dma_semaphore, #tpu.memory_space<semaphore_mem>>)
    %add3A_73 = arith.constant 2 : i32
    %add3A_74 = arith.addi %mul3A_7, %add3A_73 : i32
    %dma_start3A_75 = arith.constant 0 : i32
    %dma_start3A_76 = tpu.memref_slice %arg3[%add3A_74, %dma_start3A_75] : memref<512x1024xi32, #tpu.memory_space<hbm>> -> memref<1x1024xi32, #tpu.memory_space<hbm>>
    %dma_start3A_77 = arith.constant 0 : i32
    %dma_start3A_78 = tpu.memref_slice %arg3[%add3A_74, %dma_start3A_77] : memref<512x1024xi32, #tpu.memory_space<hbm>> -> memref<1x1024xi32, #tpu.memory_space<hbm>>
    tpu.enqueue_dma source(%dma_start3A_78 : memref<1x1024xi32, #tpu.memory_space<hbm>>) target(%arg8 : memref<1x1024xi32, #tpu.memory_space<vmem>>) target_semaphore(%arg15 : memref<!tpu.dma_semaphore, #tpu.memory_space<semaphore_mem>>)
    %parallel_loop3A_79 = arith.constant 0 : i32
    %parallel_loop3A_80 = arith.constant 64 : i32
    %parallel_loop3A_81 = arith.constant 1 : i32
    scf.for %parallel_loop3A_306 = %parallel_loop3A_79 to %parallel_loop3A_80 step %parallel_loop3A_81  : i32 {
      %parallel_loop3A_307 = arith.constant 16 : i32
      %parallel_loop3A_308 = arith.muli %parallel_loop3A_306, %parallel_loop3A_307 : i32
      %parallel_loop3A_309 = arith.constant 0 : i32
      %parallel_loop3A_310 = arith.index_cast %parallel_loop3A_309 : i32 to index
      %parallel_loop3A_311 = arith.index_cast %parallel_loop3A_308 : i32 to index
      %parallel_loop3A_312 = tpu.vector_load %arg9[%parallel_loop3A_310, %parallel_loop3A_311] {strides = array<i32>} : memref<1x1024xi32, #tpu.memory_space<vmem>>, vector<16xi32>,
      %parallel_loop3A_313 = arith.constant 16 : i32
      %parallel_loop3A_314 = vector.broadcast %parallel_loop3A_313 : i32 to vector<16xi32>
      %parallel_loop3A_315 = arith.muli %parallel_loop3A_312, %parallel_loop3A_314 : vector<16xi32>
      %parallel_loop3A_316 = arith.addi %parallel_loop3A_315, %iota3A : vector<16xi32>
      %parallel_loop3A_317 = arith.constant 8192 : i32
      %parallel_loop3A_318 = vector.broadcast %parallel_loop3A_317 : i32 to vector<16xi32>
      %parallel_loop3A_319 = arith.addi %parallel_loop3A_318, %parallel_loop3A_316 : vector<16xi32>
      tpu.vector_store_idx %arg10[%parallel_loop3A_319], %broadcast_in_dim3A_1 {add = true} : memref<8448xf32, #tpu.memory_space<vmem>>[vector<16xi32>], vector<16xf32>,
      %parallel_loop3A_320 = arith.constant 0 : i32
      %parallel_loop3A_321 = arith.constant 0 : i32
      %parallel_loop3A_322 = arith.index_cast %parallel_loop3A_320 : i32 to index
      %parallel_loop3A_323 = arith.index_cast %parallel_loop3A_321 : i32 to index
      %parallel_loop3A_324 = arith.index_cast %parallel_loop3A_308 : i32 to index
      %parallel_loop3A_325 = tpu.vector_load %arg7[%parallel_loop3A_322, %parallel_loop3A_323, %parallel_loop3A_324] {strides = array<i32>} : memref<32x1x1024xf32, #tpu.memory_space<vmem>>, vector<16xf32>,
      %parallel_loop3A_326 = arith.constant 0 : i32
      %parallel_loop3A_327 = vector.broadcast %parallel_loop3A_326 : i32 to vector<16xi32>
      %parallel_loop3A_328 = arith.addi %parallel_loop3A_316, %parallel_loop3A_327 : vector<16xi32>
      tpu.vector_store_idx %arg10[%parallel_loop3A_328], %parallel_loop3A_325 {add = true} : memref<8448xf32, #tpu.memory_space<vmem>>[vector<16xi32>], vector<16xf32>,
      %parallel_loop3A_329 = arith.constant 1 : i32
      %parallel_loop3A_330 = arith.constant 0 : i32
      %parallel_loop3A_331 = arith.index_cast %parallel_loop3A_329 : i32 to index
      %parallel_loop3A_332 = arith.index_cast %parallel_loop3A_330 : i32 to index
      %parallel_loop3A_333 = arith.index_cast %parallel_loop3A_308 : i32 to index
      %parallel_loop3A_334 = tpu.vector_load %arg7[%parallel_loop3A_331, %parallel_loop3A_332, %parallel_loop3A_333] {strides = array<i32>} : memref<32x1x1024xf32, #tpu.memory_space<vmem>>, vector<16xf32>,
      %parallel_loop3A_335 = arith.constant 256 : i32
      %parallel_loop3A_336 = vector.broadcast %parallel_loop3A_335 : i32 to vector<16xi32>
      %parallel_loop3A_337 = arith.addi %parallel_loop3A_316, %parallel_loop3A_336 : vector<16xi32>
      tpu.vector_store_idx %arg10[%parallel_loop3A_337], %parallel_loop3A_334 {add = true} : memref<8448xf32, #tpu.memory_space<vmem>>[vector<16xi32>], vector<16xf32>,
      %parallel_loop3A_338 = arith.constant 2 : i32
      %parallel_loop3A_339 = arith.constant 0 : i32
      %parallel_loop3A_340 = arith.index_cast %parallel_loop3A_338 : i32 to index
      %parallel_loop3A_341 = arith.index_cast %parallel_loop3A_339 : i32 to index
      %parallel_loop3A_342 = arith.index_cast %parallel_loop3A_308 : i32 to index
      %parallel_loop3A_343 = tpu.vector_load %arg7[%parallel_loop3A_340, %parallel_loop3A_341, %parallel_loop3A_342] {strides = array<i32>} : memref<32x1x1024xf32, #tpu.memory_space<vmem>>, vector<16xf32>,
      %parallel_loop3A_344 = arith.constant 512 : i32
      %parallel_loop3A_345 = vector.broadcast %parallel_loop3A_344 : i32 to vector<16xi32>
      %parallel_loop3A_346 = arith.addi %parallel_loop3A_316, %parallel_loop3A_345 : vector<16xi32>
      tpu.vector_store_idx %arg10[%parallel_loop3A_346], %parallel_loop3A_343 {add = true} : memref<8448xf32, #tpu.memory_space<vmem>>[vector<16xi32>], vector<16xf32>,
      %parallel_loop3A_347 = arith.constant 3 : i32
      %parallel_loop3A_348 = arith.constant 0 : i32
      %parallel_loop3A_349 = arith.index_cast %parallel_loop3A_347 : i32 to index
      %parallel_loop3A_350 = arith.index_cast %parallel_loop3A_348 : i32 to index
      %parallel_loop3A_351 = arith.index_cast %parallel_loop3A_308 : i32 to index
      %parallel_loop3A_352 = tpu.vector_load %arg7[%parallel_loop3A_349, %parallel_loop3A_350, %parallel_loop3A_351] {strides = array<i32>} : memref<32x1x1024xf32, #tpu.memory_space<vmem>>, vector<16xf32>,
      %parallel_loop3A_353 = arith.constant 768 : i32
      %parallel_loop3A_354 = vector.broadcast %parallel_loop3A_353 : i32 to vector<16xi32>
      %parallel_loop3A_355 = arith.addi %parallel_loop3A_316, %parallel_loop3A_354 : vector<16xi32>
      tpu.vector_store_idx %arg10[%parallel_loop3A_355], %parallel_loop3A_352 {add = true} : memref<8448xf32, #tpu.memory_space<vmem>>[vector<16xi32>], vector<16xf32>,
      %parallel_loop3A_356 = arith.constant 4 : i32
      %parallel_loop3A_357 = arith.constant 0 : i32
      %parallel_loop3A_358 = arith.index_cast %parallel_loop3A_356 : i32 to index
      %parallel_loop3A_359 = arith.index_cast %parallel_loop3A_357 : i32 to index
      %parallel_loop3A_360 = arith.index_cast %parallel_loop3A_308 : i32 to index
      %parallel_loop3A_361 = tpu.vector_load %arg7[%parallel_loop3A_358, %parallel_loop3A_359, %parallel_loop3A_360] {strides = array<i32>} : memref<32x1x1024xf32, #tpu.memory_space<vmem>>, vector<16xf32>,
      %parallel_loop3A_362 = arith.constant 1024 : i32
      %parallel_loop3A_363 = vector.broadcast %parallel_loop3A_362 : i32 to vector<16xi32>
      %parallel_loop3A_364 = arith.addi %parallel_loop3A_316, %parallel_loop3A_363 : vector<16xi32>
      tpu.vector_store_idx %arg10[%parallel_loop3A_364], %parallel_loop3A_361 {add = true} : memref<8448xf32, #tpu.memory_space<vmem>>[vector<16xi32>], vector<16xf32>,
      %parallel_loop3A_365 = arith.constant 5 : i32
      %parallel_loop3A_366 = arith.constant 0 : i32
      %parallel_loop3A_367 = arith.index_cast %parallel_loop3A_365 : i32 to index
      %parallel_loop3A_368 = arith.index_cast %parallel_loop3A_366 : i32 to index
      %parallel_loop3A_369 = arith.index_cast %parallel_loop3A_308 : i32 to index
      %parallel_loop3A_370 = tpu.vector_load %arg7[%parallel_loop3A_367, %parallel_loop3A_368, %parallel_loop3A_369] {strides = array<i32>} : memref<32x1x1024xf32, #tpu.memory_space<vmem>>, vector<16xf32>,
      %parallel_loop3A_371 = arith.constant 1280 : i32
      %parallel_loop3A_372 = vector.broadcast %parallel_loop3A_371 : i32 to vector<16xi32>
      %parallel_loop3A_373 = arith.addi %parallel_loop3A_316, %parallel_loop3A_372 : vector<16xi32>
      tpu.vector_store_idx %arg10[%parallel_loop3A_373], %parallel_loop3A_370 {add = true} : memref<8448xf32, #tpu.memory_space<vmem>>[vector<16xi32>], vector<16xf32>,
      %parallel_loop3A_374 = arith.constant 6 : i32
      %parallel_loop3A_375 = arith.constant 0 : i32
      %parallel_loop3A_376 = arith.index_cast %parallel_loop3A_374 : i32 to index
      %parallel_loop3A_377 = arith.index_cast %parallel_loop3A_375 : i32 to index
      %parallel_loop3A_378 = arith.index_cast %parallel_loop3A_308 : i32 to index
      %parallel_loop3A_379 = tpu.vector_load %arg7[%parallel_loop3A_376, %parallel_loop3A_377, %parallel_loop3A_378] {strides = array<i32>} : memref<32x1x1024xf32, #tpu.memory_space<vmem>>, vector<16xf32>,
      %parallel_loop3A_380 = arith.constant 1536 : i32
      %parallel_loop3A_381 = vector.broadcast %parallel_loop3A_380 : i32 to vector<16xi32>
      %parallel_loop3A_382 = arith.addi %parallel_loop3A_316, %parallel_loop3A_381 : vector<16xi32>
      tpu.vector_store_idx %arg10[%parallel_loop3A_382], %parallel_loop3A_379 {add = true} : memref<8448xf32, #tpu.memory_space<vmem>>[vector<16xi32>], vector<16xf32>,
      %parallel_loop3A_383 = arith.constant 7 : i32
      %parallel_loop3A_384 = arith.constant 0 : i32
      %parallel_loop3A_385 = arith.index_cast %parallel_loop3A_383 : i32 to index
      %parallel_loop3A_386 = arith.index_cast %parallel_loop3A_384 : i32 to index
      %parallel_loop3A_387 = arith.index_cast %parallel_loop3A_308 : i32 to index
      %parallel_loop3A_388 = tpu.vector_load %arg7[%parallel_loop3A_385, %parallel_loop3A_386, %parallel_loop3A_387] {strides = array<i32>} : memref<32x1x1024xf32, #tpu.memory_space<vmem>>, vector<16xf32>,
      %parallel_loop3A_389 = arith.constant 1792 : i32
      %parallel_loop3A_390 = vector.broadcast %parallel_loop3A_389 : i32 to vector<16xi32>
      %parallel_loop3A_391 = arith.addi %parallel_loop3A_316, %parallel_loop3A_390 : vector<16xi32>
      tpu.vector_store_idx %arg10[%parallel_loop3A_391], %parallel_loop3A_388 {add = true} : memref<8448xf32, #tpu.memory_space<vmem>>[vector<16xi32>], vector<16xf32>,
      %parallel_loop3A_392 = arith.constant 8 : i32
      %parallel_loop3A_393 = arith.constant 0 : i32
      %parallel_loop3A_394 = arith.index_cast %parallel_loop3A_392 : i32 to index
      %parallel_loop3A_395 = arith.index_cast %parallel_loop3A_393 : i32 to index
      %parallel_loop3A_396 = arith.index_cast %parallel_loop3A_308 : i32 to index
      %parallel_loop3A_397 = tpu.vector_load %arg7[%parallel_loop3A_394, %parallel_loop3A_395, %parallel_loop3A_396] {strides = array<i32>} : memref<32x1x1024xf32, #tpu.memory_space<vmem>>, vector<16xf32>,
      %parallel_loop3A_398 = arith.constant 2048 : i32
      %parallel_loop3A_399 = vector.broadcast %parallel_loop3A_398 : i32 to vector<16xi32>
      %parallel_loop3A_400 = arith.addi %parallel_loop3A_316, %parallel_loop3A_399 : vector<16xi32>
      tpu.vector_store_idx %arg10[%parallel_loop3A_400], %parallel_loop3A_397 {add = true} : memref<8448xf32, #tpu.memory_space<vmem>>[vector<16xi32>], vector<16xf32>,
      %parallel_loop3A_401 = arith.constant 9 : i32
      %parallel_loop3A_402 = arith.constant 0 : i32
      %parallel_loop3A_403 = arith.index_cast %parallel_loop3A_401 : i32 to index
      %parallel_loop3A_404 = arith.index_cast %parallel_loop3A_402 : i32 to index
      %parallel_loop3A_405 = arith.index_cast %parallel_loop3A_308 : i32 to index
      %parallel_loop3A_406 = tpu.vector_load %arg7[%parallel_loop3A_403, %parallel_loop3A_404, %parallel_loop3A_405] {strides = array<i32>} : memref<32x1x1024xf32, #tpu.memory_space<vmem>>, vector<16xf32>,
      %parallel_loop3A_407 = arith.constant 2304 : i32
      %parallel_loop3A_408 = vector.broadcast %parallel_loop3A_407 : i32 to vector<16xi32>
      %parallel_loop3A_409 = arith.addi %parallel_loop3A_316, %parallel_loop3A_408 : vector<16xi32>
      tpu.vector_store_idx %arg10[%parallel_loop3A_409], %parallel_loop3A_406 {add = true} : memref<8448xf32, #tpu.memory_space<vmem>>[vector<16xi32>], vector<16xf32>,
      %parallel_loop3A_410 = arith.constant 10 : i32
      %parallel_loop3A_411 = arith.constant 0 : i32
      %parallel_loop3A_412 = arith.index_cast %parallel_loop3A_410 : i32 to index
      %parallel_loop3A_413 = arith.index_cast %parallel_loop3A_411 : i32 to index
      %parallel_loop3A_414 = arith.index_cast %parallel_loop3A_308 : i32 to index
      %parallel_loop3A_415 = tpu.vector_load %arg7[%parallel_loop3A_412, %parallel_loop3A_413, %parallel_loop3A_414] {strides = array<i32>} : memref<32x1x1024xf32, #tpu.memory_space<vmem>>, vector<16xf32>,
      %parallel_loop3A_416 = arith.constant 2560 : i32
      %parallel_loop3A_417 = vector.broadcast %parallel_loop3A_416 : i32 to vector<16xi32>
      %parallel_loop3A_418 = arith.addi %parallel_loop3A_316, %parallel_loop3A_417 : vector<16xi32>
      tpu.vector_store_idx %arg10[%parallel_loop3A_418], %parallel_loop3A_415 {add = true} : memref<8448xf32, #tpu.memory_space<vmem>>[vector<16xi32>], vector<16xf32>,
      %parallel_loop3A_419 = arith.constant 11 : i32
      %parallel_loop3A_420 = arith.constant 0 : i32
      %parallel_loop3A_421 = arith.index_cast %parallel_loop3A_419 : i32 to index
      %parallel_loop3A_422 = arith.index_cast %parallel_loop3A_420 : i32 to index
      %parallel_loop3A_423 = arith.index_cast %parallel_loop3A_308 : i32 to index
      %parallel_loop3A_424 = tpu.vector_load %arg7[%parallel_loop3A_421, %parallel_loop3A_422, %parallel_loop3A_423] {strides = array<i32>} : memref<32x1x1024xf32, #tpu.memory_space<vmem>>, vector<16xf32>,
      %parallel_loop3A_425 = arith.constant 2816 : i32
      %parallel_loop3A_426 = vector.broadcast %parallel_loop3A_425 : i32 to vector<16xi32>
      %parallel_loop3A_427 = arith.addi %parallel_loop3A_316, %parallel_loop3A_426 : vector<16xi32>
      tpu.vector_store_idx %arg10[%parallel_loop3A_427], %parallel_loop3A_424 {add = true} : memref<8448xf32, #tpu.memory_space<vmem>>[vector<16xi32>], vector<16xf32>,
      %parallel_loop3A_428 = arith.constant 12 : i32
      %parallel_loop3A_429 = arith.constant 0 : i32
      %parallel_loop3A_430 = arith.index_cast %parallel_loop3A_428 : i32 to index
      %parallel_loop3A_431 = arith.index_cast %parallel_loop3A_429 : i32 to index
      %parallel_loop3A_432 = arith.index_cast %parallel_loop3A_308 : i32 to index
      %parallel_loop3A_433 = tpu.vector_load %arg7[%parallel_loop3A_430, %parallel_loop3A_431, %parallel_loop3A_432] {strides = array<i32>} : memref<32x1x1024xf32, #tpu.memory_space<vmem>>, vector<16xf32>,
      %parallel_loop3A_434 = arith.constant 3072 : i32
      %parallel_loop3A_435 = vector.broadcast %parallel_loop3A_434 : i32 to vector<16xi32>
      %parallel_loop3A_436 = arith.addi %parallel_loop3A_316, %parallel_loop3A_435 : vector<16xi32>
      tpu.vector_store_idx %arg10[%parallel_loop3A_436], %parallel_loop3A_433 {add = true} : memref<8448xf32, #tpu.memory_space<vmem>>[vector<16xi32>], vector<16xf32>,
      %parallel_loop3A_437 = arith.constant 13 : i32
      %parallel_loop3A_438 = arith.constant 0 : i32
      %parallel_loop3A_439 = arith.index_cast %parallel_loop3A_437 : i32 to index
      %parallel_loop3A_440 = arith.index_cast %parallel_loop3A_438 : i32 to index
      %parallel_loop3A_441 = arith.index_cast %parallel_loop3A_308 : i32 to index
      %parallel_loop3A_442 = tpu.vector_load %arg7[%parallel_loop3A_439, %parallel_loop3A_440, %parallel_loop3A_441] {strides = array<i32>} : memref<32x1x1024xf32, #tpu.memory_space<vmem>>, vector<16xf32>,
      %parallel_loop3A_443 = arith.constant 3328 : i32
      %parallel_loop3A_444 = vector.broadcast %parallel_loop3A_443 : i32 to vector<16xi32>
      %parallel_loop3A_445 = arith.addi %parallel_loop3A_316, %parallel_loop3A_444 : vector<16xi32>
      tpu.vector_store_idx %arg10[%parallel_loop3A_445], %parallel_loop3A_442 {add = true} : memref<8448xf32, #tpu.memory_space<vmem>>[vector<16xi32>], vector<16xf32>,
      %parallel_loop3A_446 = arith.constant 14 : i32
      %parallel_loop3A_447 = arith.constant 0 : i32
      %parallel_loop3A_448 = arith.index_cast %parallel_loop3A_446 : i32 to index
      %parallel_loop3A_449 = arith.index_cast %parallel_loop3A_447 : i32 to index
      %parallel_loop3A_450 = arith.index_cast %parallel_loop3A_308 : i32 to index
      %parallel_loop3A_451 = tpu.vector_load %arg7[%parallel_loop3A_448, %parallel_loop3A_449, %parallel_loop3A_450] {strides = array<i32>} : memref<32x1x1024xf32, #tpu.memory_space<vmem>>, vector<16xf32>,
      %parallel_loop3A_452 = arith.constant 3584 : i32
      %parallel_loop3A_453 = vector.broadcast %parallel_loop3A_452 : i32 to vector<16xi32>
      %parallel_loop3A_454 = arith.addi %parallel_loop3A_316, %parallel_loop3A_453 : vector<16xi32>
      tpu.vector_store_idx %arg10[%parallel_loop3A_454], %parallel_loop3A_451 {add = true} : memref<8448xf32, #tpu.memory_space<vmem>>[vector<16xi32>], vector<16xf32>,
      %parallel_loop3A_455 = arith.constant 15 : i32
      %parallel_loop3A_456 = arith.constant 0 : i32
      %parallel_loop3A_457 = arith.index_cast %parallel_loop3A_455 : i32 to index
      %parallel_loop3A_458 = arith.index_cast %parallel_loop3A_456 : i32 to index
      %parallel_loop3A_459 = arith.index_cast %parallel_loop3A_308 : i32 to index
      %parallel_loop3A_460 = tpu.vector_load %arg7[%parallel_loop3A_457, %parallel_loop3A_458, %parallel_loop3A_459] {strides = array<i32>} : memref<32x1x1024xf32, #tpu.memory_space<vmem>>, vector<16xf32>,
      %parallel_loop3A_461 = arith.constant 3840 : i32
      %parallel_loop3A_462 = vector.broadcast %parallel_loop3A_461 : i32 to vector<16xi32>
      %parallel_loop3A_463 = arith.addi %parallel_loop3A_316, %parallel_loop3A_462 : vector<16xi32>
      tpu.vector_store_idx %arg10[%parallel_loop3A_463], %parallel_loop3A_460 {add = true} : memref<8448xf32, #tpu.memory_space<vmem>>[vector<16xi32>], vector<16xf32>,
      %parallel_loop3A_464 = arith.constant 16 : i32
      %parallel_loop3A_465 = arith.constant 0 : i32
      %parallel_loop3A_466 = arith.index_cast %parallel_loop3A_464 : i32 to index
      %parallel_loop3A_467 = arith.index_cast %parallel_loop3A_465 : i32 to index
      %parallel_loop3A_468 = arith.index_cast %parallel_loop3A_308 : i32 to index
      %parallel_loop3A_469 = tpu.vector_load %arg7[%parallel_loop3A_466, %parallel_loop3A_467, %parallel_loop3A_468] {strides = array<i32>} : memref<32x1x1024xf32, #tpu.memory_space<vmem>>, vector<16xf32>,
      %parallel_loop3A_470 = arith.constant 4096 : i32
      %parallel_loop3A_471 = vector.broadcast %parallel_loop3A_470 : i32 to vector<16xi32>
      %parallel_loop3A_472 = arith.addi %parallel_loop3A_316, %parallel_loop3A_471 : vector<16xi32>
      tpu.vector_store_idx %arg10[%parallel_loop3A_472], %parallel_loop3A_469 {add = true} : memref<8448xf32, #tpu.memory_space<vmem>>[vector<16xi32>], vector<16xf32>,
      %parallel_loop3A_473 = arith.constant 17 : i32
      %parallel_loop3A_474 = arith.constant 0 : i32
      %parallel_loop3A_475 = arith.index_cast %parallel_loop3A_473 : i32 to index
      %parallel_loop3A_476 = arith.index_cast %parallel_loop3A_474 : i32 to index
      %parallel_loop3A_477 = arith.index_cast %parallel_loop3A_308 : i32 to index
      %parallel_loop3A_478 = tpu.vector_load %arg7[%parallel_loop3A_475, %parallel_loop3A_476, %parallel_loop3A_477] {strides = array<i32>} : memref<32x1x1024xf32, #tpu.memory_space<vmem>>, vector<16xf32>,
      %parallel_loop3A_479 = arith.constant 4352 : i32
      %parallel_loop3A_480 = vector.broadcast %parallel_loop3A_479 : i32 to vector<16xi32>
      %parallel_loop3A_481 = arith.addi %parallel_loop3A_316, %parallel_loop3A_480 : vector<16xi32>
      tpu.vector_store_idx %arg10[%parallel_loop3A_481], %parallel_loop3A_478 {add = true} : memref<8448xf32, #tpu.memory_space<vmem>>[vector<16xi32>], vector<16xf32>,
      %parallel_loop3A_482 = arith.constant 18 : i32
      %parallel_loop3A_483 = arith.constant 0 : i32
      %parallel_loop3A_484 = arith.index_cast %parallel_loop3A_482 : i32 to index
      %parallel_loop3A_485 = arith.index_cast %parallel_loop3A_483 : i32 to index
      %parallel_loop3A_486 = arith.index_cast %parallel_loop3A_308 : i32 to index
      %parallel_loop3A_487 = tpu.vector_load %arg7[%parallel_loop3A_484, %parallel_loop3A_485, %parallel_loop3A_486] {strides = array<i32>} : memref<32x1x1024xf32, #tpu.memory_space<vmem>>, vector<16xf32>,
      %parallel_loop3A_488 = arith.constant 4608 : i32
      %parallel_loop3A_489 = vector.broadcast %parallel_loop3A_488 : i32 to vector<16xi32>
      %parallel_loop3A_490 = arith.addi %parallel_loop3A_316, %parallel_loop3A_489 : vector<16xi32>
      tpu.vector_store_idx %arg10[%parallel_loop3A_490], %parallel_loop3A_487 {add = true} : memref<8448xf32, #tpu.memory_space<vmem>>[vector<16xi32>], vector<16xf32>,
      %parallel_loop3A_491 = arith.constant 19 : i32
      %parallel_loop3A_492 = arith.constant 0 : i32
      %parallel_loop3A_493 = arith.index_cast %parallel_loop3A_491 : i32 to index
      %parallel_loop3A_494 = arith.index_cast %parallel_loop3A_492 : i32 to index
      %parallel_loop3A_495 = arith.index_cast %parallel_loop3A_308 : i32 to index
      %parallel_loop3A_496 = tpu.vector_load %arg7[%parallel_loop3A_493, %parallel_loop3A_494, %parallel_loop3A_495] {strides = array<i32>} : memref<32x1x1024xf32, #tpu.memory_space<vmem>>, vector<16xf32>,
      %parallel_loop3A_497 = arith.constant 4864 : i32
      %parallel_loop3A_498 = vector.broadcast %parallel_loop3A_497 : i32 to vector<16xi32>
      %parallel_loop3A_499 = arith.addi %parallel_loop3A_316, %parallel_loop3A_498 : vector<16xi32>
      tpu.vector_store_idx %arg10[%parallel_loop3A_499], %parallel_loop3A_496 {add = true} : memref<8448xf32, #tpu.memory_space<vmem>>[vector<16xi32>], vector<16xf32>,
      %parallel_loop3A_500 = arith.constant 20 : i32
      %parallel_loop3A_501 = arith.constant 0 : i32
      %parallel_loop3A_502 = arith.index_cast %parallel_loop3A_500 : i32 to index
      %parallel_loop3A_503 = arith.index_cast %parallel_loop3A_501 : i32 to index
      %parallel_loop3A_504 = arith.index_cast %parallel_loop3A_308 : i32 to index
      %parallel_loop3A_505 = tpu.vector_load %arg7[%parallel_loop3A_502, %parallel_loop3A_503, %parallel_loop3A_504] {strides = array<i32>} : memref<32x1x1024xf32, #tpu.memory_space<vmem>>, vector<16xf32>,
      %parallel_loop3A_506 = arith.constant 5120 : i32
      %parallel_loop3A_507 = vector.broadcast %parallel_loop3A_506 : i32 to vector<16xi32>
      %parallel_loop3A_508 = arith.addi %parallel_loop3A_316, %parallel_loop3A_507 : vector<16xi32>
      tpu.vector_store_idx %arg10[%parallel_loop3A_508], %parallel_loop3A_505 {add = true} : memref<8448xf32, #tpu.memory_space<vmem>>[vector<16xi32>], vector<16xf32>,
      %parallel_loop3A_509 = arith.constant 21 : i32
      %parallel_loop3A_510 = arith.constant 0 : i32
      %parallel_loop3A_511 = arith.index_cast %parallel_loop3A_509 : i32 to index
      %parallel_loop3A_512 = arith.index_cast %parallel_loop3A_510 : i32 to index
      %parallel_loop3A_513 = arith.index_cast %parallel_loop3A_308 : i32 to index
      %parallel_loop3A_514 = tpu.vector_load %arg7[%parallel_loop3A_511, %parallel_loop3A_512, %parallel_loop3A_513] {strides = array<i32>} : memref<32x1x1024xf32, #tpu.memory_space<vmem>>, vector<16xf32>,
      %parallel_loop3A_515 = arith.constant 5376 : i32
      %parallel_loop3A_516 = vector.broadcast %parallel_loop3A_515 : i32 to vector<16xi32>
      %parallel_loop3A_517 = arith.addi %parallel_loop3A_316, %parallel_loop3A_516 : vector<16xi32>
      tpu.vector_store_idx %arg10[%parallel_loop3A_517], %parallel_loop3A_514 {add = true} : memref<8448xf32, #tpu.memory_space<vmem>>[vector<16xi32>], vector<16xf32>,
      %parallel_loop3A_518 = arith.constant 22 : i32
      %parallel_loop3A_519 = arith.constant 0 : i32
      %parallel_loop3A_520 = arith.index_cast %parallel_loop3A_518 : i32 to index
      %parallel_loop3A_521 = arith.index_cast %parallel_loop3A_519 : i32 to index
      %parallel_loop3A_522 = arith.index_cast %parallel_loop3A_308 : i32 to index
      %parallel_loop3A_523 = tpu.vector_load %arg7[%parallel_loop3A_520, %parallel_loop3A_521, %parallel_loop3A_522] {strides = array<i32>} : memref<32x1x1024xf32, #tpu.memory_space<vmem>>, vector<16xf32>,
      %parallel_loop3A_524 = arith.constant 5632 : i32
      %parallel_loop3A_525 = vector.broadcast %parallel_loop3A_524 : i32 to vector<16xi32>
      %parallel_loop3A_526 = arith.addi %parallel_loop3A_316, %parallel_loop3A_525 : vector<16xi32>
      tpu.vector_store_idx %arg10[%parallel_loop3A_526], %parallel_loop3A_523 {add = true} : memref<8448xf32, #tpu.memory_space<vmem>>[vector<16xi32>], vector<16xf32>,
      %parallel_loop3A_527 = arith.constant 23 : i32
      %parallel_loop3A_528 = arith.constant 0 : i32
      %parallel_loop3A_529 = arith.index_cast %parallel_loop3A_527 : i32 to index
      %parallel_loop3A_530 = arith.index_cast %parallel_loop3A_528 : i32 to index
      %parallel_loop3A_531 = arith.index_cast %parallel_loop3A_308 : i32 to index
      %parallel_loop3A_532 = tpu.vector_load %arg7[%parallel_loop3A_529, %parallel_loop3A_530, %parallel_loop3A_531] {strides = array<i32>} : memref<32x1x1024xf32, #tpu.memory_space<vmem>>, vector<16xf32>,
      %parallel_loop3A_533 = arith.constant 5888 : i32
      %parallel_loop3A_534 = vector.broadcast %parallel_loop3A_533 : i32 to vector<16xi32>
      %parallel_loop3A_535 = arith.addi %parallel_loop3A_316, %parallel_loop3A_534 : vector<16xi32>
      tpu.vector_store_idx %arg10[%parallel_loop3A_535], %parallel_loop3A_532 {add = true} : memref<8448xf32, #tpu.memory_space<vmem>>[vector<16xi32>], vector<16xf32>,
      %parallel_loop3A_536 = arith.constant 24 : i32
      %parallel_loop3A_537 = arith.constant 0 : i32
      %parallel_loop3A_538 = arith.index_cast %parallel_loop3A_536 : i32 to index
      %parallel_loop3A_539 = arith.index_cast %parallel_loop3A_537 : i32 to index
      %parallel_loop3A_540 = arith.index_cast %parallel_loop3A_308 : i32 to index
      %parallel_loop3A_541 = tpu.vector_load %arg7[%parallel_loop3A_538, %parallel_loop3A_539, %parallel_loop3A_540] {strides = array<i32>} : memref<32x1x1024xf32, #tpu.memory_space<vmem>>, vector<16xf32>,
      %parallel_loop3A_542 = arith.constant 6144 : i32
      %parallel_loop3A_543 = vector.broadcast %parallel_loop3A_542 : i32 to vector<16xi32>
      %parallel_loop3A_544 = arith.addi %parallel_loop3A_316, %parallel_loop3A_543 : vector<16xi32>
      tpu.vector_store_idx %arg10[%parallel_loop3A_544], %parallel_loop3A_541 {add = true} : memref<8448xf32, #tpu.memory_space<vmem>>[vector<16xi32>], vector<16xf32>,
      %parallel_loop3A_545 = arith.constant 25 : i32
      %parallel_loop3A_546 = arith.constant 0 : i32
      %parallel_loop3A_547 = arith.index_cast %parallel_loop3A_545 : i32 to index
      %parallel_loop3A_548 = arith.index_cast %parallel_loop3A_546 : i32 to index
      %parallel_loop3A_549 = arith.index_cast %parallel_loop3A_308 : i32 to index
      %parallel_loop3A_550 = tpu.vector_load %arg7[%parallel_loop3A_547, %parallel_loop3A_548, %parallel_loop3A_549] {strides = array<i32>} : memref<32x1x1024xf32, #tpu.memory_space<vmem>>, vector<16xf32>,
      %parallel_loop3A_551 = arith.constant 6400 : i32
      %parallel_loop3A_552 = vector.broadcast %parallel_loop3A_551 : i32 to vector<16xi32>
      %parallel_loop3A_553 = arith.addi %parallel_loop3A_316, %parallel_loop3A_552 : vector<16xi32>
      tpu.vector_store_idx %arg10[%parallel_loop3A_553], %parallel_loop3A_550 {add = true} : memref<8448xf32, #tpu.memory_space<vmem>>[vector<16xi32>], vector<16xf32>,
      %parallel_loop3A_554 = arith.constant 26 : i32
      %parallel_loop3A_555 = arith.constant 0 : i32
      %parallel_loop3A_556 = arith.index_cast %parallel_loop3A_554 : i32 to index
      %parallel_loop3A_557 = arith.index_cast %parallel_loop3A_555 : i32 to index
      %parallel_loop3A_558 = arith.index_cast %parallel_loop3A_308 : i32 to index
      %parallel_loop3A_559 = tpu.vector_load %arg7[%parallel_loop3A_556, %parallel_loop3A_557, %parallel_loop3A_558] {strides = array<i32>} : memref<32x1x1024xf32, #tpu.memory_space<vmem>>, vector<16xf32>,
      %parallel_loop3A_560 = arith.constant 6656 : i32
      %parallel_loop3A_561 = vector.broadcast %parallel_loop3A_560 : i32 to vector<16xi32>
      %parallel_loop3A_562 = arith.addi %parallel_loop3A_316, %parallel_loop3A_561 : vector<16xi32>
      tpu.vector_store_idx %arg10[%parallel_loop3A_562], %parallel_loop3A_559 {add = true} : memref<8448xf32, #tpu.memory_space<vmem>>[vector<16xi32>], vector<16xf32>,
      %parallel_loop3A_563 = arith.constant 27 : i32
      %parallel_loop3A_564 = arith.constant 0 : i32
      %parallel_loop3A_565 = arith.index_cast %parallel_loop3A_563 : i32 to index
      %parallel_loop3A_566 = arith.index_cast %parallel_loop3A_564 : i32 to index
      %parallel_loop3A_567 = arith.index_cast %parallel_loop3A_308 : i32 to index
      %parallel_loop3A_568 = tpu.vector_load %arg7[%parallel_loop3A_565, %parallel_loop3A_566, %parallel_loop3A_567] {strides = array<i32>} : memref<32x1x1024xf32, #tpu.memory_space<vmem>>, vector<16xf32>,
      %parallel_loop3A_569 = arith.constant 6912 : i32
      %parallel_loop3A_570 = vector.broadcast %parallel_loop3A_569 : i32 to vector<16xi32>
      %parallel_loop3A_571 = arith.addi %parallel_loop3A_316, %parallel_loop3A_570 : vector<16xi32>
      tpu.vector_store_idx %arg10[%parallel_loop3A_571], %parallel_loop3A_568 {add = true} : memref<8448xf32, #tpu.memory_space<vmem>>[vector<16xi32>], vector<16xf32>,
      %parallel_loop3A_572 = arith.constant 28 : i32
      %parallel_loop3A_573 = arith.constant 0 : i32
      %parallel_loop3A_574 = arith.index_cast %parallel_loop3A_572 : i32 to index
      %parallel_loop3A_575 = arith.index_cast %parallel_loop3A_573 : i32 to index
      %parallel_loop3A_576 = arith.index_cast %parallel_loop3A_308 : i32 to index
      %parallel_loop3A_577 = tpu.vector_load %arg7[%parallel_loop3A_574, %parallel_loop3A_575, %parallel_loop3A_576] {strides = array<i32>} : memref<32x1x1024xf32, #tpu.memory_space<vmem>>, vector<16xf32>,
      %parallel_loop3A_578 = arith.constant 7168 : i32
      %parallel_loop3A_579 = vector.broadcast %parallel_loop3A_578 : i32 to vector<16xi32>
      %parallel_loop3A_580 = arith.addi %parallel_loop3A_316, %parallel_loop3A_579 : vector<16xi32>
      tpu.vector_store_idx %arg10[%parallel_loop3A_580], %parallel_loop3A_577 {add = true} : memref<8448xf32, #tpu.memory_space<vmem>>[vector<16xi32>], vector<16xf32>,
      %parallel_loop3A_581 = arith.constant 29 : i32
      %parallel_loop3A_582 = arith.constant 0 : i32
      %parallel_loop3A_583 = arith.index_cast %parallel_loop3A_581 : i32 to index
      %parallel_loop3A_584 = arith.index_cast %parallel_loop3A_582 : i32 to index
      %parallel_loop3A_585 = arith.index_cast %parallel_loop3A_308 : i32 to index
      %parallel_loop3A_586 = tpu.vector_load %arg7[%parallel_loop3A_583, %parallel_loop3A_584, %parallel_loop3A_585] {strides = array<i32>} : memref<32x1x1024xf32, #tpu.memory_space<vmem>>, vector<16xf32>,
      %parallel_loop3A_587 = arith.constant 7424 : i32
      %parallel_loop3A_588 = vector.broadcast %parallel_loop3A_587 : i32 to vector<16xi32>
      %parallel_loop3A_589 = arith.addi %parallel_loop3A_316, %parallel_loop3A_588 : vector<16xi32>
      tpu.vector_store_idx %arg10[%parallel_loop3A_589], %parallel_loop3A_586 {add = true} : memref<8448xf32, #tpu.memory_space<vmem>>[vector<16xi32>], vector<16xf32>,
      %parallel_loop3A_590 = arith.constant 30 : i32
      %parallel_loop3A_591 = arith.constant 0 : i32
      %parallel_loop3A_592 = arith.index_cast %parallel_loop3A_590 : i32 to index
      %parallel_loop3A_593 = arith.index_cast %parallel_loop3A_591 : i32 to index
      %parallel_loop3A_594 = arith.index_cast %parallel_loop3A_308 : i32 to index
      %parallel_loop3A_595 = tpu.vector_load %arg7[%parallel_loop3A_592, %parallel_loop3A_593, %parallel_loop3A_594] {strides = array<i32>} : memref<32x1x1024xf32, #tpu.memory_space<vmem>>, vector<16xf32>,
      %parallel_loop3A_596 = arith.constant 7680 : i32
      %parallel_loop3A_597 = vector.broadcast %parallel_loop3A_596 : i32 to vector<16xi32>
      %parallel_loop3A_598 = arith.addi %parallel_loop3A_316, %parallel_loop3A_597 : vector<16xi32>
      tpu.vector_store_idx %arg10[%parallel_loop3A_598], %parallel_loop3A_595 {add = true} : memref<8448xf32, #tpu.memory_space<vmem>>[vector<16xi32>], vector<16xf32>,
      %parallel_loop3A_599 = arith.constant 31 : i32
      %parallel_loop3A_600 = arith.constant 0 : i32
      %parallel_loop3A_601 = arith.index_cast %parallel_loop3A_599 : i32 to index
      %parallel_loop3A_602 = arith.index_cast %parallel_loop3A_600 : i32 to index
      %parallel_loop3A_603 = arith.index_cast %parallel_loop3A_308 : i32 to index
      %parallel_loop3A_604 = tpu.vector_load %arg7[%parallel_loop3A_601, %parallel_loop3A_602, %parallel_loop3A_603] {strides = array<i32>} : memref<32x1x1024xf32, #tpu.memory_space<vmem>>, vector<16xf32>,
      %parallel_loop3A_605 = arith.constant 7936 : i32
      %parallel_loop3A_606 = vector.broadcast %parallel_loop3A_605 : i32 to vector<16xi32>
      %parallel_loop3A_607 = arith.addi %parallel_loop3A_316, %parallel_loop3A_606 : vector<16xi32>
      tpu.vector_store_idx %arg10[%parallel_loop3A_607], %parallel_loop3A_604 {add = true} : memref<8448xf32, #tpu.memory_space<vmem>>[vector<16xi32>], vector<16xf32>,
    } {sc.loop_unroll_factor = 2 : i64, sc.parallel_access}
    %add3A_82 = arith.constant 2 : i32
    %add3A_83 = arith.addi %mul3A_7, %add3A_82 : i32
    %dma_wait3A_84 = arith.constant 0 : i32
    %dma_wait3A_85 = arith.constant 0 : i32
    %dma_wait3A_86 = tpu.memref_slice %arg2[%dma_wait3A_84, %add3A_83, %dma_wait3A_85] : memref<32x512x1024xf32, #tpu.memory_space<hbm>> -> memref<32x1x1024xf32, #tpu.memory_space<hbm>>
    %dma_wait3A_87 = arith.constant 0 : i32
    %dma_wait3A_88 = arith.constant 0 : i32
    %dma_wait3A_89 = tpu.memref_slice %arg2[%dma_wait3A_87, %add3A_83, %dma_wait3A_88] : memref<32x512x1024xf32, #tpu.memory_space<hbm>> -> memref<32x1x1024xf32, #tpu.memory_space<hbm>>
    tpu.wait_dma2 semaphore(%arg13 : memref<!tpu.dma_semaphore, #tpu.memory_space<semaphore_mem>>) src(%dma_wait3A_89 : memref<32x1x1024xf32, #tpu.memory_space<hbm>>) dst(%arg6 : memref<32x1x1024xf32, #tpu.memory_space<vmem>>)
    %add3A_90 = arith.constant 2 : i32
    %add3A_91 = arith.addi %mul3A_7, %add3A_90 : i32
    %dma_wait3A_92 = arith.constant 0 : i32
    %dma_wait3A_93 = tpu.memref_slice %arg3[%add3A_91, %dma_wait3A_92] : memref<512x1024xi32, #tpu.memory_space<hbm>> -> memref<1x1024xi32, #tpu.memory_space<hbm>>
    %dma_wait3A_94 = arith.constant 0 : i32
    %dma_wait3A_95 = tpu.memref_slice %arg3[%add3A_91, %dma_wait3A_94] : memref<512x1024xi32, #tpu.memory_space<hbm>> -> memref<1x1024xi32, #tpu.memory_space<hbm>>
    tpu.wait_dma2 semaphore(%arg15 : memref<!tpu.dma_semaphore, #tpu.memory_space<semaphore_mem>>) src(%dma_wait3A_95 : memref<1x1024xi32, #tpu.memory_space<hbm>>) dst(%arg8 : memref<1x1024xi32, #tpu.memory_space<vmem>>)
    %add3A_96 = arith.constant 3 : i32
    %add3A_97 = arith.addi %mul3A_7, %add3A_96 : i32
    %dma_start3A_98 = arith.constant 0 : i32
    %dma_start3A_99 = arith.constant 0 : i32
    %dma_start3A_100 = tpu.memref_slice %arg2[%dma_start3A_98, %add3A_97, %dma_start3A_99] : memref<32x512x1024xf32, #tpu.memory_space<hbm>> -> memref<32x1x1024xf32, #tpu.memory_space<hbm>>
    %dma_start3A_101 = arith.constant 0 : i32
    %dma_start3A_102 = arith.constant 0 : i32
    %dma_start3A_103 = tpu.memref_slice %arg2[%dma_start3A_101, %add3A_97, %dma_start3A_102] : memref<32x512x1024xf32, #tpu.memory_space<hbm>> -> memref<32x1x1024xf32, #tpu.memory_space<hbm>>
    tpu.enqueue_dma source(%dma_start3A_103 : memref<32x1x1024xf32, #tpu.memory_space<hbm>>) target(%arg7 : memref<32x1x1024xf32, #tpu.memory_space<vmem>>) target_semaphore(%arg14 : memref<!tpu.dma_semaphore, #tpu.memory_space<semaphore_mem>>)
    %add3A_104 = arith.constant 3 : i32
    %add3A_105 = arith.addi %mul3A_7, %add3A_104 : i32
    %dma_start3A_106 = arith.constant 0 : i32
    %dma_start3A_107 = tpu.memref_slice %arg3[%add3A_105, %dma_start3A_106] : memref<512x1024xi32, #tpu.memory_space<hbm>> -> memref<1x1024xi32, #tpu.memory_space<hbm>>
    %dma_start3A_108 = arith.constant 0 : i32
    %dma_start3A_109 = tpu.memref_slice %arg3[%add3A_105, %dma_start3A_108] : memref<512x1024xi32, #tpu.memory_space<hbm>> -> memref<1x1024xi32, #tpu.memory_space<hbm>>
    tpu.enqueue_dma source(%dma_start3A_109 : memref<1x1024xi32, #tpu.memory_space<hbm>>) target(%arg9 : memref<1x1024xi32, #tpu.memory_space<vmem>>) target_semaphore(%arg16 : memref<!tpu.dma_semaphore, #tpu.memory_space<semaphore_mem>>)
    %parallel_loop3A_110 = arith.constant 0 : i32
    %parallel_loop3A_111 = arith.constant 64 : i32
    %parallel_loop3A_112 = arith.constant 1 : i32
    scf.for %parallel_loop3A_306 = %parallel_loop3A_110 to %parallel_loop3A_111 step %parallel_loop3A_112  : i32 {
      %parallel_loop3A_307 = arith.constant 16 : i32
      %parallel_loop3A_308 = arith.muli %parallel_loop3A_306, %parallel_loop3A_307 : i32
      %parallel_loop3A_309 = arith.constant 0 : i32
      %parallel_loop3A_310 = arith.index_cast %parallel_loop3A_309 : i32 to index
      %parallel_loop3A_311 = arith.index_cast %parallel_loop3A_308 : i32 to index
      %parallel_loop3A_312 = tpu.vector_load %arg8[%parallel_loop3A_310, %parallel_loop3A_311] {strides = array<i32>} : memref<1x1024xi32, #tpu.memory_space<vmem>>, vector<16xi32>,
      %parallel_loop3A_313 = arith.constant 16 : i32
      %parallel_loop3A_314 = vector.broadcast %parallel_loop3A_313 : i32 to vector<16xi32>
      %parallel_loop3A_315 = arith.muli %parallel_loop3A_312, %parallel_loop3A_314 : vector<16xi32>
      %parallel_loop3A_316 = arith.addi %parallel_loop3A_315, %iota3A : vector<16xi32>
      %parallel_loop3A_317 = arith.constant 8192 : i32
      %parallel_loop3A_318 = vector.broadcast %parallel_loop3A_317 : i32 to vector<16xi32>
      %parallel_loop3A_319 = arith.addi %parallel_loop3A_318, %parallel_loop3A_316 : vector<16xi32>
      tpu.vector_store_idx %arg10[%parallel_loop3A_319], %broadcast_in_dim3A_1 {add = true} : memref<8448xf32, #tpu.memory_space<vmem>>[vector<16xi32>], vector<16xf32>,
      %parallel_loop3A_320 = arith.constant 0 : i32
      %parallel_loop3A_321 = arith.constant 0 : i32
      %parallel_loop3A_322 = arith.index_cast %parallel_loop3A_320 : i32 to index
      %parallel_loop3A_323 = arith.index_cast %parallel_loop3A_321 : i32 to index
      %parallel_loop3A_324 = arith.index_cast %parallel_loop3A_308 : i32 to index
      %parallel_loop3A_325 = tpu.vector_load %arg6[%parallel_loop3A_322, %parallel_loop3A_323, %parallel_loop3A_324] {strides = array<i32>} : memref<32x1x1024xf32, #tpu.memory_space<vmem>>, vector<16xf32>,
      %parallel_loop3A_326 = arith.constant 0 : i32
      %parallel_loop3A_327 = vector.broadcast %parallel_loop3A_326 : i32 to vector<16xi32>
      %parallel_loop3A_328 = arith.addi %parallel_loop3A_316, %parallel_loop3A_327 : vector<16xi32>
      tpu.vector_store_idx %arg10[%parallel_loop3A_328], %parallel_loop3A_325 {add = true} : memref<8448xf32, #tpu.memory_space<vmem>>[vector<16xi32>], vector<16xf32>,
      %parallel_loop3A_329 = arith.constant 1 : i32
      %parallel_loop3A_330 = arith.constant 0 : i32
      %parallel_loop3A_331 = arith.index_cast %parallel_loop3A_329 : i32 to index
      %parallel_loop3A_332 = arith.index_cast %parallel_loop3A_330 : i32 to index
      %parallel_loop3A_333 = arith.index_cast %parallel_loop3A_308 : i32 to index
      %parallel_loop3A_334 = tpu.vector_load %arg6[%parallel_loop3A_331, %parallel_loop3A_332, %parallel_loop3A_333] {strides = array<i32>} : memref<32x1x1024xf32, #tpu.memory_space<vmem>>, vector<16xf32>,
      %parallel_loop3A_335 = arith.constant 256 : i32
      %parallel_loop3A_336 = vector.broadcast %parallel_loop3A_335 : i32 to vector<16xi32>
      %parallel_loop3A_337 = arith.addi %parallel_loop3A_316, %parallel_loop3A_336 : vector<16xi32>
      tpu.vector_store_idx %arg10[%parallel_loop3A_337], %parallel_loop3A_334 {add = true} : memref<8448xf32, #tpu.memory_space<vmem>>[vector<16xi32>], vector<16xf32>,
      %parallel_loop3A_338 = arith.constant 2 : i32
      %parallel_loop3A_339 = arith.constant 0 : i32
      %parallel_loop3A_340 = arith.index_cast %parallel_loop3A_338 : i32 to index
      %parallel_loop3A_341 = arith.index_cast %parallel_loop3A_339 : i32 to index
      %parallel_loop3A_342 = arith.index_cast %parallel_loop3A_308 : i32 to index
      %parallel_loop3A_343 = tpu.vector_load %arg6[%parallel_loop3A_340, %parallel_loop3A_341, %parallel_loop3A_342] {strides = array<i32>} : memref<32x1x1024xf32, #tpu.memory_space<vmem>>, vector<16xf32>,
      %parallel_loop3A_344 = arith.constant 512 : i32
      %parallel_loop3A_345 = vector.broadcast %parallel_loop3A_344 : i32 to vector<16xi32>
      %parallel_loop3A_346 = arith.addi %parallel_loop3A_316, %parallel_loop3A_345 : vector<16xi32>
      tpu.vector_store_idx %arg10[%parallel_loop3A_346], %parallel_loop3A_343 {add = true} : memref<8448xf32, #tpu.memory_space<vmem>>[vector<16xi32>], vector<16xf32>,
      %parallel_loop3A_347 = arith.constant 3 : i32
      %parallel_loop3A_348 = arith.constant 0 : i32
      %parallel_loop3A_349 = arith.index_cast %parallel_loop3A_347 : i32 to index
      %parallel_loop3A_350 = arith.index_cast %parallel_loop3A_348 : i32 to index
      %parallel_loop3A_351 = arith.index_cast %parallel_loop3A_308 : i32 to index
      %parallel_loop3A_352 = tpu.vector_load %arg6[%parallel_loop3A_349, %parallel_loop3A_350, %parallel_loop3A_351] {strides = array<i32>} : memref<32x1x1024xf32, #tpu.memory_space<vmem>>, vector<16xf32>,
      %parallel_loop3A_353 = arith.constant 768 : i32
      %parallel_loop3A_354 = vector.broadcast %parallel_loop3A_353 : i32 to vector<16xi32>
      %parallel_loop3A_355 = arith.addi %parallel_loop3A_316, %parallel_loop3A_354 : vector<16xi32>
      tpu.vector_store_idx %arg10[%parallel_loop3A_355], %parallel_loop3A_352 {add = true} : memref<8448xf32, #tpu.memory_space<vmem>>[vector<16xi32>], vector<16xf32>,
      %parallel_loop3A_356 = arith.constant 4 : i32
      %parallel_loop3A_357 = arith.constant 0 : i32
      %parallel_loop3A_358 = arith.index_cast %parallel_loop3A_356 : i32 to index
      %parallel_loop3A_359 = arith.index_cast %parallel_loop3A_357 : i32 to index
      %parallel_loop3A_360 = arith.index_cast %parallel_loop3A_308 : i32 to index
      %parallel_loop3A_361 = tpu.vector_load %arg6[%parallel_loop3A_358, %parallel_loop3A_359, %parallel_loop3A_360] {strides = array<i32>} : memref<32x1x1024xf32, #tpu.memory_space<vmem>>, vector<16xf32>,
      %parallel_loop3A_362 = arith.constant 1024 : i32
      %parallel_loop3A_363 = vector.broadcast %parallel_loop3A_362 : i32 to vector<16xi32>
      %parallel_loop3A_364 = arith.addi %parallel_loop3A_316, %parallel_loop3A_363 : vector<16xi32>
      tpu.vector_store_idx %arg10[%parallel_loop3A_364], %parallel_loop3A_361 {add = true} : memref<8448xf32, #tpu.memory_space<vmem>>[vector<16xi32>], vector<16xf32>,
      %parallel_loop3A_365 = arith.constant 5 : i32
      %parallel_loop3A_366 = arith.constant 0 : i32
      %parallel_loop3A_367 = arith.index_cast %parallel_loop3A_365 : i32 to index
      %parallel_loop3A_368 = arith.index_cast %parallel_loop3A_366 : i32 to index
      %parallel_loop3A_369 = arith.index_cast %parallel_loop3A_308 : i32 to index
      %parallel_loop3A_370 = tpu.vector_load %arg6[%parallel_loop3A_367, %parallel_loop3A_368, %parallel_loop3A_369] {strides = array<i32>} : memref<32x1x1024xf32, #tpu.memory_space<vmem>>, vector<16xf32>,
      %parallel_loop3A_371 = arith.constant 1280 : i32
      %parallel_loop3A_372 = vector.broadcast %parallel_loop3A_371 : i32 to vector<16xi32>
      %parallel_loop3A_373 = arith.addi %parallel_loop3A_316, %parallel_loop3A_372 : vector<16xi32>
      tpu.vector_store_idx %arg10[%parallel_loop3A_373], %parallel_loop3A_370 {add = true} : memref<8448xf32, #tpu.memory_space<vmem>>[vector<16xi32>], vector<16xf32>,
      %parallel_loop3A_374 = arith.constant 6 : i32
      %parallel_loop3A_375 = arith.constant 0 : i32
      %parallel_loop3A_376 = arith.index_cast %parallel_loop3A_374 : i32 to index
      %parallel_loop3A_377 = arith.index_cast %parallel_loop3A_375 : i32 to index
      %parallel_loop3A_378 = arith.index_cast %parallel_loop3A_308 : i32 to index
      %parallel_loop3A_379 = tpu.vector_load %arg6[%parallel_loop3A_376, %parallel_loop3A_377, %parallel_loop3A_378] {strides = array<i32>} : memref<32x1x1024xf32, #tpu.memory_space<vmem>>, vector<16xf32>,
      %parallel_loop3A_380 = arith.constant 1536 : i32
      %parallel_loop3A_381 = vector.broadcast %parallel_loop3A_380 : i32 to vector<16xi32>
      %parallel_loop3A_382 = arith.addi %parallel_loop3A_316, %parallel_loop3A_381 : vector<16xi32>
      tpu.vector_store_idx %arg10[%parallel_loop3A_382], %parallel_loop3A_379 {add = true} : memref<8448xf32, #tpu.memory_space<vmem>>[vector<16xi32>], vector<16xf32>,
      %parallel_loop3A_383 = arith.constant 7 : i32
      %parallel_loop3A_384 = arith.constant 0 : i32
      %parallel_loop3A_385 = arith.index_cast %parallel_loop3A_383 : i32 to index
      %parallel_loop3A_386 = arith.index_cast %parallel_loop3A_384 : i32 to index
      %parallel_loop3A_387 = arith.index_cast %parallel_loop3A_308 : i32 to index
      %parallel_loop3A_388 = tpu.vector_load %arg6[%parallel_loop3A_385, %parallel_loop3A_386, %parallel_loop3A_387] {strides = array<i32>} : memref<32x1x1024xf32, #tpu.memory_space<vmem>>, vector<16xf32>,
      %parallel_loop3A_389 = arith.constant 1792 : i32
      %parallel_loop3A_390 = vector.broadcast %parallel_loop3A_389 : i32 to vector<16xi32>
      %parallel_loop3A_391 = arith.addi %parallel_loop3A_316, %parallel_loop3A_390 : vector<16xi32>
      tpu.vector_store_idx %arg10[%parallel_loop3A_391], %parallel_loop3A_388 {add = true} : memref<8448xf32, #tpu.memory_space<vmem>>[vector<16xi32>], vector<16xf32>,
      %parallel_loop3A_392 = arith.constant 8 : i32
      %parallel_loop3A_393 = arith.constant 0 : i32
      %parallel_loop3A_394 = arith.index_cast %parallel_loop3A_392 : i32 to index
      %parallel_loop3A_395 = arith.index_cast %parallel_loop3A_393 : i32 to index
      %parallel_loop3A_396 = arith.index_cast %parallel_loop3A_308 : i32 to index
      %parallel_loop3A_397 = tpu.vector_load %arg6[%parallel_loop3A_394, %parallel_loop3A_395, %parallel_loop3A_396] {strides = array<i32>} : memref<32x1x1024xf32, #tpu.memory_space<vmem>>, vector<16xf32>,
      %parallel_loop3A_398 = arith.constant 2048 : i32
      %parallel_loop3A_399 = vector.broadcast %parallel_loop3A_398 : i32 to vector<16xi32>
      %parallel_loop3A_400 = arith.addi %parallel_loop3A_316, %parallel_loop3A_399 : vector<16xi32>
      tpu.vector_store_idx %arg10[%parallel_loop3A_400], %parallel_loop3A_397 {add = true} : memref<8448xf32, #tpu.memory_space<vmem>>[vector<16xi32>], vector<16xf32>,
      %parallel_loop3A_401 = arith.constant 9 : i32
      %parallel_loop3A_402 = arith.constant 0 : i32
      %parallel_loop3A_403 = arith.index_cast %parallel_loop3A_401 : i32 to index
      %parallel_loop3A_404 = arith.index_cast %parallel_loop3A_402 : i32 to index
      %parallel_loop3A_405 = arith.index_cast %parallel_loop3A_308 : i32 to index
      %parallel_loop3A_406 = tpu.vector_load %arg6[%parallel_loop3A_403, %parallel_loop3A_404, %parallel_loop3A_405] {strides = array<i32>} : memref<32x1x1024xf32, #tpu.memory_space<vmem>>, vector<16xf32>,
      %parallel_loop3A_407 = arith.constant 2304 : i32
      %parallel_loop3A_408 = vector.broadcast %parallel_loop3A_407 : i32 to vector<16xi32>
      %parallel_loop3A_409 = arith.addi %parallel_loop3A_316, %parallel_loop3A_408 : vector<16xi32>
      tpu.vector_store_idx %arg10[%parallel_loop3A_409], %parallel_loop3A_406 {add = true} : memref<8448xf32, #tpu.memory_space<vmem>>[vector<16xi32>], vector<16xf32>,
      %parallel_loop3A_410 = arith.constant 10 : i32
      %parallel_loop3A_411 = arith.constant 0 : i32
      %parallel_loop3A_412 = arith.index_cast %parallel_loop3A_410 : i32 to index
      %parallel_loop3A_413 = arith.index_cast %parallel_loop3A_411 : i32 to index
      %parallel_loop3A_414 = arith.index_cast %parallel_loop3A_308 : i32 to index
      %parallel_loop3A_415 = tpu.vector_load %arg6[%parallel_loop3A_412, %parallel_loop3A_413, %parallel_loop3A_414] {strides = array<i32>} : memref<32x1x1024xf32, #tpu.memory_space<vmem>>, vector<16xf32>,
      %parallel_loop3A_416 = arith.constant 2560 : i32
      %parallel_loop3A_417 = vector.broadcast %parallel_loop3A_416 : i32 to vector<16xi32>
      %parallel_loop3A_418 = arith.addi %parallel_loop3A_316, %parallel_loop3A_417 : vector<16xi32>
      tpu.vector_store_idx %arg10[%parallel_loop3A_418], %parallel_loop3A_415 {add = true} : memref<8448xf32, #tpu.memory_space<vmem>>[vector<16xi32>], vector<16xf32>,
      %parallel_loop3A_419 = arith.constant 11 : i32
      %parallel_loop3A_420 = arith.constant 0 : i32
      %parallel_loop3A_421 = arith.index_cast %parallel_loop3A_419 : i32 to index
      %parallel_loop3A_422 = arith.index_cast %parallel_loop3A_420 : i32 to index
      %parallel_loop3A_423 = arith.index_cast %parallel_loop3A_308 : i32 to index
      %parallel_loop3A_424 = tpu.vector_load %arg6[%parallel_loop3A_421, %parallel_loop3A_422, %parallel_loop3A_423] {strides = array<i32>} : memref<32x1x1024xf32, #tpu.memory_space<vmem>>, vector<16xf32>,
      %parallel_loop3A_425 = arith.constant 2816 : i32
      %parallel_loop3A_426 = vector.broadcast %parallel_loop3A_425 : i32 to vector<16xi32>
      %parallel_loop3A_427 = arith.addi %parallel_loop3A_316, %parallel_loop3A_426 : vector<16xi32>
      tpu.vector_store_idx %arg10[%parallel_loop3A_427], %parallel_loop3A_424 {add = true} : memref<8448xf32, #tpu.memory_space<vmem>>[vector<16xi32>], vector<16xf32>,
      %parallel_loop3A_428 = arith.constant 12 : i32
      %parallel_loop3A_429 = arith.constant 0 : i32
      %parallel_loop3A_430 = arith.index_cast %parallel_loop3A_428 : i32 to index
      %parallel_loop3A_431 = arith.index_cast %parallel_loop3A_429 : i32 to index
      %parallel_loop3A_432 = arith.index_cast %parallel_loop3A_308 : i32 to index
      %parallel_loop3A_433 = tpu.vector_load %arg6[%parallel_loop3A_430, %parallel_loop3A_431, %parallel_loop3A_432] {strides = array<i32>} : memref<32x1x1024xf32, #tpu.memory_space<vmem>>, vector<16xf32>,
      %parallel_loop3A_434 = arith.constant 3072 : i32
      %parallel_loop3A_435 = vector.broadcast %parallel_loop3A_434 : i32 to vector<16xi32>
      %parallel_loop3A_436 = arith.addi %parallel_loop3A_316, %parallel_loop3A_435 : vector<16xi32>
      tpu.vector_store_idx %arg10[%parallel_loop3A_436], %parallel_loop3A_433 {add = true} : memref<8448xf32, #tpu.memory_space<vmem>>[vector<16xi32>], vector<16xf32>,
      %parallel_loop3A_437 = arith.constant 13 : i32
      %parallel_loop3A_438 = arith.constant 0 : i32
      %parallel_loop3A_439 = arith.index_cast %parallel_loop3A_437 : i32 to index
      %parallel_loop3A_440 = arith.index_cast %parallel_loop3A_438 : i32 to index
      %parallel_loop3A_441 = arith.index_cast %parallel_loop3A_308 : i32 to index
      %parallel_loop3A_442 = tpu.vector_load %arg6[%parallel_loop3A_439, %parallel_loop3A_440, %parallel_loop3A_441] {strides = array<i32>} : memref<32x1x1024xf32, #tpu.memory_space<vmem>>, vector<16xf32>,
      %parallel_loop3A_443 = arith.constant 3328 : i32
      %parallel_loop3A_444 = vector.broadcast %parallel_loop3A_443 : i32 to vector<16xi32>
      %parallel_loop3A_445 = arith.addi %parallel_loop3A_316, %parallel_loop3A_444 : vector<16xi32>
      tpu.vector_store_idx %arg10[%parallel_loop3A_445], %parallel_loop3A_442 {add = true} : memref<8448xf32, #tpu.memory_space<vmem>>[vector<16xi32>], vector<16xf32>,
      %parallel_loop3A_446 = arith.constant 14 : i32
      %parallel_loop3A_447 = arith.constant 0 : i32
      %parallel_loop3A_448 = arith.index_cast %parallel_loop3A_446 : i32 to index
      %parallel_loop3A_449 = arith.index_cast %parallel_loop3A_447 : i32 to index
      %parallel_loop3A_450 = arith.index_cast %parallel_loop3A_308 : i32 to index
      %parallel_loop3A_451 = tpu.vector_load %arg6[%parallel_loop3A_448, %parallel_loop3A_449, %parallel_loop3A_450] {strides = array<i32>} : memref<32x1x1024xf32, #tpu.memory_space<vmem>>, vector<16xf32>,
      %parallel_loop3A_452 = arith.constant 3584 : i32
      %parallel_loop3A_453 = vector.broadcast %parallel_loop3A_452 : i32 to vector<16xi32>
      %parallel_loop3A_454 = arith.addi %parallel_loop3A_316, %parallel_loop3A_453 : vector<16xi32>
      tpu.vector_store_idx %arg10[%parallel_loop3A_454], %parallel_loop3A_451 {add = true} : memref<8448xf32, #tpu.memory_space<vmem>>[vector<16xi32>], vector<16xf32>,
      %parallel_loop3A_455 = arith.constant 15 : i32
      %parallel_loop3A_456 = arith.constant 0 : i32
      %parallel_loop3A_457 = arith.index_cast %parallel_loop3A_455 : i32 to index
      %parallel_loop3A_458 = arith.index_cast %parallel_loop3A_456 : i32 to index
      %parallel_loop3A_459 = arith.index_cast %parallel_loop3A_308 : i32 to index
      %parallel_loop3A_460 = tpu.vector_load %arg6[%parallel_loop3A_457, %parallel_loop3A_458, %parallel_loop3A_459] {strides = array<i32>} : memref<32x1x1024xf32, #tpu.memory_space<vmem>>, vector<16xf32>,
      %parallel_loop3A_461 = arith.constant 3840 : i32
      %parallel_loop3A_462 = vector.broadcast %parallel_loop3A_461 : i32 to vector<16xi32>
      %parallel_loop3A_463 = arith.addi %parallel_loop3A_316, %parallel_loop3A_462 : vector<16xi32>
      tpu.vector_store_idx %arg10[%parallel_loop3A_463], %parallel_loop3A_460 {add = true} : memref<8448xf32, #tpu.memory_space<vmem>>[vector<16xi32>], vector<16xf32>,
      %parallel_loop3A_464 = arith.constant 16 : i32
      %parallel_loop3A_465 = arith.constant 0 : i32
      %parallel_loop3A_466 = arith.index_cast %parallel_loop3A_464 : i32 to index
      %parallel_loop3A_467 = arith.index_cast %parallel_loop3A_465 : i32 to index
      %parallel_loop3A_468 = arith.index_cast %parallel_loop3A_308 : i32 to index
      %parallel_loop3A_469 = tpu.vector_load %arg6[%parallel_loop3A_466, %parallel_loop3A_467, %parallel_loop3A_468] {strides = array<i32>} : memref<32x1x1024xf32, #tpu.memory_space<vmem>>, vector<16xf32>,
      %parallel_loop3A_470 = arith.constant 4096 : i32
      %parallel_loop3A_471 = vector.broadcast %parallel_loop3A_470 : i32 to vector<16xi32>
      %parallel_loop3A_472 = arith.addi %parallel_loop3A_316, %parallel_loop3A_471 : vector<16xi32>
      tpu.vector_store_idx %arg10[%parallel_loop3A_472], %parallel_loop3A_469 {add = true} : memref<8448xf32, #tpu.memory_space<vmem>>[vector<16xi32>], vector<16xf32>,
      %parallel_loop3A_473 = arith.constant 17 : i32
      %parallel_loop3A_474 = arith.constant 0 : i32
      %parallel_loop3A_475 = arith.index_cast %parallel_loop3A_473 : i32 to index
      %parallel_loop3A_476 = arith.index_cast %parallel_loop3A_474 : i32 to index
      %parallel_loop3A_477 = arith.index_cast %parallel_loop3A_308 : i32 to index
      %parallel_loop3A_478 = tpu.vector_load %arg6[%parallel_loop3A_475, %parallel_loop3A_476, %parallel_loop3A_477] {strides = array<i32>} : memref<32x1x1024xf32, #tpu.memory_space<vmem>>, vector<16xf32>,
      %parallel_loop3A_479 = arith.constant 4352 : i32
      %parallel_loop3A_480 = vector.broadcast %parallel_loop3A_479 : i32 to vector<16xi32>
      %parallel_loop3A_481 = arith.addi %parallel_loop3A_316, %parallel_loop3A_480 : vector<16xi32>
      tpu.vector_store_idx %arg10[%parallel_loop3A_481], %parallel_loop3A_478 {add = true} : memref<8448xf32, #tpu.memory_space<vmem>>[vector<16xi32>], vector<16xf32>,
      %parallel_loop3A_482 = arith.constant 18 : i32
      %parallel_loop3A_483 = arith.constant 0 : i32
      %parallel_loop3A_484 = arith.index_cast %parallel_loop3A_482 : i32 to index
      %parallel_loop3A_485 = arith.index_cast %parallel_loop3A_483 : i32 to index
      %parallel_loop3A_486 = arith.index_cast %parallel_loop3A_308 : i32 to index
      %parallel_loop3A_487 = tpu.vector_load %arg6[%parallel_loop3A_484, %parallel_loop3A_485, %parallel_loop3A_486] {strides = array<i32>} : memref<32x1x1024xf32, #tpu.memory_space<vmem>>, vector<16xf32>,
      %parallel_loop3A_488 = arith.constant 4608 : i32
      %parallel_loop3A_489 = vector.broadcast %parallel_loop3A_488 : i32 to vector<16xi32>
      %parallel_loop3A_490 = arith.addi %parallel_loop3A_316, %parallel_loop3A_489 : vector<16xi32>
      tpu.vector_store_idx %arg10[%parallel_loop3A_490], %parallel_loop3A_487 {add = true} : memref<8448xf32, #tpu.memory_space<vmem>>[vector<16xi32>], vector<16xf32>,
      %parallel_loop3A_491 = arith.constant 19 : i32
      %parallel_loop3A_492 = arith.constant 0 : i32
      %parallel_loop3A_493 = arith.index_cast %parallel_loop3A_491 : i32 to index
      %parallel_loop3A_494 = arith.index_cast %parallel_loop3A_492 : i32 to index
      %parallel_loop3A_495 = arith.index_cast %parallel_loop3A_308 : i32 to index
      %parallel_loop3A_496 = tpu.vector_load %arg6[%parallel_loop3A_493, %parallel_loop3A_494, %parallel_loop3A_495] {strides = array<i32>} : memref<32x1x1024xf32, #tpu.memory_space<vmem>>, vector<16xf32>,
      %parallel_loop3A_497 = arith.constant 4864 : i32
      %parallel_loop3A_498 = vector.broadcast %parallel_loop3A_497 : i32 to vector<16xi32>
      %parallel_loop3A_499 = arith.addi %parallel_loop3A_316, %parallel_loop3A_498 : vector<16xi32>
      tpu.vector_store_idx %arg10[%parallel_loop3A_499], %parallel_loop3A_496 {add = true} : memref<8448xf32, #tpu.memory_space<vmem>>[vector<16xi32>], vector<16xf32>,
      %parallel_loop3A_500 = arith.constant 20 : i32
      %parallel_loop3A_501 = arith.constant 0 : i32
      %parallel_loop3A_502 = arith.index_cast %parallel_loop3A_500 : i32 to index
      %parallel_loop3A_503 = arith.index_cast %parallel_loop3A_501 : i32 to index
      %parallel_loop3A_504 = arith.index_cast %parallel_loop3A_308 : i32 to index
      %parallel_loop3A_505 = tpu.vector_load %arg6[%parallel_loop3A_502, %parallel_loop3A_503, %parallel_loop3A_504] {strides = array<i32>} : memref<32x1x1024xf32, #tpu.memory_space<vmem>>, vector<16xf32>,
      %parallel_loop3A_506 = arith.constant 5120 : i32
      %parallel_loop3A_507 = vector.broadcast %parallel_loop3A_506 : i32 to vector<16xi32>
      %parallel_loop3A_508 = arith.addi %parallel_loop3A_316, %parallel_loop3A_507 : vector<16xi32>
      tpu.vector_store_idx %arg10[%parallel_loop3A_508], %parallel_loop3A_505 {add = true} : memref<8448xf32, #tpu.memory_space<vmem>>[vector<16xi32>], vector<16xf32>,
      %parallel_loop3A_509 = arith.constant 21 : i32
      %parallel_loop3A_510 = arith.constant 0 : i32
      %parallel_loop3A_511 = arith.index_cast %parallel_loop3A_509 : i32 to index
      %parallel_loop3A_512 = arith.index_cast %parallel_loop3A_510 : i32 to index
      %parallel_loop3A_513 = arith.index_cast %parallel_loop3A_308 : i32 to index
      %parallel_loop3A_514 = tpu.vector_load %arg6[%parallel_loop3A_511, %parallel_loop3A_512, %parallel_loop3A_513] {strides = array<i32>} : memref<32x1x1024xf32, #tpu.memory_space<vmem>>, vector<16xf32>,
      %parallel_loop3A_515 = arith.constant 5376 : i32
      %parallel_loop3A_516 = vector.broadcast %parallel_loop3A_515 : i32 to vector<16xi32>
      %parallel_loop3A_517 = arith.addi %parallel_loop3A_316, %parallel_loop3A_516 : vector<16xi32>
      tpu.vector_store_idx %arg10[%parallel_loop3A_517], %parallel_loop3A_514 {add = true} : memref<8448xf32, #tpu.memory_space<vmem>>[vector<16xi32>], vector<16xf32>,
      %parallel_loop3A_518 = arith.constant 22 : i32
      %parallel_loop3A_519 = arith.constant 0 : i32
      %parallel_loop3A_520 = arith.index_cast %parallel_loop3A_518 : i32 to index
      %parallel_loop3A_521 = arith.index_cast %parallel_loop3A_519 : i32 to index
      %parallel_loop3A_522 = arith.index_cast %parallel_loop3A_308 : i32 to index
      %parallel_loop3A_523 = tpu.vector_load %arg6[%parallel_loop3A_520, %parallel_loop3A_521, %parallel_loop3A_522] {strides = array<i32>} : memref<32x1x1024xf32, #tpu.memory_space<vmem>>, vector<16xf32>,
      %parallel_loop3A_524 = arith.constant 5632 : i32
      %parallel_loop3A_525 = vector.broadcast %parallel_loop3A_524 : i32 to vector<16xi32>
      %parallel_loop3A_526 = arith.addi %parallel_loop3A_316, %parallel_loop3A_525 : vector<16xi32>
      tpu.vector_store_idx %arg10[%parallel_loop3A_526], %parallel_loop3A_523 {add = true} : memref<8448xf32, #tpu.memory_space<vmem>>[vector<16xi32>], vector<16xf32>,
      %parallel_loop3A_527 = arith.constant 23 : i32
      %parallel_loop3A_528 = arith.constant 0 : i32
      %parallel_loop3A_529 = arith.index_cast %parallel_loop3A_527 : i32 to index
      %parallel_loop3A_530 = arith.index_cast %parallel_loop3A_528 : i32 to index
      %parallel_loop3A_531 = arith.index_cast %parallel_loop3A_308 : i32 to index
      %parallel_loop3A_532 = tpu.vector_load %arg6[%parallel_loop3A_529, %parallel_loop3A_530, %parallel_loop3A_531] {strides = array<i32>} : memref<32x1x1024xf32, #tpu.memory_space<vmem>>, vector<16xf32>,
      %parallel_loop3A_533 = arith.constant 5888 : i32
      %parallel_loop3A_534 = vector.broadcast %parallel_loop3A_533 : i32 to vector<16xi32>
      %parallel_loop3A_535 = arith.addi %parallel_loop3A_316, %parallel_loop3A_534 : vector<16xi32>
      tpu.vector_store_idx %arg10[%parallel_loop3A_535], %parallel_loop3A_532 {add = true} : memref<8448xf32, #tpu.memory_space<vmem>>[vector<16xi32>], vector<16xf32>,
      %parallel_loop3A_536 = arith.constant 24 : i32
      %parallel_loop3A_537 = arith.constant 0 : i32
      %parallel_loop3A_538 = arith.index_cast %parallel_loop3A_536 : i32 to index
      %parallel_loop3A_539 = arith.index_cast %parallel_loop3A_537 : i32 to index
      %parallel_loop3A_540 = arith.index_cast %parallel_loop3A_308 : i32 to index
      %parallel_loop3A_541 = tpu.vector_load %arg6[%parallel_loop3A_538, %parallel_loop3A_539, %parallel_loop3A_540] {strides = array<i32>} : memref<32x1x1024xf32, #tpu.memory_space<vmem>>, vector<16xf32>,
      %parallel_loop3A_542 = arith.constant 6144 : i32
      %parallel_loop3A_543 = vector.broadcast %parallel_loop3A_542 : i32 to vector<16xi32>
      %parallel_loop3A_544 = arith.addi %parallel_loop3A_316, %parallel_loop3A_543 : vector<16xi32>
      tpu.vector_store_idx %arg10[%parallel_loop3A_544], %parallel_loop3A_541 {add = true} : memref<8448xf32, #tpu.memory_space<vmem>>[vector<16xi32>], vector<16xf32>,
      %parallel_loop3A_545 = arith.constant 25 : i32
      %parallel_loop3A_546 = arith.constant 0 : i32
      %parallel_loop3A_547 = arith.index_cast %parallel_loop3A_545 : i32 to index
      %parallel_loop3A_548 = arith.index_cast %parallel_loop3A_546 : i32 to index
      %parallel_loop3A_549 = arith.index_cast %parallel_loop3A_308 : i32 to index
      %parallel_loop3A_550 = tpu.vector_load %arg6[%parallel_loop3A_547, %parallel_loop3A_548, %parallel_loop3A_549] {strides = array<i32>} : memref<32x1x1024xf32, #tpu.memory_space<vmem>>, vector<16xf32>,
      %parallel_loop3A_551 = arith.constant 6400 : i32
      %parallel_loop3A_552 = vector.broadcast %parallel_loop3A_551 : i32 to vector<16xi32>
      %parallel_loop3A_553 = arith.addi %parallel_loop3A_316, %parallel_loop3A_552 : vector<16xi32>
      tpu.vector_store_idx %arg10[%parallel_loop3A_553], %parallel_loop3A_550 {add = true} : memref<8448xf32, #tpu.memory_space<vmem>>[vector<16xi32>], vector<16xf32>,
      %parallel_loop3A_554 = arith.constant 26 : i32
      %parallel_loop3A_555 = arith.constant 0 : i32
      %parallel_loop3A_556 = arith.index_cast %parallel_loop3A_554 : i32 to index
      %parallel_loop3A_557 = arith.index_cast %parallel_loop3A_555 : i32 to index
      %parallel_loop3A_558 = arith.index_cast %parallel_loop3A_308 : i32 to index
      %parallel_loop3A_559 = tpu.vector_load %arg6[%parallel_loop3A_556, %parallel_loop3A_557, %parallel_loop3A_558] {strides = array<i32>} : memref<32x1x1024xf32, #tpu.memory_space<vmem>>, vector<16xf32>,
      %parallel_loop3A_560 = arith.constant 6656 : i32
      %parallel_loop3A_561 = vector.broadcast %parallel_loop3A_560 : i32 to vector<16xi32>
      %parallel_loop3A_562 = arith.addi %parallel_loop3A_316, %parallel_loop3A_561 : vector<16xi32>
      tpu.vector_store_idx %arg10[%parallel_loop3A_562], %parallel_loop3A_559 {add = true} : memref<8448xf32, #tpu.memory_space<vmem>>[vector<16xi32>], vector<16xf32>,
      %parallel_loop3A_563 = arith.constant 27 : i32
      %parallel_loop3A_564 = arith.constant 0 : i32
      %parallel_loop3A_565 = arith.index_cast %parallel_loop3A_563 : i32 to index
      %parallel_loop3A_566 = arith.index_cast %parallel_loop3A_564 : i32 to index
      %parallel_loop3A_567 = arith.index_cast %parallel_loop3A_308 : i32 to index
      %parallel_loop3A_568 = tpu.vector_load %arg6[%parallel_loop3A_565, %parallel_loop3A_566, %parallel_loop3A_567] {strides = array<i32>} : memref<32x1x1024xf32, #tpu.memory_space<vmem>>, vector<16xf32>,
      %parallel_loop3A_569 = arith.constant 6912 : i32
      %parallel_loop3A_570 = vector.broadcast %parallel_loop3A_569 : i32 to vector<16xi32>
      %parallel_loop3A_571 = arith.addi %parallel_loop3A_316, %parallel_loop3A_570 : vector<16xi32>
      tpu.vector_store_idx %arg10[%parallel_loop3A_571], %parallel_loop3A_568 {add = true} : memref<8448xf32, #tpu.memory_space<vmem>>[vector<16xi32>], vector<16xf32>,
      %parallel_loop3A_572 = arith.constant 28 : i32
      %parallel_loop3A_573 = arith.constant 0 : i32
      %parallel_loop3A_574 = arith.index_cast %parallel_loop3A_572 : i32 to index
      %parallel_loop3A_575 = arith.index_cast %parallel_loop3A_573 : i32 to index
      %parallel_loop3A_576 = arith.index_cast %parallel_loop3A_308 : i32 to index
      %parallel_loop3A_577 = tpu.vector_load %arg6[%parallel_loop3A_574, %parallel_loop3A_575, %parallel_loop3A_576] {strides = array<i32>} : memref<32x1x1024xf32, #tpu.memory_space<vmem>>, vector<16xf32>,
      %parallel_loop3A_578 = arith.constant 7168 : i32
      %parallel_loop3A_579 = vector.broadcast %parallel_loop3A_578 : i32 to vector<16xi32>
      %parallel_loop3A_580 = arith.addi %parallel_loop3A_316, %parallel_loop3A_579 : vector<16xi32>
      tpu.vector_store_idx %arg10[%parallel_loop3A_580], %parallel_loop3A_577 {add = true} : memref<8448xf32, #tpu.memory_space<vmem>>[vector<16xi32>], vector<16xf32>,
      %parallel_loop3A_581 = arith.constant 29 : i32
      %parallel_loop3A_582 = arith.constant 0 : i32
      %parallel_loop3A_583 = arith.index_cast %parallel_loop3A_581 : i32 to index
      %parallel_loop3A_584 = arith.index_cast %parallel_loop3A_582 : i32 to index
      %parallel_loop3A_585 = arith.index_cast %parallel_loop3A_308 : i32 to index
      %parallel_loop3A_586 = tpu.vector_load %arg6[%parallel_loop3A_583, %parallel_loop3A_584, %parallel_loop3A_585] {strides = array<i32>} : memref<32x1x1024xf32, #tpu.memory_space<vmem>>, vector<16xf32>,
      %parallel_loop3A_587 = arith.constant 7424 : i32
      %parallel_loop3A_588 = vector.broadcast %parallel_loop3A_587 : i32 to vector<16xi32>
      %parallel_loop3A_589 = arith.addi %parallel_loop3A_316, %parallel_loop3A_588 : vector<16xi32>
      tpu.vector_store_idx %arg10[%parallel_loop3A_589], %parallel_loop3A_586 {add = true} : memref<8448xf32, #tpu.memory_space<vmem>>[vector<16xi32>], vector<16xf32>,
      %parallel_loop3A_590 = arith.constant 30 : i32
      %parallel_loop3A_591 = arith.constant 0 : i32
      %parallel_loop3A_592 = arith.index_cast %parallel_loop3A_590 : i32 to index
      %parallel_loop3A_593 = arith.index_cast %parallel_loop3A_591 : i32 to index
      %parallel_loop3A_594 = arith.index_cast %parallel_loop3A_308 : i32 to index
      %parallel_loop3A_595 = tpu.vector_load %arg6[%parallel_loop3A_592, %parallel_loop3A_593, %parallel_loop3A_594] {strides = array<i32>} : memref<32x1x1024xf32, #tpu.memory_space<vmem>>, vector<16xf32>,
      %parallel_loop3A_596 = arith.constant 7680 : i32
      %parallel_loop3A_597 = vector.broadcast %parallel_loop3A_596 : i32 to vector<16xi32>
      %parallel_loop3A_598 = arith.addi %parallel_loop3A_316, %parallel_loop3A_597 : vector<16xi32>
      tpu.vector_store_idx %arg10[%parallel_loop3A_598], %parallel_loop3A_595 {add = true} : memref<8448xf32, #tpu.memory_space<vmem>>[vector<16xi32>], vector<16xf32>,
      %parallel_loop3A_599 = arith.constant 31 : i32
      %parallel_loop3A_600 = arith.constant 0 : i32
      %parallel_loop3A_601 = arith.index_cast %parallel_loop3A_599 : i32 to index
      %parallel_loop3A_602 = arith.index_cast %parallel_loop3A_600 : i32 to index
      %parallel_loop3A_603 = arith.index_cast %parallel_loop3A_308 : i32 to index
      %parallel_loop3A_604 = tpu.vector_load %arg6[%parallel_loop3A_601, %parallel_loop3A_602, %parallel_loop3A_603] {strides = array<i32>} : memref<32x1x1024xf32, #tpu.memory_space<vmem>>, vector<16xf32>,
      %parallel_loop3A_605 = arith.constant 7936 : i32
      %parallel_loop3A_606 = vector.broadcast %parallel_loop3A_605 : i32 to vector<16xi32>
      %parallel_loop3A_607 = arith.addi %parallel_loop3A_316, %parallel_loop3A_606 : vector<16xi32>
      tpu.vector_store_idx %arg10[%parallel_loop3A_607], %parallel_loop3A_604 {add = true} : memref<8448xf32, #tpu.memory_space<vmem>>[vector<16xi32>], vector<16xf32>,
    } {sc.loop_unroll_factor = 2 : i64, sc.parallel_access}
    %add3A_113 = arith.constant 3 : i32
    %add3A_114 = arith.addi %mul3A_7, %add3A_113 : i32
    %dma_wait3A_115 = arith.constant 0 : i32
    %dma_wait3A_116 = arith.constant 0 : i32
    %dma_wait3A_117 = tpu.memref_slice %arg2[%dma_wait3A_115, %add3A_114, %dma_wait3A_116] : memref<32x512x1024xf32, #tpu.memory_space<hbm>> -> memref<32x1x1024xf32, #tpu.memory_space<hbm>>
    %dma_wait3A_118 = arith.constant 0 : i32
    %dma_wait3A_119 = arith.constant 0 : i32
    %dma_wait3A_120 = tpu.memref_slice %arg2[%dma_wait3A_118, %add3A_114, %dma_wait3A_119] : memref<32x512x1024xf32, #tpu.memory_space<hbm>> -> memref<32x1x1024xf32, #tpu.memory_space<hbm>>
    tpu.wait_dma2 semaphore(%arg14 : memref<!tpu.dma_semaphore, #tpu.memory_space<semaphore_mem>>) src(%dma_wait3A_120 : memref<32x1x1024xf32, #tpu.memory_space<hbm>>) dst(%arg7 : memref<32x1x1024xf32, #tpu.memory_space<vmem>>)
    %add3A_121 = arith.constant 3 : i32
    %add3A_122 = arith.addi %mul3A_7, %add3A_121 : i32
    %dma_wait3A_123 = arith.constant 0 : i32
    %dma_wait3A_124 = tpu.memref_slice %arg3[%add3A_122, %dma_wait3A_123] : memref<512x1024xi32, #tpu.memory_space<hbm>> -> memref<1x1024xi32, #tpu.memory_space<hbm>>
    %dma_wait3A_125 = arith.constant 0 : i32
    %dma_wait3A_126 = tpu.memref_slice %arg3[%add3A_122, %dma_wait3A_125] : memref<512x1024xi32, #tpu.memory_space<hbm>> -> memref<1x1024xi32, #tpu.memory_space<hbm>>
    tpu.wait_dma2 semaphore(%arg16 : memref<!tpu.dma_semaphore, #tpu.memory_space<semaphore_mem>>) src(%dma_wait3A_126 : memref<1x1024xi32, #tpu.memory_space<hbm>>) dst(%arg9 : memref<1x1024xi32, #tpu.memory_space<vmem>>)
    %parallel_loop3A_127 = arith.constant 0 : i32
    %parallel_loop3A_128 = arith.constant 64 : i32
    %parallel_loop3A_129 = arith.constant 1 : i32
    scf.for %parallel_loop3A_306 = %parallel_loop3A_127 to %parallel_loop3A_128 step %parallel_loop3A_129  : i32 {
      %parallel_loop3A_307 = arith.constant 16 : i32
      %parallel_loop3A_308 = arith.muli %parallel_loop3A_306, %parallel_loop3A_307 : i32
      %parallel_loop3A_309 = arith.constant 0 : i32
      %parallel_loop3A_310 = arith.index_cast %parallel_loop3A_309 : i32 to index
      %parallel_loop3A_311 = arith.index_cast %parallel_loop3A_308 : i32 to index
      %parallel_loop3A_312 = tpu.vector_load %arg9[%parallel_loop3A_310, %parallel_loop3A_311] {strides = array<i32>} : memref<1x1024xi32, #tpu.memory_space<vmem>>, vector<16xi32>,
      %parallel_loop3A_313 = arith.constant 16 : i32
      %parallel_loop3A_314 = vector.broadcast %parallel_loop3A_313 : i32 to vector<16xi32>
      %parallel_loop3A_315 = arith.muli %parallel_loop3A_312, %parallel_loop3A_314 : vector<16xi32>
      %parallel_loop3A_316 = arith.addi %parallel_loop3A_315, %iota3A : vector<16xi32>
      %parallel_loop3A_317 = arith.constant 8192 : i32
      %parallel_loop3A_318 = vector.broadcast %parallel_loop3A_317 : i32 to vector<16xi32>
      %parallel_loop3A_319 = arith.addi %parallel_loop3A_318, %parallel_loop3A_316 : vector<16xi32>
      tpu.vector_store_idx %arg10[%parallel_loop3A_319], %broadcast_in_dim3A_1 {add = true} : memref<8448xf32, #tpu.memory_space<vmem>>[vector<16xi32>], vector<16xf32>,
      %parallel_loop3A_320 = arith.constant 0 : i32
      %parallel_loop3A_321 = arith.constant 0 : i32
      %parallel_loop3A_322 = arith.index_cast %parallel_loop3A_320 : i32 to index
      %parallel_loop3A_323 = arith.index_cast %parallel_loop3A_321 : i32 to index
      %parallel_loop3A_324 = arith.index_cast %parallel_loop3A_308 : i32 to index
      %parallel_loop3A_325 = tpu.vector_load %arg7[%parallel_loop3A_322, %parallel_loop3A_323, %parallel_loop3A_324] {strides = array<i32>} : memref<32x1x1024xf32, #tpu.memory_space<vmem>>, vector<16xf32>,
      %parallel_loop3A_326 = arith.constant 0 : i32
      %parallel_loop3A_327 = vector.broadcast %parallel_loop3A_326 : i32 to vector<16xi32>
      %parallel_loop3A_328 = arith.addi %parallel_loop3A_316, %parallel_loop3A_327 : vector<16xi32>
      tpu.vector_store_idx %arg10[%parallel_loop3A_328], %parallel_loop3A_325 {add = true} : memref<8448xf32, #tpu.memory_space<vmem>>[vector<16xi32>], vector<16xf32>,
      %parallel_loop3A_329 = arith.constant 1 : i32
      %parallel_loop3A_330 = arith.constant 0 : i32
      %parallel_loop3A_331 = arith.index_cast %parallel_loop3A_329 : i32 to index
      %parallel_loop3A_332 = arith.index_cast %parallel_loop3A_330 : i32 to index
      %parallel_loop3A_333 = arith.index_cast %parallel_loop3A_308 : i32 to index
      %parallel_loop3A_334 = tpu.vector_load %arg7[%parallel_loop3A_331, %parallel_loop3A_332, %parallel_loop3A_333] {strides = array<i32>} : memref<32x1x1024xf32, #tpu.memory_space<vmem>>, vector<16xf32>,
      %parallel_loop3A_335 = arith.constant 256 : i32
      %parallel_loop3A_336 = vector.broadcast %parallel_loop3A_335 : i32 to vector<16xi32>
      %parallel_loop3A_337 = arith.addi %parallel_loop3A_316, %parallel_loop3A_336 : vector<16xi32>
      tpu.vector_store_idx %arg10[%parallel_loop3A_337], %parallel_loop3A_334 {add = true} : memref<8448xf32, #tpu.memory_space<vmem>>[vector<16xi32>], vector<16xf32>,
      %parallel_loop3A_338 = arith.constant 2 : i32
      %parallel_loop3A_339 = arith.constant 0 : i32
      %parallel_loop3A_340 = arith.index_cast %parallel_loop3A_338 : i32 to index
      %parallel_loop3A_341 = arith.index_cast %parallel_loop3A_339 : i32 to index
      %parallel_loop3A_342 = arith.index_cast %parallel_loop3A_308 : i32 to index
      %parallel_loop3A_343 = tpu.vector_load %arg7[%parallel_loop3A_340, %parallel_loop3A_341, %parallel_loop3A_342] {strides = array<i32>} : memref<32x1x1024xf32, #tpu.memory_space<vmem>>, vector<16xf32>,
      %parallel_loop3A_344 = arith.constant 512 : i32
      %parallel_loop3A_345 = vector.broadcast %parallel_loop3A_344 : i32 to vector<16xi32>
      %parallel_loop3A_346 = arith.addi %parallel_loop3A_316, %parallel_loop3A_345 : vector<16xi32>
      tpu.vector_store_idx %arg10[%parallel_loop3A_346], %parallel_loop3A_343 {add = true} : memref<8448xf32, #tpu.memory_space<vmem>>[vector<16xi32>], vector<16xf32>,
      %parallel_loop3A_347 = arith.constant 3 : i32
      %parallel_loop3A_348 = arith.constant 0 : i32
      %parallel_loop3A_349 = arith.index_cast %parallel_loop3A_347 : i32 to index
      %parallel_loop3A_350 = arith.index_cast %parallel_loop3A_348 : i32 to index
      %parallel_loop3A_351 = arith.index_cast %parallel_loop3A_308 : i32 to index
      %parallel_loop3A_352 = tpu.vector_load %arg7[%parallel_loop3A_349, %parallel_loop3A_350, %parallel_loop3A_351] {strides = array<i32>} : memref<32x1x1024xf32, #tpu.memory_space<vmem>>, vector<16xf32>,
      %parallel_loop3A_353 = arith.constant 768 : i32
      %parallel_loop3A_354 = vector.broadcast %parallel_loop3A_353 : i32 to vector<16xi32>
      %parallel_loop3A_355 = arith.addi %parallel_loop3A_316, %parallel_loop3A_354 : vector<16xi32>
      tpu.vector_store_idx %arg10[%parallel_loop3A_355], %parallel_loop3A_352 {add = true} : memref<8448xf32, #tpu.memory_space<vmem>>[vector<16xi32>], vector<16xf32>,
      %parallel_loop3A_356 = arith.constant 4 : i32
      %parallel_loop3A_357 = arith.constant 0 : i32
      %parallel_loop3A_358 = arith.index_cast %parallel_loop3A_356 : i32 to index
      %parallel_loop3A_359 = arith.index_cast %parallel_loop3A_357 : i32 to index
      %parallel_loop3A_360 = arith.index_cast %parallel_loop3A_308 : i32 to index
      %parallel_loop3A_361 = tpu.vector_load %arg7[%parallel_loop3A_358, %parallel_loop3A_359, %parallel_loop3A_360] {strides = array<i32>} : memref<32x1x1024xf32, #tpu.memory_space<vmem>>, vector<16xf32>,
      %parallel_loop3A_362 = arith.constant 1024 : i32
      %parallel_loop3A_363 = vector.broadcast %parallel_loop3A_362 : i32 to vector<16xi32>
      %parallel_loop3A_364 = arith.addi %parallel_loop3A_316, %parallel_loop3A_363 : vector<16xi32>
      tpu.vector_store_idx %arg10[%parallel_loop3A_364], %parallel_loop3A_361 {add = true} : memref<8448xf32, #tpu.memory_space<vmem>>[vector<16xi32>], vector<16xf32>,
      %parallel_loop3A_365 = arith.constant 5 : i32
      %parallel_loop3A_366 = arith.constant 0 : i32
      %parallel_loop3A_367 = arith.index_cast %parallel_loop3A_365 : i32 to index
      %parallel_loop3A_368 = arith.index_cast %parallel_loop3A_366 : i32 to index
      %parallel_loop3A_369 = arith.index_cast %parallel_loop3A_308 : i32 to index
      %parallel_loop3A_370 = tpu.vector_load %arg7[%parallel_loop3A_367, %parallel_loop3A_368, %parallel_loop3A_369] {strides = array<i32>} : memref<32x1x1024xf32, #tpu.memory_space<vmem>>, vector<16xf32>,
      %parallel_loop3A_371 = arith.constant 1280 : i32
      %parallel_loop3A_372 = vector.broadcast %parallel_loop3A_371 : i32 to vector<16xi32>
      %parallel_loop3A_373 = arith.addi %parallel_loop3A_316, %parallel_loop3A_372 : vector<16xi32>
      tpu.vector_store_idx %arg10[%parallel_loop3A_373], %parallel_loop3A_370 {add = true} : memref<8448xf32, #tpu.memory_space<vmem>>[vector<16xi32>], vector<16xf32>,
      %parallel_loop3A_374 = arith.constant 6 : i32
      %parallel_loop3A_375 = arith.constant 0 : i32
      %parallel_loop3A_376 = arith.index_cast %parallel_loop3A_374 : i32 to index
      %parallel_loop3A_377 = arith.index_cast %parallel_loop3A_375 : i32 to index
      %parallel_loop3A_378 = arith.index_cast %parallel_loop3A_308 : i32 to index
      %parallel_loop3A_379 = tpu.vector_load %arg7[%parallel_loop3A_376, %parallel_loop3A_377, %parallel_loop3A_378] {strides = array<i32>} : memref<32x1x1024xf32, #tpu.memory_space<vmem>>, vector<16xf32>,
      %parallel_loop3A_380 = arith.constant 1536 : i32
      %parallel_loop3A_381 = vector.broadcast %parallel_loop3A_380 : i32 to vector<16xi32>
      %parallel_loop3A_382 = arith.addi %parallel_loop3A_316, %parallel_loop3A_381 : vector<16xi32>
      tpu.vector_store_idx %arg10[%parallel_loop3A_382], %parallel_loop3A_379 {add = true} : memref<8448xf32, #tpu.memory_space<vmem>>[vector<16xi32>], vector<16xf32>,
      %parallel_loop3A_383 = arith.constant 7 : i32
      %parallel_loop3A_384 = arith.constant 0 : i32
      %parallel_loop3A_385 = arith.index_cast %parallel_loop3A_383 : i32 to index
      %parallel_loop3A_386 = arith.index_cast %parallel_loop3A_384 : i32 to index
      %parallel_loop3A_387 = arith.index_cast %parallel_loop3A_308 : i32 to index
      %parallel_loop3A_388 = tpu.vector_load %arg7[%parallel_loop3A_385, %parallel_loop3A_386, %parallel_loop3A_387] {strides = array<i32>} : memref<32x1x1024xf32, #tpu.memory_space<vmem>>, vector<16xf32>,
      %parallel_loop3A_389 = arith.constant 1792 : i32
      %parallel_loop3A_390 = vector.broadcast %parallel_loop3A_389 : i32 to vector<16xi32>
      %parallel_loop3A_391 = arith.addi %parallel_loop3A_316, %parallel_loop3A_390 : vector<16xi32>
      tpu.vector_store_idx %arg10[%parallel_loop3A_391], %parallel_loop3A_388 {add = true} : memref<8448xf32, #tpu.memory_space<vmem>>[vector<16xi32>], vector<16xf32>,
      %parallel_loop3A_392 = arith.constant 8 : i32
      %parallel_loop3A_393 = arith.constant 0 : i32
      %parallel_loop3A_394 = arith.index_cast %parallel_loop3A_392 : i32 to index
      %parallel_loop3A_395 = arith.index_cast %parallel_loop3A_393 : i32 to index
      %parallel_loop3A_396 = arith.index_cast %parallel_loop3A_308 : i32 to index
      %parallel_loop3A_397 = tpu.vector_load %arg7[%parallel_loop3A_394, %parallel_loop3A_395, %parallel_loop3A_396] {strides = array<i32>} : memref<32x1x1024xf32, #tpu.memory_space<vmem>>, vector<16xf32>,
      %parallel_loop3A_398 = arith.constant 2048 : i32
      %parallel_loop3A_399 = vector.broadcast %parallel_loop3A_398 : i32 to vector<16xi32>
      %parallel_loop3A_400 = arith.addi %parallel_loop3A_316, %parallel_loop3A_399 : vector<16xi32>
      tpu.vector_store_idx %arg10[%parallel_loop3A_400], %parallel_loop3A_397 {add = true} : memref<8448xf32, #tpu.memory_space<vmem>>[vector<16xi32>], vector<16xf32>,
      %parallel_loop3A_401 = arith.constant 9 : i32
      %parallel_loop3A_402 = arith.constant 0 : i32
      %parallel_loop3A_403 = arith.index_cast %parallel_loop3A_401 : i32 to index
      %parallel_loop3A_404 = arith.index_cast %parallel_loop3A_402 : i32 to index
      %parallel_loop3A_405 = arith.index_cast %parallel_loop3A_308 : i32 to index
      %parallel_loop3A_406 = tpu.vector_load %arg7[%parallel_loop3A_403, %parallel_loop3A_404, %parallel_loop3A_405] {strides = array<i32>} : memref<32x1x1024xf32, #tpu.memory_space<vmem>>, vector<16xf32>,
      %parallel_loop3A_407 = arith.constant 2304 : i32
      %parallel_loop3A_408 = vector.broadcast %parallel_loop3A_407 : i32 to vector<16xi32>
      %parallel_loop3A_409 = arith.addi %parallel_loop3A_316, %parallel_loop3A_408 : vector<16xi32>
      tpu.vector_store_idx %arg10[%parallel_loop3A_409], %parallel_loop3A_406 {add = true} : memref<8448xf32, #tpu.memory_space<vmem>>[vector<16xi32>], vector<16xf32>,
      %parallel_loop3A_410 = arith.constant 10 : i32
      %parallel_loop3A_411 = arith.constant 0 : i32
      %parallel_loop3A_412 = arith.index_cast %parallel_loop3A_410 : i32 to index
      %parallel_loop3A_413 = arith.index_cast %parallel_loop3A_411 : i32 to index
      %parallel_loop3A_414 = arith.index_cast %parallel_loop3A_308 : i32 to index
      %parallel_loop3A_415 = tpu.vector_load %arg7[%parallel_loop3A_412, %parallel_loop3A_413, %parallel_loop3A_414] {strides = array<i32>} : memref<32x1x1024xf32, #tpu.memory_space<vmem>>, vector<16xf32>,
      %parallel_loop3A_416 = arith.constant 2560 : i32
      %parallel_loop3A_417 = vector.broadcast %parallel_loop3A_416 : i32 to vector<16xi32>
      %parallel_loop3A_418 = arith.addi %parallel_loop3A_316, %parallel_loop3A_417 : vector<16xi32>
      tpu.vector_store_idx %arg10[%parallel_loop3A_418], %parallel_loop3A_415 {add = true} : memref<8448xf32, #tpu.memory_space<vmem>>[vector<16xi32>], vector<16xf32>,
      %parallel_loop3A_419 = arith.constant 11 : i32
      %parallel_loop3A_420 = arith.constant 0 : i32
      %parallel_loop3A_421 = arith.index_cast %parallel_loop3A_419 : i32 to index
      %parallel_loop3A_422 = arith.index_cast %parallel_loop3A_420 : i32 to index
      %parallel_loop3A_423 = arith.index_cast %parallel_loop3A_308 : i32 to index
      %parallel_loop3A_424 = tpu.vector_load %arg7[%parallel_loop3A_421, %parallel_loop3A_422, %parallel_loop3A_423] {strides = array<i32>} : memref<32x1x1024xf32, #tpu.memory_space<vmem>>, vector<16xf32>,
      %parallel_loop3A_425 = arith.constant 2816 : i32
      %parallel_loop3A_426 = vector.broadcast %parallel_loop3A_425 : i32 to vector<16xi32>
      %parallel_loop3A_427 = arith.addi %parallel_loop3A_316, %parallel_loop3A_426 : vector<16xi32>
      tpu.vector_store_idx %arg10[%parallel_loop3A_427], %parallel_loop3A_424 {add = true} : memref<8448xf32, #tpu.memory_space<vmem>>[vector<16xi32>], vector<16xf32>,
      %parallel_loop3A_428 = arith.constant 12 : i32
      %parallel_loop3A_429 = arith.constant 0 : i32
      %parallel_loop3A_430 = arith.index_cast %parallel_loop3A_428 : i32 to index
      %parallel_loop3A_431 = arith.index_cast %parallel_loop3A_429 : i32 to index
      %parallel_loop3A_432 = arith.index_cast %parallel_loop3A_308 : i32 to index
      %parallel_loop3A_433 = tpu.vector_load %arg7[%parallel_loop3A_430, %parallel_loop3A_431, %parallel_loop3A_432] {strides = array<i32>} : memref<32x1x1024xf32, #tpu.memory_space<vmem>>, vector<16xf32>,
      %parallel_loop3A_434 = arith.constant 3072 : i32
      %parallel_loop3A_435 = vector.broadcast %parallel_loop3A_434 : i32 to vector<16xi32>
      %parallel_loop3A_436 = arith.addi %parallel_loop3A_316, %parallel_loop3A_435 : vector<16xi32>
      tpu.vector_store_idx %arg10[%parallel_loop3A_436], %parallel_loop3A_433 {add = true} : memref<8448xf32, #tpu.memory_space<vmem>>[vector<16xi32>], vector<16xf32>,
      %parallel_loop3A_437 = arith.constant 13 : i32
      %parallel_loop3A_438 = arith.constant 0 : i32
      %parallel_loop3A_439 = arith.index_cast %parallel_loop3A_437 : i32 to index
      %parallel_loop3A_440 = arith.index_cast %parallel_loop3A_438 : i32 to index
      %parallel_loop3A_441 = arith.index_cast %parallel_loop3A_308 : i32 to index
      %parallel_loop3A_442 = tpu.vector_load %arg7[%parallel_loop3A_439, %parallel_loop3A_440, %parallel_loop3A_441] {strides = array<i32>} : memref<32x1x1024xf32, #tpu.memory_space<vmem>>, vector<16xf32>,
      %parallel_loop3A_443 = arith.constant 3328 : i32
      %parallel_loop3A_444 = vector.broadcast %parallel_loop3A_443 : i32 to vector<16xi32>
      %parallel_loop3A_445 = arith.addi %parallel_loop3A_316, %parallel_loop3A_444 : vector<16xi32>
      tpu.vector_store_idx %arg10[%parallel_loop3A_445], %parallel_loop3A_442 {add = true} : memref<8448xf32, #tpu.memory_space<vmem>>[vector<16xi32>], vector<16xf32>,
      %parallel_loop3A_446 = arith.constant 14 : i32
      %parallel_loop3A_447 = arith.constant 0 : i32
      %parallel_loop3A_448 = arith.index_cast %parallel_loop3A_446 : i32 to index
      %parallel_loop3A_449 = arith.index_cast %parallel_loop3A_447 : i32 to index
      %parallel_loop3A_450 = arith.index_cast %parallel_loop3A_308 : i32 to index
      %parallel_loop3A_451 = tpu.vector_load %arg7[%parallel_loop3A_448, %parallel_loop3A_449, %parallel_loop3A_450] {strides = array<i32>} : memref<32x1x1024xf32, #tpu.memory_space<vmem>>, vector<16xf32>,
      %parallel_loop3A_452 = arith.constant 3584 : i32
      %parallel_loop3A_453 = vector.broadcast %parallel_loop3A_452 : i32 to vector<16xi32>
      %parallel_loop3A_454 = arith.addi %parallel_loop3A_316, %parallel_loop3A_453 : vector<16xi32>
      tpu.vector_store_idx %arg10[%parallel_loop3A_454], %parallel_loop3A_451 {add = true} : memref<8448xf32, #tpu.memory_space<vmem>>[vector<16xi32>], vector<16xf32>,
      %parallel_loop3A_455 = arith.constant 15 : i32
      %parallel_loop3A_456 = arith.constant 0 : i32
      %parallel_loop3A_457 = arith.index_cast %parallel_loop3A_455 : i32 to index
      %parallel_loop3A_458 = arith.index_cast %parallel_loop3A_456 : i32 to index
      %parallel_loop3A_459 = arith.index_cast %parallel_loop3A_308 : i32 to index
      %parallel_loop3A_460 = tpu.vector_load %arg7[%parallel_loop3A_457, %parallel_loop3A_458, %parallel_loop3A_459] {strides = array<i32>} : memref<32x1x1024xf32, #tpu.memory_space<vmem>>, vector<16xf32>,
      %parallel_loop3A_461 = arith.constant 3840 : i32
      %parallel_loop3A_462 = vector.broadcast %parallel_loop3A_461 : i32 to vector<16xi32>
      %parallel_loop3A_463 = arith.addi %parallel_loop3A_316, %parallel_loop3A_462 : vector<16xi32>
      tpu.vector_store_idx %arg10[%parallel_loop3A_463], %parallel_loop3A_460 {add = true} : memref<8448xf32, #tpu.memory_space<vmem>>[vector<16xi32>], vector<16xf32>,
      %parallel_loop3A_464 = arith.constant 16 : i32
      %parallel_loop3A_465 = arith.constant 0 : i32
      %parallel_loop3A_466 = arith.index_cast %parallel_loop3A_464 : i32 to index
      %parallel_loop3A_467 = arith.index_cast %parallel_loop3A_465 : i32 to index
      %parallel_loop3A_468 = arith.index_cast %parallel_loop3A_308 : i32 to index
      %parallel_loop3A_469 = tpu.vector_load %arg7[%parallel_loop3A_466, %parallel_loop3A_467, %parallel_loop3A_468] {strides = array<i32>} : memref<32x1x1024xf32, #tpu.memory_space<vmem>>, vector<16xf32>,
      %parallel_loop3A_470 = arith.constant 4096 : i32
      %parallel_loop3A_471 = vector.broadcast %parallel_loop3A_470 : i32 to vector<16xi32>
      %parallel_loop3A_472 = arith.addi %parallel_loop3A_316, %parallel_loop3A_471 : vector<16xi32>
      tpu.vector_store_idx %arg10[%parallel_loop3A_472], %parallel_loop3A_469 {add = true} : memref<8448xf32, #tpu.memory_space<vmem>>[vector<16xi32>], vector<16xf32>,
      %parallel_loop3A_473 = arith.constant 17 : i32
      %parallel_loop3A_474 = arith.constant 0 : i32
      %parallel_loop3A_475 = arith.index_cast %parallel_loop3A_473 : i32 to index
      %parallel_loop3A_476 = arith.index_cast %parallel_loop3A_474 : i32 to index
      %parallel_loop3A_477 = arith.index_cast %parallel_loop3A_308 : i32 to index
      %parallel_loop3A_478 = tpu.vector_load %arg7[%parallel_loop3A_475, %parallel_loop3A_476, %parallel_loop3A_477] {strides = array<i32>} : memref<32x1x1024xf32, #tpu.memory_space<vmem>>, vector<16xf32>,
      %parallel_loop3A_479 = arith.constant 4352 : i32
      %parallel_loop3A_480 = vector.broadcast %parallel_loop3A_479 : i32 to vector<16xi32>
      %parallel_loop3A_481 = arith.addi %parallel_loop3A_316, %parallel_loop3A_480 : vector<16xi32>
      tpu.vector_store_idx %arg10[%parallel_loop3A_481], %parallel_loop3A_478 {add = true} : memref<8448xf32, #tpu.memory_space<vmem>>[vector<16xi32>], vector<16xf32>,
      %parallel_loop3A_482 = arith.constant 18 : i32
      %parallel_loop3A_483 = arith.constant 0 : i32
      %parallel_loop3A_484 = arith.index_cast %parallel_loop3A_482 : i32 to index
      %parallel_loop3A_485 = arith.index_cast %parallel_loop3A_483 : i32 to index
      %parallel_loop3A_486 = arith.index_cast %parallel_loop3A_308 : i32 to index
      %parallel_loop3A_487 = tpu.vector_load %arg7[%parallel_loop3A_484, %parallel_loop3A_485, %parallel_loop3A_486] {strides = array<i32>} : memref<32x1x1024xf32, #tpu.memory_space<vmem>>, vector<16xf32>,
      %parallel_loop3A_488 = arith.constant 4608 : i32
      %parallel_loop3A_489 = vector.broadcast %parallel_loop3A_488 : i32 to vector<16xi32>
      %parallel_loop3A_490 = arith.addi %parallel_loop3A_316, %parallel_loop3A_489 : vector<16xi32>
      tpu.vector_store_idx %arg10[%parallel_loop3A_490], %parallel_loop3A_487 {add = true} : memref<8448xf32, #tpu.memory_space<vmem>>[vector<16xi32>], vector<16xf32>,
      %parallel_loop3A_491 = arith.constant 19 : i32
      %parallel_loop3A_492 = arith.constant 0 : i32
      %parallel_loop3A_493 = arith.index_cast %parallel_loop3A_491 : i32 to index
      %parallel_loop3A_494 = arith.index_cast %parallel_loop3A_492 : i32 to index
      %parallel_loop3A_495 = arith.index_cast %parallel_loop3A_308 : i32 to index
      %parallel_loop3A_496 = tpu.vector_load %arg7[%parallel_loop3A_493, %parallel_loop3A_494, %parallel_loop3A_495] {strides = array<i32>} : memref<32x1x1024xf32, #tpu.memory_space<vmem>>, vector<16xf32>,
      %parallel_loop3A_497 = arith.constant 4864 : i32
      %parallel_loop3A_498 = vector.broadcast %parallel_loop3A_497 : i32 to vector<16xi32>
      %parallel_loop3A_499 = arith.addi %parallel_loop3A_316, %parallel_loop3A_498 : vector<16xi32>
      tpu.vector_store_idx %arg10[%parallel_loop3A_499], %parallel_loop3A_496 {add = true} : memref<8448xf32, #tpu.memory_space<vmem>>[vector<16xi32>], vector<16xf32>,
      %parallel_loop3A_500 = arith.constant 20 : i32
      %parallel_loop3A_501 = arith.constant 0 : i32
      %parallel_loop3A_502 = arith.index_cast %parallel_loop3A_500 : i32 to index
      %parallel_loop3A_503 = arith.index_cast %parallel_loop3A_501 : i32 to index
      %parallel_loop3A_504 = arith.index_cast %parallel_loop3A_308 : i32 to index
      %parallel_loop3A_505 = tpu.vector_load %arg7[%parallel_loop3A_502, %parallel_loop3A_503, %parallel_loop3A_504] {strides = array<i32>} : memref<32x1x1024xf32, #tpu.memory_space<vmem>>, vector<16xf32>,
      %parallel_loop3A_506 = arith.constant 5120 : i32
      %parallel_loop3A_507 = vector.broadcast %parallel_loop3A_506 : i32 to vector<16xi32>
      %parallel_loop3A_508 = arith.addi %parallel_loop3A_316, %parallel_loop3A_507 : vector<16xi32>
      tpu.vector_store_idx %arg10[%parallel_loop3A_508], %parallel_loop3A_505 {add = true} : memref<8448xf32, #tpu.memory_space<vmem>>[vector<16xi32>], vector<16xf32>,
      %parallel_loop3A_509 = arith.constant 21 : i32
      %parallel_loop3A_510 = arith.constant 0 : i32
      %parallel_loop3A_511 = arith.index_cast %parallel_loop3A_509 : i32 to index
      %parallel_loop3A_512 = arith.index_cast %parallel_loop3A_510 : i32 to index
      %parallel_loop3A_513 = arith.index_cast %parallel_loop3A_308 : i32 to index
      %parallel_loop3A_514 = tpu.vector_load %arg7[%parallel_loop3A_511, %parallel_loop3A_512, %parallel_loop3A_513] {strides = array<i32>} : memref<32x1x1024xf32, #tpu.memory_space<vmem>>, vector<16xf32>,
      %parallel_loop3A_515 = arith.constant 5376 : i32
      %parallel_loop3A_516 = vector.broadcast %parallel_loop3A_515 : i32 to vector<16xi32>
      %parallel_loop3A_517 = arith.addi %parallel_loop3A_316, %parallel_loop3A_516 : vector<16xi32>
      tpu.vector_store_idx %arg10[%parallel_loop3A_517], %parallel_loop3A_514 {add = true} : memref<8448xf32, #tpu.memory_space<vmem>>[vector<16xi32>], vector<16xf32>,
      %parallel_loop3A_518 = arith.constant 22 : i32
      %parallel_loop3A_519 = arith.constant 0 : i32
      %parallel_loop3A_520 = arith.index_cast %parallel_loop3A_518 : i32 to index
      %parallel_loop3A_521 = arith.index_cast %parallel_loop3A_519 : i32 to index
      %parallel_loop3A_522 = arith.index_cast %parallel_loop3A_308 : i32 to index
      %parallel_loop3A_523 = tpu.vector_load %arg7[%parallel_loop3A_520, %parallel_loop3A_521, %parallel_loop3A_522] {strides = array<i32>} : memref<32x1x1024xf32, #tpu.memory_space<vmem>>, vector<16xf32>,
      %parallel_loop3A_524 = arith.constant 5632 : i32
      %parallel_loop3A_525 = vector.broadcast %parallel_loop3A_524 : i32 to vector<16xi32>
      %parallel_loop3A_526 = arith.addi %parallel_loop3A_316, %parallel_loop3A_525 : vector<16xi32>
      tpu.vector_store_idx %arg10[%parallel_loop3A_526], %parallel_loop3A_523 {add = true} : memref<8448xf32, #tpu.memory_space<vmem>>[vector<16xi32>], vector<16xf32>,
      %parallel_loop3A_527 = arith.constant 23 : i32
      %parallel_loop3A_528 = arith.constant 0 : i32
      %parallel_loop3A_529 = arith.index_cast %parallel_loop3A_527 : i32 to index
      %parallel_loop3A_530 = arith.index_cast %parallel_loop3A_528 : i32 to index
      %parallel_loop3A_531 = arith.index_cast %parallel_loop3A_308 : i32 to index
      %parallel_loop3A_532 = tpu.vector_load %arg7[%parallel_loop3A_529, %parallel_loop3A_530, %parallel_loop3A_531] {strides = array<i32>} : memref<32x1x1024xf32, #tpu.memory_space<vmem>>, vector<16xf32>,
      %parallel_loop3A_533 = arith.constant 5888 : i32
      %parallel_loop3A_534 = vector.broadcast %parallel_loop3A_533 : i32 to vector<16xi32>
      %parallel_loop3A_535 = arith.addi %parallel_loop3A_316, %parallel_loop3A_534 : vector<16xi32>
      tpu.vector_store_idx %arg10[%parallel_loop3A_535], %parallel_loop3A_532 {add = true} : memref<8448xf32, #tpu.memory_space<vmem>>[vector<16xi32>], vector<16xf32>,
      %parallel_loop3A_536 = arith.constant 24 : i32
      %parallel_loop3A_537 = arith.constant 0 : i32
      %parallel_loop3A_538 = arith.index_cast %parallel_loop3A_536 : i32 to index
      %parallel_loop3A_539 = arith.index_cast %parallel_loop3A_537 : i32 to index
      %parallel_loop3A_540 = arith.index_cast %parallel_loop3A_308 : i32 to index
      %parallel_loop3A_541 = tpu.vector_load %arg7[%parallel_loop3A_538, %parallel_loop3A_539, %parallel_loop3A_540] {strides = array<i32>} : memref<32x1x1024xf32, #tpu.memory_space<vmem>>, vector<16xf32>,
      %parallel_loop3A_542 = arith.constant 6144 : i32
      %parallel_loop3A_543 = vector.broadcast %parallel_loop3A_542 : i32 to vector<16xi32>
      %parallel_loop3A_544 = arith.addi %parallel_loop3A_316, %parallel_loop3A_543 : vector<16xi32>
      tpu.vector_store_idx %arg10[%parallel_loop3A_544], %parallel_loop3A_541 {add = true} : memref<8448xf32, #tpu.memory_space<vmem>>[vector<16xi32>], vector<16xf32>,
      %parallel_loop3A_545 = arith.constant 25 : i32
      %parallel_loop3A_546 = arith.constant 0 : i32
      %parallel_loop3A_547 = arith.index_cast %parallel_loop3A_545 : i32 to index
      %parallel_loop3A_548 = arith.index_cast %parallel_loop3A_546 : i32 to index
      %parallel_loop3A_549 = arith.index_cast %parallel_loop3A_308 : i32 to index
      %parallel_loop3A_550 = tpu.vector_load %arg7[%parallel_loop3A_547, %parallel_loop3A_548, %parallel_loop3A_549] {strides = array<i32>} : memref<32x1x1024xf32, #tpu.memory_space<vmem>>, vector<16xf32>,
      %parallel_loop3A_551 = arith.constant 6400 : i32
      %parallel_loop3A_552 = vector.broadcast %parallel_loop3A_551 : i32 to vector<16xi32>
      %parallel_loop3A_553 = arith.addi %parallel_loop3A_316, %parallel_loop3A_552 : vector<16xi32>
      tpu.vector_store_idx %arg10[%parallel_loop3A_553], %parallel_loop3A_550 {add = true} : memref<8448xf32, #tpu.memory_space<vmem>>[vector<16xi32>], vector<16xf32>,
      %parallel_loop3A_554 = arith.constant 26 : i32
      %parallel_loop3A_555 = arith.constant 0 : i32
      %parallel_loop3A_556 = arith.index_cast %parallel_loop3A_554 : i32 to index
      %parallel_loop3A_557 = arith.index_cast %parallel_loop3A_555 : i32 to index
      %parallel_loop3A_558 = arith.index_cast %parallel_loop3A_308 : i32 to index
      %parallel_loop3A_559 = tpu.vector_load %arg7[%parallel_loop3A_556, %parallel_loop3A_557, %parallel_loop3A_558] {strides = array<i32>} : memref<32x1x1024xf32, #tpu.memory_space<vmem>>, vector<16xf32>,
      %parallel_loop3A_560 = arith.constant 6656 : i32
      %parallel_loop3A_561 = vector.broadcast %parallel_loop3A_560 : i32 to vector<16xi32>
      %parallel_loop3A_562 = arith.addi %parallel_loop3A_316, %parallel_loop3A_561 : vector<16xi32>
      tpu.vector_store_idx %arg10[%parallel_loop3A_562], %parallel_loop3A_559 {add = true} : memref<8448xf32, #tpu.memory_space<vmem>>[vector<16xi32>], vector<16xf32>,
      %parallel_loop3A_563 = arith.constant 27 : i32
      %parallel_loop3A_564 = arith.constant 0 : i32
      %parallel_loop3A_565 = arith.index_cast %parallel_loop3A_563 : i32 to index
      %parallel_loop3A_566 = arith.index_cast %parallel_loop3A_564 : i32 to index
      %parallel_loop3A_567 = arith.index_cast %parallel_loop3A_308 : i32 to index
      %parallel_loop3A_568 = tpu.vector_load %arg7[%parallel_loop3A_565, %parallel_loop3A_566, %parallel_loop3A_567] {strides = array<i32>} : memref<32x1x1024xf32, #tpu.memory_space<vmem>>, vector<16xf32>,
      %parallel_loop3A_569 = arith.constant 6912 : i32
      %parallel_loop3A_570 = vector.broadcast %parallel_loop3A_569 : i32 to vector<16xi32>
      %parallel_loop3A_571 = arith.addi %parallel_loop3A_316, %parallel_loop3A_570 : vector<16xi32>
      tpu.vector_store_idx %arg10[%parallel_loop3A_571], %parallel_loop3A_568 {add = true} : memref<8448xf32, #tpu.memory_space<vmem>>[vector<16xi32>], vector<16xf32>,
      %parallel_loop3A_572 = arith.constant 28 : i32
      %parallel_loop3A_573 = arith.constant 0 : i32
      %parallel_loop3A_574 = arith.index_cast %parallel_loop3A_572 : i32 to index
      %parallel_loop3A_575 = arith.index_cast %parallel_loop3A_573 : i32 to index
      %parallel_loop3A_576 = arith.index_cast %parallel_loop3A_308 : i32 to index
      %parallel_loop3A_577 = tpu.vector_load %arg7[%parallel_loop3A_574, %parallel_loop3A_575, %parallel_loop3A_576] {strides = array<i32>} : memref<32x1x1024xf32, #tpu.memory_space<vmem>>, vector<16xf32>,
      %parallel_loop3A_578 = arith.constant 7168 : i32
      %parallel_loop3A_579 = vector.broadcast %parallel_loop3A_578 : i32 to vector<16xi32>
      %parallel_loop3A_580 = arith.addi %parallel_loop3A_316, %parallel_loop3A_579 : vector<16xi32>
      tpu.vector_store_idx %arg10[%parallel_loop3A_580], %parallel_loop3A_577 {add = true} : memref<8448xf32, #tpu.memory_space<vmem>>[vector<16xi32>], vector<16xf32>,
      %parallel_loop3A_581 = arith.constant 29 : i32
      %parallel_loop3A_582 = arith.constant 0 : i32
      %parallel_loop3A_583 = arith.index_cast %parallel_loop3A_581 : i32 to index
      %parallel_loop3A_584 = arith.index_cast %parallel_loop3A_582 : i32 to index
      %parallel_loop3A_585 = arith.index_cast %parallel_loop3A_308 : i32 to index
      %parallel_loop3A_586 = tpu.vector_load %arg7[%parallel_loop3A_583, %parallel_loop3A_584, %parallel_loop3A_585] {strides = array<i32>} : memref<32x1x1024xf32, #tpu.memory_space<vmem>>, vector<16xf32>,
      %parallel_loop3A_587 = arith.constant 7424 : i32
      %parallel_loop3A_588 = vector.broadcast %parallel_loop3A_587 : i32 to vector<16xi32>
      %parallel_loop3A_589 = arith.addi %parallel_loop3A_316, %parallel_loop3A_588 : vector<16xi32>
      tpu.vector_store_idx %arg10[%parallel_loop3A_589], %parallel_loop3A_586 {add = true} : memref<8448xf32, #tpu.memory_space<vmem>>[vector<16xi32>], vector<16xf32>,
      %parallel_loop3A_590 = arith.constant 30 : i32
      %parallel_loop3A_591 = arith.constant 0 : i32
      %parallel_loop3A_592 = arith.index_cast %parallel_loop3A_590 : i32 to index
      %parallel_loop3A_593 = arith.index_cast %parallel_loop3A_591 : i32 to index
      %parallel_loop3A_594 = arith.index_cast %parallel_loop3A_308 : i32 to index
      %parallel_loop3A_595 = tpu.vector_load %arg7[%parallel_loop3A_592, %parallel_loop3A_593, %parallel_loop3A_594] {strides = array<i32>} : memref<32x1x1024xf32, #tpu.memory_space<vmem>>, vector<16xf32>,
      %parallel_loop3A_596 = arith.constant 7680 : i32
      %parallel_loop3A_597 = vector.broadcast %parallel_loop3A_596 : i32 to vector<16xi32>
      %parallel_loop3A_598 = arith.addi %parallel_loop3A_316, %parallel_loop3A_597 : vector<16xi32>
      tpu.vector_store_idx %arg10[%parallel_loop3A_598], %parallel_loop3A_595 {add = true} : memref<8448xf32, #tpu.memory_space<vmem>>[vector<16xi32>], vector<16xf32>,
      %parallel_loop3A_599 = arith.constant 31 : i32
      %parallel_loop3A_600 = arith.constant 0 : i32
      %parallel_loop3A_601 = arith.index_cast %parallel_loop3A_599 : i32 to index
      %parallel_loop3A_602 = arith.index_cast %parallel_loop3A_600 : i32 to index
      %parallel_loop3A_603 = arith.index_cast %parallel_loop3A_308 : i32 to index
      %parallel_loop3A_604 = tpu.vector_load %arg7[%parallel_loop3A_601, %parallel_loop3A_602, %parallel_loop3A_603] {strides = array<i32>} : memref<32x1x1024xf32, #tpu.memory_space<vmem>>, vector<16xf32>,
      %parallel_loop3A_605 = arith.constant 7936 : i32
      %parallel_loop3A_606 = vector.broadcast %parallel_loop3A_605 : i32 to vector<16xi32>
      %parallel_loop3A_607 = arith.addi %parallel_loop3A_316, %parallel_loop3A_606 : vector<16xi32>
      tpu.vector_store_idx %arg10[%parallel_loop3A_607], %parallel_loop3A_604 {add = true} : memref<8448xf32, #tpu.memory_space<vmem>>[vector<16xi32>], vector<16xf32>,
    } {sc.loop_unroll_factor = 2 : i64, sc.parallel_access}
    %parallel_loop3A_130 = arith.constant 0 : i32
    %parallel_loop3A_131 = arith.constant 32 : i32
    %parallel_loop3A_132 = arith.constant 1 : i32
    scf.for %parallel_loop3A_306 = %parallel_loop3A_130 to %parallel_loop3A_131 step %parallel_loop3A_132  : i32 {
      %parallel_loop3A_307 = arith.constant 256 : i32
      %parallel_loop3A_308 = arith.muli %parallel_loop3A_306, %parallel_loop3A_307 : i32
      %parallel_loop3A_309 = arith.constant 0 : i32
      %parallel_loop3A_310 = arith.addi %parallel_loop3A_308, %parallel_loop3A_309 : i32
      %parallel_loop3A_311 = arith.index_cast %parallel_loop3A_310 : i32 to index
      %parallel_loop3A_312 = tpu.vector_load %arg10[%parallel_loop3A_311] {strides = array<i32>} : memref<8448xf32, #tpu.memory_space<vmem>>, vector<16xf32>,
      %parallel_loop3A_313 = arith.constant true
      %parallel_loop3A_314 = vector.broadcast %parallel_loop3A_313 : i1 to vector<16xi1>
      %parallel_loop3A_315 = tpu.scan <sum>, %parallel_loop3A_312 masked %parallel_loop3A_314 : vector<16xf32>, vector<16xi1> -> vector<16xf32>
      %parallel_loop3A_316 = vector.extract %parallel_loop3A_315[15] : f32 from vector<16xf32>
      %parallel_loop3A_317 = arith.constant 0 : i32
      %parallel_loop3A_318 = vector.broadcast %parallel_loop3A_317 : i32 to vector<16xi32>
      %parallel_loop3A_319 = arith.cmpi eq, %iota3A, %parallel_loop3A_318 : vector<16xi32>
      %parallel_loop3A_320 = vector.broadcast %parallel_loop3A_316 : f32 to vector<16xf32>
      %parallel_loop3A_321 = arith.select %parallel_loop3A_319, %parallel_loop3A_320, %broadcast_in_dim3A_3 : vector<16xi1>, vector<16xf32>
      %parallel_loop3A_322 = arith.constant 256 : i32
      %parallel_loop3A_323 = arith.muli %parallel_loop3A_306, %parallel_loop3A_322 : i32
      %parallel_loop3A_324 = arith.constant 16 : i32
      %parallel_loop3A_325 = arith.addi %parallel_loop3A_323, %parallel_loop3A_324 : i32
      %parallel_loop3A_326 = arith.index_cast %parallel_loop3A_325 : i32 to index
      %parallel_loop3A_327 = tpu.vector_load %arg10[%parallel_loop3A_326] {strides = array<i32>} : memref<8448xf32, #tpu.memory_space<vmem>>, vector<16xf32>,
      %parallel_loop3A_328 = arith.constant true
      %parallel_loop3A_329 = vector.broadcast %parallel_loop3A_328 : i1 to vector<16xi1>
      %parallel_loop3A_330 = tpu.scan <sum>, %parallel_loop3A_327 masked %parallel_loop3A_329 : vector<16xf32>, vector<16xi1> -> vector<16xf32>
      %parallel_loop3A_331 = vector.extract %parallel_loop3A_330[15] : f32 from vector<16xf32>
      %parallel_loop3A_332 = arith.constant 1 : i32
      %parallel_loop3A_333 = vector.broadcast %parallel_loop3A_332 : i32 to vector<16xi32>
      %parallel_loop3A_334 = arith.cmpi eq, %iota3A, %parallel_loop3A_333 : vector<16xi32>
      %parallel_loop3A_335 = vector.broadcast %parallel_loop3A_331 : f32 to vector<16xf32>
      %parallel_loop3A_336 = arith.select %parallel_loop3A_334, %parallel_loop3A_335, %parallel_loop3A_321 : vector<16xi1>, vector<16xf32>
      %parallel_loop3A_337 = arith.constant 256 : i32
      %parallel_loop3A_338 = arith.muli %parallel_loop3A_306, %parallel_loop3A_337 : i32
      %parallel_loop3A_339 = arith.constant 32 : i32
      %parallel_loop3A_340 = arith.addi %parallel_loop3A_338, %parallel_loop3A_339 : i32
      %parallel_loop3A_341 = arith.index_cast %parallel_loop3A_340 : i32 to index
      %parallel_loop3A_342 = tpu.vector_load %arg10[%parallel_loop3A_341] {strides = array<i32>} : memref<8448xf32, #tpu.memory_space<vmem>>, vector<16xf32>,
      %parallel_loop3A_343 = arith.constant true
      %parallel_loop3A_344 = vector.broadcast %parallel_loop3A_343 : i1 to vector<16xi1>
      %parallel_loop3A_345 = tpu.scan <sum>, %parallel_loop3A_342 masked %parallel_loop3A_344 : vector<16xf32>, vector<16xi1> -> vector<16xf32>
      %parallel_loop3A_346 = vector.extract %parallel_loop3A_345[15] : f32 from vector<16xf32>
      %parallel_loop3A_347 = arith.constant 2 : i32
      %parallel_loop3A_348 = vector.broadcast %parallel_loop3A_347 : i32 to vector<16xi32>
      %parallel_loop3A_349 = arith.cmpi eq, %iota3A, %parallel_loop3A_348 : vector<16xi32>
      %parallel_loop3A_350 = vector.broadcast %parallel_loop3A_346 : f32 to vector<16xf32>
      %parallel_loop3A_351 = arith.select %parallel_loop3A_349, %parallel_loop3A_350, %parallel_loop3A_336 : vector<16xi1>, vector<16xf32>
      %parallel_loop3A_352 = arith.constant 256 : i32
      %parallel_loop3A_353 = arith.muli %parallel_loop3A_306, %parallel_loop3A_352 : i32
      %parallel_loop3A_354 = arith.constant 48 : i32
      %parallel_loop3A_355 = arith.addi %parallel_loop3A_353, %parallel_loop3A_354 : i32
      %parallel_loop3A_356 = arith.index_cast %parallel_loop3A_355 : i32 to index
      %parallel_loop3A_357 = tpu.vector_load %arg10[%parallel_loop3A_356] {strides = array<i32>} : memref<8448xf32, #tpu.memory_space<vmem>>, vector<16xf32>,
      %parallel_loop3A_358 = arith.constant true
      %parallel_loop3A_359 = vector.broadcast %parallel_loop3A_358 : i1 to vector<16xi1>
      %parallel_loop3A_360 = tpu.scan <sum>, %parallel_loop3A_357 masked %parallel_loop3A_359 : vector<16xf32>, vector<16xi1> -> vector<16xf32>
      %parallel_loop3A_361 = vector.extract %parallel_loop3A_360[15] : f32 from vector<16xf32>
      %parallel_loop3A_362 = arith.constant 3 : i32
      %parallel_loop3A_363 = vector.broadcast %parallel_loop3A_362 : i32 to vector<16xi32>
      %parallel_loop3A_364 = arith.cmpi eq, %iota3A, %parallel_loop3A_363 : vector<16xi32>
      %parallel_loop3A_365 = vector.broadcast %parallel_loop3A_361 : f32 to vector<16xf32>
      %parallel_loop3A_366 = arith.select %parallel_loop3A_364, %parallel_loop3A_365, %parallel_loop3A_351 : vector<16xi1>, vector<16xf32>
      %parallel_loop3A_367 = arith.constant 256 : i32
      %parallel_loop3A_368 = arith.muli %parallel_loop3A_306, %parallel_loop3A_367 : i32
      %parallel_loop3A_369 = arith.constant 64 : i32
      %parallel_loop3A_370 = arith.addi %parallel_loop3A_368, %parallel_loop3A_369 : i32
      %parallel_loop3A_371 = arith.index_cast %parallel_loop3A_370 : i32 to index
      %parallel_loop3A_372 = tpu.vector_load %arg10[%parallel_loop3A_371] {strides = array<i32>} : memref<8448xf32, #tpu.memory_space<vmem>>, vector<16xf32>,
      %parallel_loop3A_373 = arith.constant true
      %parallel_loop3A_374 = vector.broadcast %parallel_loop3A_373 : i1 to vector<16xi1>
      %parallel_loop3A_375 = tpu.scan <sum>, %parallel_loop3A_372 masked %parallel_loop3A_374 : vector<16xf32>, vector<16xi1> -> vector<16xf32>
      %parallel_loop3A_376 = vector.extract %parallel_loop3A_375[15] : f32 from vector<16xf32>
      %parallel_loop3A_377 = arith.constant 4 : i32
      %parallel_loop3A_378 = vector.broadcast %parallel_loop3A_377 : i32 to vector<16xi32>
      %parallel_loop3A_379 = arith.cmpi eq, %iota3A, %parallel_loop3A_378 : vector<16xi32>
      %parallel_loop3A_380 = vector.broadcast %parallel_loop3A_376 : f32 to vector<16xf32>
      %parallel_loop3A_381 = arith.select %parallel_loop3A_379, %parallel_loop3A_380, %parallel_loop3A_366 : vector<16xi1>, vector<16xf32>
      %parallel_loop3A_382 = arith.constant 256 : i32
      %parallel_loop3A_383 = arith.muli %parallel_loop3A_306, %parallel_loop3A_382 : i32
      %parallel_loop3A_384 = arith.constant 80 : i32
      %parallel_loop3A_385 = arith.addi %parallel_loop3A_383, %parallel_loop3A_384 : i32
      %parallel_loop3A_386 = arith.index_cast %parallel_loop3A_385 : i32 to index
      %parallel_loop3A_387 = tpu.vector_load %arg10[%parallel_loop3A_386] {strides = array<i32>} : memref<8448xf32, #tpu.memory_space<vmem>>, vector<16xf32>,
      %parallel_loop3A_388 = arith.constant true
      %parallel_loop3A_389 = vector.broadcast %parallel_loop3A_388 : i1 to vector<16xi1>
      %parallel_loop3A_390 = tpu.scan <sum>, %parallel_loop3A_387 masked %parallel_loop3A_389 : vector<16xf32>, vector<16xi1> -> vector<16xf32>
      %parallel_loop3A_391 = vector.extract %parallel_loop3A_390[15] : f32 from vector<16xf32>
      %parallel_loop3A_392 = arith.constant 5 : i32
      %parallel_loop3A_393 = vector.broadcast %parallel_loop3A_392 : i32 to vector<16xi32>
      %parallel_loop3A_394 = arith.cmpi eq, %iota3A, %parallel_loop3A_393 : vector<16xi32>
      %parallel_loop3A_395 = vector.broadcast %parallel_loop3A_391 : f32 to vector<16xf32>
      %parallel_loop3A_396 = arith.select %parallel_loop3A_394, %parallel_loop3A_395, %parallel_loop3A_381 : vector<16xi1>, vector<16xf32>
      %parallel_loop3A_397 = arith.constant 256 : i32
      %parallel_loop3A_398 = arith.muli %parallel_loop3A_306, %parallel_loop3A_397 : i32
      %parallel_loop3A_399 = arith.constant 96 : i32
      %parallel_loop3A_400 = arith.addi %parallel_loop3A_398, %parallel_loop3A_399 : i32
      %parallel_loop3A_401 = arith.index_cast %parallel_loop3A_400 : i32 to index
      %parallel_loop3A_402 = tpu.vector_load %arg10[%parallel_loop3A_401] {strides = array<i32>} : memref<8448xf32, #tpu.memory_space<vmem>>, vector<16xf32>,
      %parallel_loop3A_403 = arith.constant true
      %parallel_loop3A_404 = vector.broadcast %parallel_loop3A_403 : i1 to vector<16xi1>
      %parallel_loop3A_405 = tpu.scan <sum>, %parallel_loop3A_402 masked %parallel_loop3A_404 : vector<16xf32>, vector<16xi1> -> vector<16xf32>
      %parallel_loop3A_406 = vector.extract %parallel_loop3A_405[15] : f32 from vector<16xf32>
      %parallel_loop3A_407 = arith.constant 6 : i32
      %parallel_loop3A_408 = vector.broadcast %parallel_loop3A_407 : i32 to vector<16xi32>
      %parallel_loop3A_409 = arith.cmpi eq, %iota3A, %parallel_loop3A_408 : vector<16xi32>
      %parallel_loop3A_410 = vector.broadcast %parallel_loop3A_406 : f32 to vector<16xf32>
      %parallel_loop3A_411 = arith.select %parallel_loop3A_409, %parallel_loop3A_410, %parallel_loop3A_396 : vector<16xi1>, vector<16xf32>
      %parallel_loop3A_412 = arith.constant 256 : i32
      %parallel_loop3A_413 = arith.muli %parallel_loop3A_306, %parallel_loop3A_412 : i32
      %parallel_loop3A_414 = arith.constant 112 : i32
      %parallel_loop3A_415 = arith.addi %parallel_loop3A_413, %parallel_loop3A_414 : i32
      %parallel_loop3A_416 = arith.index_cast %parallel_loop3A_415 : i32 to index
      %parallel_loop3A_417 = tpu.vector_load %arg10[%parallel_loop3A_416] {strides = array<i32>} : memref<8448xf32, #tpu.memory_space<vmem>>, vector<16xf32>,
      %parallel_loop3A_418 = arith.constant true
      %parallel_loop3A_419 = vector.broadcast %parallel_loop3A_418 : i1 to vector<16xi1>
      %parallel_loop3A_420 = tpu.scan <sum>, %parallel_loop3A_417 masked %parallel_loop3A_419 : vector<16xf32>, vector<16xi1> -> vector<16xf32>
      %parallel_loop3A_421 = vector.extract %parallel_loop3A_420[15] : f32 from vector<16xf32>
      %parallel_loop3A_422 = arith.constant 7 : i32
      %parallel_loop3A_423 = vector.broadcast %parallel_loop3A_422 : i32 to vector<16xi32>
      %parallel_loop3A_424 = arith.cmpi eq, %iota3A, %parallel_loop3A_423 : vector<16xi32>
      %parallel_loop3A_425 = vector.broadcast %parallel_loop3A_421 : f32 to vector<16xf32>
      %parallel_loop3A_426 = arith.select %parallel_loop3A_424, %parallel_loop3A_425, %parallel_loop3A_411 : vector<16xi1>, vector<16xf32>
      %parallel_loop3A_427 = arith.constant 256 : i32
      %parallel_loop3A_428 = arith.muli %parallel_loop3A_306, %parallel_loop3A_427 : i32
      %parallel_loop3A_429 = arith.constant 128 : i32
      %parallel_loop3A_430 = arith.addi %parallel_loop3A_428, %parallel_loop3A_429 : i32
      %parallel_loop3A_431 = arith.index_cast %parallel_loop3A_430 : i32 to index
      %parallel_loop3A_432 = tpu.vector_load %arg10[%parallel_loop3A_431] {strides = array<i32>} : memref<8448xf32, #tpu.memory_space<vmem>>, vector<16xf32>,
      %parallel_loop3A_433 = arith.constant true
      %parallel_loop3A_434 = vector.broadcast %parallel_loop3A_433 : i1 to vector<16xi1>
      %parallel_loop3A_435 = tpu.scan <sum>, %parallel_loop3A_432 masked %parallel_loop3A_434 : vector<16xf32>, vector<16xi1> -> vector<16xf32>
      %parallel_loop3A_436 = vector.extract %parallel_loop3A_435[15] : f32 from vector<16xf32>
      %parallel_loop3A_437 = arith.constant 8 : i32
      %parallel_loop3A_438 = vector.broadcast %parallel_loop3A_437 : i32 to vector<16xi32>
      %parallel_loop3A_439 = arith.cmpi eq, %iota3A, %parallel_loop3A_438 : vector<16xi32>
      %parallel_loop3A_440 = vector.broadcast %parallel_loop3A_436 : f32 to vector<16xf32>
      %parallel_loop3A_441 = arith.select %parallel_loop3A_439, %parallel_loop3A_440, %parallel_loop3A_426 : vector<16xi1>, vector<16xf32>
      %parallel_loop3A_442 = arith.constant 256 : i32
      %parallel_loop3A_443 = arith.muli %parallel_loop3A_306, %parallel_loop3A_442 : i32
      %parallel_loop3A_444 = arith.constant 144 : i32
      %parallel_loop3A_445 = arith.addi %parallel_loop3A_443, %parallel_loop3A_444 : i32
      %parallel_loop3A_446 = arith.index_cast %parallel_loop3A_445 : i32 to index
      %parallel_loop3A_447 = tpu.vector_load %arg10[%parallel_loop3A_446] {strides = array<i32>} : memref<8448xf32, #tpu.memory_space<vmem>>, vector<16xf32>,
      %parallel_loop3A_448 = arith.constant true
      %parallel_loop3A_449 = vector.broadcast %parallel_loop3A_448 : i1 to vector<16xi1>
      %parallel_loop3A_450 = tpu.scan <sum>, %parallel_loop3A_447 masked %parallel_loop3A_449 : vector<16xf32>, vector<16xi1> -> vector<16xf32>
      %parallel_loop3A_451 = vector.extract %parallel_loop3A_450[15] : f32 from vector<16xf32>
      %parallel_loop3A_452 = arith.constant 9 : i32
      %parallel_loop3A_453 = vector.broadcast %parallel_loop3A_452 : i32 to vector<16xi32>
      %parallel_loop3A_454 = arith.cmpi eq, %iota3A, %parallel_loop3A_453 : vector<16xi32>
      %parallel_loop3A_455 = vector.broadcast %parallel_loop3A_451 : f32 to vector<16xf32>
      %parallel_loop3A_456 = arith.select %parallel_loop3A_454, %parallel_loop3A_455, %parallel_loop3A_441 : vector<16xi1>, vector<16xf32>
      %parallel_loop3A_457 = arith.constant 256 : i32
      %parallel_loop3A_458 = arith.muli %parallel_loop3A_306, %parallel_loop3A_457 : i32
      %parallel_loop3A_459 = arith.constant 160 : i32
      %parallel_loop3A_460 = arith.addi %parallel_loop3A_458, %parallel_loop3A_459 : i32
      %parallel_loop3A_461 = arith.index_cast %parallel_loop3A_460 : i32 to index
      %parallel_loop3A_462 = tpu.vector_load %arg10[%parallel_loop3A_461] {strides = array<i32>} : memref<8448xf32, #tpu.memory_space<vmem>>, vector<16xf32>,
      %parallel_loop3A_463 = arith.constant true
      %parallel_loop3A_464 = vector.broadcast %parallel_loop3A_463 : i1 to vector<16xi1>
      %parallel_loop3A_465 = tpu.scan <sum>, %parallel_loop3A_462 masked %parallel_loop3A_464 : vector<16xf32>, vector<16xi1> -> vector<16xf32>
      %parallel_loop3A_466 = vector.extract %parallel_loop3A_465[15] : f32 from vector<16xf32>
      %parallel_loop3A_467 = arith.constant 10 : i32
      %parallel_loop3A_468 = vector.broadcast %parallel_loop3A_467 : i32 to vector<16xi32>
      %parallel_loop3A_469 = arith.cmpi eq, %iota3A, %parallel_loop3A_468 : vector<16xi32>
      %parallel_loop3A_470 = vector.broadcast %parallel_loop3A_466 : f32 to vector<16xf32>
      %parallel_loop3A_471 = arith.select %parallel_loop3A_469, %parallel_loop3A_470, %parallel_loop3A_456 : vector<16xi1>, vector<16xf32>
      %parallel_loop3A_472 = arith.constant 256 : i32
      %parallel_loop3A_473 = arith.muli %parallel_loop3A_306, %parallel_loop3A_472 : i32
      %parallel_loop3A_474 = arith.constant 176 : i32
      %parallel_loop3A_475 = arith.addi %parallel_loop3A_473, %parallel_loop3A_474 : i32
      %parallel_loop3A_476 = arith.index_cast %parallel_loop3A_475 : i32 to index
      %parallel_loop3A_477 = tpu.vector_load %arg10[%parallel_loop3A_476] {strides = array<i32>} : memref<8448xf32, #tpu.memory_space<vmem>>, vector<16xf32>,
      %parallel_loop3A_478 = arith.constant true
      %parallel_loop3A_479 = vector.broadcast %parallel_loop3A_478 : i1 to vector<16xi1>
      %parallel_loop3A_480 = tpu.scan <sum>, %parallel_loop3A_477 masked %parallel_loop3A_479 : vector<16xf32>, vector<16xi1> -> vector<16xf32>
      %parallel_loop3A_481 = vector.extract %parallel_loop3A_480[15] : f32 from vector<16xf32>
      %parallel_loop3A_482 = arith.constant 11 : i32
      %parallel_loop3A_483 = vector.broadcast %parallel_loop3A_482 : i32 to vector<16xi32>
      %parallel_loop3A_484 = arith.cmpi eq, %iota3A, %parallel_loop3A_483 : vector<16xi32>
      %parallel_loop3A_485 = vector.broadcast %parallel_loop3A_481 : f32 to vector<16xf32>
      %parallel_loop3A_486 = arith.select %parallel_loop3A_484, %parallel_loop3A_485, %parallel_loop3A_471 : vector<16xi1>, vector<16xf32>
      %parallel_loop3A_487 = arith.constant 256 : i32
      %parallel_loop3A_488 = arith.muli %parallel_loop3A_306, %parallel_loop3A_487 : i32
      %parallel_loop3A_489 = arith.constant 192 : i32
      %parallel_loop3A_490 = arith.addi %parallel_loop3A_488, %parallel_loop3A_489 : i32
      %parallel_loop3A_491 = arith.index_cast %parallel_loop3A_490 : i32 to index
      %parallel_loop3A_492 = tpu.vector_load %arg10[%parallel_loop3A_491] {strides = array<i32>} : memref<8448xf32, #tpu.memory_space<vmem>>, vector<16xf32>,
      %parallel_loop3A_493 = arith.constant true
      %parallel_loop3A_494 = vector.broadcast %parallel_loop3A_493 : i1 to vector<16xi1>
      %parallel_loop3A_495 = tpu.scan <sum>, %parallel_loop3A_492 masked %parallel_loop3A_494 : vector<16xf32>, vector<16xi1> -> vector<16xf32>
      %parallel_loop3A_496 = vector.extract %parallel_loop3A_495[15] : f32 from vector<16xf32>
      %parallel_loop3A_497 = arith.constant 12 : i32
      %parallel_loop3A_498 = vector.broadcast %parallel_loop3A_497 : i32 to vector<16xi32>
      %parallel_loop3A_499 = arith.cmpi eq, %iota3A, %parallel_loop3A_498 : vector<16xi32>
      %parallel_loop3A_500 = vector.broadcast %parallel_loop3A_496 : f32 to vector<16xf32>
      %parallel_loop3A_501 = arith.select %parallel_loop3A_499, %parallel_loop3A_500, %parallel_loop3A_486 : vector<16xi1>, vector<16xf32>
      %parallel_loop3A_502 = arith.constant 256 : i32
      %parallel_loop3A_503 = arith.muli %parallel_loop3A_306, %parallel_loop3A_502 : i32
      %parallel_loop3A_504 = arith.constant 208 : i32
      %parallel_loop3A_505 = arith.addi %parallel_loop3A_503, %parallel_loop3A_504 : i32
      %parallel_loop3A_506 = arith.index_cast %parallel_loop3A_505 : i32 to index
      %parallel_loop3A_507 = tpu.vector_load %arg10[%parallel_loop3A_506] {strides = array<i32>} : memref<8448xf32, #tpu.memory_space<vmem>>, vector<16xf32>,
      %parallel_loop3A_508 = arith.constant true
      %parallel_loop3A_509 = vector.broadcast %parallel_loop3A_508 : i1 to vector<16xi1>
      %parallel_loop3A_510 = tpu.scan <sum>, %parallel_loop3A_507 masked %parallel_loop3A_509 : vector<16xf32>, vector<16xi1> -> vector<16xf32>
      %parallel_loop3A_511 = vector.extract %parallel_loop3A_510[15] : f32 from vector<16xf32>
      %parallel_loop3A_512 = arith.constant 13 : i32
      %parallel_loop3A_513 = vector.broadcast %parallel_loop3A_512 : i32 to vector<16xi32>
      %parallel_loop3A_514 = arith.cmpi eq, %iota3A, %parallel_loop3A_513 : vector<16xi32>
      %parallel_loop3A_515 = vector.broadcast %parallel_loop3A_511 : f32 to vector<16xf32>
      %parallel_loop3A_516 = arith.select %parallel_loop3A_514, %parallel_loop3A_515, %parallel_loop3A_501 : vector<16xi1>, vector<16xf32>
      %parallel_loop3A_517 = arith.constant 256 : i32
      %parallel_loop3A_518 = arith.muli %parallel_loop3A_306, %parallel_loop3A_517 : i32
      %parallel_loop3A_519 = arith.constant 224 : i32
      %parallel_loop3A_520 = arith.addi %parallel_loop3A_518, %parallel_loop3A_519 : i32
      %parallel_loop3A_521 = arith.index_cast %parallel_loop3A_520 : i32 to index
      %parallel_loop3A_522 = tpu.vector_load %arg10[%parallel_loop3A_521] {strides = array<i32>} : memref<8448xf32, #tpu.memory_space<vmem>>, vector<16xf32>,
      %parallel_loop3A_523 = arith.constant true
      %parallel_loop3A_524 = vector.broadcast %parallel_loop3A_523 : i1 to vector<16xi1>
      %parallel_loop3A_525 = tpu.scan <sum>, %parallel_loop3A_522 masked %parallel_loop3A_524 : vector<16xf32>, vector<16xi1> -> vector<16xf32>
      %parallel_loop3A_526 = vector.extract %parallel_loop3A_525[15] : f32 from vector<16xf32>
      %parallel_loop3A_527 = arith.constant 14 : i32
      %parallel_loop3A_528 = vector.broadcast %parallel_loop3A_527 : i32 to vector<16xi32>
      %parallel_loop3A_529 = arith.cmpi eq, %iota3A, %parallel_loop3A_528 : vector<16xi32>
      %parallel_loop3A_530 = vector.broadcast %parallel_loop3A_526 : f32 to vector<16xf32>
      %parallel_loop3A_531 = arith.select %parallel_loop3A_529, %parallel_loop3A_530, %parallel_loop3A_516 : vector<16xi1>, vector<16xf32>
      %parallel_loop3A_532 = arith.constant 256 : i32
      %parallel_loop3A_533 = arith.muli %parallel_loop3A_306, %parallel_loop3A_532 : i32
      %parallel_loop3A_534 = arith.constant 240 : i32
      %parallel_loop3A_535 = arith.addi %parallel_loop3A_533, %parallel_loop3A_534 : i32
      %parallel_loop3A_536 = arith.index_cast %parallel_loop3A_535 : i32 to index
      %parallel_loop3A_537 = tpu.vector_load %arg10[%parallel_loop3A_536] {strides = array<i32>} : memref<8448xf32, #tpu.memory_space<vmem>>, vector<16xf32>,
      %parallel_loop3A_538 = arith.constant true
      %parallel_loop3A_539 = vector.broadcast %parallel_loop3A_538 : i1 to vector<16xi1>
      %parallel_loop3A_540 = tpu.scan <sum>, %parallel_loop3A_537 masked %parallel_loop3A_539 : vector<16xf32>, vector<16xi1> -> vector<16xf32>
      %parallel_loop3A_541 = vector.extract %parallel_loop3A_540[15] : f32 from vector<16xf32>
      %parallel_loop3A_542 = arith.constant 15 : i32
      %parallel_loop3A_543 = vector.broadcast %parallel_loop3A_542 : i32 to vector<16xi32>
      %parallel_loop3A_544 = arith.cmpi eq, %iota3A, %parallel_loop3A_543 : vector<16xi32>
      %parallel_loop3A_545 = vector.broadcast %parallel_loop3A_541 : f32 to vector<16xf32>
      %parallel_loop3A_546 = arith.select %parallel_loop3A_544, %parallel_loop3A_545, %parallel_loop3A_531 : vector<16xi1>, vector<16xf32>
      %parallel_loop3A_547 = arith.index_cast %parallel_loop3A_306 : i32 to index
      %parallel_loop3A_548 = arith.constant 0 : index
      %parallel_loop3A_549 = tpu.vector_load %arg11[%parallel_loop3A_547, %parallel_loop3A_548] {strides = array<i32>} : memref<32x16xf32, #tpu.memory_space<vmem>>, vector<16xf32>,
      tpu.vector_store %arg11[%parallel_loop3A_547, %parallel_loop3A_548], %parallel_loop3A_546 {strides = array<i32>} : memref<32x16xf32, #tpu.memory_space<vmem>>, vector<16xf32>,
    } {sc.loop_unroll_factor = 1 : i64, sc.parallel_access}
    %get3A = arith.constant 8192 : index
    %get3A_133 = tpu.vector_load %arg10[%get3A] {strides = array<i32>} : memref<8448xf32, #tpu.memory_space<vmem>>, vector<16xf32>,
    %reduce_sum3A = arith.constant true
    %reduce_sum3A_134 = vector.broadcast %reduce_sum3A : i1 to vector<16xi1>
    %reduce_sum3A_135 = tpu.scan <sum>, %get3A_133 masked %reduce_sum3A_134 : vector<16xf32>, vector<16xi1> -> vector<16xf32>
    %reduce_sum3A_136 = vector.extract %reduce_sum3A_135[15] : f32 from vector<16xf32>
    %eq3A = arith.constant 0 : i32
    %eq3A_137 = vector.broadcast %eq3A : i32 to vector<16xi32>
    %eq3A_138 = arith.cmpi eq, %iota3A, %eq3A_137 : vector<16xi32>
    %broadcast_in_dim3A_139 = vector.broadcast %reduce_sum3A_136 : f32 to vector<16xf32>
    %select_n3A = arith.select %eq3A_138, %broadcast_in_dim3A_139, %broadcast_in_dim3A_3 : vector<16xi1>, vector<16xf32>
    %get3A_140 = arith.constant 8208 : index
    %get3A_141 = tpu.vector_load %arg10[%get3A_140] {strides = array<i32>} : memref<8448xf32, #tpu.memory_space<vmem>>, vector<16xf32>,
    %reduce_sum3A_142 = arith.constant true
    %reduce_sum3A_143 = vector.broadcast %reduce_sum3A_142 : i1 to vector<16xi1>
    %reduce_sum3A_144 = tpu.scan <sum>, %get3A_141 masked %reduce_sum3A_143 : vector<16xf32>, vector<16xi1> -> vector<16xf32>
    %reduce_sum3A_145 = vector.extract %reduce_sum3A_144[15] : f32 from vector<16xf32>
    %eq3A_146 = arith.constant 1 : i32
    %eq3A_147 = vector.broadcast %eq3A_146 : i32 to vector<16xi32>
    %eq3A_148 = arith.cmpi eq, %iota3A, %eq3A_147 : vector<16xi32>
    %broadcast_in_dim3A_149 = vector.broadcast %reduce_sum3A_145 : f32 to vector<16xf32>
    %select_n3A_150 = arith.select %eq3A_148, %broadcast_in_dim3A_149, %select_n3A : vector<16xi1>, vector<16xf32>
    %get3A_151 = arith.constant 8224 : index
    %get3A_152 = tpu.vector_load %arg10[%get3A_151] {strides = array<i32>} : memref<8448xf32, #tpu.memory_space<vmem>>, vector<16xf32>,
    %reduce_sum3A_153 = arith.constant true
    %reduce_sum3A_154 = vector.broadcast %reduce_sum3A_153 : i1 to vector<16xi1>
    %reduce_sum3A_155 = tpu.scan <sum>, %get3A_152 masked %reduce_sum3A_154 : vector<16xf32>, vector<16xi1> -> vector<16xf32>
    %reduce_sum3A_156 = vector.extract %reduce_sum3A_155[15] : f32 from vector<16xf32>
    %eq3A_157 = arith.constant 2 : i32
    %eq3A_158 = vector.broadcast %eq3A_157 : i32 to vector<16xi32>
    %eq3A_159 = arith.cmpi eq, %iota3A, %eq3A_158 : vector<16xi32>
    %broadcast_in_dim3A_160 = vector.broadcast %reduce_sum3A_156 : f32 to vector<16xf32>
    %select_n3A_161 = arith.select %eq3A_159, %broadcast_in_dim3A_160, %select_n3A_150 : vector<16xi1>, vector<16xf32>
    %get3A_162 = arith.constant 8240 : index
    %get3A_163 = tpu.vector_load %arg10[%get3A_162] {strides = array<i32>} : memref<8448xf32, #tpu.memory_space<vmem>>, vector<16xf32>,
    %reduce_sum3A_164 = arith.constant true
    %reduce_sum3A_165 = vector.broadcast %reduce_sum3A_164 : i1 to vector<16xi1>
    %reduce_sum3A_166 = tpu.scan <sum>, %get3A_163 masked %reduce_sum3A_165 : vector<16xf32>, vector<16xi1> -> vector<16xf32>
    %reduce_sum3A_167 = vector.extract %reduce_sum3A_166[15] : f32 from vector<16xf32>
    %eq3A_168 = arith.constant 3 : i32
    %eq3A_169 = vector.broadcast %eq3A_168 : i32 to vector<16xi32>
    %eq3A_170 = arith.cmpi eq, %iota3A, %eq3A_169 : vector<16xi32>
    %broadcast_in_dim3A_171 = vector.broadcast %reduce_sum3A_167 : f32 to vector<16xf32>
    %select_n3A_172 = arith.select %eq3A_170, %broadcast_in_dim3A_171, %select_n3A_161 : vector<16xi1>, vector<16xf32>
    %get3A_173 = arith.constant 8256 : index
    %get3A_174 = tpu.vector_load %arg10[%get3A_173] {strides = array<i32>} : memref<8448xf32, #tpu.memory_space<vmem>>, vector<16xf32>,
    %reduce_sum3A_175 = arith.constant true
    %reduce_sum3A_176 = vector.broadcast %reduce_sum3A_175 : i1 to vector<16xi1>
    %reduce_sum3A_177 = tpu.scan <sum>, %get3A_174 masked %reduce_sum3A_176 : vector<16xf32>, vector<16xi1> -> vector<16xf32>
    %reduce_sum3A_178 = vector.extract %reduce_sum3A_177[15] : f32 from vector<16xf32>
    %eq3A_179 = arith.constant 4 : i32
    %eq3A_180 = vector.broadcast %eq3A_179 : i32 to vector<16xi32>
    %eq3A_181 = arith.cmpi eq, %iota3A, %eq3A_180 : vector<16xi32>
    %broadcast_in_dim3A_182 = vector.broadcast %reduce_sum3A_178 : f32 to vector<16xf32>
    %select_n3A_183 = arith.select %eq3A_181, %broadcast_in_dim3A_182, %select_n3A_172 : vector<16xi1>, vector<16xf32>
    %get3A_184 = arith.constant 8272 : index
    %get3A_185 = tpu.vector_load %arg10[%get3A_184] {strides = array<i32>} : memref<8448xf32, #tpu.memory_space<vmem>>, vector<16xf32>,
    %reduce_sum3A_186 = arith.constant true
    %reduce_sum3A_187 = vector.broadcast %reduce_sum3A_186 : i1 to vector<16xi1>
    %reduce_sum3A_188 = tpu.scan <sum>, %get3A_185 masked %reduce_sum3A_187 : vector<16xf32>, vector<16xi1> -> vector<16xf32>
    %reduce_sum3A_189 = vector.extract %reduce_sum3A_188[15] : f32 from vector<16xf32>
    %eq3A_190 = arith.constant 5 : i32
    %eq3A_191 = vector.broadcast %eq3A_190 : i32 to vector<16xi32>
    %eq3A_192 = arith.cmpi eq, %iota3A, %eq3A_191 : vector<16xi32>
    %broadcast_in_dim3A_193 = vector.broadcast %reduce_sum3A_189 : f32 to vector<16xf32>
    %select_n3A_194 = arith.select %eq3A_192, %broadcast_in_dim3A_193, %select_n3A_183 : vector<16xi1>, vector<16xf32>
    %get3A_195 = arith.constant 8288 : index
    %get3A_196 = tpu.vector_load %arg10[%get3A_195] {strides = array<i32>} : memref<8448xf32, #tpu.memory_space<vmem>>, vector<16xf32>,
    %reduce_sum3A_197 = arith.constant true
    %reduce_sum3A_198 = vector.broadcast %reduce_sum3A_197 : i1 to vector<16xi1>
    %reduce_sum3A_199 = tpu.scan <sum>, %get3A_196 masked %reduce_sum3A_198 : vector<16xf32>, vector<16xi1> -> vector<16xf32>
    %reduce_sum3A_200 = vector.extract %reduce_sum3A_199[15] : f32 from vector<16xf32>
    %eq3A_201 = arith.constant 6 : i32
    %eq3A_202 = vector.broadcast %eq3A_201 : i32 to vector<16xi32>
    %eq3A_203 = arith.cmpi eq, %iota3A, %eq3A_202 : vector<16xi32>
    %broadcast_in_dim3A_204 = vector.broadcast %reduce_sum3A_200 : f32 to vector<16xf32>
    %select_n3A_205 = arith.select %eq3A_203, %broadcast_in_dim3A_204, %select_n3A_194 : vector<16xi1>, vector<16xf32>
    %get3A_206 = arith.constant 8304 : index
    %get3A_207 = tpu.vector_load %arg10[%get3A_206] {strides = array<i32>} : memref<8448xf32, #tpu.memory_space<vmem>>, vector<16xf32>,
    %reduce_sum3A_208 = arith.constant true
    %reduce_sum3A_209 = vector.broadcast %reduce_sum3A_208 : i1 to vector<16xi1>
    %reduce_sum3A_210 = tpu.scan <sum>, %get3A_207 masked %reduce_sum3A_209 : vector<16xf32>, vector<16xi1> -> vector<16xf32>
    %reduce_sum3A_211 = vector.extract %reduce_sum3A_210[15] : f32 from vector<16xf32>
    %eq3A_212 = arith.constant 7 : i32
    %eq3A_213 = vector.broadcast %eq3A_212 : i32 to vector<16xi32>
    %eq3A_214 = arith.cmpi eq, %iota3A, %eq3A_213 : vector<16xi32>
    %broadcast_in_dim3A_215 = vector.broadcast %reduce_sum3A_211 : f32 to vector<16xf32>
    %select_n3A_216 = arith.select %eq3A_214, %broadcast_in_dim3A_215, %select_n3A_205 : vector<16xi1>, vector<16xf32>
    %get3A_217 = arith.constant 8320 : index
    %get3A_218 = tpu.vector_load %arg10[%get3A_217] {strides = array<i32>} : memref<8448xf32, #tpu.memory_space<vmem>>, vector<16xf32>,
    %reduce_sum3A_219 = arith.constant true
    %reduce_sum3A_220 = vector.broadcast %reduce_sum3A_219 : i1 to vector<16xi1>
    %reduce_sum3A_221 = tpu.scan <sum>, %get3A_218 masked %reduce_sum3A_220 : vector<16xf32>, vector<16xi1> -> vector<16xf32>
    %reduce_sum3A_222 = vector.extract %reduce_sum3A_221[15] : f32 from vector<16xf32>
    %eq3A_223 = arith.constant 8 : i32
    %eq3A_224 = vector.broadcast %eq3A_223 : i32 to vector<16xi32>
    %eq3A_225 = arith.cmpi eq, %iota3A, %eq3A_224 : vector<16xi32>
    %broadcast_in_dim3A_226 = vector.broadcast %reduce_sum3A_222 : f32 to vector<16xf32>
    %select_n3A_227 = arith.select %eq3A_225, %broadcast_in_dim3A_226, %select_n3A_216 : vector<16xi1>, vector<16xf32>
    %get3A_228 = arith.constant 8336 : index
    %get3A_229 = tpu.vector_load %arg10[%get3A_228] {strides = array<i32>} : memref<8448xf32, #tpu.memory_space<vmem>>, vector<16xf32>,
    %reduce_sum3A_230 = arith.constant true
    %reduce_sum3A_231 = vector.broadcast %reduce_sum3A_230 : i1 to vector<16xi1>
    %reduce_sum3A_232 = tpu.scan <sum>, %get3A_229 masked %reduce_sum3A_231 : vector<16xf32>, vector<16xi1> -> vector<16xf32>
    %reduce_sum3A_233 = vector.extract %reduce_sum3A_232[15] : f32 from vector<16xf32>
    %eq3A_234 = arith.constant 9 : i32
    %eq3A_235 = vector.broadcast %eq3A_234 : i32 to vector<16xi32>
    %eq3A_236 = arith.cmpi eq, %iota3A, %eq3A_235 : vector<16xi32>
    %broadcast_in_dim3A_237 = vector.broadcast %reduce_sum3A_233 : f32 to vector<16xf32>
    %select_n3A_238 = arith.select %eq3A_236, %broadcast_in_dim3A_237, %select_n3A_227 : vector<16xi1>, vector<16xf32>
    %get3A_239 = arith.constant 8352 : index
    %get3A_240 = tpu.vector_load %arg10[%get3A_239] {strides = array<i32>} : memref<8448xf32, #tpu.memory_space<vmem>>, vector<16xf32>,
    %reduce_sum3A_241 = arith.constant true
    %reduce_sum3A_242 = vector.broadcast %reduce_sum3A_241 : i1 to vector<16xi1>
    %reduce_sum3A_243 = tpu.scan <sum>, %get3A_240 masked %reduce_sum3A_242 : vector<16xf32>, vector<16xi1> -> vector<16xf32>
    %reduce_sum3A_244 = vector.extract %reduce_sum3A_243[15] : f32 from vector<16xf32>
    %eq3A_245 = arith.constant 10 : i32
    %eq3A_246 = vector.broadcast %eq3A_245 : i32 to vector<16xi32>
    %eq3A_247 = arith.cmpi eq, %iota3A, %eq3A_246 : vector<16xi32>
    %broadcast_in_dim3A_248 = vector.broadcast %reduce_sum3A_244 : f32 to vector<16xf32>
    %select_n3A_249 = arith.select %eq3A_247, %broadcast_in_dim3A_248, %select_n3A_238 : vector<16xi1>, vector<16xf32>
    %get3A_250 = arith.constant 8368 : index
    %get3A_251 = tpu.vector_load %arg10[%get3A_250] {strides = array<i32>} : memref<8448xf32, #tpu.memory_space<vmem>>, vector<16xf32>,
    %reduce_sum3A_252 = arith.constant true
    %reduce_sum3A_253 = vector.broadcast %reduce_sum3A_252 : i1 to vector<16xi1>
    %reduce_sum3A_254 = tpu.scan <sum>, %get3A_251 masked %reduce_sum3A_253 : vector<16xf32>, vector<16xi1> -> vector<16xf32>
    %reduce_sum3A_255 = vector.extract %reduce_sum3A_254[15] : f32 from vector<16xf32>
    %eq3A_256 = arith.constant 11 : i32
    %eq3A_257 = vector.broadcast %eq3A_256 : i32 to vector<16xi32>
    %eq3A_258 = arith.cmpi eq, %iota3A, %eq3A_257 : vector<16xi32>
    %broadcast_in_dim3A_259 = vector.broadcast %reduce_sum3A_255 : f32 to vector<16xf32>
    %select_n3A_260 = arith.select %eq3A_258, %broadcast_in_dim3A_259, %select_n3A_249 : vector<16xi1>, vector<16xf32>
    %get3A_261 = arith.constant 8384 : index
    %get3A_262 = tpu.vector_load %arg10[%get3A_261] {strides = array<i32>} : memref<8448xf32, #tpu.memory_space<vmem>>, vector<16xf32>,
    %reduce_sum3A_263 = arith.constant true
    %reduce_sum3A_264 = vector.broadcast %reduce_sum3A_263 : i1 to vector<16xi1>
    %reduce_sum3A_265 = tpu.scan <sum>, %get3A_262 masked %reduce_sum3A_264 : vector<16xf32>, vector<16xi1> -> vector<16xf32>
    %reduce_sum3A_266 = vector.extract %reduce_sum3A_265[15] : f32 from vector<16xf32>
    %eq3A_267 = arith.constant 12 : i32
    %eq3A_268 = vector.broadcast %eq3A_267 : i32 to vector<16xi32>
    %eq3A_269 = arith.cmpi eq, %iota3A, %eq3A_268 : vector<16xi32>
    %broadcast_in_dim3A_270 = vector.broadcast %reduce_sum3A_266 : f32 to vector<16xf32>
    %select_n3A_271 = arith.select %eq3A_269, %broadcast_in_dim3A_270, %select_n3A_260 : vector<16xi1>, vector<16xf32>
    %get3A_272 = arith.constant 8400 : index
    %get3A_273 = tpu.vector_load %arg10[%get3A_272] {strides = array<i32>} : memref<8448xf32, #tpu.memory_space<vmem>>, vector<16xf32>,
    %reduce_sum3A_274 = arith.constant true
    %reduce_sum3A_275 = vector.broadcast %reduce_sum3A_274 : i1 to vector<16xi1>
    %reduce_sum3A_276 = tpu.scan <sum>, %get3A_273 masked %reduce_sum3A_275 : vector<16xf32>, vector<16xi1> -> vector<16xf32>
    %reduce_sum3A_277 = vector.extract %reduce_sum3A_276[15] : f32 from vector<16xf32>
    %eq3A_278 = arith.constant 13 : i32
    %eq3A_279 = vector.broadcast %eq3A_278 : i32 to vector<16xi32>
    %eq3A_280 = arith.cmpi eq, %iota3A, %eq3A_279 : vector<16xi32>
    %broadcast_in_dim3A_281 = vector.broadcast %reduce_sum3A_277 : f32 to vector<16xf32>
    %select_n3A_282 = arith.select %eq3A_280, %broadcast_in_dim3A_281, %select_n3A_271 : vector<16xi1>, vector<16xf32>
    %get3A_283 = arith.constant 8416 : index
    %get3A_284 = tpu.vector_load %arg10[%get3A_283] {strides = array<i32>} : memref<8448xf32, #tpu.memory_space<vmem>>, vector<16xf32>,
    %reduce_sum3A_285 = arith.constant true
    %reduce_sum3A_286 = vector.broadcast %reduce_sum3A_285 : i1 to vector<16xi1>
    %reduce_sum3A_287 = tpu.scan <sum>, %get3A_284 masked %reduce_sum3A_286 : vector<16xf32>, vector<16xi1> -> vector<16xf32>
    %reduce_sum3A_288 = vector.extract %reduce_sum3A_287[15] : f32 from vector<16xf32>
    %eq3A_289 = arith.constant 14 : i32
    %eq3A_290 = vector.broadcast %eq3A_289 : i32 to vector<16xi32>
    %eq3A_291 = arith.cmpi eq, %iota3A, %eq3A_290 : vector<16xi32>
    %broadcast_in_dim3A_292 = vector.broadcast %reduce_sum3A_288 : f32 to vector<16xf32>
    %select_n3A_293 = arith.select %eq3A_291, %broadcast_in_dim3A_292, %select_n3A_282 : vector<16xi1>, vector<16xf32>
    %get3A_294 = arith.constant 8432 : index
    %get3A_295 = tpu.vector_load %arg10[%get3A_294] {strides = array<i32>} : memref<8448xf32, #tpu.memory_space<vmem>>, vector<16xf32>,
    %reduce_sum3A_296 = arith.constant true
    %reduce_sum3A_297 = vector.broadcast %reduce_sum3A_296 : i1 to vector<16xi1>
    %reduce_sum3A_298 = tpu.scan <sum>, %get3A_295 masked %reduce_sum3A_297 : vector<16xf32>, vector<16xi1> -> vector<16xf32>
    %reduce_sum3A_299 = vector.extract %reduce_sum3A_298[15] : f32 from vector<16xf32>
    %eq3A_300 = arith.constant 15 : i32
    %eq3A_301 = vector.broadcast %eq3A_300 : i32 to vector<16xi32>
    %eq3A_302 = arith.cmpi eq, %iota3A, %eq3A_301 : vector<16xi32>
    %broadcast_in_dim3A_303 = vector.broadcast %reduce_sum3A_299 : f32 to vector<16xf32>
    %select_n3A_304 = arith.select %eq3A_302, %broadcast_in_dim3A_303, %select_n3A_293 : vector<16xi1>, vector<16xf32>
    %swap3A = arith.constant 0 : index
    %swap3A_305 = tpu.vector_load %arg12[%swap3A] {strides = array<i32>} : memref<16xf32, #tpu.memory_space<vmem>>, vector<16xf32>,
    tpu.vector_store %arg12[%swap3A], %select_n3A_304 {strides = array<i32>} : memref<16xf32, #tpu.memory_space<vmem>>, vector<16xf32>,
    "tpu.region"() ({
      %run_scoped3A = tpu.sem_alloc : memref<!tpu.dma_semaphore, #tpu.memory_space<semaphore_mem>>
      %dma_start3A_306 = arith.constant 0 : i32
      %dma_start3A_307 = arith.constant 0 : i32
      %dma_start3A_308 = tpu.memref_slice %arg4[%add3A, %dma_start3A_306, %dma_start3A_307] : memref<32x32x16xf32, #tpu.memory_space<hbm>> -> memref<1x32x16xf32, #tpu.memory_space<hbm>>
      %dma_start3A_309 = tpu.memref_squeeze %dma_start3A_308 : memref<1x32x16xf32, #tpu.memory_space<hbm>> -> memref<32x16xf32, #tpu.memory_space<hbm>>
      %dma_start3A_310 = arith.constant 0 : i32
      %dma_start3A_311 = arith.constant 0 : i32
      %dma_start3A_312 = tpu.memref_slice %arg4[%add3A, %dma_start3A_310, %dma_start3A_311] : memref<32x32x16xf32, #tpu.memory_space<hbm>> -> memref<1x32x16xf32, #tpu.memory_space<hbm>>
      %dma_start3A_313 = tpu.memref_squeeze %dma_start3A_312 : memref<1x32x16xf32, #tpu.memory_space<hbm>> -> memref<32x16xf32, #tpu.memory_space<hbm>>
      tpu.enqueue_dma source(%arg11 : memref<32x16xf32, #tpu.memory_space<vmem>>) target(%dma_start3A_313 : memref<32x16xf32, #tpu.memory_space<hbm>>) target_semaphore(%run_scoped3A : memref<!tpu.dma_semaphore, #tpu.memory_space<semaphore_mem>>)
      %dma_wait3A_314 = arith.constant 0 : i32
      %dma_wait3A_315 = arith.constant 0 : i32
      %dma_wait3A_316 = tpu.memref_slice %arg4[%add3A, %dma_wait3A_314, %dma_wait3A_315] : memref<32x32x16xf32, #tpu.memory_space<hbm>> -> memref<1x32x16xf32, #tpu.memory_space<hbm>>
      %dma_wait3A_317 = tpu.memref_squeeze %dma_wait3A_316 : memref<1x32x16xf32, #tpu.memory_space<hbm>> -> memref<32x16xf32, #tpu.memory_space<hbm>>
      %dma_wait3A_318 = arith.constant 0 : i32
      %dma_wait3A_319 = arith.constant 0 : i32
      %dma_wait3A_320 = tpu.memref_slice %arg4[%add3A, %dma_wait3A_318, %dma_wait3A_319] : memref<32x32x16xf32, #tpu.memory_space<hbm>> -> memref<1x32x16xf32, #tpu.memory_space<hbm>>
      %dma_wait3A_321 = tpu.memref_squeeze %dma_wait3A_320 : memref<1x32x16xf32, #tpu.memory_space<hbm>> -> memref<32x16xf32, #tpu.memory_space<hbm>>
      tpu.wait_dma2 semaphore(%run_scoped3A : memref<!tpu.dma_semaphore, #tpu.memory_space<semaphore_mem>>) src(%arg11 : memref<32x16xf32, #tpu.memory_space<vmem>>) dst(%dma_wait3A_321 : memref<32x16xf32, #tpu.memory_space<hbm>>)
      tpu.yield
    }) : () -> ()
    "tpu.region"() ({
      %run_scoped3A = tpu.sem_alloc : memref<!tpu.dma_semaphore, #tpu.memory_space<semaphore_mem>>
      %dma_start3A_306 = arith.constant 0 : i32
      %dma_start3A_307 = tpu.memref_slice %arg5[%add3A, %dma_start3A_306] : memref<32x16xf32, #tpu.memory_space<hbm>> -> memref<1x16xf32, #tpu.memory_space<hbm>>
      %dma_start3A_308 = tpu.memref_squeeze %dma_start3A_307 : memref<1x16xf32, #tpu.memory_space<hbm>> -> memref<16xf32, #tpu.memory_space<hbm>>
      %dma_start3A_309 = arith.constant 0 : i32
      %dma_start3A_310 = tpu.memref_slice %arg5[%add3A, %dma_start3A_309] : memref<32x16xf32, #tpu.memory_space<hbm>> -> memref<1x16xf32, #tpu.memory_space<hbm>>
      %dma_start3A_311 = tpu.memref_squeeze %dma_start3A_310 : memref<1x16xf32, #tpu.memory_space<hbm>> -> memref<16xf32, #tpu.memory_space<hbm>>
      tpu.enqueue_dma source(%arg12 : memref<16xf32, #tpu.memory_space<vmem>>) target(%dma_start3A_311 : memref<16xf32, #tpu.memory_space<hbm>>) target_semaphore(%run_scoped3A : memref<!tpu.dma_semaphore, #tpu.memory_space<semaphore_mem>>)
      %dma_wait3A_312 = arith.constant 0 : i32
      %dma_wait3A_313 = tpu.memref_slice %arg5[%add3A, %dma_wait3A_312] : memref<32x16xf32, #tpu.memory_space<hbm>> -> memref<1x16xf32, #tpu.memory_space<hbm>>
      %dma_wait3A_314 = tpu.memref_squeeze %dma_wait3A_313 : memref<1x16xf32, #tpu.memory_space<hbm>> -> memref<16xf32, #tpu.memory_space<hbm>>
      %dma_wait3A_315 = arith.constant 0 : i32
      %dma_wait3A_316 = tpu.memref_slice %arg5[%add3A, %dma_wait3A_315] : memref<32x16xf32, #tpu.memory_space<hbm>> -> memref<1x16xf32, #tpu.memory_space<hbm>>
      %dma_wait3A_317 = tpu.memref_squeeze %dma_wait3A_316 : memref<1x16xf32, #tpu.memory_space<hbm>> -> memref<16xf32, #tpu.memory_space<hbm>>
      tpu.wait_dma2 semaphore(%run_scoped3A : memref<!tpu.dma_semaphore, #tpu.memory_space<semaphore_mem>>) src(%arg12 : memref<16xf32, #tpu.memory_space<vmem>>) dst(%dma_wait3A_317 : memref<16xf32, #tpu.memory_space<hbm>>)
      tpu.yield
    }) : () -> ()
    return
  }
}

module attributes {stable_mosaic.version = 14 : i64} {
  func.func @_phase1_body(%arg0: i32, %arg1: memref<32x16x1024xf32, #tpu.memory_space<vmem>>, %arg2: memref<16x1024xi32, #tpu.memory_space<vmem>>, %arg3: memref<32x16xf32, #tpu.memory_space<vmem>>, %arg4: memref<1x16xf32, #tpu.memory_space<vmem>>) attributes {dimension_semantics = [#tpu.dimension_semantics<arbitrary>], iteration_bounds = array<i64: 24>, scalar_prefetch = 0 : i64, scratch_operands = 0 : i64, tpu.core_type = #tpu.core_type<tc>, window_params = [{transform_indices = @transform_0, window_bounds = array<i64: 32, 16, 1024>}, {transform_indices = @transform_1, window_bounds = array<i64: 16, 1024>}, {pipeline_mode = #tpu.pipeline_mode<synchronous>, transform_indices = @transform_2, window_bounds = array<i64: 32, 16>}, {pipeline_mode = #tpu.pipeline_mode<synchronous>, transform_indices = @transform_3, window_bounds = array<i64: 1, 16>}]} {
    %get3A = arith.constant 0 : index
    %get3A_0 = arith.constant 0 : index
    %get3A_1 = arith.constant 0 : index
    %get3A_2 = vector.load %arg1[%get3A, %get3A_0, %get3A_1] : memref<32x16x1024xf32, #tpu.memory_space<vmem>>, vector<32x16x1024xf32>
    %reshape3A = vector.shape_cast %get3A_2 : vector<32x16x1024xf32> to vector<32x16384xf32>
    %get3A_3 = arith.constant 0 : index
    %get3A_4 = arith.constant 0 : index
    %get3A_5 = vector.load %arg2[%get3A_3, %get3A_4] : memref<16x1024xi32, #tpu.memory_space<vmem>>, vector<16x1024xi32>
    %reshape3A_6 = vector.shape_cast %get3A_5 : vector<16x1024xi32> to vector<1x16384xi32>
    %iota3A = tpu.iota {dimensions = array<i32: 0>} : vector<16x16384xi32>
    %eq3A = vector.broadcast %reshape3A_6 : vector<1x16384xi32> to vector<16x16384xi32>
    %eq3A_7 = arith.cmpi eq, %iota3A, %eq3A : vector<16x16384xi32>
    %convert_element_type3A = arith.extui %eq3A_7 : vector<16x16384xi1> to vector<16x16384xi32>
    %convert_element_type3A_8 = arith.sitofp %convert_element_type3A : vector<16x16384xi32> to vector<16x16384xf32>
    %dot_general3A = arith.constant dense<0.000000e+00> : vector<32x16xf32>
    %dot_general3A_9 = tpu.matmul %reshape3A, %convert_element_type3A_8, %dot_general3A {dimension_numbers = #tpu.dot_dimension_numbers<[1], [1], [0], [0], [0, 0, 1, 0], [], []>, transpose_lhs_hint = false} : vector<32x16384xf32>, vector<16x16384xf32>, vector<32x16xf32> -> vector<32x16xf32>
    %reduce_sum3A = arith.constant dense<0.000000e+00> : vector<16xf32>
    %reduce_sum3A_10 = vector.multi_reduction <add>, %convert_element_type3A_8, %reduce_sum3A [1] : vector<16x16384xf32> to vector<16xf32>
    %broadcast_in_dim3A = vector.shape_cast %reduce_sum3A_10 : vector<16xf32> to vector<16x1xf32>
    %transpose3A = tpu.transpose %broadcast_in_dim3A, [1, 0] : vector<16x1xf32> -> vector<1x16xf32>
    %eq3A_11 = arith.constant 0 : i32
    %eq3A_12 = arith.cmpi eq, %arg0, %eq3A_11 : i32
    %convert_element_type3A_13 = arith.extui %eq3A_12 : i1 to i32
    %cond3A = arith.constant 0 : i32
    %cond3A_14 = arith.cmpi ne, %convert_element_type3A_13, %cond3A : i32
    scf.if %cond3A_14 {
      %broadcast_in_dim3A_27 = arith.constant 0.000000e+00 : f32
      %broadcast_in_dim3A_28 = vector.broadcast %broadcast_in_dim3A_27 : f32 to vector<32x16xf32>
      %swap3A_29 = arith.constant 0 : index
      %swap3A_30 = arith.constant 0 : index
      %swap3A_31 = vector.load %arg3[%swap3A_29, %swap3A_30] : memref<32x16xf32, #tpu.memory_space<vmem>>, vector<32x16xf32>
      tpu.vector_store %arg3[%swap3A_29, %swap3A_30], %broadcast_in_dim3A_28 {strides = array<i32>} : memref<32x16xf32, #tpu.memory_space<vmem>>, vector<32x16xf32>,
      %broadcast_in_dim3A_32 = arith.constant 0.000000e+00 : f32
      %broadcast_in_dim3A_33 = vector.broadcast %broadcast_in_dim3A_32 : f32 to vector<1x16xf32>
      %swap3A_34 = arith.constant 0 : index
      %swap3A_35 = arith.constant 0 : index
      %swap3A_36 = vector.load %arg4[%swap3A_34, %swap3A_35] : memref<1x16xf32, #tpu.memory_space<vmem>>, vector<1x16xf32>
      tpu.vector_store %arg4[%swap3A_34, %swap3A_35], %broadcast_in_dim3A_33 {strides = array<i32>} : memref<1x16xf32, #tpu.memory_space<vmem>>, vector<1x16xf32>,
    } else {
    }
    %get3A_15 = arith.constant 0 : index
    %get3A_16 = arith.constant 0 : index
    %get3A_17 = vector.load %arg3[%get3A_15, %get3A_16] : memref<32x16xf32, #tpu.memory_space<vmem>>, vector<32x16xf32>
    %add3A = arith.addf %get3A_17, %dot_general3A_9 : vector<32x16xf32>
    %swap3A = arith.constant 0 : index
    %swap3A_18 = arith.constant 0 : index
    %swap3A_19 = vector.load %arg3[%swap3A, %swap3A_18] : memref<32x16xf32, #tpu.memory_space<vmem>>, vector<32x16xf32>
    tpu.vector_store %arg3[%swap3A, %swap3A_18], %add3A {strides = array<i32>} : memref<32x16xf32, #tpu.memory_space<vmem>>, vector<32x16xf32>,
    %get3A_20 = arith.constant 0 : index
    %get3A_21 = arith.constant 0 : index
    %get3A_22 = vector.load %arg4[%get3A_20, %get3A_21] : memref<1x16xf32, #tpu.memory_space<vmem>>, vector<1x16xf32>
    %add3A_23 = arith.addf %get3A_22, %transpose3A : vector<1x16xf32>
    %swap3A_24 = arith.constant 0 : index
    %swap3A_25 = arith.constant 0 : index
    %swap3A_26 = vector.load %arg4[%swap3A_24, %swap3A_25] : memref<1x16xf32, #tpu.memory_space<vmem>>, vector<1x16xf32>
    tpu.vector_store %arg4[%swap3A_24, %swap3A_25], %add3A_23 {strides = array<i32>} : memref<1x16xf32, #tpu.memory_space<vmem>>, vector<1x16xf32>,
    return
  }
  func.func @transform_0(%arg0: i32) -> (i32, i32, i32) {
    %add3A = arith.constant 8 : i32
    %add3A_0 = arith.addi %arg0, %add3A : i32
    %c0_i32 = arith.constant 0 : i32
    %c0_i32_1 = arith.constant 0 : i32
    %c0_i32_2 = arith.constant 0 : i32
    return %c0_i32, %add3A_0, %c0_i32_1 : i32, i32, i32
  }
  func.func @transform_1(%arg0: i32) -> (i32, i32) {
    %add3A = arith.constant 8 : i32
    %add3A_0 = arith.addi %arg0, %add3A : i32
    %c0_i32 = arith.constant 0 : i32
    %c0_i32_1 = arith.constant 0 : i32
    return %add3A_0, %c0_i32 : i32, i32
  }
  func.func @transform_2(%arg0: i32) -> (i32, i32) {
    %c0_i32 = arith.constant 0 : i32
    %c0_i32_0 = arith.constant 0 : i32
    %c0_i32_1 = arith.constant 0 : i32
    return %c0_i32, %c0_i32_0 : i32, i32
  }
  func.func @transform_3(%arg0: i32) -> (i32, i32) {
    %c0_i32 = arith.constant 0 : i32
    %c0_i32_0 = arith.constant 0 : i32
    %c0_i32_1 = arith.constant 0 : i32
    return %c0_i32, %c0_i32_0 : i32, i32
  }
}

module attributes {stable_mosaic.version = 14 : i64} {
  func.func @_phase2_body(%arg0: i32, %arg1: memref<32x16x1024xf32, #tpu.memory_space<vmem>>, %arg2: memref<16x1024xi32, #tpu.memory_space<vmem>>, %arg3: memref<32x32x16xf32, #tpu.memory_space<vmem>>, %arg4: memref<32x16xf32, #tpu.memory_space<vmem>>, %arg5: memref<32x16xf32, #tpu.memory_space<vmem>>, %arg6: memref<1x16xf32, #tpu.memory_space<vmem>>, %arg7: memref<1x1xf32, #tpu.memory_space<smem>>) attributes {dimension_semantics = [#tpu.dimension_semantics<arbitrary>], iteration_bounds = array<i64: 32>, scalar_prefetch = 0 : i64, scratch_operands = 0 : i64, tpu.core_type = #tpu.core_type<tc>, window_params = [{transform_indices = @transform_0, window_bounds = array<i64: 32, 16, 1024>}, {transform_indices = @transform_1, window_bounds = array<i64: 16, 1024>}, {pipeline_mode = #tpu.pipeline_mode<synchronous>, transform_indices = @transform_2, window_bounds = array<i64: 32, 32, 16>}, {pipeline_mode = #tpu.pipeline_mode<synchronous>, transform_indices = @transform_3, window_bounds = array<i64: 32, 16>}, {pipeline_mode = #tpu.pipeline_mode<synchronous>, transform_indices = @transform_4, window_bounds = array<i64: 32, 16>}, {pipeline_mode = #tpu.pipeline_mode<synchronous>, transform_indices = @transform_5, window_bounds = array<i64: 1, 16>}, {transform_indices = @transform_6, window_bounds = array<i64: 1, 1>}]} {
    %get3A = arith.constant 0 : index
    %get3A_0 = arith.constant 0 : index
    %get3A_1 = arith.constant 0 : index
    %get3A_2 = vector.load %arg3[%get3A, %get3A_0, %get3A_1] : memref<32x32x16xf32, #tpu.memory_space<vmem>>, vector<32x32x16xf32>
    %reduce_sum3A = arith.constant dense<0.000000e+00> : vector<32x16xf32>
    %reduce_sum3A_3 = vector.multi_reduction <add>, %get3A_2, %reduce_sum3A [0] : vector<32x32x16xf32> to vector<32x16xf32>
    %get3A_4 = arith.constant 0 : index
    %get3A_5 = arith.constant 0 : index
    %get3A_6 = vector.load %arg5[%get3A_4, %get3A_5] : memref<32x16xf32, #tpu.memory_space<vmem>>, vector<32x16xf32>
    %add3A = arith.addf %reduce_sum3A_3, %get3A_6 : vector<32x16xf32>
    %get3A_7 = arith.constant 0 : index
    %get3A_8 = arith.constant 0 : index
    %get3A_9 = vector.load %arg4[%get3A_7, %get3A_8] : memref<32x16xf32, #tpu.memory_space<vmem>>, vector<32x16xf32>
    %reduce_sum3A_10 = arith.constant dense<0.000000e+00> : vector<16xf32>
    %reduce_sum3A_11 = vector.multi_reduction <add>, %get3A_9, %reduce_sum3A_10 [0] : vector<32x16xf32> to vector<16xf32>
    %broadcast_in_dim3A = vector.shape_cast %reduce_sum3A_11 : vector<16xf32> to vector<1x16xf32>
    %get3A_12 = arith.constant 0 : index
    %get3A_13 = arith.constant 0 : index
    %get3A_14 = vector.load %arg6[%get3A_12, %get3A_13] : memref<1x16xf32, #tpu.memory_space<vmem>>, vector<1x16xf32>
    %add3A_15 = arith.addf %broadcast_in_dim3A, %get3A_14 : vector<1x16xf32>
    %div3A = vector.broadcast %add3A_15 : vector<1x16xf32> to vector<32x16xf32>
    %div3A_16 = arith.divf %add3A, %div3A : vector<32x16xf32>
    %get3A_17 = arith.constant 0 : index
    %get3A_18 = arith.constant 0 : index
    %get3A_19 = arith.constant 0 : index
    %get3A_20 = vector.load %arg1[%get3A_17, %get3A_18, %get3A_19] : memref<32x16x1024xf32, #tpu.memory_space<vmem>>, vector<32x16x1024xf32>
    %reshape3A = vector.shape_cast %get3A_20 : vector<32x16x1024xf32> to vector<32x16384xf32>
    %get3A_21 = arith.constant 0 : index
    %get3A_22 = arith.constant 0 : index
    %get3A_23 = vector.load %arg2[%get3A_21, %get3A_22] : memref<16x1024xi32, #tpu.memory_space<vmem>>, vector<16x1024xi32>
    %reshape3A_24 = vector.shape_cast %get3A_23 : vector<16x1024xi32> to vector<1x16384xi32>
    %iota3A = tpu.iota {dimensions = array<i32: 0>} : vector<16x16384xi32>
    %eq3A = vector.broadcast %reshape3A_24 : vector<1x16384xi32> to vector<16x16384xi32>
    %eq3A_25 = arith.cmpi eq, %iota3A, %eq3A : vector<16x16384xi32>
    %convert_element_type3A = arith.extui %eq3A_25 : vector<16x16384xi1> to vector<16x16384xi32>
    %convert_element_type3A_26 = arith.sitofp %convert_element_type3A : vector<16x16384xi32> to vector<16x16384xf32>
    %dot_general3A = arith.constant dense<0.000000e+00> : vector<32x16384xf32>
    %dot_general3A_27 = tpu.matmul %div3A_16, %convert_element_type3A_26, %dot_general3A {dimension_numbers = #tpu.dot_dimension_numbers<[1], [0], [0], [1], [0, 0, 1, 1], [], []>, transpose_lhs_hint = false} : vector<32x16xf32>, vector<16x16384xf32>, vector<32x16384xf32> -> vector<32x16384xf32>
    %sub3A = arith.subf %reshape3A, %dot_general3A_27 : vector<32x16384xf32>
    %mul3A = arith.mulf %sub3A, %sub3A : vector<32x16384xf32>
    %reduce_sum3A_28 = arith.constant dense<0.000000e+00> : vector<16384xf32>
    %reduce_sum3A_29 = vector.multi_reduction <add>, %mul3A, %reduce_sum3A_28 [0] : vector<32x16384xf32> to vector<16384xf32>
    %broadcast_in_dim3A_30 = vector.shape_cast %reduce_sum3A_29 : vector<16384xf32> to vector<1x16384xf32>
    %sqrt3A = math.sqrt %broadcast_in_dim3A_30 : vector<1x16384xf32>
    %sub3A_31 = arith.constant 1.000000e+00 : f32
    %sub3A_32 = vector.broadcast %sub3A_31 : f32 to vector<1x16384xf32>
    %sub3A_33 = arith.subf %sqrt3A, %sub3A_32 : vector<1x16384xf32>
    %max3A = arith.constant 0.000000e+00 : f32
    %max3A_34 = vector.broadcast %max3A : f32 to vector<1x16384xf32>
    %max3A_35 = arith.maximumf %sub3A_33, %max3A_34 : vector<1x16384xf32>
    %mul3A_36 = arith.mulf %max3A_35, %max3A_35 : vector<1x16384xf32>
    %reduce_sum3A_37 = vector.shape_cast %mul3A_36 : vector<1x16384xf32> to vector<1x1x16384xf32>
    %reduce_sum3A_38 = arith.constant dense<0.000000e+00> : vector<1xf32>
    %reduce_sum3A_39 = vector.multi_reduction <add>, %reduce_sum3A_37, %reduce_sum3A_38 [1, 2] : vector<1x1x16384xf32> to vector<1xf32>
    %reduce_sum3A_40 = vector.shape_cast %reduce_sum3A_39 : vector<1xf32> to vector<1x1x1xf32>
    %reduce_sum3A_41 = vector.extract %reduce_sum3A_40[0, 0, 0] : f32 from vector<1x1x1xf32>
    %eq3A_42 = arith.constant 0 : i32
    %eq3A_43 = arith.cmpi eq, %arg0, %eq3A_42 : i32
    %convert_element_type3A_44 = arith.extui %eq3A_43 : i1 to i32
    %cond3A = arith.constant 0 : i32
    %cond3A_45 = arith.cmpi ne, %convert_element_type3A_44, %cond3A : i32
    scf.if %cond3A_45 {
      %swap3A_59 = arith.constant 0.000000e+00 : f32
      %swap3A_60 = arith.constant 0 : index
      %swap3A_61 = arith.constant 0 : index
      %swap3A_62 = memref.load %arg7[%swap3A_60, %swap3A_61] : memref<1x1xf32, #tpu.memory_space<smem>>
      memref.store %swap3A_59, %arg7[%swap3A_60, %swap3A_61] : memref<1x1xf32, #tpu.memory_space<smem>>
    } else {
    }
    %get3A_46 = arith.constant 0 : index
    %get3A_47 = arith.constant 0 : index
    %get3A_48 = memref.load %arg7[%get3A_46, %get3A_47] : memref<1x1xf32, #tpu.memory_space<smem>>
    %div3A_49 = arith.constant 1.600000e+01 : f32
    %div3A_50 = arith.divf %reduce_sum3A_41, %div3A_49 : f32
    %add3A_51 = arith.addf %get3A_48, %div3A_50 : f32
    %swap3A = arith.constant 0 : index
    %swap3A_52 = arith.constant 0 : index
    %swap3A_53 = memref.load %arg7[%swap3A, %swap3A_52] : memref<1x1xf32, #tpu.memory_space<smem>>
    memref.store %add3A_51, %arg7[%swap3A, %swap3A_52] : memref<1x1xf32, #tpu.memory_space<smem>>
    %eq3A_54 = arith.constant 31 : i32
    %eq3A_55 = arith.cmpi eq, %arg0, %eq3A_54 : i32
    %convert_element_type3A_56 = arith.extui %eq3A_55 : i1 to i32
    %cond3A_57 = arith.constant 0 : i32
    %cond3A_58 = arith.cmpi ne, %convert_element_type3A_56, %cond3A_57 : i32
    scf.if %cond3A_58 {
      %mul3A_59 = arith.mulf %div3A_16, %div3A_16 : vector<32x16xf32>
      %reduce_sum3A_60 = arith.constant dense<0.000000e+00> : vector<16xf32>
      %reduce_sum3A_61 = vector.multi_reduction <add>, %mul3A_59, %reduce_sum3A_60 [0] : vector<32x16xf32> to vector<16xf32>
      %dot_general3A_62 = arith.constant dense<0.000000e+00> : vector<16x16xf32>
      %dot_general3A_63 = tpu.matmul %div3A_16, %div3A_16, %dot_general3A_62 {dimension_numbers = #tpu.dot_dimension_numbers<[0], [0], [1], [1], [0, 1, 1, 1], [], []>, transpose_lhs_hint = false} : vector<32x16xf32>, vector<32x16xf32>, vector<16x16xf32> -> vector<16x16xf32>
      %broadcast_in_dim3A_64 = vector.shape_cast %reduce_sum3A_61 : vector<16xf32> to vector<16x1xf32>
      %broadcast_in_dim3A_65 = vector.shape_cast %reduce_sum3A_61 : vector<16xf32> to vector<1x16xf32>
      %add3A_66 = vector.broadcast %broadcast_in_dim3A_64 : vector<16x1xf32> to vector<16x16xf32>
      %add3A_67 = vector.broadcast %broadcast_in_dim3A_65 : vector<1x16xf32> to vector<16x16xf32>
      %add3A_68 = arith.addf %add3A_66, %add3A_67 : vector<16x16xf32>
      %mul3A_69 = arith.constant 2.000000e+00 : f32
      %mul3A_70 = vector.broadcast %mul3A_69 : f32 to vector<16x16xf32>
      %mul3A_71 = arith.mulf %mul3A_70, %dot_general3A_63 : vector<16x16xf32>
      %sub3A_72 = arith.subf %add3A_68, %mul3A_71 : vector<16x16xf32>
      %max3A_73 = arith.constant 0.000000e+00 : f32
      %max3A_74 = vector.broadcast %max3A_73 : f32 to vector<16x16xf32>
      %max3A_75 = arith.maximumf %sub3A_72, %max3A_74 : vector<16x16xf32>
      %iota3A_76 = tpu.iota {dimensions = array<i32: 0>} : vector<16x16xi32>
      %iota3A_77 = tpu.iota {dimensions = array<i32: 1>} : vector<16x16xi32>
      %add3A_78 = arith.constant 0 : i32
      %add3A_79 = vector.broadcast %add3A_78 : i32 to vector<16x16xi32>
      %add3A_80 = arith.addi %iota3A_76, %add3A_79 : vector<16x16xi32>
      %eq3A_81 = arith.cmpi eq, %add3A_80, %iota3A_77 : vector<16x16xi32>
      %convert_element_type3A_82 = arith.extui %eq3A_81 : vector<16x16xi1> to vector<16x16xi32>
      %convert_element_type3A_83 = arith.sitofp %convert_element_type3A_82 : vector<16x16xi32> to vector<16x16xf32>
      %add3A_84 = arith.addf %max3A_75, %convert_element_type3A_83 : vector<16x16xf32>
      %sqrt3A_85 = math.sqrt %add3A_84 : vector<16x16xf32>
      %sub3A_86 = arith.constant 4.000000e+00 : f32
      %sub3A_87 = vector.broadcast %sub3A_86 : f32 to vector<16x16xf32>
      %sub3A_88 = arith.subf %sub3A_87, %sqrt3A_85 : vector<16x16xf32>
      %max3A_89 = arith.constant 0.000000e+00 : f32
      %max3A_90 = vector.broadcast %max3A_89 : f32 to vector<16x16xf32>
      %max3A_91 = arith.maximumf %sub3A_88, %max3A_90 : vector<16x16xf32>
      %integer_pow3A = arith.mulf %max3A_91, %max3A_91 : vector<16x16xf32>
      %sub3A_92 = arith.constant 1.000000e+00 : f32
      %sub3A_93 = vector.broadcast %sub3A_92 : f32 to vector<16x16xf32>
      %sub3A_94 = arith.subf %sub3A_93, %convert_element_type3A_83 : vector<16x16xf32>
      %mul3A_95 = arith.mulf %integer_pow3A, %sub3A_94 : vector<16x16xf32>
      %reduce_sum3A_96 = vector.shape_cast %mul3A_95 : vector<16x16xf32> to vector<1x16x16xf32>
      %reduce_sum3A_97 = arith.constant dense<0.000000e+00> : vector<1xf32>
      %reduce_sum3A_98 = vector.multi_reduction <add>, %reduce_sum3A_96, %reduce_sum3A_97 [1, 2] : vector<1x16x16xf32> to vector<1xf32>
      %reduce_sum3A_99 = vector.shape_cast %reduce_sum3A_98 : vector<1xf32> to vector<1x1x1xf32>
      %reduce_sum3A_100 = vector.extract %reduce_sum3A_99[0, 0, 0] : f32 from vector<1x1x1xf32>
      %div3A_101 = arith.constant 2.400000e+02 : f32
      %div3A_102 = arith.divf %reduce_sum3A_100, %div3A_101 : f32
      %sqrt3A_103 = math.sqrt %reduce_sum3A_61 : vector<16xf32>
      %sub3A_104 = arith.constant 5.65685415 : f32
      %sub3A_105 = vector.broadcast %sub3A_104 : f32 to vector<16xf32>
      %sub3A_106 = arith.subf %sqrt3A_103, %sub3A_105 : vector<16xf32>
      %max3A_107 = arith.constant 0.000000e+00 : f32
      %max3A_108 = vector.broadcast %max3A_107 : f32 to vector<16xf32>
      %max3A_109 = arith.maximumf %sub3A_106, %max3A_108 : vector<16xf32>
      %reduce_sum3A_110 = vector.shape_cast %max3A_109 : vector<16xf32> to vector<1x16xf32>
      %reduce_sum3A_111 = arith.constant dense<0.000000e+00> : vector<1xf32>
      %reduce_sum3A_112 = vector.multi_reduction <add>, %reduce_sum3A_110, %reduce_sum3A_111 [1] : vector<1x16xf32> to vector<1xf32>
      %reduce_sum3A_113 = vector.shape_cast %reduce_sum3A_112 : vector<1xf32> to vector<1x1xf32>
      %reduce_sum3A_114 = vector.extract %reduce_sum3A_113[0, 0] : f32 from vector<1x1xf32>
      %div3A_115 = arith.constant 1.600000e+01 : f32
      %div3A_116 = arith.divf %reduce_sum3A_114, %div3A_115 : f32
      %get3A_117 = arith.constant 0 : index
      %get3A_118 = arith.constant 0 : index
      %get3A_119 = memref.load %arg7[%get3A_117, %get3A_118] : memref<1x1xf32, #tpu.memory_space<smem>>
      %add3A_120 = arith.addf %div3A_102, %div3A_116 : f32
      %add3A_121 = arith.addf %get3A_119, %add3A_120 : f32
      %swap3A_122 = arith.constant 0 : index
      %swap3A_123 = arith.constant 0 : index
      %swap3A_124 = memref.load %arg7[%swap3A_122, %swap3A_123] : memref<1x1xf32, #tpu.memory_space<smem>>
      memref.store %add3A_121, %arg7[%swap3A_122, %swap3A_123] : memref<1x1xf32, #tpu.memory_space<smem>>
    } else {
    }
    return
  }
  func.func @transform_0(%arg0: i32) -> (i32, i32, i32) {
    %c0_i32 = arith.constant 0 : i32
    %c0_i32_0 = arith.constant 0 : i32
    %c0_i32_1 = arith.constant 0 : i32
    return %c0_i32, %arg0, %c0_i32_0 : i32, i32, i32
  }
  func.func @transform_1(%arg0: i32) -> (i32, i32) {
    %c0_i32 = arith.constant 0 : i32
    %c0_i32_0 = arith.constant 0 : i32
    return %arg0, %c0_i32 : i32, i32
  }
  func.func @transform_2(%arg0: i32) -> (i32, i32, i32) {
    %c0_i32 = arith.constant 0 : i32
    %c0_i32_0 = arith.constant 0 : i32
    %c0_i32_1 = arith.constant 0 : i32
    %c0_i32_2 = arith.constant 0 : i32
    return %c0_i32, %c0_i32_0, %c0_i32_1 : i32, i32, i32
  }
  func.func @transform_3(%arg0: i32) -> (i32, i32) {
    %c0_i32 = arith.constant 0 : i32
    %c0_i32_0 = arith.constant 0 : i32
    %c0_i32_1 = arith.constant 0 : i32
    return %c0_i32, %c0_i32_0 : i32, i32
  }
  func.func @transform_4(%arg0: i32) -> (i32, i32) {
    %c0_i32 = arith.constant 0 : i32
    %c0_i32_0 = arith.constant 0 : i32
    %c0_i32_1 = arith.constant 0 : i32
    return %c0_i32, %c0_i32_0 : i32, i32
  }
  func.func @transform_5(%arg0: i32) -> (i32, i32) {
    %c0_i32 = arith.constant 0 : i32
    %c0_i32_0 = arith.constant 0 : i32
    %c0_i32_1 = arith.constant 0 : i32
    return %c0_i32, %c0_i32_0 : i32, i32
  }
  func.func @transform_6(%arg0: i32) -> (i32, i32) {
    %c0_i32 = arith.constant 0 : i32
    %c0_i32_0 = arith.constant 0 : i32
    %c0_i32_1 = arith.constant 0 : i32
    return %c0_i32, %c0_i32_0 : i32, i32
  }
}

</mosaic_0001>

<sc_bundles>
// kernel: kernel.5.cloned.1.call-start
scs
__scs_entry_jumppad:
0x0: {  	(pc) =	sbr.rel $0x88, $3  }
0x1: {  	(tag) =	ssettag $0x0;
	lr =	simm.s32 $0x1  }
0x2: {  	[smem:$0x3F9F] =	sst lr;
	_ =	strace $0xD0000000  }
0x3: {  	_ = 	snop  }
0x4: {  	_ = 	snop  }
0x5: {  	_ = 	snop  }
0x6: {  	_ = 	snop  }
0x7: {  	_ = 	snop  }
__scs_overlays_trampoline_lowered:
0x8: {  	[smem:$0x3FAE] =	sst s0  }
0x9: {  	[smem:$0x3FAF] =	sst s1  }
0xa: {  	[smem:$0x3FB0] =	sst s2  }
0xb: {  	[smem:$0x3FB1] =	sst s3  }
0xc: {  	[smem:$0x3FB2] =	sst s4  }
0xd: {  	[smem:$0x3FB3] =	sst s5  }
0xe: {  	[smem:$0x3FB4] =	sst s6  }
0xf: {  	[smem:$0x3FB5] =	sst s7  }
0x10: {  	[smem:$0x3FB6] =	sst s8  }
0x11: {  	[smem:$0x3FB7] =	sst s9;
	s0 =	simm.s32 @!p0 $0x0  }
0x12: {  	s1 =	sld [smem:$0x3F9D];
	s0 =	simm.s32 @p0 $0x1  }
0x13: {  	[smem:$0x3FB8] =	sst s0;
	s0 =	simm.s32 @!p1 $0x0  }
0x14: {  	s2 =	sld [smem:$0x3F9C];
	s0 =	simm.s32 @p1 $0x1  }
0x15: {  	[smem:$0x3FB9] =	sst s0;
	s0 =	simm.s32 @!p2 $0x0  }
0x16: {  	s3 =	sld [smem:$0x3FDB];
	s0 =	simm.s32 @p2 $0x1  }
0x17: {  	s4 =	simm.s32 $0x1BF5;
	[smem:$0x3FBB] =	sst s0  }
0x18: {  	s0 =	sld [smem:$0x3F9E];
	_ =	swait.ge [sflag:s4], $0x0  }
0x19: {  	s7 =	sld [smem:$0x3F9F]  }
0x1a: {  	s8 =	sadd.s32 $0xFFFFE003, lr  }
0x1b: {  	s9 =	sadd.s32 $0xFFFFFEF7, lr;
	s5 =	simm.s32 $0xFFFFFFFF;
	p2 =	slt.u32 s8, $0xFFFFF086  }
0x1c: {  	p1 =	slt.u32 s9, $0xF7A;
	s5 =	simm.s32 @!p2 $0x0  }
0x1d: {  	s5 =	simm.s32 @p1 $0x1;
	p0 =	seq.s32 s7, s2  }
0x1e: {  	s7 =	smul.u32 @!p0 $0xF7A, s2;
	p2 =	seq.s32 @!p0 s5, $0x0  }
0x1f: {  	s9 =	smul.u32 $0xF7A, s1;
	s8 =	simm.s32 @!p0 $0x1BF5;
	p2 =	por !p2, p0  }
0x20: {  	[sflag:s8] =	ssyncset.s32 @!p0 $0xFFFFF086;
	s6 =	sadd.s32 @!p0 s3, s7;
	s7 =	simm.s32 @!p0 $0x108  }
0x21: {  	s3 =	sadd.s32 s3, s9;
	s6 =	sadd.s32 @!p0 $0x88, s6;
	s7 =	simm.s32 @p2 $0x1082  }
0x22: {  	[simem:s7], [sflag:s8] =	dma.local @!p0 [hbm:s6], $0xF7A  }
0x23: {  	s9 =	sor.u32 $0xD0000000, s2;
	s6 =	simm.s32 $0x108;
	_ =	swait.ge @!p0 [sflag:s8], $0x0  }
0x24: {  	s3 =	sadd.s32 $0x88, s3;
	s6 =	simm.s32 @!p1 $0x1082;
	[sflag:s4] =	ssyncset.s32 $0xFFFFF086  }
0x25: {  	[simem:s6], [sflag:s4] =	dma.local [hbm:s3], $0xF7A  }
0x26: {  	[smem:$0x3F9F] =	sst s1;
	(tag) =	ssettag s2;
	_ =	strace s9  }
0x27: {  	s1 =	sld [smem:$0x3FAF]  }
0x28: {  	s2 =	sld [smem:$0x3FB0]  }
0x29: {  	s4 =	sld [smem:$0x3FB2]  }
0x2a: {  	p0 =	seq.s32 s5, $0x0;
	s5 =	sld [smem:$0x3FB3]  }
0x2b: {  	s6 =	sld [smem:$0x3FB4]  }
0x2c: {  	s7 =	sld [smem:$0x3FB5]  }
0x2d: {  	s3 =	simm.s32 $0x108;
	s8 =	sld [smem:$0x3FB6]  }
0x2e: {  	s3 =	simm.s32 @!p0 $0x1082;
	s9 =	sld [smem:$0x3FB7]  }
0x2f: {  	lr =	sadd.s32 s0, s3;
	s0 =	sld [smem:$0x3FAE]  }
0x30: {  	s3 =	sld [smem:$0x3FB1]  }
0x31: {  	[smem:$0x3FBA] =	sst s10  }
0x32: {  	s10 =	sld [smem:$0x3FB8];
	_ =	sdelay $0x3  }
0x33: {  	p0 =	seq.s32 s10, $0x1;
	s10 =	sld [smem:$0x3FBA];
	_ =	sdelay $0x3  }
0x34: {  	[smem:$0x3FBA] =	sst s10  }
0x35: {  	s10 =	sld [smem:$0x3FB9];
	_ =	sdelay $0x3  }
0x36: {  	p1 =	seq.s32 s10, $0x1;
	s10 =	sld [smem:$0x3FBA];
	_ =	sdelay $0x3  }
0x37: {  	[smem:$0x3FBA] =	sst s10  }
0x38: {  	s10 =	sld [smem:$0x3FBB]  }
0x39: {  	_ = 	snop;
	(pc) =	sbr.ind lr, $3  }
0x3a: {  	_ = 	snop  }
0x3b: {  	_ = 	snop  }
0x3c: {  	p2 =	seq.s32 s10, $0x1;
	s10 =	sld [smem:$0x3FBA]  }
0x3d: {  	_ =	shalt  }
0x3e: {  	_ =	shalt  }
0x3f: {  	_ =	shalt  }
0x40: {  	_ =	shalt  }
0x41: {  	_ =	shalt  }
0x42: {  	_ =	shalt  }
0x43: {  	_ =	shalt  }
0x44: {  	_ =	shalt  }
0x45: {  	_ =	shalt  }
0x46: {  	_ =	shalt  }
0x47: {  	_ =	shalt  }
0x48: {  	_ =	shalt  }
0x49: {  	_ =	shalt  }
0x4a: {  	_ =	shalt  }
0x4b: {  	_ =	shalt  }
0x4c: {  	_ =	shalt  }
0x4d: {  	_ =	shalt  }
0x4e: {  	_ =	shalt  }
0x4f: {  	_ =	shalt  }
0x50: {  	_ =	shalt  }
0x51: {  	_ =	shalt  }
0x52: {  	_ =	shalt  }
0x53: {  	_ =	shalt  }
0x54: {  	_ =	shalt  }
0x55: {  	_ =	shalt  }
0x56: {  	_ =	shalt  }
0x57: {  	_ =	shalt  }
0x58: {  	_ =	shalt  }
0x59: {  	_ =	shalt  }
0x5a: {  	_ =	shalt  }
0x5b: {  	_ =	shalt  }
0x5c: {  	_ =	shalt  }
0x5d: {  	_ =	shalt  }
0x5e: {  	_ =	shalt  }
0x5f: {  	_ =	shalt  }
0x60: {  	_ =	shalt  }
0x61: {  	_ =	shalt  }
0x62: {  	_ =	shalt  }
0x63: {  	_ =	shalt  }
0x64: {  	_ =	shalt  }
0x65: {  	_ =	shalt  }
0x66: {  	_ =	shalt  }
0x67: {  	_ =	shalt  }
0x68: {  	_ =	shalt  }
0x69: {  	_ =	shalt  }
0x6a: {  	_ =	shalt  }
0x6b: {  	_ =	shalt  }
0x6c: {  	_ =	shalt  }
0x6d: {  	_ =	shalt  }
0x6e: {  	_ =	shalt  }
0x6f: {  	_ =	shalt  }
0x70: {  	_ =	shalt  }
0x71: {  	_ =	shalt  }
0x72: {  	_ =	shalt  }
0x73: {  	_ =	shalt  }
0x74: {  	_ =	shalt  }
0x75: {  	_ =	shalt  }
0x76: {  	_ =	shalt  }
0x77: {  	_ =	shalt  }
0x78: {  	_ =	shalt  }
0x79: {  	_ =	shalt  }
0x7a: {  	_ =	shalt  }
0x7b: {  	_ =	shalt  }
0x7c: {  	_ =	shalt  }
0x7d: {  	_ =	shalt  }
0x7e: {  	_ =	shalt  }
0x7f: {  	_ =	shalt  }
0x80: {  	_ =	shalt  }
0x81: {  	_ =	shalt  }
0x82: {  	_ =	shalt  }
0x83: {  	_ =	shalt  }
0x84: {  	_ =	shalt  }
0x85: {  	_ =	shalt  }
0x86: {  	_ =	shalt  }
0x87: {  	_ =	shalt  }
.Lfunc_end0:
.L_simem_size_0:
called_computation_lowered:
.L_overlay_start_0:
0x88: {  	s2 =	sld [smem:$0x3FD9]  }
0x89: {  	s3 =	sld [smem:$0x3FFE];
	_ =	sdelay $0x1  }
0x8a: {  	s1 =	srdreg.scid  }
0x8b: {  	s0 =	sand.u32 $0x1, s1  }
0x8c: {  	s17 =	sshll.u32 s0, $0xA;
	s2 =	sadd.s32 s3, s2  }
0x8d: {  	s2 =	sadd.s32 s2, s17  }
0x8e: {  	[smem:$0x3FC6] =	sst s2  }
0x8f: {  	_ = 	snop  }
0x90: {  	s2 =	sld [smem:$0x3FC9]  }
0x91: {  	s18 =	sld [smem:$0x3FC8];
	(tm) =	ssettm $0x1  }
0x92: {  	s4 =	sld [smem:$0x3FFB];
	_ =	sdelay $0x3  }
0x93: {  	_ =	strace s4  }
0x94: {  	s4 =	sld [smem:$0x3FFC];
	_ =	sdelay $0x3  }
0x95: {  	_ =	strace s4  }
0x96: {  	s4 =	sld [smem:$0x3FFD];
	_ =	sdelay $0x3  }
0x97: {  	_ =	strace s4  }
0x98: {  	_ =	strace $0x8FFFFFFF  }
0x99: {  	s19 =	sld [smem:$0x3FDB];
	_ =	sdelay $0x1  }
0x9a: {  	s5 =	simm.s32 $_scs_section_size  }
0x9b: {  	s6 =	simm.s32 $_size__tile_overlayer_lowered;
	s7 =	simm.s32 $_tile_overlayer_lowered  }
0x9c: {  	s22 =	simm.s32 $0x1BFF;
	s21 =	sshll.u32 s7, $0x1;
	s4 =	sadd.s32 s5, s19  }
0x9d: {  	s8 =	simm.s32 $0x0;
	s20 =	sshll.u32 s6, $0x1;
	s6 =	sadd.s32 s21, s4  }
0x9e: {  	[timem:s8], [sflag:s22] =	dma.local [hbm:s6], s20  }
0x9f: {  	_ =	swait.ge [sflag:s22], s20  }
0xa0: {  	s5 =	ssub.s32 $0x0, s20;
	[sflag:s22] =	ssyncset.done $0x0  }
0xa1: {  	[sflag:s22] =	ssyncadd.s32 s5;
	_ =	sdelay $0x1  }
0xa2: {  	s23 =	simm.s32 $0x1B8B  }
0xa3: {  	_ =	swait.ge [sflag:s23], $0x1  }
0xa4: {  	[sflag:s23] =	ssyncset.done $0x0  }
0xa5: {  	s25 =	simm.s32 $0x1B8E;
	s24 =	sld [smem:$0x3FFE];
	[sflag:s23] =	ssyncadd.s32 $0xFFFFFFFF  }
0xa6: {  	s26 =	simm.s32 $execute0_lowered;
	[smem:$0x3FD2] =	sst s25  }
0xa7: {  	s6 =	sshll.u32 s26, $0x1;
	_ =	strace $0x80000046;
	[dreg:$0x1] =	wrdreg $0xFFFFFFFF  }
0xa8: {  	s28 =	simm.s32 $_size_execute0_lowered;
	s4 =	sadd.s32 s4, s6;
	[dreg:$0x0] =	wrdreg $0x0  }
0xa9: {  	s6 =	sshll.u32 s28, $0x1;
	[dreg:$0x2] =	wrdreg s4  }
0xaa: {  	[dreg:$0x3] =	wrdreg s6  }
0xab: {  	[dreg:$0x4] =	wrdreg $0xC0  }
0xac: {  	_ =	task [dreg:s8], $0x5FFFF  }
0xad: {  	[dreg:$0x1] =	wrdreg $0xFFFFFFFF  }
0xae: {  	[dreg:$0x0] =	wrdreg $0x60  }
0xaf: {  	[dreg:$0x2] =	wrdreg s2  }
0xb0: {  	[dreg:$0x3] =	wrdreg s18  }
0xb1: {  	[dreg:$0x4] =	wrdreg s24  }
0xb2: {  	[dreg:$0x5] =	wrdreg $0x9  }
0xb3: {  	_ =	task.clear_ibuf [dreg:s8], $0x6FFFF;
	_ =	strace $0x90000046  }
0xb4: {  	s29 =	simm.s32 $0x9;
	_ =	strace $0x80000048  }
0xb5: {  	_ =	swait.ge [sflag:s29], $0x1  }
0xb6: {  	[sflag:s29] =	ssyncadd.s32 $0xFFFFFFFF  }
0xb7: {  	_ =	strace $0x90000048  }
0xb8: {  	_ =	sfence  }
0xb9: {  	s30 =	sld [smem:$0x0];
	_ =	sdelay $0x2  }
0xba: {  	s31 =	sshll.u32 s1, $0xD;
	s1 =	sshrl.u32 s1, $0x2  }
0xbb: {  	s3 =	sand.u32 $0x4000, s31;
	s1 =	sadd.s32 s1, s30  }
0xbc: {  	s0 =	sor.u32 s3, s0;
	s1 =	sshll.u32 s1, $0x11  }
0xbd: {  	s0 =	sor.u32 s1, s0  }
0xbe: {  	s0 =	sadd.s32 $0x8F2B, s0  }
0xbf: {  	[sflag:s0] =	ssyncadd.remote.s32 $0x1  }
0xc0: {  	_ =	sfence.sel $0xFFFF  }
0xc1: {  	[dreg:$0x0] =	wrdreg $0xFFFFFFFF;
	(pc) =	sbr.abs _section_cstart, $3  }
0xc2: {  	[dreg:$0x1] =	wrdreg $0xFFFFFFFF  }
0xc3: {  	_ =	task.clear_ibuf [dreg:s8], $0x2FFFF;
	_ =	strace $0x9FFFFFFF  }
0xc4: {  	(tm) =	ssettm $0x7FFFFFFF  }
0xc5: {  	_ =	shalt  }
tec
execute0_lowered:
.L_overlay_start_1:
0x0: {  	(tag) =	ssettag $0x1  }
0x1: {  	s0 =	rddreg [dreg:$0x0]  }
0x2: {  	s1 =	rddreg [dreg:$0x1]  }
0x3: {  	s2 =	rddreg [dreg:$0x2];
	s3 =	srdreg.scid  }
0x4: {  	v0 =	vimm.f32 $0.0e+00;
	v1 =	vlaneseq.u32;
	s8 =	stileid.u32;
	s5 =	simm.s32 $0x0;
	s14 =	simm.s32 $0x80  }
0x5: {  	v3 =	vimm.f32 $1.000000000e+00;
	vm0 =	vmmov $0x1;
	vm1 =	vmmov $0x3;
	s15 =	simm.s32 $0x400;
	s3 =	sand.u32 $0x1, s3;
	s4 =	sshll.u32 s8, $0x1  }
0x6: {  	vm2 =	vmmov $0x7;
	vm3 =	vmmov $0xf;
	vm4 =	vmmov $0x1f;
	[smem:$0x7FF] =	sst s5;
	s8 =	sshll.u32 s8, $0xA;
	s4 =	sor.u32 s3, s4  }
0x7: {  	vm5 =	vmmov $0x3f;
	vm6 =	vmmov $0x7f;
	vm7 =	vmmov $0xff;
	_ =	strace $0x80000047;
	s18 =	ssub.s32 $0x2, s3;
	s3 =	sshll.u32 s3, $0x6  }
0x8: {  	vm8 =	vmmov $0x1ff;
	vm9 =	vmmov $0x3ff;
	vm10 =	vmmov $0x7ff;
	s17 =	sshll.u32 s4, $0x9;
	s4 =	sshll.u32 s4, $0x4;
	s7 =	sshrl.u32 s18, $0x1  }
0x9: {  	vm11 =	vmmov $0xfff;
	vm12 =	vmmov $0x1fff;
	vm13 =	vmmov $0x3fff;
	s3 =	sor.u32 s3, s8;
	s6 =	sadd.s32 s17, s2;
	s2 =	sadd.s32 s4, s2  }
0xa: {  	vm14 =	vmmov $0x7fff;
	v2 =	vor.u32 $0x2000, v1;
	v4 =	vor.u32 $0x100, v1;
	s19 =	ssub.s32 s18, s7;
	s20 =	sadd.s32 s0, s3;
	s21 =	sadd.s32 s1, s3  }
0xb: {  	v5 =	vor.u32 $0x200, v1;
	v6 =	vor.u32 $0x300, v1;
	v7 =	vor.u32 $0x400, v1;
	s22 =	sor.u32 $0x10, s3;
	s8 =	sor.u32 $0x20, s3;
	[dreg:$0x4] =	wrdreg s20  }
0xc: {  	v8 =	vor.u32 $0x500, v1;
	v9 =	vor.u32 $0x600, v1;
	v10 =	vor.u32 $0x700, v1;
	s3 =	sor.u32 $0x30, s3;
	[dreg:$0x5] =	wrdreg s21;
	s23 =	sadd.s32 s0, s22  }
0xd: {  	v11 =	vor.u32 $0x800, v1;
	v12 =	vor.u32 $0x900, v1;
	v13 =	vor.u32 $0xA00, v1;
	s7 =	simm.s32 $0x10000;
	s24 =	sadd.s32 s1, s22;
	[dreg:$0x6] =	wrdreg s23  }
0xe: {  	v14 =	vor.u32 $0xB00, v1;
	v15 =	vor.u32 $0xC00, v1;
	v16 =	vor.u32 $0xD00, v1;
	s17 =	simm.s32 $0x1;
	s25 =	sadd.s32 s0, s8;
	[dreg:$0x7] =	wrdreg s24  }
0xf: {  	v17 =	vor.u32 $0xE00, v1;
	v18 =	vor.u32 $0xF00, v1;
	v19 =	vor.u32 $0x1000, v1;
	s18 =	simm.s32 $0x3;
	s26 =	sadd.s32 s1, s8;
	[dreg:$0x8] =	wrdreg s25  }
0x10: {  	v20 =	vor.u32 $0x1100, v1;
	v21 =	vor.u32 $0x1200, v1;
	v22 =	vor.u32 $0x1300, v1;
	s9 =	sadd.s32 s0, s3;
	s28 =	sadd.s32 s1, s3;
	[dreg:$0x9] =	wrdreg s26  }
0x11: {  	v23 =	vor.u32 $0x1400, v1;
	v24 =	vor.u32 $0x1500, v1;
	v25 =	vor.u32 $0x1600, v1;
	s29 =	sadd.s32 $0x1000, s6;
	s30 =	sadd.s32 $0x5000, s2;
	[dreg:$0xa] =	wrdreg s28  }
0x12: {  	v26 =	vor.u32 $0x1700, v1;
	v27 =	vor.u32 $0x1800, v1;
	v28 =	vor.u32 $0x1900, v1;
	s31 =	smax.u32 s19, $0x1;
	s20 =	simm.s32 $0x10800;
	[dreg:$0xb] =	wrdreg s29  }
0x13: {  	v29 =	vor.u32 $0x1A00, v1;
	v30 =	vor.u32 $0x1B00, v1;
	v31 =	vor.u32 $0x1C00, v1;
	s21 =	simm.s32 $0x2;
	s22 =	simm.s32 $0x4;
	[dreg:$0xc] =	wrdreg s30  }
0x14: {  	v32 =	vor.u32 $0x1D00, v1;
	v33 =	vor.u32 $0x1E00, v1;
	v34 =	vor.u32 $0x1F00, v1;
	[dreg:$0xd] =	wrdreg s31;
	s24 =	simm.s32 $0x5;
	s26 =	simm.s32 $0x0  }
.LBB2_1:
0x15: {  	s0 =	simm.s32 $0x0  }
.LBB2_2:
0x16: {  	p0 =	sne.s32 s0, $0x83C0  }
.Ltmp0:
0x17: {  	_ = 	snop;
	(pc) =	sbr.rel @p0 .LBB2_2-.Ltmp0, $3  }
0x18: {  	_ =	sdelay $0x1  }
0x19: {  	s1 =	sshra.s32 s0, $0x2  }
0x1a: {  	s0 =	sadd.s32 $0x40, s0;
	[tilespmem:s1+$0x10800] =	vst v0  }
0x1b: {  	s2 =	rddreg [dreg:$0x4]  }
0x1c: {  	s0 =	simm.s32 $0x1000;
	s3 =	simm.s32 $0x0;
	s1 =	sadd.s32 $0x10000, s2  }
.LBB2_4:
0x1d: {  	[tilespmem:s3], [sflag:$0x1] =	stream.strided.gather [hbm4b:s2+s14], $0x400, s15, s14, $0x38;
	[tilespmem:$0x13980] =	vst v63  }
0x1e: {  	s3 =	smov.u32 s0;
	s2 =	smov.u32 s1;
	p0 =	sne.s32 s0, $0x1F000  }
.Ltmp1:
0x1f: {  	s0 =	sadd.s32 $0x1000, s0;
	(pc) =	sbr.rel @p0 .LBB2_4-.Ltmp1, $2  }
0x20: {  	_ =	sdelay $0x2  }
0x21: {  	s1 =	sadd.s32 $0x10000, s1;
	s3 =	sshra.s32 s3, $0x2  }
0x22: {  	[tilespmem:s3], [sflag:$0x1] =	stream.strided.gather [hbm4b:s2+s14], $0x400, s15, s14, $0x38;
	[tilespmem:$0x13980] =	vst v63  }
0x23: {  	s0 =	rddreg [dreg:$0x5]  }
0x24: {  	[tilespmem:s7], [sflag:$0x3] =	stream.strided.gather [hbm4b:s0+s14], $0x400, s15, s14, $0x38;
	[tilespmem:$0x13980] =	vst v63  }
0x25: {  	_ =	swait.ge [sflag:s17], $0x8000  }
0x26: {  	[sflag:s17] =	ssyncset.done $0x0  }
0x27: {  	[sflag:s17] =	ssyncadd.s32 $0xFFFF8000  }
0x28: {  	_ =	swait.ge [sflag:s18], $0x400  }
0x29: {  	s31 =	simm.s32 $0x8000;
	[sflag:s18] =	ssyncset.done $0x0  }
0x2a: {  	s0 =	simm.s32 $0x1000;
	s1 =	rddreg [dreg:$0x6];
	[sflag:s18] =	ssyncadd.s32 $0xFFFFFC00  }
0x2b: {  	[tilespmem:s31], [sflag:$0x2] =	stream.strided.gather [hbm4b:s1+s14], $0x400, s15, s14, $0x38;
	[tilespmem:$0x13980] =	vst v63  }
.LBB2_6:
0x2c: {  	p0 =	sne.s32 s0, $0x1F000  }
.Ltmp2:
0x2d: {  	_ = 	snop;
	(pc) =	sbr.rel @p0 .LBB2_6-.Ltmp2, $4  }
0x2e: {  	_ = 	snop  }
0x2f: {  	s2 =	sshra.s32 s0, $0x2;
	s0 =	sadd.s32 $0x1000, s0  }
0x30: {  	s1 =	sadd.s32 $0x10000, s1;
	s2 =	sadd.s32 $0x8000, s2  }
0x31: {  	[tilespmem:s2], [sflag:$0x2] =	stream.strided.gather [hbm4b:s1+s14], $0x400, s15, s14, $0x38;
	[tilespmem:$0x13980] =	vst v63  }
0x32: {  	s0 =	rddreg [dreg:$0x7];
	s1 =	simm.s32 $0x10400;
	s31 =	simm.s32 $0x0  }
0x33: {  	[tilespmem:s1], [sflag:$0x4] =	stream.strided.gather [hbm4b:s0+s14], $0x400, s15, s14, $0x38;
	[tilespmem:$0x13980] =	vst v63  }
0x34: {  	s28 =	sand.u32 $0x60, s31  }
0x35: {  	s29 =	sand.u32 $0x380, s31;
	s30 =	sor.u32 $0x10, s28  }
0x36: {  	s3 =	sor.u32 s29, s30  }
0x37: {  	s2 =	simm.s32 $0x10000;
	v35 =	vld [tilespmem:s3+$0x10000]  }
0x38: {  	v37 =	vld [tilespmem:s2+$0x0];
	_ =	sdelay $0x3  }
0x39: {  	v36 =	vshll.u32 v35, $0x4  }
0x3a: {  	v35 =	vshll.u32 v37, $0x4;
	v38 =	vadd.s32 v2, v36  }
0x3b: {  	v37 =	vadd.s32 v2, v35;
	_ =	sdelay $0x3  }
0x3c: {  	[tilespmem:v38+s20+$0x0] =	vst.idx.add.f32.msk $0xffff, v3  }
0x3d: {  	[tilespmem:v37+s20+$0x0] =	vst.idx.add.f32.msk $0xffff, v3  }
0x3e: {  	v39 =	vor.u32 v1, v36;
	v38 =	vld [tilespmem:s3+$0x0]  }
0x3f: {  	v40 =	vor.u32 v1, v35;
	v37 =	vld [tilespmem:s31+$0x0];
	_ =	sdelay $0x3  }
0x40: {  	s4 =	sor.u32 $0x400, s29;
	[tilespmem:v39+s20+$0x0] =	vst.idx.add.f32.msk $0xffff, v38  }
0x41: {  	s5 =	sor.u32 s30, s4;
	[tilespmem:v40+s20+$0x0] =	vst.idx.add.f32.msk $0xffff, v37  }
0x42: {  	s0 =	sor.u32 s28, s4;
	v48 =	vadd.s32 v4, v36;
	v38 =	vld [tilespmem:s5+$0x0]  }
0x43: {  	v49 =	vadd.s32 v4, v35;
	v37 =	vld [tilespmem:s0+$0x0];
	_ =	sdelay $0x3  }
0x44: {  	s6 =	sor.u32 $0x800, s29;
	[tilespmem:v48+s20+$0x0] =	vst.idx.add.f32.msk $0xffff, v38  }
0x45: {  	s8 =	sor.u32 s30, s6;
	[tilespmem:v49+s20+$0x0] =	vst.idx.add.f32.msk $0xffff, v37  }
0x46: {  	v50 =	vadd.s32 v5, v36;
	s0 =	sor.u32 s28, s6;
	v38 =	vld [tilespmem:s8+$0x0]  }
0x47: {  	v51 =	vadd.s32 v5, v35;
	v37 =	vld [tilespmem:s0+$0x0];
	_ =	sdelay $0x3  }
0x48: {  	s10 =	sor.u32 $0xC00, s29;
	[tilespmem:v50+s20+$0x0] =	vst.idx.add.f32.msk $0xffff, v38  }
0x49: {  	s11 =	sor.u32 s30, s10;
	[tilespmem:v51+s20+$0x0] =	vst.idx.add.f32.msk $0xffff, v37  }
0x4a: {  	v52 =	vadd.s32 v6, v36;
	s0 =	sor.u32 s28, s10;
	v38 =	vld [tilespmem:s11+$0x0]  }
0x4b: {  	v53 =	vadd.s32 v6, v35;
	v37 =	vld [tilespmem:s0+$0x0];
	_ =	sdelay $0x3  }
0x4c: {  	s12 =	sor.u32 $0x1000, s29;
	[tilespmem:v52+s20+$0x0] =	vst.idx.add.f32.msk $0xffff, v38  }
0x4d: {  	s13 =	sor.u32 s30, s12;
	[tilespmem:v53+s20+$0x0] =	vst.idx.add.f32.msk $0xffff, v37  }
0x4e: {  	v54 =	vadd.s32 v7, v36;
	s0 =	sor.u32 s28, s12;
	v38 =	vld [tilespmem:s13+$0x0]  }
0x4f: {  	v55 =	vadd.s32 v7, v35;
	v37 =	vld [tilespmem:s0+$0x0];
	_ =	sdelay $0x3  }
0x50: {  	s16 =	sor.u32 $0x1400, s29;
	[tilespmem:v54+s20+$0x0] =	vst.idx.add.f32.msk $0xffff, v38  }
0x51: {  	s19 =	sor.u32 s30, s16;
	[tilespmem:v55+s20+$0x0] =	vst.idx.add.f32.msk $0xffff, v37  }
0x52: {  	v56 =	vadd.s32 v8, v36;
	s0 =	sor.u32 s28, s16;
	v38 =	vld [tilespmem:s19+$0x0]  }
0x53: {  	v57 =	vadd.s32 v8, v35;
	v37 =	vld [tilespmem:s0+$0x0];
	_ =	sdelay $0x3  }
0x54: {  	s23 =	sor.u32 $0x1800, s29;
	[tilespmem:v56+s20+$0x0] =	vst.idx.add.f32.msk $0xffff, v38  }
0x55: {  	s25 =	sor.u32 s30, s23;
	[tilespmem:v57+s20+$0x0] =	vst.idx.add.f32.msk $0xffff, v37  }
0x56: {  	v58 =	vadd.s32 v9, v36;
	s0 =	sor.u32 s28, s23;
	v38 =	vld [tilespmem:s25+$0x0]  }
0x57: {  	v59 =	vadd.s32 v9, v35;
	v37 =	vld [tilespmem:s0+$0x0];
	_ =	sdelay $0x3  }
0x58: {  	s31 =	sor.u32 $0x1C00, s29;
	[tilespmem:v58+s20+$0x0] =	vst.idx.add.f32.msk $0xffff, v38  }
0x59: {  	s2 =	sor.u32 s30, s31;
	[tilespmem:v59+s20+$0x0] =	vst.idx.add.f32.msk $0xffff, v37  }
0x5a: {  	v60 =	vadd.s32 v10, v36;
	s0 =	sor.u32 s28, s31;
	v38 =	vld [tilespmem:s2+$0x0]  }
0x5b: {  	v61 =	vadd.s32 v10, v35;
	v37 =	vld [tilespmem:s0+$0x0];
	_ =	sdelay $0x3  }
0x5c: {  	s3 =	sor.u32 $0x2000, s29;
	[tilespmem:v60+s20+$0x0] =	vst.idx.add.f32.msk $0xffff, v38  }
0x5d: {  	s4 =	sor.u32 s30, s3;
	[tilespmem:v61+s20+$0x0] =	vst.idx.add.f32.msk $0xffff, v37  }
0x5e: {  	v62 =	vadd.s32 v11, v36;
	s0 =	sor.u32 s28, s3;
	v38 =	vld [tilespmem:s4+$0x0]  }
0x5f: {  	v63 =	vadd.s32 v11, v35;
	v37 =	vld [tilespmem:s0+$0x0];
	_ =	sdelay $0x3  }
0x60: {  	s5 =	sor.u32 $0x2400, s29;
	[tilespmem:v62+s20+$0x0] =	vst.idx.add.f32.msk $0xffff, v38  }
0x61: {  	s6 =	sor.u32 s30, s5;
	[tilespmem:v63+s20+$0x0] =	vst.idx.add.f32.msk $0xffff, v37  }
0x62: {  	v44 =	vadd.s32 v12, v36;
	s0 =	sor.u32 s28, s5;
	v38 =	vld [tilespmem:s6+$0x0]  }
0x63: {  	v45 =	vadd.s32 v12, v35;
	v37 =	vld [tilespmem:s0+$0x0];
	_ =	sdelay $0x3  }
0x64: {  	s8 =	sor.u32 $0x2800, s29;
	[tilespmem:v44+s20+$0x0] =	vst.idx.add.f32.msk $0xffff, v38  }
0x65: {  	s10 =	sor.u32 s30, s8;
	[tilespmem:v45+s20+$0x0] =	vst.idx.add.f32.msk $0xffff, v37  }
0x66: {  	v46 =	vadd.s32 v13, v36;
	s0 =	sor.u32 s28, s8;
	v38 =	vld [tilespmem:s10+$0x0]  }
0x67: {  	v47 =	vadd.s32 v13, v35;
	v37 =	vld [tilespmem:s0+$0x0];
	_ =	sdelay $0x3  }
0x68: {  	s11 =	sor.u32 $0x2C00, s29;
	[tilespmem:v46+s20+$0x0] =	vst.idx.add.f32.msk $0xffff, v38  }
0x69: {  	s12 =	sor.u32 s30, s11;
	[tilespmem:v47+s20+$0x0] =	vst.idx.add.f32.msk $0xffff, v37  }
0x6a: {  	v48 =	vadd.s32 v14, v36;
	s0 =	sor.u32 s28, s11;
	v38 =	vld [tilespmem:s12+$0x0]  }
0x6b: {  	v49 =	vadd.s32 v14, v35;
	v37 =	vld [tilespmem:s0+$0x0];
	_ =	sdelay $0x3  }
0x6c: {  	s13 =	sor.u32 $0x3000, s29;
	[tilespmem:v48+s20+$0x0] =	vst.idx.add.f32.msk $0xffff, v38  }
0x6d: {  	s16 =	sor.u32 s30, s13;
	[tilespmem:v49+s20+$0x0] =	vst.idx.add.f32.msk $0xffff, v37  }
0x6e: {  	v50 =	vadd.s32 v15, v36;
	s0 =	sor.u32 s28, s13;
	v38 =	vld [tilespmem:s16+$0x0]  }
0x6f: {  	v51 =	vadd.s32 v15, v35;
	v37 =	vld [tilespmem:s0+$0x0];
	_ =	sdelay $0x3  }
0x70: {  	s19 =	sor.u32 $0x3400, s29;
	[tilespmem:v50+s20+$0x0] =	vst.idx.add.f32.msk $0xffff, v38  }
0x71: {  	s23 =	sor.u32 s30, s19;
	[tilespmem:v51+s20+$0x0] =	vst.idx.add.f32.msk $0xffff, v37  }
0x72: {  	v52 =	vadd.s32 v16, v36;
	s0 =	sor.u32 s28, s19;
	v38 =	vld [tilespmem:s23+$0x0]  }
0x73: {  	v53 =	vadd.s32 v16, v35;
	v37 =	vld [tilespmem:s0+$0x0];
	_ =	sdelay $0x3  }
0x74: {  	s25 =	sor.u32 $0x3800, s29;
	[tilespmem:v52+s20+$0x0] =	vst.idx.add.f32.msk $0xffff, v38  }
0x75: {  	s31 =	sor.u32 s30, s25;
	[tilespmem:v53+s20+$0x0] =	vst.idx.add.f32.msk $0xffff, v37  }
0x76: {  	v54 =	vadd.s32 v17, v36;
	s0 =	sor.u32 s28, s25;
	v38 =	vld [tilespmem:s31+$0x0]  }
0x77: {  	v55 =	vadd.s32 v17, v35;
	v37 =	vld [tilespmem:s0+$0x0];
	_ =	sdelay $0x3  }
0x78: {  	s2 =	sor.u32 $0x3C00, s29;
	[tilespmem:v54+s20+$0x0] =	vst.idx.add.f32.msk $0xffff, v38  }
0x79: {  	s3 =	sor.u32 s30, s2;
	[tilespmem:v55+s20+$0x0] =	vst.idx.add.f32.msk $0xffff, v37  }
0x7a: {  	v56 =	vadd.s32 v18, v36;
	s0 =	sor.u32 s28, s2;
	v38 =	vld [tilespmem:s3+$0x0]  }
0x7b: {  	v57 =	vadd.s32 v18, v35;
	v37 =	vld [tilespmem:s0+$0x0];
	_ =	sdelay $0x3  }
0x7c: {  	s4 =	sor.u32 $0x4000, s29;
	[tilespmem:v56+s20+$0x0] =	vst.idx.add.f32.msk $0xffff, v38  }
0x7d: {  	s5 =	sor.u32 s30, s4;
	[tilespmem:v57+s20+$0x0] =	vst.idx.add.f32.msk $0xffff, v37  }
0x7e: {  	v58 =	vadd.s32 v19, v36;
	s0 =	sor.u32 s28, s4;
	v38 =	vld [tilespmem:s5+$0x0]  }
0x7f: {  	v59 =	vadd.s32 v19, v35;
	v37 =	vld [tilespmem:s0+$0x0];
	_ =	sdelay $0x3  }
0x80: {  	s8 =	sor.u32 $0x4400, s29;
	[tilespmem:v58+s20+$0x0] =	vst.idx.add.f32.msk $0xffff, v38  }
0x81: {  	s10 =	sor.u32 s30, s8;
	[tilespmem:v59+s20+$0x0] =	vst.idx.add.f32.msk $0xffff, v37  }
0x82: {  	v60 =	vadd.s32 v20, v36;
	s0 =	sor.u32 s28, s8;
	v38 =	vld [tilespmem:s10+$0x0]  }
0x83: {  	v42 =	vadd.s32 v20, v35;
	v40 =	vld [tilespmem:s0+$0x0];
	_ =	sdelay $0x1  }
0x84: {  	s6 =	simm.s32 $0x10020  }
0x85: {  	v41 =	vld [tilespmem:s6+$0x0]  }
0x86: {  	s11 =	sor.u32 $0x4800, s29;
	[tilespmem:v60+s20+$0x0] =	vst.idx.add.f32.msk $0xffff, v38  }
0x87: {  	s12 =	sor.u32 s30, s11;
	[tilespmem:v42+s20+$0x0] =	vst.idx.add.f32.msk $0xffff, v40  }
0x88: {  	v61 =	vadd.s32 v21, v36;
	s0 =	sor.u32 s28, s11;
	v38 =	vld [tilespmem:s12+$0x0]  }
0x89: {  	v62 =	vadd.s32 v21, v35;
	v40 =	vld [tilespmem:s0+$0x0];
	_ =	sdelay $0x1  }
0x8a: {  	v37 =	vshll.u32 v41, $0x4  }
0x8b: {  	v41 =	vadd.s32 v2, v37  }
0x8c: {  	s13 =	sor.u32 $0x4C00, s29;
	[tilespmem:v61+s20+$0x0] =	vst.idx.add.f32.msk $0xffff, v38  }
0x8d: {  	s16 =	sor.u32 s30, s13;
	[tilespmem:v62+s20+$0x0] =	vst.idx.add.f32.msk $0xffff, v40  }
0x8e: {  	v63 =	vadd.s32 v22, v36;
	s19 =	sor.u32 s28, s13;
	v38 =	vld [tilespmem:s16+$0x0];
	s16 =	simm.s32 $0x20  }
0x8f: {  	v43 =	vadd.s32 v22, v35;
	v40 =	vld [tilespmem:s19+$0x0];
	s0 =	sand.u32 $0x60, s16  }
0x90: {  	[tilespmem:v41+s20+$0x0] =	vst.idx.add.f32.msk $0xffff, v3;
	s23 =	sand.u32 $0x380, s16;
	s1 =	sor.u32 $0x10, s0  }
0x91: {  	v44 =	vld [tilespmem:s16+$0x0];
	s3 =	sor.u32 s23, s1  }
0x92: {  	v39 =	vld [tilespmem:s3+$0x10000]  }
0x93: {  	s25 =	sor.u32 $0x5000, s29;
	[tilespmem:v63+s20+$0x0] =	vst.idx.add.f32.msk $0xffff, v38  }
0x94: {  	s4 =	sor.u32 s30, s25;
	v45 =	vor.u32 v1, v37;
	[tilespmem:v43+s20+$0x0] =	vst.idx.add.f32.msk $0xffff, v40  }
0x95: {  	v43 =	vadd.s32 v23, v36;
	v42 =	vld [tilespmem:s4+$0x0]  }
0x96: {  	s31 =	sor.u32 s28, s25  }
0x97: {  	s2 =	simm.s32 $0x2;
	v41 =	vadd.s32 v23, v35;
	s19 =	simm.s32 $0x10040;
	v40 =	vld [tilespmem:s31+$0x0];
	s4 =	simm.s32 $0x20  }
.LBB2_8:
0x98: {  	v38 =	vld [tilespmem:s19+$0x0];
	v39 =	vshll.u32 v39, $0x4  }
0x99: {  	s6 =	sor.u32 $0x5400, s29;
	[tilespmem:v45+s20+$0x0] =	vst.idx.add.f32.msk $0xffff, v44;
	v44 =	vadd.s32 v2, v39  }
0x9a: {  	s8 =	sor.u32 s28, s6;
	s6 =	sor.u32 s30, s6;
	[tilespmem:v43+s20+$0x0] =	vst.idx.add.f32.msk $0xffff, v42  }
0x9b: {  	v43 =	vadd.s32 v24, v36;
	v42 =	vld [tilespmem:s6+$0x0]  }
0x9c: {  	[tilespmem:v41+s20+$0x0] =	vst.idx.add.f32.msk $0xffff, v40  }
0x9d: {  	v41 =	vadd.s32 v24, v35;
	v40 =	vld [tilespmem:s8+$0x0]  }
0x9e: {  	[tilespmem:v44+s20+$0x0] =	vst.idx.add.f32.msk $0xffff, v3  }
0x9f: {  	v45 =	vor.u32 v1, v39;
	v44 =	vld [tilespmem:s3+$0x0];
	s3 =	sor.u32 $0x5800, s29  }
0xa0: {  	s6 =	sor.u32 s28, s3;
	[tilespmem:v43+s20+$0x0] =	vst.idx.add.f32.msk $0xffff, v42;
	s3 =	sor.u32 s30, s3  }
0xa1: {  	v43 =	vadd.s32 v25, v36;
	v42 =	vld [tilespmem:s3+$0x0]  }
0xa2: {  	[tilespmem:v41+s20+$0x0] =	vst.idx.add.f32.msk $0xffff, v40  }
0xa3: {  	s3 =	sor.u32 $0x400, s23;
	v40 =	vld [tilespmem:s6+$0x0]  }
0xa4: {  	s8 =	sor.u32 s0, s3;
	s3 =	sor.u32 s1, s3;
	v41 =	vadd.s32 v25, v35;
	[tilespmem:v45+s20+$0x0] =	vst.idx.add.f32.msk $0xffff, v44  }
0xa5: {  	v45 =	vadd.s32 v4, v39;
	v44 =	vld [tilespmem:s3+$0x0];
	s3 =	sor.u32 $0x5C00, s29  }
0xa6: {  	s6 =	sor.u32 s28, s3;
	[tilespmem:v43+s20+$0x0] =	vst.idx.add.f32.msk $0xffff, v42;
	s3 =	sor.u32 s30, s3  }
0xa7: {  	v43 =	vadd.s32 v26, v36;
	v42 =	vld [tilespmem:s3+$0x0]  }
0xa8: {  	v46 =	vld [tilespmem:s8+$0x0]  }
0xa9: {  	v47 =	vadd.s32 v4, v37;
	s3 =	sor.u32 $0x800, s23;
	[tilespmem:v41+s20+$0x0] =	vst.idx.add.f32.msk $0xffff, v40  }
0xaa: {  	s8 =	sor.u32 s0, s3;
	s3 =	sor.u32 s1, s3;
	[tilespmem:v45+s20+$0x0] =	vst.idx.add.f32.msk $0xffff, v44  }
0xab: {  	v41 =	vadd.s32 v5, v39;
	v40 =	vld [tilespmem:s3+$0x0];
	s3 =	sor.u32 $0x6000, s29  }
0xac: {  	s25 =	sor.u32 s28, s3;
	[tilespmem:v43+s20+$0x0] =	vst.idx.add.f32.msk $0xffff, v42;
	s3 =	sor.u32 s30, s3  }
0xad: {  	v43 =	vadd.s32 v27, v36;
	v42 =	vld [tilespmem:s3+$0x0]  }
0xae: {  	[tilespmem:v47+s20+$0x0] =	vst.idx.add.f32.msk $0xffff, v46  }
0xaf: {  	v45 =	vadd.s32 v5, v37;
	s3 =	sor.u32 $0xC00, s23;
	v44 =	vld [tilespmem:s8+$0x0]  }
0xb0: {  	s10 =	sor.u32 s0, s3;
	s3 =	sor.u32 s1, s3;
	[tilespmem:v41+s20+$0x0] =	vst.idx.add.f32.msk $0xffff, v40  }
0xb1: {  	v41 =	vadd.s32 v6, v39;
	v40 =	vld [tilespmem:s3+$0x0];
	s3 =	sor.u32 $0x6400, s29  }
0xb2: {  	s8 =	sor.u32 s28, s3;
	[tilespmem:v43+s20+$0x0] =	vst.idx.add.f32.msk $0xffff, v42;
	s3 =	sor.u32 s30, s3  }
0xb3: {  	v43 =	vadd.s32 v28, v36;
	v42 =	vld [tilespmem:s3+$0x0]  }
0xb4: {  	[tilespmem:v45+s20+$0x0] =	vst.idx.add.f32.msk $0xffff, v44  }
0xb5: {  	s3 =	sor.u32 $0x1000, s23;
	v45 =	vadd.s32 v6, v37;
	v44 =	vld [tilespmem:s10+$0x0]  }
0xb6: {  	s11 =	sor.u32 s0, s3;
	s3 =	sor.u32 s1, s3;
	[tilespmem:v41+s20+$0x0] =	vst.idx.add.f32.msk $0xffff, v40  }
0xb7: {  	v41 =	vadd.s32 v7, v39;
	v40 =	vld [tilespmem:s3+$0x0];
	s3 =	sor.u32 $0x6800, s29  }
0xb8: {  	s10 =	sor.u32 s28, s3;
	[tilespmem:v43+s20+$0x0] =	vst.idx.add.f32.msk $0xffff, v42;
	s3 =	sor.u32 s30, s3  }
0xb9: {  	v43 =	vadd.s32 v29, v36;
	v42 =	vld [tilespmem:s3+$0x0]  }
0xba: {  	[tilespmem:v45+s20+$0x0] =	vst.idx.add.f32.msk $0xffff, v44  }
0xbb: {  	s3 =	sor.u32 $0x1400, s23;
	v45 =	vadd.s32 v7, v37;
	v44 =	vld [tilespmem:s11+$0x0]  }
0xbc: {  	s12 =	sor.u32 s0, s3;
	s3 =	sor.u32 s1, s3;
	[tilespmem:v41+s20+$0x0] =	vst.idx.add.f32.msk $0xffff, v40  }
0xbd: {  	v41 =	vadd.s32 v8, v39;
	v40 =	vld [tilespmem:s3+$0x0];
	s3 =	sor.u32 $0x6C00, s29  }
0xbe: {  	s11 =	sor.u32 s28, s3;
	[tilespmem:v43+s20+$0x0] =	vst.idx.add.f32.msk $0xffff, v42;
	s3 =	sor.u32 s30, s3  }
0xbf: {  	v43 =	vadd.s32 v30, v36;
	v42 =	vld [tilespmem:s3+$0x0]  }
0xc0: {  	[tilespmem:v45+s20+$0x0] =	vst.idx.add.f32.msk $0xffff, v44  }
0xc1: {  	s3 =	sor.u32 $0x1800, s23;
	v45 =	vadd.s32 v8, v37;
	v44 =	vld [tilespmem:s12+$0x0]  }
0xc2: {  	s13 =	sor.u32 s0, s3;
	s3 =	sor.u32 s1, s3;
	[tilespmem:v41+s20+$0x0] =	vst.idx.add.f32.msk $0xffff, v40  }
0xc3: {  	v41 =	vadd.s32 v9, v39;
	v40 =	vld [tilespmem:s3+$0x0];
	s3 =	sor.u32 $0x7000, s29  }
0xc4: {  	s12 =	sor.u32 s28, s3;
	[tilespmem:v43+s20+$0x0] =	vst.idx.add.f32.msk $0xffff, v42;
	s3 =	sor.u32 s30, s3  }
0xc5: {  	v43 =	vadd.s32 v31, v36;
	v42 =	vld [tilespmem:s3+$0x0]  }
0xc6: {  	[tilespmem:v45+s20+$0x0] =	vst.idx.add.f32.msk $0xffff, v44  }
0xc7: {  	s3 =	sor.u32 $0x1C00, s23;
	v45 =	vadd.s32 v9, v37;
	v44 =	vld [tilespmem:s13+$0x0]  }
0xc8: {  	s31 =	sor.u32 s0, s3;
	s3 =	sor.u32 s1, s3;
	[tilespmem:v41+s20+$0x0] =	vst.idx.add.f32.msk $0xffff, v40  }
0xc9: {  	v41 =	vadd.s32 v10, v39;
	v40 =	vld [tilespmem:s3+$0x0];
	s3 =	sor.u32 $0x7400, s29  }
0xca: {  	s13 =	sor.u32 s28, s3;
	[tilespmem:v43+s20+$0x0] =	vst.idx.add.f32.msk $0xffff, v42;
	s3 =	sor.u32 s30, s3  }
0xcb: {  	v43 =	vadd.s32 v32, v36;
	v42 =	vld [tilespmem:s3+$0x0]  }
0xcc: {  	[tilespmem:v45+s20+$0x0] =	vst.idx.add.f32.msk $0xffff, v44  }
0xcd: {  	s3 =	sor.u32 $0x2000, s23;
	v45 =	vadd.s32 v10, v37;
	v44 =	vld [tilespmem:s31+$0x0]  }
0xce: {  	s31 =	sor.u32 s0, s3;
	s3 =	sor.u32 s1, s3;
	[tilespmem:v41+s20+$0x0] =	vst.idx.add.f32.msk $0xffff, v40  }
0xcf: {  	s5 =	sor.u32 $0x7800, s29;
	v41 =	vadd.s32 v11, v39;
	v40 =	vld [tilespmem:s3+$0x0]  }
0xd0: {  	s3 =	sor.u32 s28, s5;
	s5 =	sor.u32 s30, s5;
	[tilespmem:v43+s20+$0x0] =	vst.idx.add.f32.msk $0xffff, v42  }
0xd1: {  	v43 =	vadd.s32 v33, v36;
	v42 =	vld [tilespmem:s5+$0x0]  }
0xd2: {  	[tilespmem:v45+s20+$0x0] =	vst.idx.add.f32.msk $0xffff, v44  }
0xd3: {  	s5 =	sor.u32 $0x2400, s23;
	v45 =	vadd.s32 v11, v37;
	v44 =	vld [tilespmem:s31+$0x0]  }
0xd4: {  	s31 =	sor.u32 s0, s5;
	s5 =	sor.u32 s1, s5;
	[tilespmem:v41+s20+$0x0] =	vst.idx.add.f32.msk $0xffff, v40  }
0xd5: {  	v40 =	vld [tilespmem:s5+$0x0];
	s5 =	sor.u32 $0x7C00, s29;
	s29 =	smov.u32 s23  }
0xd6: {  	v41 =	vadd.s32 v12, v39;
	s23 =	sor.u32 s28, s5;
	[tilespmem:v43+s20+$0x0] =	vst.idx.add.f32.msk $0xffff, v42;
	s5 =	sor.u32 s30, s5;
	s28 =	smov.u32 s0  }
0xd7: {  	v43 =	vadd.s32 v34, v36;
	v36 =	vmov v39;
	s30 =	smov.u32 s1;
	v42 =	vld [tilespmem:s5+$0x0]  }
0xd8: {  	[tilespmem:v45+s20+$0x0] =	vst.idx.add.f32.msk $0xffff, v44  }
0xd9: {  	v44 =	vadd.s32 v12, v37;
	v39 =	vld [tilespmem:s31+$0x0]  }
0xda: {  	v45 =	vld [tilespmem:s6+$0x0]  }
0xdb: {  	s0 =	sor.u32 $0x2800, s29;
	[tilespmem:v41+s20+$0x0] =	vst.idx.add.f32.msk $0xffff, v40;
	v40 =	vadd.s32 v26, v35  }
0xdc: {  	s1 =	sor.u32 s28, s0;
	s0 =	sor.u32 s30, s0;
	[tilespmem:v43+s20+$0x0] =	vst.idx.add.f32.msk $0xffff, v42  }
0xdd: {  	v42 =	vadd.s32 v13, v36;
	v41 =	vld [tilespmem:s0+$0x0]  }
0xde: {  	[tilespmem:v44+s20+$0x0] =	vst.idx.add.f32.msk $0xffff, v39  }
0xdf: {  	v43 =	vadd.s32 v13, v37;
	v39 =	vld [tilespmem:s1+$0x0]  }
0xe0: {  	[tilespmem:v40+s20+$0x0] =	vst.idx.add.f32.msk $0xffff, v45  }
0xe1: {  	s0 =	sor.u32 $0x2C00, s29;
	v44 =	vadd.s32 v27, v35;
	v40 =	vld [tilespmem:s25+$0x0]  }
0xe2: {  	s1 =	sor.u32 s28, s0;
	s0 =	sor.u32 s30, s0;
	[tilespmem:v42+s20+$0x0] =	vst.idx.add.f32.msk $0xffff, v41  }
0xe3: {  	v42 =	vadd.s32 v14, v36;
	v41 =	vld [tilespmem:s0+$0x0]  }
0xe4: {  	[tilespmem:v43+s20+$0x0] =	vst.idx.add.f32.msk $0xffff, v39  }
0xe5: {  	v43 =	vadd.s32 v14, v37;
	v39 =	vld [tilespmem:s1+$0x0]  }
0xe6: {  	[tilespmem:v44+s20+$0x0] =	vst.idx.add.f32.msk $0xffff, v40  }
0xe7: {  	s0 =	sor.u32 $0x3000, s29;
	v44 =	vadd.s32 v28, v35;
	v40 =	vld [tilespmem:s8+$0x0]  }
0xe8: {  	s1 =	sor.u32 s28, s0;
	s0 =	sor.u32 s30, s0;
	[tilespmem:v42+s20+$0x0] =	vst.idx.add.f32.msk $0xffff, v41  }
0xe9: {  	v42 =	vadd.s32 v15, v36;
	v41 =	vld [tilespmem:s0+$0x0]  }
0xea: {  	[tilespmem:v43+s20+$0x0] =	vst.idx.add.f32.msk $0xffff, v39  }
0xeb: {  	v43 =	vadd.s32 v15, v37;
	v39 =	vld [tilespmem:s1+$0x0]  }
0xec: {  	[tilespmem:v44+s20+$0x0] =	vst.idx.add.f32.msk $0xffff, v40  }
0xed: {  	s0 =	sor.u32 $0x3400, s29;
	v44 =	vadd.s32 v29, v35;
	v40 =	vld [tilespmem:s10+$0x0]  }
0xee: {  	s1 =	sor.u32 s28, s0;
	s0 =	sor.u32 s30, s0;
	[tilespmem:v42+s20+$0x0] =	vst.idx.add.f32.msk $0xffff, v41  }
0xef: {  	v42 =	vadd.s32 v16, v36;
	v41 =	vld [tilespmem:s0+$0x0]  }
0xf0: {  	[tilespmem:v43+s20+$0x0] =	vst.idx.add.f32.msk $0xffff, v39  }
0xf1: {  	v43 =	vadd.s32 v16, v37;
	v39 =	vld [tilespmem:s1+$0x0]  }
0xf2: {  	[tilespmem:v44+s20+$0x0] =	vst.idx.add.f32.msk $0xffff, v40  }
0xf3: {  	s0 =	sor.u32 $0x3800, s29;
	v44 =	vadd.s32 v30, v35;
	v40 =	vld [tilespmem:s11+$0x0]  }
0xf4: {  	s1 =	sor.u32 s28, s0;
	s0 =	sor.u32 s30, s0;
	[tilespmem:v42+s20+$0x0] =	vst.idx.add.f32.msk $0xffff, v41  }
0xf5: {  	v42 =	vadd.s32 v17, v36;
	v41 =	vld [tilespmem:s0+$0x0]  }
0xf6: {  	[tilespmem:v43+s20+$0x0] =	vst.idx.add.f32.msk $0xffff, v39  }
0xf7: {  	v43 =	vadd.s32 v17, v37;
	v39 =	vld [tilespmem:s1+$0x0]  }
0xf8: {  	[tilespmem:v44+s20+$0x0] =	vst.idx.add.f32.msk $0xffff, v40  }
0xf9: {  	s0 =	sor.u32 $0x3C00, s29;
	v44 =	vadd.s32 v31, v35;
	v40 =	vld [tilespmem:s12+$0x0]  }
0xfa: {  	s1 =	sor.u32 s28, s0;
	s0 =	sor.u32 s30, s0;
	[tilespmem:v42+s20+$0x0] =	vst.idx.add.f32.msk $0xffff, v41  }
0xfb: {  	v42 =	vadd.s32 v18, v36;
	v41 =	vld [tilespmem:s0+$0x0]  }
0xfc: {  	[tilespmem:v43+s20+$0x0] =	vst.idx.add.f32.msk $0xffff, v39  }
0xfd: {  	v43 =	vadd.s32 v18, v37;
	v39 =	vld [tilespmem:s1+$0x0]  }
0xfe: {  	[tilespmem:v44+s20+$0x0] =	vst.idx.add.f32.msk $0xffff, v40  }
0xff: {  	s0 =	sor.u32 $0x4000, s29;
	v44 =	vadd.s32 v32, v35;
	v40 =	vld [tilespmem:s13+$0x0]  }
0x100: {  	s1 =	sor.u32 s28, s0;
	s0 =	sor.u32 s30, s0;
	[tilespmem:v42+s20+$0x0] =	vst.idx.add.f32.msk $0xffff, v41  }
0x101: {  	v42 =	vadd.s32 v19, v36;
	v41 =	vld [tilespmem:s0+$0x0]  }
0x102: {  	[tilespmem:v43+s20+$0x0] =	vst.idx.add.f32.msk $0xffff, v39  }
0x103: {  	v43 =	vadd.s32 v19, v37;
	v39 =	vld [tilespmem:s1+$0x0]  }
0x104: {  	[tilespmem:v44+s20+$0x0] =	vst.idx.add.f32.msk $0xffff, v40  }
0x105: {  	s0 =	sor.u32 $0x4400, s29;
	v44 =	vadd.s32 v33, v35;
	v40 =	vld [tilespmem:s3+$0x0]  }
0x106: {  	s1 =	sor.u32 s28, s0;
	s0 =	sor.u32 s30, s0;
	[tilespmem:v42+s20+$0x0] =	vst.idx.add.f32.msk $0xffff, v41  }
0x107: {  	v42 =	vadd.s32 v20, v36;
	v41 =	vld [tilespmem:s0+$0x0]  }
0x108: {  	[tilespmem:v43+s20+$0x0] =	vst.idx.add.f32.msk $0xffff, v39  }
0x109: {  	v43 =	vadd.s32 v20, v37;
	v39 =	vld [tilespmem:s1+$0x0]  }
0x10a: {  	[tilespmem:v44+s20+$0x0] =	vst.idx.add.f32.msk $0xffff, v40  }
0x10b: {  	s0 =	sor.u32 $0x4800, s29;
	v44 =	vadd.s32 v34, v35;
	v35 =	vmov v37;
	v37 =	vshll.u32 v38, $0x4;
	v40 =	vld [tilespmem:s23+$0x0]  }
0x10c: {  	s1 =	sor.u32 s28, s0;
	s0 =	sor.u32 s30, s0;
	v38 =	vadd.s32 v2, v37;
	[tilespmem:v42+s20+$0x0] =	vst.idx.add.f32.msk $0xffff, v41  }
0x10d: {  	v42 =	vadd.s32 v21, v36;
	v41 =	vld [tilespmem:s0+$0x0]  }
0x10e: {  	[tilespmem:v43+s20+$0x0] =	vst.idx.add.f32.msk $0xffff, v39  }
0x10f: {  	v43 =	vadd.s32 v21, v35;
	v39 =	vld [tilespmem:s1+$0x0]  }
0x110: {  	[tilespmem:v44+s20+$0x0] =	vst.idx.add.f32.msk $0xffff, v40  }
0x111: {  	s0 =	sor.u32 $0x4C00, s29;
	[tilespmem:v38+s20+$0x0] =	vst.idx.add.f32.msk $0xffff, v3  }
0x112: {  	s3 =	sor.u32 s28, s0;
	s0 =	sor.u32 s30, s0;
	[tilespmem:v42+s20+$0x0] =	vst.idx.add.f32.msk $0xffff, v41  }
0x113: {  	s16 =	sadd.s32 $0x20, s16;
	v40 =	vadd.s32 v22, v36;
	v38 =	vld [tilespmem:s0+$0x0]  }
0x114: {  	s4 =	sadd.s32 $0x20, s4;
	s0 =	sand.u32 $0x60, s16;
	[tilespmem:v43+s20+$0x0] =	vst.idx.add.f32.msk $0xffff, v39  }
0x115: {  	s2 =	sadd.s32 $0x2, s2;
	s23 =	sand.u32 $0x380, s16;
	v46 =	vadd.s32 v22, v35;
	s1 =	sor.u32 $0x10, s0;
	v41 =	vld [tilespmem:s3+$0x0]  }
0x116: {  	p0 =	slt.u32 s2, $0x3E;
	s3 =	sor.u32 s23, s1;
	v44 =	vld [tilespmem:s4+$0x0]  }
.Ltmp3:
0x117: {  	s5 =	sor.u32 $0x5000, s29;
	v39 =	vld [tilespmem:s3+$0x10000];
	(pc) =	sbr.rel @p0 .LBB2_8-.Ltmp3, $4  }
0x118: {  	s6 =	sor.u32 s28, s5;
	s5 =	sor.u32 s30, s5;
	v45 =	vor.u32 v1, v37;
	[tilespmem:v40+s20+$0x0] =	vst.idx.add.f32.msk $0xffff, v38  }
0x119: {  	v43 =	vadd.s32 v23, v36;
	v42 =	vld [tilespmem:s5+$0x0]  }
0x11a: {  	[tilespmem:v46+s20+$0x0] =	vst.idx.add.f32.msk $0xffff, v41  }
0x11b: {  	s19 =	sadd.s32 $0x20, s19;
	v41 =	vadd.s32 v23, v35;
	v40 =	vld [tilespmem:s6+$0x0]  }
0x11c: {  	v38 =	vshll.u32 v39, $0x4  }
0x11d: {  	v39 =	vadd.s32 v2, v38;
	_ =	sdelay $0x4  }
0x11e: {  	[tilespmem:v39+s20+$0x0] =	vst.idx.add.f32.msk $0xffff, v3  }
0x11f: {  	s2 =	sor.u32 $0x400, s23;
	v46 =	vor.u32 v1, v38;
	v39 =	vld [tilespmem:s3+$0x0]  }
0x120: {  	[tilespmem:v45+s20+$0x0] =	vst.idx.add.f32.msk $0xffff, v44;
	s10 =	sor.u32 s1, s2;
	s2 =	sor.u32 s0, s2  }
0x121: {  	v59 =	vadd.s32 v4, v37;
	v44 =	vld [tilespmem:s2+$0x0];
	_ =	sdelay $0x2  }
0x122: {  	[tilespmem:v46+s20+$0x0] =	vst.idx.add.f32.msk $0xffff, v39  }
0x123: {  	s11 =	sor.u32 $0x800, s23;
	v58 =	vadd.s32 v4, v38;
	v39 =	vld [tilespmem:s10+$0x0]  }
0x124: {  	s2 =	sor.u32 s0, s11;
	[tilespmem:v59+s20+$0x0] =	vst.idx.add.f32.msk $0xffff, v44  }
0x125: {  	v61 =	vadd.s32 v5, v37;
	v44 =	vld [tilespmem:s2+$0x0];
	_ =	sdelay $0x2  }
0x126: {  	s12 =	sor.u32 s1, s11;
	[tilespmem:v58+s20+$0x0] =	vst.idx.add.f32.msk $0xffff, v39  }
0x127: {  	s13 =	sor.u32 $0xC00, s23;
	v60 =	vadd.s32 v5, v38;
	v39 =	vld [tilespmem:s12+$0x0]  }
0x128: {  	s2 =	sor.u32 s0, s13;
	[tilespmem:v61+s20+$0x0] =	vst.idx.add.f32.msk $0xffff, v44  }
0x129: {  	v63 =	vadd.s32 v6, v37;
	v44 =	vld [tilespmem:s2+$0x0];
	_ =	sdelay $0x2  }
0x12a: {  	s16 =	sor.u32 s1, s13;
	[tilespmem:v60+s20+$0x0] =	vst.idx.add.f32.msk $0xffff, v39  }
0x12b: {  	s19 =	sor.u32 $0x1000, s23;
	v62 =	vadd.s32 v6, v38;
	v39 =	vld [tilespmem:s16+$0x0]  }
0x12c: {  	s2 =	sor.u32 s0, s19;
	[tilespmem:v63+s20+$0x0] =	vst.idx.add.f32.msk $0xffff, v44  }
0x12d: {  	v49 =	vadd.s32 v7, v37;
	v44 =	vld [tilespmem:s2+$0x0];
	_ =	sdelay $0x2  }
0x12e: {  	s25 =	sor.u32 s1, s19;
	[tilespmem:v62+s20+$0x0] =	vst.idx.add.f32.msk $0xffff, v39  }
0x12f: {  	s31 =	sor.u32 $0x1400, s23;
	v48 =	vadd.s32 v7, v38;
	v39 =	vld [tilespmem:s25+$0x0]  }
0x130: {  	s2 =	sor.u32 s0, s31;
	[tilespmem:v49+s20+$0x0] =	vst.idx.add.f32.msk $0xffff, v44  }
0x131: {  	v51 =	vadd.s32 v8, v37;
	v44 =	vld [tilespmem:s2+$0x0];
	_ =	sdelay $0x2  }
0x132: {  	s4 =	sor.u32 s1, s31;
	[tilespmem:v48+s20+$0x0] =	vst.idx.add.f32.msk $0xffff, v39  }
0x133: {  	s5 =	sor.u32 $0x1800, s23;
	v50 =	vadd.s32 v8, v38;
	v39 =	vld [tilespmem:s4+$0x0]  }
0x134: {  	s2 =	sor.u32 s0, s5;
	[tilespmem:v51+s20+$0x0] =	vst.idx.add.f32.msk $0xffff, v44  }
0x135: {  	v53 =	vadd.s32 v9, v37;
	v44 =	vld [tilespmem:s2+$0x0];
	_ =	sdelay $0x2  }
0x136: {  	s6 =	sor.u32 s1, s5;
	[tilespmem:v50+s20+$0x0] =	vst.idx.add.f32.msk $0xffff, v39  }
0x137: {  	s8 =	sor.u32 $0x1C00, s23;
	v52 =	vadd.s32 v9, v38;
	v39 =	vld [tilespmem:s6+$0x0]  }
0x138: {  	s2 =	sor.u32 s0, s8;
	[tilespmem:v53+s20+$0x0] =	vst.idx.add.f32.msk $0xffff, v44  }
0x139: {  	v55 =	vadd.s32 v10, v37;
	v44 =	vld [tilespmem:s2+$0x0];
	_ =	sdelay $0x2  }
0x13a: {  	s10 =	sor.u32 s1, s8;
	[tilespmem:v52+s20+$0x0] =	vst.idx.add.f32.msk $0xffff, v39  }
0x13b: {  	v54 =	vadd.s32 v10, v38;
	s11 =	sor.u32 $0x2000, s23;
	v39 =	vld [tilespmem:s10+$0x0]  }
0x13c: {  	s2 =	sor.u32 s0, s11;
	[tilespmem:v55+s20+$0x0] =	vst.idx.add.f32.msk $0xffff, v44  }
0x13d: {  	v57 =	vadd.s32 v11, v37;
	v44 =	vld [tilespmem:s2+$0x0];
	_ =	sdelay $0x2  }
0x13e: {  	s12 =	sor.u32 s1, s11;
	[tilespmem:v54+s20+$0x0] =	vst.idx.add.f32.msk $0xffff, v39  }
0x13f: {  	v56 =	vadd.s32 v11, v38;
	s13 =	sor.u32 $0x2400, s23;
	v39 =	vld [tilespmem:s12+$0x0]  }
0x140: {  	s2 =	sor.u32 s0, s13;
	[tilespmem:v57+s20+$0x0] =	vst.idx.add.f32.msk $0xffff, v44  }
0x141: {  	v59 =	vadd.s32 v12, v37;
	v44 =	vld [tilespmem:s2+$0x0]  }
0x142: {  	[tilespmem:v43+s20+$0x0] =	vst.idx.add.f32.msk $0xffff, v42  }
0x143: {  	[tilespmem:v41+s20+$0x0] =	vst.idx.add.f32.msk $0xffff, v40  }
0x144: {  	s16 =	sor.u32 s1, s13;
	[tilespmem:v56+s20+$0x0] =	vst.idx.add.f32.msk $0xffff, v39  }
0x145: {  	v58 =	vadd.s32 v12, v38;
	s31 =	sor.u32 $0x2800, s23;
	v39 =	vld [tilespmem:s16+$0x0]  }
0x146: {  	s19 =	sor.u32 $0x5400, s29;
	s2 =	sor.u32 s0, s31;
	[tilespmem:v59+s20+$0x0] =	vst.idx.add.f32.msk $0xffff, v44  }
0x147: {  	v61 =	vadd.s32 v13, v37;
	s3 =	sor.u32 s28, s19;
	v44 =	vld [tilespmem:s2+$0x0]  }
0x148: {  	v41 =	vld [tilespmem:s3+$0x0];
	s25 =	sor.u32 s30, s19  }
0x149: {  	v62 =	vadd.s32 v24, v36;
	v42 =	vld [tilespmem:s25+$0x0]  }
0x14a: {  	s4 =	sor.u32 s1, s31;
	[tilespmem:v58+s20+$0x0] =	vst.idx.add.f32.msk $0xffff, v39  }
0x14b: {  	v60 =	vadd.s32 v13, v38;
	v39 =	vld [tilespmem:s4+$0x0];
	s4 =	sor.u32 $0x2C00, s23  }
0x14c: {  	[tilespmem:v61+s20+$0x0] =	vst.idx.add.f32.msk $0xffff, v44;
	s2 =	sor.u32 s0, s4  }
0x14d: {  	v48 =	vadd.s32 v14, v37;
	s6 =	sor.u32 $0x5800, s29;
	v44 =	vld [tilespmem:s2+$0x0]  }
0x14e: {  	[tilespmem:v62+s20+$0x0] =	vst.idx.add.f32.msk $0xffff, v42;
	s8 =	sor.u32 s30, s6  }
0x14f: {  	v49 =	vadd.s32 v24, v35;
	v42 =	vld [tilespmem:s8+$0x0]  }
0x150: {  	v52 =	vadd.s32 v25, v36;
	s5 =	sor.u32 s1, s4;
	[tilespmem:v60+s20+$0x0] =	vst.idx.add.f32.msk $0xffff, v39  }
0x151: {  	v63 =	vadd.s32 v14, v38;
	s10 =	sor.u32 $0x3000, s23;
	v39 =	vld [tilespmem:s5+$0x0]  }
0x152: {  	s2 =	sor.u32 s0, s10;
	[tilespmem:v48+s20+$0x0] =	vst.idx.add.f32.msk $0xffff, v44  }
0x153: {  	v51 =	vadd.s32 v15, v37;
	v44 =	vld [tilespmem:s2+$0x0]  }
0x154: {  	[tilespmem:v49+s20+$0x0] =	vst.idx.add.f32.msk $0xffff, v41  }
0x155: {  	[tilespmem:v52+s20+$0x0] =	vst.idx.add.f32.msk $0xffff, v42  }
0x156: {  	s11 =	sor.u32 s1, s10;
	[tilespmem:v63+s20+$0x0] =	vst.idx.add.f32.msk $0xffff, v39  }
0x157: {  	v50 =	vadd.s32 v15, v38;
	s13 =	sor.u32 $0x3400, s23;
	v39 =	vld [tilespmem:s11+$0x0]  }
0x158: {  	s19 =	sor.u32 s0, s13;
	[tilespmem:v51+s20+$0x0] =	vst.idx.add.f32.msk $0xffff, v44  }
0x159: {  	v54 =	vadd.s32 v16, v37;
	s12 =	sor.u32 s28, s6;
	s2 =	sor.u32 $0x5C00, s29;
	v44 =	vld [tilespmem:s19+$0x0]  }
0x15a: {  	v41 =	vld [tilespmem:s12+$0x0];
	s25 =	sor.u32 s30, s2  }
0x15b: {  	v55 =	vadd.s32 v26, v36;
	v40 =	vld [tilespmem:s25+$0x0]  }
0x15c: {  	s16 =	sor.u32 s1, s13;
	[tilespmem:v50+s20+$0x0] =	vst.idx.add.f32.msk $0xffff, v39  }
0x15d: {  	v53 =	vadd.s32 v16, v38;
	s31 =	sor.u32 $0x3800, s23;
	v39 =	vld [tilespmem:s16+$0x0]  }
0x15e: {  	s6 =	sor.u32 s0, s31;
	[tilespmem:v54+s20+$0x0] =	vst.idx.add.f32.msk $0xffff, v44  }
0x15f: {  	s3 =	sor.u32 $0x6000, s29;
	v57 =	vadd.s32 v17, v37;
	v44 =	vld [tilespmem:s6+$0x0]  }
0x160: {  	s8 =	sor.u32 s30, s3;
	[tilespmem:v55+s20+$0x0] =	vst.idx.add.f32.msk $0xffff, v40  }
0x161: {  	v58 =	vadd.s32 v27, v36;
	v40 =	vld [tilespmem:s8+$0x0]  }
0x162: {  	s5 =	sor.u32 s1, s31;
	[tilespmem:v53+s20+$0x0] =	vst.idx.add.f32.msk $0xffff, v39  }
0x163: {  	v56 =	vadd.s32 v17, v38;
	s10 =	sor.u32 $0x3C00, s23;
	v39 =	vld [tilespmem:s5+$0x0]  }
0x164: {  	s11 =	sor.u32 s0, s10;
	[tilespmem:v57+s20+$0x0] =	vst.idx.add.f32.msk $0xffff, v44  }
0x165: {  	s4 =	sor.u32 $0x6400, s29;
	v60 =	vadd.s32 v18, v37;
	v44 =	vld [tilespmem:s11+$0x0]  }
0x166: {  	s12 =	sor.u32 s30, s4;
	[tilespmem:v58+s20+$0x0] =	vst.idx.add.f32.msk $0xffff, v40  }
0x167: {  	v40 =	vld [tilespmem:s12+$0x0]  }
0x168: {  	v61 =	vadd.s32 v28, v36;
	s5 =	sor.u32 s1, s10;
	[tilespmem:v56+s20+$0x0] =	vst.idx.add.f32.msk $0xffff, v39  }
0x169: {  	v59 =	vadd.s32 v18, v38;
	s13 =	sor.u32 $0x4000, s23;
	v39 =	vld [tilespmem:s5+$0x0]  }
0x16a: {  	s5 =	sor.u32 s0, s13;
	[tilespmem:v60+s20+$0x0] =	vst.idx.add.f32.msk $0xffff, v44  }
0x16b: {  	v63 =	vadd.s32 v19, v37;
	v44 =	vld [tilespmem:s5+$0x0];
	_ =	sdelay $0x1  }
0x16c: {  	[tilespmem:v61+s20+$0x0] =	vst.idx.add.f32.msk $0xffff, v40  }
0x16d: {  	s6 =	sor.u32 s1, s13;
	[tilespmem:v59+s20+$0x0] =	vst.idx.add.f32.msk $0xffff, v39  }
0x16e: {  	v62 =	vadd.s32 v19, v38;
	v39 =	vld [tilespmem:s6+$0x0];
	s6 =	sor.u32 $0x6800, s29  }
0x16f: {  	s19 =	sor.u32 $0x4400, s23;
	s16 =	sor.u32 s30, s6;
	[tilespmem:v63+s20+$0x0] =	vst.idx.add.f32.msk $0xffff, v44  }
0x170: {  	v48 =	vadd.s32 v29, v36;
	s5 =	sor.u32 s0, s19;
	v40 =	vld [tilespmem:s16+$0x0]  }
0x171: {  	v50 =	vadd.s32 v20, v37;
	v44 =	vld [tilespmem:s5+$0x0];
	_ =	sdelay $0x1  }
0x172: {  	s8 =	sor.u32 s1, s19;
	[tilespmem:v62+s20+$0x0] =	vst.idx.add.f32.msk $0xffff, v39  }
0x173: {  	v39 =	vld [tilespmem:s8+$0x0]  }
0x174: {  	v49 =	vadd.s32 v20, v38;
	s8 =	sor.u32 $0x6C00, s29;
	[tilespmem:v48+s20+$0x0] =	vst.idx.add.f32.msk $0xffff, v40  }
0x175: {  	s31 =	sor.u32 $0x4800, s23;
	s25 =	sor.u32 s30, s8;
	[tilespmem:v50+s20+$0x0] =	vst.idx.add.f32.msk $0xffff, v44  }
0x176: {  	v51 =	vadd.s32 v30, v36;
	s5 =	sor.u32 s0, s31;
	v40 =	vld [tilespmem:s25+$0x0]  }
0x177: {  	v53 =	vadd.s32 v21, v37;
	v44 =	vld [tilespmem:s5+$0x0];
	_ =	sdelay $0x1  }
0x178: {  	s10 =	sor.u32 s1, s31;
	[tilespmem:v49+s20+$0x0] =	vst.idx.add.f32.msk $0xffff, v39  }
0x179: {  	v52 =	vadd.s32 v21, v38;
	v39 =	vld [tilespmem:s10+$0x0]  }
0x17a: {  	s10 =	sor.u32 $0x7000, s29;
	[tilespmem:v51+s20+$0x0] =	vst.idx.add.f32.msk $0xffff, v40  }
0x17b: {  	s12 =	sor.u32 $0x4C00, s23;
	v60 =	vadd.s32 v25, v35;
	s11 =	sor.u32 s30, s10;
	[tilespmem:v53+s20+$0x0] =	vst.idx.add.f32.msk $0xffff, v44  }
0x17c: {  	s5 =	sor.u32 s0, s12;
	v40 =	vld [tilespmem:s11+$0x0]  }
0x17d: {  	v56 =	vadd.s32 v22, v37;
	v44 =	vld [tilespmem:s5+$0x0]  }
0x17e: {  	s11 =	sor.u32 s1, s12;
	[tilespmem:v52+s20+$0x0] =	vst.idx.add.f32.msk $0xffff, v39  }
0x17f: {  	v55 =	vadd.s32 v22, v38;
	v39 =	vld [tilespmem:s11+$0x0]  }
0x180: {  	s2 =	sor.u32 s28, s2;
	[tilespmem:v60+s20+$0x0] =	vst.idx.add.f32.msk $0xffff, v41  }
0x181: {  	v54 =	vadd.s32 v31, v36;
	s16 =	sor.u32 $0x5000, s23;
	v51 =	vld [tilespmem:s2+$0x0]  }
0x182: {  	s5 =	sor.u32 s0, s16;
	[tilespmem:v56+s20+$0x0] =	vst.idx.add.f32.msk $0xffff, v44  }
0x183: {  	v59 =	vadd.s32 v23, v37;
	v44 =	vld [tilespmem:s5+$0x0]  }
0x184: {  	s12 =	sor.u32 s1, s16;
	[tilespmem:v55+s20+$0x0] =	vst.idx.add.f32.msk $0xffff, v39  }
0x185: {  	v58 =	vadd.s32 v23, v38;
	s11 =	sor.u32 $0x7400, s29;
	v39 =	vld [tilespmem:s12+$0x0]  }
0x186: {  	[tilespmem:v54+s20+$0x0] =	vst.idx.add.f32.msk $0xffff, v40;
	s13 =	sor.u32 s30, s11  }
0x187: {  	s25 =	sor.u32 $0x5400, s23;
	v52 =	vadd.s32 v26, v35;
	v40 =	vld [tilespmem:s13+$0x0]  }
0x188: {  	v57 =	vadd.s32 v32, v36;
	s5 =	sor.u32 s0, s25;
	[tilespmem:v59+s20+$0x0] =	vst.idx.add.f32.msk $0xffff, v44  }
0x189: {  	v63 =	vadd.s32 v24, v37;
	v44 =	vld [tilespmem:s5+$0x0]  }
0x18a: {  	s13 =	sor.u32 s1, s25;
	[tilespmem:v58+s20+$0x0] =	vst.idx.add.f32.msk $0xffff, v39  }
0x18b: {  	v62 =	vadd.s32 v24, v38;
	v39 =	vld [tilespmem:s13+$0x0]  }
0x18c: {  	[tilespmem:v52+s20+$0x0] =	vst.idx.add.f32.msk $0xffff, v51  }
0x18d: {  	s31 =	sor.u32 $0x5800, s23;
	[tilespmem:v57+s20+$0x0] =	vst.idx.add.f32.msk $0xffff, v40  }
0x18e: {  	s5 =	sor.u32 s0, s31;
	[tilespmem:v63+s20+$0x0] =	vst.idx.add.f32.msk $0xffff, v44  }
0x18f: {  	v50 =	vadd.s32 v25, v37;
	v49 =	vld [tilespmem:s5+$0x0]  }
0x190: {  	s16 =	sor.u32 s1, s31;
	s12 =	sor.u32 $0x7800, s29;
	[tilespmem:v62+s20+$0x0] =	vst.idx.add.f32.msk $0xffff, v39  }
0x191: {  	v48 =	vadd.s32 v25, v38;
	s19 =	sor.u32 s30, s12;
	v39 =	vld [tilespmem:s16+$0x0]  }
0x192: {  	v42 =	vld [tilespmem:s19+$0x0];
	s13 =	sor.u32 $0x7C00, s29;
	s29 =	sor.u32 s28, s3  }
0x193: {  	v61 =	vadd.s32 v33, v36;
	s19 =	sor.u32 $0x5C00, s23;
	v44 =	vld [tilespmem:s29+$0x0]  }
0x194: {  	v55 =	vadd.s32 v27, v35;
	s2 =	sor.u32 s0, s19;
	[tilespmem:v50+s20+$0x0] =	vst.idx.add.f32.msk $0xffff, v49  }
0x195: {  	v54 =	vadd.s32 v26, v37;
	v41 =	vld [tilespmem:s2+$0x0]  }
0x196: {  	s25 =	sor.u32 s1, s19;
	[tilespmem:v48+s20+$0x0] =	vst.idx.add.f32.msk $0xffff, v39  }
0x197: {  	v53 =	vadd.s32 v26, v38;
	v39 =	vld [tilespmem:s25+$0x0]  }
0x198: {  	[tilespmem:v61+s20+$0x0] =	vst.idx.add.f32.msk $0xffff, v42  }
0x199: {  	s16 =	sor.u32 s30, s13;
	s30 =	sor.u32 $0x6000, s23;
	[tilespmem:v55+s20+$0x0] =	vst.idx.add.f32.msk $0xffff, v44  }
0x19a: {  	s2 =	sor.u32 s0, s30;
	[tilespmem:v54+s20+$0x0] =	vst.idx.add.f32.msk $0xffff, v41  }
0x19b: {  	v57 =	vadd.s32 v27, v37;
	v41 =	vld [tilespmem:s2+$0x0]  }
0x19c: {  	s31 =	sor.u32 s1, s30;
	[tilespmem:v53+s20+$0x0] =	vst.idx.add.f32.msk $0xffff, v39  }
0x19d: {  	v56 =	vadd.s32 v27, v38;
	v39 =	vld [tilespmem:s31+$0x0]  }
0x19e: {  	s3 =	sor.u32 s28, s4;
	v43 =	vld [tilespmem:s16+$0x0]  }
0x19f: {  	v58 =	vadd.s32 v28, v35;
	s4 =	sor.u32 $0x6400, s23;
	v44 =	vld [tilespmem:s3+$0x0]  }
0x1a0: {  	s2 =	sor.u32 s0, s4;
	[tilespmem:v57+s20+$0x0] =	vst.idx.add.f32.msk $0xffff, v41  }
0x1a1: {  	v60 =	vadd.s32 v28, v37;
	v41 =	vld [tilespmem:s2+$0x0]  }
0x1a2: {  	s5 =	sor.u32 s1, s4;
	[tilespmem:v56+s20+$0x0] =	vst.idx.add.f32.msk $0xffff, v39  }
0x1a3: {  	v59 =	vadd.s32 v28, v38;
	v39 =	vld [tilespmem:s5+$0x0]  }
0x1a4: {  	s16 =	sor.u32 s28, s6;
	[tilespmem:v58+s20+$0x0] =	vst.idx.add.f32.msk $0xffff, v44  }
0x1a5: {  	s19 =	sor.u32 $0x6800, s23;
	v61 =	vadd.s32 v29, v35;
	v44 =	vld [tilespmem:s16+$0x0]  }
0x1a6: {  	s2 =	sor.u32 s0, s19;
	[tilespmem:v60+s20+$0x0] =	vst.idx.add.f32.msk $0xffff, v41  }
0x1a7: {  	v63 =	vadd.s32 v29, v37;
	v41 =	vld [tilespmem:s2+$0x0]  }
0x1a8: {  	s25 =	sor.u32 s1, s19;
	[tilespmem:v59+s20+$0x0] =	vst.idx.add.f32.msk $0xffff, v39  }
0x1a9: {  	v62 =	vadd.s32 v29, v38;
	v39 =	vld [tilespmem:s25+$0x0]  }
0x1aa: {  	s29 =	sor.u32 s28, s8;
	[tilespmem:v61+s20+$0x0] =	vst.idx.add.f32.msk $0xffff, v44  }
0x1ab: {  	s30 =	sor.u32 $0x6C00, s23;
	v48 =	vadd.s32 v30, v35;
	v44 =	vld [tilespmem:s29+$0x0]  }
0x1ac: {  	s2 =	sor.u32 s0, s30;
	[tilespmem:v63+s20+$0x0] =	vst.idx.add.f32.msk $0xffff, v41  }
0x1ad: {  	v50 =	vadd.s32 v30, v37;
	v41 =	vld [tilespmem:s2+$0x0]  }
0x1ae: {  	s31 =	sor.u32 s1, s30;
	[tilespmem:v62+s20+$0x0] =	vst.idx.add.f32.msk $0xffff, v39  }
0x1af: {  	v49 =	vadd.s32 v30, v38;
	v39 =	vld [tilespmem:s31+$0x0]  }
0x1b0: {  	s4 =	sor.u32 s28, s10;
	[tilespmem:v48+s20+$0x0] =	vst.idx.add.f32.msk $0xffff, v44  }
0x1b1: {  	v51 =	vadd.s32 v31, v35;
	s5 =	sor.u32 $0x7000, s23;
	v44 =	vld [tilespmem:s4+$0x0]  }
0x1b2: {  	s2 =	sor.u32 s0, s5;
	[tilespmem:v50+s20+$0x0] =	vst.idx.add.f32.msk $0xffff, v41  }
0x1b3: {  	v53 =	vadd.s32 v31, v37;
	v41 =	vld [tilespmem:s2+$0x0]  }
0x1b4: {  	s6 =	sor.u32 s1, s5;
	[tilespmem:v49+s20+$0x0] =	vst.idx.add.f32.msk $0xffff, v39  }
0x1b5: {  	v52 =	vadd.s32 v31, v38;
	v39 =	vld [tilespmem:s6+$0x0]  }
0x1b6: {  	s8 =	sor.u32 s28, s11;
	[tilespmem:v51+s20+$0x0] =	vst.idx.add.f32.msk $0xffff, v44  }
0x1b7: {  	v54 =	vadd.s32 v32, v35;
	s10 =	sor.u32 $0x7400, s23;
	v44 =	vld [tilespmem:s8+$0x0]  }
0x1b8: {  	s2 =	sor.u32 s0, s10;
	[tilespmem:v53+s20+$0x0] =	vst.idx.add.f32.msk $0xffff, v41  }
0x1b9: {  	v56 =	vadd.s32 v32, v37;
	v41 =	vld [tilespmem:s2+$0x0]  }
0x1ba: {  	s11 =	sor.u32 s1, s10;
	[tilespmem:v52+s20+$0x0] =	vst.idx.add.f32.msk $0xffff, v39  }
0x1bb: {  	v55 =	vadd.s32 v32, v38;
	v39 =	vld [tilespmem:s11+$0x0]  }
0x1bc: {  	s16 =	sor.u32 s28, s12;
	[tilespmem:v54+s20+$0x0] =	vst.idx.add.f32.msk $0xffff, v44  }
0x1bd: {  	v57 =	vadd.s32 v33, v35;
	s19 =	sor.u32 $0x7800, s23;
	v44 =	vld [tilespmem:s16+$0x0]  }
0x1be: {  	s2 =	sor.u32 s0, s19;
	[tilespmem:v56+s20+$0x0] =	vst.idx.add.f32.msk $0xffff, v41  }
0x1bf: {  	v59 =	vadd.s32 v33, v37;
	v41 =	vld [tilespmem:s2+$0x0]  }
0x1c0: {  	s25 =	sor.u32 s1, s19;
	[tilespmem:v55+s20+$0x0] =	vst.idx.add.f32.msk $0xffff, v39  }
0x1c1: {  	v58 =	vadd.s32 v33, v38;
	v39 =	vld [tilespmem:s25+$0x0]  }
0x1c2: {  	s28 =	sor.u32 s28, s13;
	[tilespmem:v57+s20+$0x0] =	vst.idx.add.f32.msk $0xffff, v44  }
0x1c3: {  	s29 =	sor.u32 $0x7C00, s23;
	v44 =	vld [tilespmem:s28+$0x0]  }
0x1c4: {  	v60 =	vadd.s32 v34, v36;
	s31 =	sor.u32 s0, s29;
	[tilespmem:v59+s20+$0x0] =	vst.idx.add.f32.msk $0xffff, v41  }
0x1c5: {  	v61 =	vadd.s32 v34, v35;
	v62 =	vld [tilespmem:s31+$0x0]  }
0x1c6: {  	s30 =	sor.u32 s1, s29;
	v63 =	vadd.s32 v34, v37;
	[tilespmem:v58+s20+$0x0] =	vst.idx.add.f32.msk $0xffff, v39  }
0x1c7: {  	v38 =	vadd.s32 v34, v38;
	v39 =	vld [tilespmem:s30+$0x0];
	_ =	sdelay $0x1  }
0x1c8: {  	[tilespmem:v60+s20+$0x0] =	vst.idx.add.f32.msk $0xffff, v43  }
0x1c9: {  	[tilespmem:v61+s20+$0x0] =	vst.idx.add.f32.msk $0xffff, v44  }
0x1ca: {  	[tilespmem:v63+s20+$0x0] =	vst.idx.add.f32.msk $0xffff, v62  }
0x1cb: {  	[tilespmem:v38+s20+$0x0] =	vst.idx.add.f32.msk $0xffff, v39  }
0x1cc: {  	_ =	swait.ge [sflag:s21], $0x8000  }
0x1cd: {  	[sflag:s21] =	ssyncset.done $0x0  }
0x1ce: {  	[sflag:s21] =	ssyncadd.s32 $0xFFFF8000  }
0x1cf: {  	_ =	swait.ge [sflag:s22], $0x400  }
0x1d0: {  	s3 =	simm.s32 $0x0;
	[sflag:s22] =	ssyncset.done $0x0;
	s2 =	rddreg [dreg:$0x8]  }
0x1d1: {  	s0 =	simm.s32 $0x1000;
	[sflag:s22] =	ssyncadd.s32 $0xFFFFFC00;
	s1 =	sadd.s32 $0x10000, s2  }
.LBB2_10:
0x1d2: {  	[tilespmem:s3], [sflag:$0x1] =	stream.strided.gather [hbm4b:s2+s14], $0x400, s15, s14, $0x38;
	[tilespmem:$0x13980] =	vst v63  }
0x1d3: {  	s3 =	smov.u32 s0;
	s2 =	smov.u32 s1;
	p0 =	sne.s32 s0, $0x1F000  }
.Ltmp4:
0x1d4: {  	s0 =	sadd.s32 $0x1000, s0;
	(pc) =	sbr.rel @p0 .LBB2_10-.Ltmp4, $2  }
0x1d5: {  	_ =	sdelay $0x2  }
0x1d6: {  	s1 =	sadd.s32 $0x10000, s1;
	s3 =	sshra.s32 s3, $0x2  }
0x1d7: {  	[tilespmem:s3], [sflag:$0x1] =	stream.strided.gather [hbm4b:s2+s14], $0x400, s15, s14, $0x38;
	[tilespmem:$0x13980] =	vst v63  }
0x1d8: {  	s0 =	rddreg [dreg:$0x9]  }
0x1d9: {  	[tilespmem:s7], [sflag:$0x3] =	stream.strided.gather [hbm4b:s0+s14], $0x400, s15, s14, $0x38;
	[tilespmem:$0x13980] =	vst v63  }
0x1da: {  	s7 =	simm.s32 $0x0  }
0x1db: {  	s28 =	sand.u32 $0x60, s7  }
0x1dc: {  	s29 =	sand.u32 $0x380, s7;
	s30 =	sor.u32 $0x10, s28  }
0x1dd: {  	s0 =	sor.u32 s29, s30  }
0x1de: {  	s1 =	simm.s32 $0x10400;
	v35 =	vld [tilespmem:s0+$0x10400]  }
0x1df: {  	v37 =	vld [tilespmem:s1+$0x0];
	_ =	sdelay $0x3  }
0x1e0: {  	v36 =	vshll.u32 v35, $0x4  }
0x1e1: {  	v35 =	vshll.u32 v37, $0x4;
	v38 =	vadd.s32 v2, v36  }
0x1e2: {  	v37 =	vadd.s32 v2, v35;
	_ =	sdelay $0x3  }
0x1e3: {  	[tilespmem:v38+s20+$0x0] =	vst.idx.add.f32.msk $0xffff, v3  }
0x1e4: {  	[tilespmem:v37+s20+$0x0] =	vst.idx.add.f32.msk $0xffff, v3  }
0x1e5: {  	s8 =	simm.s32 $0x8000;
	v39 =	vor.u32 v1, v36;
	v38 =	vld [tilespmem:s0+$0x8000]  }
0x1e6: {  	v40 =	vor.u32 v1, v35;
	v37 =	vld [tilespmem:s8+$0x0];
	_ =	sdelay $0x3  }
0x1e7: {  	s10 =	sor.u32 $0x8400, s29;
	[tilespmem:v39+s20+$0x0] =	vst.idx.add.f32.msk $0xffff, v38  }
0x1e8: {  	s11 =	sor.u32 s30, s10;
	[tilespmem:v40+s20+$0x0] =	vst.idx.add.f32.msk $0xffff, v37  }
0x1e9: {  	v48 =	vadd.s32 v4, v36;
	s0 =	sor.u32 s28, s10;
	v38 =	vld [tilespmem:s11+$0x0]  }
0x1ea: {  	v49 =	vadd.s32 v4, v35;
	v37 =	vld [tilespmem:s0+$0x0];
	_ =	sdelay $0x3  }
0x1eb: {  	s12 =	sor.u32 $0x8800, s29;
	[tilespmem:v48+s20+$0x0] =	vst.idx.add.f32.msk $0xffff, v38  }
0x1ec: {  	s13 =	sor.u32 s30, s12;
	[tilespmem:v49+s20+$0x0] =	vst.idx.add.f32.msk $0xffff, v37  }
0x1ed: {  	v50 =	vadd.s32 v5, v36;
	s0 =	sor.u32 s28, s12;
	v38 =	vld [tilespmem:s13+$0x0]  }
0x1ee: {  	v51 =	vadd.s32 v5, v35;
	v37 =	vld [tilespmem:s0+$0x0];
	_ =	sdelay $0x3  }
0x1ef: {  	s16 =	sor.u32 $0x8C00, s29;
	[tilespmem:v50+s20+$0x0] =	vst.idx.add.f32.msk $0xffff, v38  }
0x1f0: {  	s19 =	sor.u32 s30, s16;
	[tilespmem:v51+s20+$0x0] =	vst.idx.add.f32.msk $0xffff, v37  }
0x1f1: {  	v52 =	vadd.s32 v6, v36;
	s0 =	sor.u32 s28, s16;
	v38 =	vld [tilespmem:s19+$0x0]  }
0x1f2: {  	v53 =	vadd.s32 v6, v35;
	v37 =	vld [tilespmem:s0+$0x0];
	_ =	sdelay $0x3  }
0x1f3: {  	s23 =	sor.u32 $0x9000, s29;
	[tilespmem:v52+s20+$0x0] =	vst.idx.add.f32.msk $0xffff, v38  }
0x1f4: {  	s25 =	sor.u32 s30, s23;
	[tilespmem:v53+s20+$0x0] =	vst.idx.add.f32.msk $0xffff, v37  }
0x1f5: {  	v54 =	vadd.s32 v7, v36;
	s0 =	sor.u32 s28, s23;
	v38 =	vld [tilespmem:s25+$0x0]  }
0x1f6: {  	v55 =	vadd.s32 v7, v35;
	v37 =	vld [tilespmem:s0+$0x0];
	_ =	sdelay $0x3  }
0x1f7: {  	s31 =	sor.u32 $0x9400, s29;
	[tilespmem:v54+s20+$0x0] =	vst.idx.add.f32.msk $0xffff, v38  }
0x1f8: {  	s2 =	sor.u32 s30, s31;
	[tilespmem:v55+s20+$0x0] =	vst.idx.add.f32.msk $0xffff, v37  }
0x1f9: {  	v56 =	vadd.s32 v8, v36;
	s0 =	sor.u32 s28, s31;
	v38 =	vld [tilespmem:s2+$0x0]  }
0x1fa: {  	v57 =	vadd.s32 v8, v35;
	v37 =	vld [tilespmem:s0+$0x0];
	_ =	sdelay $0x3  }
0x1fb: {  	s3 =	sor.u32 $0x9800, s29;
	[tilespmem:v56+s20+$0x0] =	vst.idx.add.f32.msk $0xffff, v38  }
0x1fc: {  	s4 =	sor.u32 s30, s3;
	[tilespmem:v57+s20+$0x0] =	vst.idx.add.f32.msk $0xffff, v37  }
0x1fd: {  	v58 =	vadd.s32 v9, v36;
	s0 =	sor.u32 s28, s3;
	v38 =	vld [tilespmem:s4+$0x0]  }
0x1fe: {  	v59 =	vadd.s32 v9, v35;
	v37 =	vld [tilespmem:s0+$0x0];
	_ =	sdelay $0x3  }
0x1ff: {  	s5 =	sor.u32 $0x9C00, s29;
	[tilespmem:v58+s20+$0x0] =	vst.idx.add.f32.msk $0xffff, v38  }
0x200: {  	s6 =	sor.u32 s30, s5;
	[tilespmem:v59+s20+$0x0] =	vst.idx.add.f32.msk $0xffff, v37  }
0x201: {  	v60 =	vadd.s32 v10, v36;
	s0 =	sor.u32 s28, s5;
	v38 =	vld [tilespmem:s6+$0x0]  }
0x202: {  	v61 =	vadd.s32 v10, v35;
	v37 =	vld [tilespmem:s0+$0x0];
	_ =	sdelay $0x3  }
0x203: {  	s7 =	sor.u32 $0xA000, s29;
	[tilespmem:v60+s20+$0x0] =	vst.idx.add.f32.msk $0xffff, v38  }
0x204: {  	s8 =	sor.u32 s30, s7;
	[tilespmem:v61+s20+$0x0] =	vst.idx.add.f32.msk $0xffff, v37  }
0x205: {  	v62 =	vadd.s32 v11, v36;
	s0 =	sor.u32 s28, s7;
	v38 =	vld [tilespmem:s8+$0x0]  }
0x206: {  	v63 =	vadd.s32 v11, v35;
	v37 =	vld [tilespmem:s0+$0x0];
	_ =	sdelay $0x3  }
0x207: {  	s10 =	sor.u32 $0xA400, s29;
	[tilespmem:v62+s20+$0x0] =	vst.idx.add.f32.msk $0xffff, v38  }
0x208: {  	s11 =	sor.u32 s30, s10;
	[tilespmem:v63+s20+$0x0] =	vst.idx.add.f32.msk $0xffff, v37  }
0x209: {  	v44 =	vadd.s32 v12, v36;
	s0 =	sor.u32 s28, s10;
	v38 =	vld [tilespmem:s11+$0x0]  }
0x20a: {  	v45 =	vadd.s32 v12, v35;
	v37 =	vld [tilespmem:s0+$0x0];
	_ =	sdelay $0x3  }
0x20b: {  	s12 =	sor.u32 $0xA800, s29;
	[tilespmem:v44+s20+$0x0] =	vst.idx.add.f32.msk $0xffff, v38  }
0x20c: {  	s13 =	sor.u32 s30, s12;
	[tilespmem:v45+s20+$0x0] =	vst.idx.add.f32.msk $0xffff, v37  }
0x20d: {  	v46 =	vadd.s32 v13, v36;
	s0 =	sor.u32 s28, s12;
	v38 =	vld [tilespmem:s13+$0x0]  }
0x20e: {  	v47 =	vadd.s32 v13, v35;
	v37 =	vld [tilespmem:s0+$0x0];
	_ =	sdelay $0x3  }
0x20f: {  	s16 =	sor.u32 $0xAC00, s29;
	[tilespmem:v46+s20+$0x0] =	vst.idx.add.f32.msk $0xffff, v38  }
0x210: {  	s19 =	sor.u32 s30, s16;
	[tilespmem:v47+s20+$0x0] =	vst.idx.add.f32.msk $0xffff, v37  }
0x211: {  	v48 =	vadd.s32 v14, v36;
	s0 =	sor.u32 s28, s16;
	v38 =	vld [tilespmem:s19+$0x0]  }
0x212: {  	v49 =	vadd.s32 v14, v35;
	v37 =	vld [tilespmem:s0+$0x0];
	_ =	sdelay $0x3  }
0x213: {  	s23 =	sor.u32 $0xB000, s29;
	[tilespmem:v48+s20+$0x0] =	vst.idx.add.f32.msk $0xffff, v38  }
0x214: {  	s25 =	sor.u32 s30, s23;
	[tilespmem:v49+s20+$0x0] =	vst.idx.add.f32.msk $0xffff, v37  }
0x215: {  	v50 =	vadd.s32 v15, v36;
	s0 =	sor.u32 s28, s23;
	v38 =	vld [tilespmem:s25+$0x0]  }
0x216: {  	v51 =	vadd.s32 v15, v35;
	v37 =	vld [tilespmem:s0+$0x0];
	_ =	sdelay $0x3  }
0x217: {  	s31 =	sor.u32 $0xB400, s29;
	[tilespmem:v50+s20+$0x0] =	vst.idx.add.f32.msk $0xffff, v38  }
0x218: {  	s2 =	sor.u32 s30, s31;
	[tilespmem:v51+s20+$0x0] =	vst.idx.add.f32.msk $0xffff, v37  }
0x219: {  	v52 =	vadd.s32 v16, v36;
	s0 =	sor.u32 s28, s31;
	v38 =	vld [tilespmem:s2+$0x0]  }
0x21a: {  	v53 =	vadd.s32 v16, v35;
	v37 =	vld [tilespmem:s0+$0x0];
	_ =	sdelay $0x3  }
0x21b: {  	s3 =	sor.u32 $0xB800, s29;
	[tilespmem:v52+s20+$0x0] =	vst.idx.add.f32.msk $0xffff, v38  }
0x21c: {  	s4 =	sor.u32 s30, s3;
	[tilespmem:v53+s20+$0x0] =	vst.idx.add.f32.msk $0xffff, v37  }
0x21d: {  	v54 =	vadd.s32 v17, v36;
	s0 =	sor.u32 s28, s3;
	v38 =	vld [tilespmem:s4+$0x0]  }
0x21e: {  	v55 =	vadd.s32 v17, v35;
	v37 =	vld [tilespmem:s0+$0x0];
	_ =	sdelay $0x3  }
0x21f: {  	s5 =	sor.u32 $0xBC00, s29;
	[tilespmem:v54+s20+$0x0] =	vst.idx.add.f32.msk $0xffff, v38  }
0x220: {  	s6 =	sor.u32 s30, s5;
	[tilespmem:v55+s20+$0x0] =	vst.idx.add.f32.msk $0xffff, v37  }
0x221: {  	v56 =	vadd.s32 v18, v36;
	s0 =	sor.u32 s28, s5;
	v38 =	vld [tilespmem:s6+$0x0]  }
0x222: {  	v57 =	vadd.s32 v18, v35;
	v37 =	vld [tilespmem:s0+$0x0];
	_ =	sdelay $0x3  }
0x223: {  	s7 =	sor.u32 $0xC000, s29;
	[tilespmem:v56+s20+$0x0] =	vst.idx.add.f32.msk $0xffff, v38  }
0x224: {  	s8 =	sor.u32 s30, s7;
	[tilespmem:v57+s20+$0x0] =	vst.idx.add.f32.msk $0xffff, v37  }
0x225: {  	v58 =	vadd.s32 v19, v36;
	s0 =	sor.u32 s28, s7;
	v38 =	vld [tilespmem:s8+$0x0]  }
0x226: {  	v59 =	vadd.s32 v19, v35;
	v37 =	vld [tilespmem:s0+$0x0];
	_ =	sdelay $0x3  }
0x227: {  	s11 =	sor.u32 $0xC400, s29;
	[tilespmem:v58+s20+$0x0] =	vst.idx.add.f32.msk $0xffff, v38  }
0x228: {  	s12 =	sor.u32 s30, s11;
	[tilespmem:v59+s20+$0x0] =	vst.idx.add.f32.msk $0xffff, v37  }
0x229: {  	v60 =	vadd.s32 v20, v36;
	s0 =	sor.u32 s28, s11;
	v38 =	vld [tilespmem:s12+$0x0]  }
0x22a: {  	v42 =	vadd.s32 v20, v35;
	v40 =	vld [tilespmem:s0+$0x0];
	_ =	sdelay $0x1  }
0x22b: {  	s10 =	simm.s32 $0x10420  }
0x22c: {  	v41 =	vld [tilespmem:s10+$0x0]  }
0x22d: {  	s13 =	sor.u32 $0xC800, s29;
	[tilespmem:v60+s20+$0x0] =	vst.idx.add.f32.msk $0xffff, v38  }
0x22e: {  	s16 =	sor.u32 s30, s13;
	[tilespmem:v42+s20+$0x0] =	vst.idx.add.f32.msk $0xffff, v40  }
0x22f: {  	v61 =	vadd.s32 v21, v36;
	s0 =	sor.u32 s28, s13;
	v38 =	vld [tilespmem:s16+$0x0]  }
0x230: {  	v62 =	vadd.s32 v21, v35;
	v40 =	vld [tilespmem:s0+$0x0];
	_ =	sdelay $0x1  }
0x231: {  	v37 =	vshll.u32 v41, $0x4  }
0x232: {  	v41 =	vadd.s32 v2, v37  }
0x233: {  	s19 =	sor.u32 $0xCC00, s29;
	[tilespmem:v61+s20+$0x0] =	vst.idx.add.f32.msk $0xffff, v38  }
0x234: {  	s23 =	sor.u32 s30, s19;
	[tilespmem:v62+s20+$0x0] =	vst.idx.add.f32.msk $0xffff, v40  }
0x235: {  	v63 =	vadd.s32 v22, v36;
	s25 =	sor.u32 s28, s19;
	s16 =	simm.s32 $0x20;
	v38 =	vld [tilespmem:s23+$0x0]  }
0x236: {  	v43 =	vadd.s32 v22, v35;
	s0 =	sand.u32 $0x60, s16;
	v40 =	vld [tilespmem:s25+$0x0]  }
0x237: {  	s2 =	simm.s32 $0x8020;
	[tilespmem:v41+s20+$0x0] =	vst.idx.add.f32.msk $0xffff, v3;
	s1 =	sor.u32 $0x10, s0;
	s23 =	sand.u32 $0x380, s16  }
0x238: {  	v44 =	vld [tilespmem:s2+$0x0];
	s3 =	sor.u32 s23, s1  }
0x239: {  	v39 =	vld [tilespmem:s3+$0x10400]  }
0x23a: {  	s4 =	sor.u32 $0xD000, s29;
	[tilespmem:v63+s20+$0x0] =	vst.idx.add.f32.msk $0xffff, v38  }
0x23b: {  	s5 =	sor.u32 s30, s4;
	v45 =	vor.u32 v1, v37;
	[tilespmem:v43+s20+$0x0] =	vst.idx.add.f32.msk $0xffff, v40  }
0x23c: {  	v43 =	vadd.s32 v23, v36;
	v42 =	vld [tilespmem:s5+$0x0]  }
0x23d: {  	s31 =	sor.u32 s28, s4  }
0x23e: {  	s19 =	simm.s32 $0x2;
	s4 =	simm.s32 $0x10440;
	v41 =	vadd.s32 v23, v35;
	v40 =	vld [tilespmem:s31+$0x0]  }
.LBB2_12:
0x23f: {  	v38 =	vld [tilespmem:s4+$0x0];
	v39 =	vshll.u32 v39, $0x4  }
0x240: {  	s5 =	sor.u32 $0xD400, s29;
	[tilespmem:v45+s20+$0x0] =	vst.idx.add.f32.msk $0xffff, v44;
	v44 =	vadd.s32 v2, v39  }
0x241: {  	s6 =	sor.u32 s28, s5;
	s5 =	sor.u32 s30, s5;
	[tilespmem:v43+s20+$0x0] =	vst.idx.add.f32.msk $0xffff, v42  }
0x242: {  	v43 =	vadd.s32 v24, v36;
	v42 =	vld [tilespmem:s5+$0x0]  }
0x243: {  	[tilespmem:v41+s20+$0x0] =	vst.idx.add.f32.msk $0xffff, v40  }
0x244: {  	v41 =	vadd.s32 v24, v35;
	v40 =	vld [tilespmem:s6+$0x0]  }
0x245: {  	[tilespmem:v44+s20+$0x0] =	vst.idx.add.f32.msk $0xffff, v3  }
0x246: {  	v45 =	vor.u32 v1, v39;
	v44 =	vld [tilespmem:s3+$0x8000];
	s3 =	sor.u32 $0xD800, s29  }
0x247: {  	s5 =	sor.u32 s28, s3;
	[tilespmem:v43+s20+$0x0] =	vst.idx.add.f32.msk $0xffff, v42;
	s3 =	sor.u32 s30, s3  }
0x248: {  	v43 =	vadd.s32 v25, v36;
	v42 =	vld [tilespmem:s3+$0x0]  }
0x249: {  	[tilespmem:v41+s20+$0x0] =	vst.idx.add.f32.msk $0xffff, v40  }
0x24a: {  	s3 =	sor.u32 $0x8400, s23;
	v40 =	vld [tilespmem:s5+$0x0]  }
0x24b: {  	v41 =	vadd.s32 v25, v35;
	s5 =	sor.u32 s0, s3;
	s3 =	sor.u32 s1, s3;
	[tilespmem:v45+s20+$0x0] =	vst.idx.add.f32.msk $0xffff, v44  }
0x24c: {  	v45 =	vadd.s32 v4, v39;
	v44 =	vld [tilespmem:s3+$0x0];
	s3 =	sor.u32 $0xDC00, s29  }
0x24d: {  	s6 =	sor.u32 s28, s3;
	[tilespmem:v43+s20+$0x0] =	vst.idx.add.f32.msk $0xffff, v42;
	s3 =	sor.u32 s30, s3  }
0x24e: {  	v43 =	vadd.s32 v26, v36;
	v42 =	vld [tilespmem:s3+$0x0]  }
0x24f: {  	v46 =	vld [tilespmem:s5+$0x0]  }
0x250: {  	v47 =	vadd.s32 v4, v37;
	s3 =	sor.u32 $0x8800, s23;
	[tilespmem:v41+s20+$0x0] =	vst.idx.add.f32.msk $0xffff, v40  }
0x251: {  	s5 =	sor.u32 s0, s3;
	s3 =	sor.u32 s1, s3;
	[tilespmem:v45+s20+$0x0] =	vst.idx.add.f32.msk $0xffff, v44  }
0x252: {  	v41 =	vadd.s32 v5, v39;
	v40 =	vld [tilespmem:s3+$0x0];
	s3 =	sor.u32 $0xE000, s29  }
0x253: {  	s25 =	sor.u32 s28, s3;
	[tilespmem:v43+s20+$0x0] =	vst.idx.add.f32.msk $0xffff, v42;
	s3 =	sor.u32 s30, s3  }
0x254: {  	v43 =	vadd.s32 v27, v36;
	v42 =	vld [tilespmem:s3+$0x0]  }
0x255: {  	[tilespmem:v47+s20+$0x0] =	vst.idx.add.f32.msk $0xffff, v46  }
0x256: {  	v45 =	vadd.s32 v5, v37;
	s3 =	sor.u32 $0x8C00, s23;
	v44 =	vld [tilespmem:s5+$0x0]  }
0x257: {  	s5 =	sor.u32 s0, s3;
	s3 =	sor.u32 s1, s3;
	[tilespmem:v41+s20+$0x0] =	vst.idx.add.f32.msk $0xffff, v40  }
0x258: {  	v41 =	vadd.s32 v6, v39;
	v40 =	vld [tilespmem:s3+$0x0];
	s3 =	sor.u32 $0xE400, s29  }
0x259: {  	s8 =	sor.u32 s28, s3;
	[tilespmem:v43+s20+$0x0] =	vst.idx.add.f32.msk $0xffff, v42;
	s3 =	sor.u32 s30, s3  }
0x25a: {  	v43 =	vadd.s32 v28, v36;
	v42 =	vld [tilespmem:s3+$0x0]  }
0x25b: {  	[tilespmem:v45+s20+$0x0] =	vst.idx.add.f32.msk $0xffff, v44  }
0x25c: {  	s3 =	sor.u32 $0x9000, s23;
	v45 =	vadd.s32 v6, v37;
	v44 =	vld [tilespmem:s5+$0x0]  }
0x25d: {  	s5 =	sor.u32 s0, s3;
	s3 =	sor.u32 s1, s3;
	[tilespmem:v41+s20+$0x0] =	vst.idx.add.f32.msk $0xffff, v40  }
0x25e: {  	v41 =	vadd.s32 v7, v39;
	v40 =	vld [tilespmem:s3+$0x0];
	s3 =	sor.u32 $0xE800, s29  }
0x25f: {  	s10 =	sor.u32 s28, s3;
	[tilespmem:v43+s20+$0x0] =	vst.idx.add.f32.msk $0xffff, v42;
	s3 =	sor.u32 s30, s3  }
0x260: {  	v43 =	vadd.s32 v29, v36;
	v42 =	vld [tilespmem:s3+$0x0]  }
0x261: {  	[tilespmem:v45+s20+$0x0] =	vst.idx.add.f32.msk $0xffff, v44  }
0x262: {  	s3 =	sor.u32 $0x9400, s23;
	v45 =	vadd.s32 v7, v37;
	v44 =	vld [tilespmem:s5+$0x0]  }
0x263: {  	s5 =	sor.u32 s0, s3;
	s3 =	sor.u32 s1, s3;
	[tilespmem:v41+s20+$0x0] =	vst.idx.add.f32.msk $0xffff, v40  }
0x264: {  	v41 =	vadd.s32 v8, v39;
	v40 =	vld [tilespmem:s3+$0x0];
	s3 =	sor.u32 $0xEC00, s29  }
0x265: {  	s11 =	sor.u32 s28, s3;
	[tilespmem:v43+s20+$0x0] =	vst.idx.add.f32.msk $0xffff, v42;
	s3 =	sor.u32 s30, s3  }
0x266: {  	v43 =	vadd.s32 v30, v36;
	v42 =	vld [tilespmem:s3+$0x0]  }
0x267: {  	[tilespmem:v45+s20+$0x0] =	vst.idx.add.f32.msk $0xffff, v44  }
0x268: {  	s3 =	sor.u32 $0x9800, s23;
	v45 =	vadd.s32 v8, v37;
	v44 =	vld [tilespmem:s5+$0x0]  }
0x269: {  	s5 =	sor.u32 s0, s3;
	s3 =	sor.u32 s1, s3;
	[tilespmem:v41+s20+$0x0] =	vst.idx.add.f32.msk $0xffff, v40  }
0x26a: {  	v41 =	vadd.s32 v9, v39;
	v40 =	vld [tilespmem:s3+$0x0];
	s3 =	sor.u32 $0xF000, s29  }
0x26b: {  	s12 =	sor.u32 s28, s3;
	[tilespmem:v43+s20+$0x0] =	vst.idx.add.f32.msk $0xffff, v42;
	s3 =	sor.u32 s30, s3  }
0x26c: {  	v43 =	vadd.s32 v31, v36;
	v42 =	vld [tilespmem:s3+$0x0]  }
0x26d: {  	[tilespmem:v45+s20+$0x0] =	vst.idx.add.f32.msk $0xffff, v44  }
0x26e: {  	s3 =	sor.u32 $0x9C00, s23;
	v45 =	vadd.s32 v9, v37;
	v44 =	vld [tilespmem:s5+$0x0]  }
0x26f: {  	s5 =	sor.u32 s0, s3;
	s3 =	sor.u32 s1, s3;
	[tilespmem:v41+s20+$0x0] =	vst.idx.add.f32.msk $0xffff, v40  }
0x270: {  	v41 =	vadd.s32 v10, v39;
	v40 =	vld [tilespmem:s3+$0x0];
	s3 =	sor.u32 $0xF400, s29  }
0x271: {  	s13 =	sor.u32 s28, s3;
	[tilespmem:v43+s20+$0x0] =	vst.idx.add.f32.msk $0xffff, v42;
	s3 =	sor.u32 s30, s3  }
0x272: {  	v43 =	vadd.s32 v32, v36;
	v42 =	vld [tilespmem:s3+$0x0]  }
0x273: {  	[tilespmem:v45+s20+$0x0] =	vst.idx.add.f32.msk $0xffff, v44  }
0x274: {  	s3 =	sor.u32 $0xA000, s23;
	v45 =	vadd.s32 v10, v37;
	v44 =	vld [tilespmem:s5+$0x0]  }
0x275: {  	s5 =	sor.u32 s0, s3;
	s3 =	sor.u32 s1, s3;
	[tilespmem:v41+s20+$0x0] =	vst.idx.add.f32.msk $0xffff, v40  }
0x276: {  	s31 =	sor.u32 $0xF800, s29;
	v41 =	vadd.s32 v11, v39;
	v40 =	vld [tilespmem:s3+$0x0]  }
0x277: {  	s3 =	sor.u32 s28, s31;
	s31 =	sor.u32 s30, s31;
	[tilespmem:v43+s20+$0x0] =	vst.idx.add.f32.msk $0xffff, v42  }
0x278: {  	v43 =	vadd.s32 v33, v36;
	v42 =	vld [tilespmem:s31+$0x0]  }
0x279: {  	[tilespmem:v45+s20+$0x0] =	vst.idx.add.f32.msk $0xffff, v44  }
0x27a: {  	v45 =	vadd.s32 v11, v37;
	v44 =	vld [tilespmem:s5+$0x0];
	s5 =	sor.u32 $0xA400, s23  }
0x27b: {  	s31 =	sor.u32 s0, s5;
	[tilespmem:v41+s20+$0x0] =	vst.idx.add.f32.msk $0xffff, v40;
	s5 =	sor.u32 s1, s5  }
0x27c: {  	v40 =	vld [tilespmem:s5+$0x0];
	s5 =	sor.u32 $0xFC00, s29;
	s29 =	smov.u32 s23  }
0x27d: {  	v41 =	vadd.s32 v12, v39;
	s23 =	sor.u32 s28, s5;
	[tilespmem:v43+s20+$0x0] =	vst.idx.add.f32.msk $0xffff, v42;
	s5 =	sor.u32 s30, s5;
	s28 =	smov.u32 s0  }
0x27e: {  	v43 =	vadd.s32 v34, v36;
	v36 =	vmov v39;
	s30 =	smov.u32 s1;
	v42 =	vld [tilespmem:s5+$0x0]  }
0x27f: {  	[tilespmem:v45+s20+$0x0] =	vst.idx.add.f32.msk $0xffff, v44  }
0x280: {  	v44 =	vadd.s32 v12, v37;
	v39 =	vld [tilespmem:s31+$0x0]  }
0x281: {  	v45 =	vld [tilespmem:s6+$0x0]  }
0x282: {  	s0 =	sor.u32 $0xA800, s29;
	[tilespmem:v41+s20+$0x0] =	vst.idx.add.f32.msk $0xffff, v40;
	v40 =	vadd.s32 v26, v35  }
0x283: {  	s1 =	sor.u32 s28, s0;
	s0 =	sor.u32 s30, s0;
	[tilespmem:v43+s20+$0x0] =	vst.idx.add.f32.msk $0xffff, v42  }
0x284: {  	v42 =	vadd.s32 v13, v36;
	v41 =	vld [tilespmem:s0+$0x0]  }
0x285: {  	[tilespmem:v44+s20+$0x0] =	vst.idx.add.f32.msk $0xffff, v39  }
0x286: {  	v43 =	vadd.s32 v13, v37;
	v39 =	vld [tilespmem:s1+$0x0]  }
0x287: {  	[tilespmem:v40+s20+$0x0] =	vst.idx.add.f32.msk $0xffff, v45  }
0x288: {  	s0 =	sor.u32 $0xAC00, s29;
	v44 =	vadd.s32 v27, v35;
	v40 =	vld [tilespmem:s25+$0x0]  }
0x289: {  	s1 =	sor.u32 s28, s0;
	s0 =	sor.u32 s30, s0;
	[tilespmem:v42+s20+$0x0] =	vst.idx.add.f32.msk $0xffff, v41  }
0x28a: {  	v42 =	vadd.s32 v14, v36;
	v41 =	vld [tilespmem:s0+$0x0]  }
0x28b: {  	[tilespmem:v43+s20+$0x0] =	vst.idx.add.f32.msk $0xffff, v39  }
0x28c: {  	v43 =	vadd.s32 v14, v37;
	v39 =	vld [tilespmem:s1+$0x0]  }
0x28d: {  	[tilespmem:v44+s20+$0x0] =	vst.idx.add.f32.msk $0xffff, v40  }
0x28e: {  	s0 =	sor.u32 $0xB000, s29;
	v44 =	vadd.s32 v28, v35;
	v40 =	vld [tilespmem:s8+$0x0]  }
0x28f: {  	s1 =	sor.u32 s28, s0;
	s0 =	sor.u32 s30, s0;
	[tilespmem:v42+s20+$0x0] =	vst.idx.add.f32.msk $0xffff, v41  }
0x290: {  	v42 =	vadd.s32 v15, v36;
	v41 =	vld [tilespmem:s0+$0x0]  }
0x291: {  	[tilespmem:v43+s20+$0x0] =	vst.idx.add.f32.msk $0xffff, v39  }
0x292: {  	v43 =	vadd.s32 v15, v37;
	v39 =	vld [tilespmem:s1+$0x0]  }
0x293: {  	[tilespmem:v44+s20+$0x0] =	vst.idx.add.f32.msk $0xffff, v40  }
0x294: {  	s0 =	sor.u32 $0xB400, s29;
	v44 =	vadd.s32 v29, v35;
	v40 =	vld [tilespmem:s10+$0x0]  }
0x295: {  	s1 =	sor.u32 s28, s0;
	s0 =	sor.u32 s30, s0;
	[tilespmem:v42+s20+$0x0] =	vst.idx.add.f32.msk $0xffff, v41  }
0x296: {  	v42 =	vadd.s32 v16, v36;
	v41 =	vld [tilespmem:s0+$0x0]  }
0x297: {  	[tilespmem:v43+s20+$0x0] =	vst.idx.add.f32.msk $0xffff, v39  }
0x298: {  	v43 =	vadd.s32 v16, v37;
	v39 =	vld [tilespmem:s1+$0x0]  }
0x299: {  	[tilespmem:v44+s20+$0x0] =	vst.idx.add.f32.msk $0xffff, v40  }
0x29a: {  	s0 =	sor.u32 $0xB800, s29;
	v44 =	vadd.s32 v30, v35;
	v40 =	vld [tilespmem:s11+$0x0]  }
0x29b: {  	s1 =	sor.u32 s28, s0;
	s0 =	sor.u32 s30, s0;
	[tilespmem:v42+s20+$0x0] =	vst.idx.add.f32.msk $0xffff, v41  }
0x29c: {  	v42 =	vadd.s32 v17, v36;
	v41 =	vld [tilespmem:s0+$0x0]  }
0x29d: {  	[tilespmem:v43+s20+$0x0] =	vst.idx.add.f32.msk $0xffff, v39  }
0x29e: {  	v43 =	vadd.s32 v17, v37;
	v39 =	vld [tilespmem:s1+$0x0]  }
0x29f: {  	[tilespmem:v44+s20+$0x0] =	vst.idx.add.f32.msk $0xffff, v40  }
0x2a0: {  	s0 =	sor.u32 $0xBC00, s29;
	v44 =	vadd.s32 v31, v35;
	v40 =	vld [tilespmem:s12+$0x0]  }
0x2a1: {  	s1 =	sor.u32 s28, s0;
	s0 =	sor.u32 s30, s0;
	[tilespmem:v42+s20+$0x0] =	vst.idx.add.f32.msk $0xffff, v41  }
0x2a2: {  	v42 =	vadd.s32 v18, v36;
	v41 =	vld [tilespmem:s0+$0x0]  }
0x2a3: {  	[tilespmem:v43+s20+$0x0] =	vst.idx.add.f32.msk $0xffff, v39  }
0x2a4: {  	v43 =	vadd.s32 v18, v37;
	v39 =	vld [tilespmem:s1+$0x0]  }
0x2a5: {  	[tilespmem:v44+s20+$0x0] =	vst.idx.add.f32.msk $0xffff, v40  }
0x2a6: {  	s0 =	sor.u32 $0xC000, s29;
	v44 =	vadd.s32 v32, v35;
	v40 =	vld [tilespmem:s13+$0x0]  }
0x2a7: {  	s1 =	sor.u32 s28, s0;
	s0 =	sor.u32 s30, s0;
	[tilespmem:v42+s20+$0x0] =	vst.idx.add.f32.msk $0xffff, v41  }
0x2a8: {  	v42 =	vadd.s32 v19, v36;
	v41 =	vld [tilespmem:s0+$0x0]  }
0x2a9: {  	[tilespmem:v43+s20+$0x0] =	vst.idx.add.f32.msk $0xffff, v39  }
0x2aa: {  	v43 =	vadd.s32 v19, v37;
	v39 =	vld [tilespmem:s1+$0x0]  }
0x2ab: {  	[tilespmem:v44+s20+$0x0] =	vst.idx.add.f32.msk $0xffff, v40  }
0x2ac: {  	s0 =	sor.u32 $0xC400, s29;
	v44 =	vadd.s32 v33, v35;
	v40 =	vld [tilespmem:s3+$0x0]  }
0x2ad: {  	s1 =	sor.u32 s28, s0;
	s0 =	sor.u32 s30, s0;
	[tilespmem:v42+s20+$0x0] =	vst.idx.add.f32.msk $0xffff, v41  }
0x2ae: {  	v42 =	vadd.s32 v20, v36;
	v41 =	vld [tilespmem:s0+$0x0]  }
0x2af: {  	[tilespmem:v43+s20+$0x0] =	vst.idx.add.f32.msk $0xffff, v39  }
0x2b0: {  	v43 =	vadd.s32 v20, v37;
	v39 =	vld [tilespmem:s1+$0x0]  }
0x2b1: {  	[tilespmem:v44+s20+$0x0] =	vst.idx.add.f32.msk $0xffff, v40  }
0x2b2: {  	s0 =	sor.u32 $0xC800, s29;
	v44 =	vadd.s32 v34, v35;
	v35 =	vmov v37;
	v37 =	vshll.u32 v38, $0x4;
	v40 =	vld [tilespmem:s23+$0x0]  }
0x2b3: {  	s1 =	sor.u32 s28, s0;
	s0 =	sor.u32 s30, s0;
	v38 =	vadd.s32 v2, v37;
	[tilespmem:v42+s20+$0x0] =	vst.idx.add.f32.msk $0xffff, v41  }
0x2b4: {  	v42 =	vadd.s32 v21, v36;
	v41 =	vld [tilespmem:s0+$0x0]  }
0x2b5: {  	[tilespmem:v43+s20+$0x0] =	vst.idx.add.f32.msk $0xffff, v39  }
0x2b6: {  	v43 =	vadd.s32 v21, v35;
	v39 =	vld [tilespmem:s1+$0x0]  }
0x2b7: {  	[tilespmem:v44+s20+$0x0] =	vst.idx.add.f32.msk $0xffff, v40  }
0x2b8: {  	s0 =	sor.u32 $0xCC00, s29;
	[tilespmem:v38+s20+$0x0] =	vst.idx.add.f32.msk $0xffff, v3  }
0x2b9: {  	s3 =	sor.u32 s28, s0;
	s0 =	sor.u32 s30, s0;
	[tilespmem:v42+s20+$0x0] =	vst.idx.add.f32.msk $0xffff, v41  }
0x2ba: {  	s16 =	sadd.s32 $0x20, s16;
	v40 =	vadd.s32 v22, v36;
	v38 =	vld [tilespmem:s0+$0x0]  }
0x2bb: {  	s2 =	sadd.s32 $0x20, s2;
	s0 =	sand.u32 $0x60, s16;
	[tilespmem:v43+s20+$0x0] =	vst.idx.add.f32.msk $0xffff, v39  }
0x2bc: {  	s19 =	sadd.s32 $0x2, s19;
	s23 =	sand.u32 $0x380, s16;
	v46 =	vadd.s32 v22, v35;
	s1 =	sor.u32 $0x10, s0;
	v41 =	vld [tilespmem:s3+$0x0]  }
0x2bd: {  	p0 =	slt.u32 s19, $0x3E;
	s3 =	sor.u32 s23, s1;
	v44 =	vld [tilespmem:s2+$0x0]  }
.Ltmp5:
0x2be: {  	s5 =	sor.u32 $0xD000, s29;
	v39 =	vld [tilespmem:s3+$0x10400];
	(pc) =	sbr.rel @p0 .LBB2_12-.Ltmp5, $4  }
0x2bf: {  	s6 =	sor.u32 s28, s5;
	s5 =	sor.u32 s30, s5;
	v45 =	vor.u32 v1, v37;
	[tilespmem:v40+s20+$0x0] =	vst.idx.add.f32.msk $0xffff, v38  }
0x2c0: {  	v43 =	vadd.s32 v23, v36;
	v42 =	vld [tilespmem:s5+$0x0]  }
0x2c1: {  	[tilespmem:v46+s20+$0x0] =	vst.idx.add.f32.msk $0xffff, v41  }
0x2c2: {  	s4 =	sadd.s32 $0x20, s4;
	v41 =	vadd.s32 v23, v35;
	v40 =	vld [tilespmem:s6+$0x0]  }
0x2c3: {  	v38 =	vshll.u32 v39, $0x4  }
0x2c4: {  	v39 =	vadd.s32 v2, v38;
	_ =	sdelay $0x4  }
0x2c5: {  	[tilespmem:v39+s20+$0x0] =	vst.idx.add.f32.msk $0xffff, v3  }
0x2c6: {  	s2 =	sor.u32 $0x8400, s23;
	v46 =	vor.u32 v1, v38;
	v39 =	vld [tilespmem:s3+$0x8000]  }
0x2c7: {  	[tilespmem:v45+s20+$0x0] =	vst.idx.add.f32.msk $0xffff, v44;
	s31 =	sor.u32 s1, s2;
	s2 =	sor.u32 s0, s2  }
0x2c8: {  	v59 =	vadd.s32 v4, v37;
	v44 =	vld [tilespmem:s2+$0x0];
	_ =	sdelay $0x2  }
0x2c9: {  	[tilespmem:v46+s20+$0x0] =	vst.idx.add.f32.msk $0xffff, v39  }
0x2ca: {  	s4 =	sor.u32 $0x8800, s23;
	v58 =	vadd.s32 v4, v38;
	v39 =	vld [tilespmem:s31+$0x0]  }
0x2cb: {  	s2 =	sor.u32 s0, s4;
	[tilespmem:v59+s20+$0x0] =	vst.idx.add.f32.msk $0xffff, v44  }
0x2cc: {  	v61 =	vadd.s32 v5, v37;
	v44 =	vld [tilespmem:s2+$0x0];
	_ =	sdelay $0x2  }
0x2cd: {  	s5 =	sor.u32 s1, s4;
	[tilespmem:v58+s20+$0x0] =	vst.idx.add.f32.msk $0xffff, v39  }
0x2ce: {  	s6 =	sor.u32 $0x8C00, s23;
	v60 =	vadd.s32 v5, v38;
	v39 =	vld [tilespmem:s5+$0x0]  }
0x2cf: {  	s2 =	sor.u32 s0, s6;
	[tilespmem:v61+s20+$0x0] =	vst.idx.add.f32.msk $0xffff, v44  }
0x2d0: {  	v63 =	vadd.s32 v6, v37;
	v44 =	vld [tilespmem:s2+$0x0];
	_ =	sdelay $0x2  }
0x2d1: {  	s7 =	sor.u32 s1, s6;
	[tilespmem:v60+s20+$0x0] =	vst.idx.add.f32.msk $0xffff, v39  }
0x2d2: {  	s8 =	sor.u32 $0x9000, s23;
	v62 =	vadd.s32 v6, v38;
	v39 =	vld [tilespmem:s7+$0x0]  }
0x2d3: {  	s2 =	sor.u32 s0, s8;
	[tilespmem:v63+s20+$0x0] =	vst.idx.add.f32.msk $0xffff, v44  }
0x2d4: {  	v49 =	vadd.s32 v7, v37;
	v44 =	vld [tilespmem:s2+$0x0];
	_ =	sdelay $0x2  }
0x2d5: {  	s10 =	sor.u32 s1, s8;
	[tilespmem:v62+s20+$0x0] =	vst.idx.add.f32.msk $0xffff, v39  }
0x2d6: {  	s11 =	sor.u32 $0x9400, s23;
	v48 =	vadd.s32 v7, v38;
	v39 =	vld [tilespmem:s10+$0x0]  }
0x2d7: {  	s2 =	sor.u32 s0, s11;
	[tilespmem:v49+s20+$0x0] =	vst.idx.add.f32.msk $0xffff, v44  }
0x2d8: {  	v51 =	vadd.s32 v8, v37;
	v44 =	vld [tilespmem:s2+$0x0];
	_ =	sdelay $0x2  }
0x2d9: {  	s12 =	sor.u32 s1, s11;
	[tilespmem:v48+s20+$0x0] =	vst.idx.add.f32.msk $0xffff, v39  }
0x2da: {  	s13 =	sor.u32 $0x9800, s23;
	v50 =	vadd.s32 v8, v38;
	v39 =	vld [tilespmem:s12+$0x0]  }
0x2db: {  	s2 =	sor.u32 s0, s13;
	[tilespmem:v51+s20+$0x0] =	vst.idx.add.f32.msk $0xffff, v44  }
0x2dc: {  	v53 =	vadd.s32 v9, v37;
	v44 =	vld [tilespmem:s2+$0x0];
	_ =	sdelay $0x2  }
0x2dd: {  	s16 =	sor.u32 s1, s13;
	[tilespmem:v50+s20+$0x0] =	vst.idx.add.f32.msk $0xffff, v39  }
0x2de: {  	s19 =	sor.u32 $0x9C00, s23;
	v52 =	vadd.s32 v9, v38;
	v39 =	vld [tilespmem:s16+$0x0]  }
0x2df: {  	s2 =	sor.u32 s0, s19;
	[tilespmem:v53+s20+$0x0] =	vst.idx.add.f32.msk $0xffff, v44  }
0x2e0: {  	v55 =	vadd.s32 v10, v37;
	v44 =	vld [tilespmem:s2+$0x0];
	_ =	sdelay $0x2  }
0x2e1: {  	s25 =	sor.u32 s1, s19;
	[tilespmem:v52+s20+$0x0] =	vst.idx.add.f32.msk $0xffff, v39  }
0x2e2: {  	v54 =	vadd.s32 v10, v38;
	s31 =	sor.u32 $0xA000, s23;
	v39 =	vld [tilespmem:s25+$0x0]  }
0x2e3: {  	s2 =	sor.u32 s0, s31;
	[tilespmem:v55+s20+$0x0] =	vst.idx.add.f32.msk $0xffff, v44  }
0x2e4: {  	v57 =	vadd.s32 v11, v37;
	v44 =	vld [tilespmem:s2+$0x0];
	_ =	sdelay $0x2  }
0x2e5: {  	s4 =	sor.u32 s1, s31;
	[tilespmem:v54+s20+$0x0] =	vst.idx.add.f32.msk $0xffff, v39  }
0x2e6: {  	v56 =	vadd.s32 v11, v38;
	s5 =	sor.u32 $0xA400, s23;
	v39 =	vld [tilespmem:s4+$0x0]  }
0x2e7: {  	s2 =	sor.u32 s0, s5;
	[tilespmem:v57+s20+$0x0] =	vst.idx.add.f32.msk $0xffff, v44  }
0x2e8: {  	v59 =	vadd.s32 v12, v37;
	v44 =	vld [tilespmem:s2+$0x0]  }
0x2e9: {  	[tilespmem:v43+s20+$0x0] =	vst.idx.add.f32.msk $0xffff, v42  }
0x2ea: {  	[tilespmem:v41+s20+$0x0] =	vst.idx.add.f32.msk $0xffff, v40  }
0x2eb: {  	s6 =	sor.u32 s1, s5;
	[tilespmem:v56+s20+$0x0] =	vst.idx.add.f32.msk $0xffff, v39  }
0x2ec: {  	v58 =	vadd.s32 v12, v38;
	s10 =	sor.u32 $0xA800, s23;
	v39 =	vld [tilespmem:s6+$0x0]  }
0x2ed: {  	s7 =	sor.u32 $0xD400, s29;
	s2 =	sor.u32 s0, s10;
	[tilespmem:v59+s20+$0x0] =	vst.idx.add.f32.msk $0xffff, v44  }
0x2ee: {  	v61 =	vadd.s32 v13, v37;
	s8 =	sor.u32 s30, s7;
	v44 =	vld [tilespmem:s2+$0x0]  }
0x2ef: {  	s11 =	sor.u32 s28, s7;
	v42 =	vld [tilespmem:s8+$0x0]  }
0x2f0: {  	v49 =	vadd.s32 v24, v35;
	v41 =	vld [tilespmem:s11+$0x0]  }
0x2f1: {  	v62 =	vadd.s32 v24, v36;
	s4 =	sor.u32 s1, s10;
	[tilespmem:v58+s20+$0x0] =	vst.idx.add.f32.msk $0xffff, v39  }
0x2f2: {  	v60 =	vadd.s32 v13, v38;
	s12 =	sor.u32 $0xAC00, s23;
	v39 =	vld [tilespmem:s4+$0x0]  }
0x2f3: {  	s2 =	sor.u32 s0, s12;
	[tilespmem:v61+s20+$0x0] =	vst.idx.add.f32.msk $0xffff, v44  }
0x2f4: {  	v48 =	vadd.s32 v14, v37;
	v44 =	vld [tilespmem:s2+$0x0]  }
0x2f5: {  	[tilespmem:v49+s20+$0x0] =	vst.idx.add.f32.msk $0xffff, v41  }
0x2f6: {  	[tilespmem:v62+s20+$0x0] =	vst.idx.add.f32.msk $0xffff, v42  }
0x2f7: {  	s13 =	sor.u32 s1, s12;
	[tilespmem:v60+s20+$0x0] =	vst.idx.add.f32.msk $0xffff, v39  }
0x2f8: {  	v63 =	vadd.s32 v14, v38;
	s25 =	sor.u32 $0xB000, s23;
	v39 =	vld [tilespmem:s13+$0x0]  }
0x2f9: {  	s16 =	sor.u32 $0xD800, s29;
	s2 =	sor.u32 s0, s25;
	[tilespmem:v48+s20+$0x0] =	vst.idx.add.f32.msk $0xffff, v44  }
0x2fa: {  	v51 =	vadd.s32 v15, v37;
	s19 =	sor.u32 s30, s16;
	v44 =	vld [tilespmem:s2+$0x0]  }
0x2fb: {  	s3 =	sor.u32 s28, s16;
	v42 =	vld [tilespmem:s19+$0x0]  }
0x2fc: {  	v41 =	vld [tilespmem:s3+$0x0];
	v52 =	vadd.s32 v25, v36  }
0x2fd: {  	s31 =	sor.u32 s1, s25;
	[tilespmem:v63+s20+$0x0] =	vst.idx.add.f32.msk $0xffff, v39  }
0x2fe: {  	v50 =	vadd.s32 v15, v38;
	s4 =	sor.u32 $0xB400, s23;
	v39 =	vld [tilespmem:s31+$0x0]  }
0x2ff: {  	s6 =	sor.u32 s0, s4;
	[tilespmem:v51+s20+$0x0] =	vst.idx.add.f32.msk $0xffff, v44  }
0x300: {  	v54 =	vadd.s32 v16, v37;
	s2 =	sor.u32 $0xDC00, s29;
	v44 =	vld [tilespmem:s6+$0x0]  }
0x301: {  	[tilespmem:v52+s20+$0x0] =	vst.idx.add.f32.msk $0xffff, v42;
	s7 =	sor.u32 s30, s2  }
0x302: {  	v55 =	vadd.s32 v26, v36;
	v40 =	vld [tilespmem:s7+$0x0]  }
0x303: {  	s5 =	sor.u32 s1, s4;
	[tilespmem:v50+s20+$0x0] =	vst.idx.add.f32.msk $0xffff, v39  }
0x304: {  	s8 =	sor.u32 $0xB800, s23;
	v53 =	vadd.s32 v16, v38;
	v39 =	vld [tilespmem:s5+$0x0]  }
0x305: {  	s11 =	sor.u32 s0, s8;
	[tilespmem:v54+s20+$0x0] =	vst.idx.add.f32.msk $0xffff, v44  }
0x306: {  	s3 =	sor.u32 $0xE000, s29;
	v57 =	vadd.s32 v17, v37;
	v44 =	vld [tilespmem:s11+$0x0]  }
0x307: {  	s12 =	sor.u32 s30, s3;
	[tilespmem:v55+s20+$0x0] =	vst.idx.add.f32.msk $0xffff, v40  }
0x308: {  	v58 =	vadd.s32 v27, v36;
	v40 =	vld [tilespmem:s12+$0x0]  }
0x309: {  	s10 =	sor.u32 s1, s8;
	[tilespmem:v53+s20+$0x0] =	vst.idx.add.f32.msk $0xffff, v39  }
0x30a: {  	v56 =	vadd.s32 v17, v38;
	s13 =	sor.u32 $0xBC00, s23;
	v39 =	vld [tilespmem:s10+$0x0]  }
0x30b: {  	s16 =	sor.u32 s0, s13;
	[tilespmem:v57+s20+$0x0] =	vst.idx.add.f32.msk $0xffff, v44  }
0x30c: {  	s4 =	sor.u32 $0xE400, s29;
	v60 =	vadd.s32 v18, v37;
	v44 =	vld [tilespmem:s16+$0x0]  }
0x30d: {  	s19 =	sor.u32 s30, s4;
	[tilespmem:v58+s20+$0x0] =	vst.idx.add.f32.msk $0xffff, v40  }
0x30e: {  	v40 =	vld [tilespmem:s19+$0x0]  }
0x30f: {  	v61 =	vadd.s32 v28, v36;
	s5 =	sor.u32 s1, s13;
	[tilespmem:v56+s20+$0x0] =	vst.idx.add.f32.msk $0xffff, v39  }
0x310: {  	v59 =	vadd.s32 v18, v38;
	s25 =	sor.u32 $0xC000, s23;
	v39 =	vld [tilespmem:s5+$0x0]  }
0x311: {  	[tilespmem:v60+s20+$0x0] =	vst.idx.add.f32.msk $0xffff, v44;
	s5 =	sor.u32 s0, s25  }
0x312: {  	v63 =	vadd.s32 v19, v37;
	v44 =	vld [tilespmem:s5+$0x0];
	_ =	sdelay $0x1  }
0x313: {  	[tilespmem:v61+s20+$0x0] =	vst.idx.add.f32.msk $0xffff, v40  }
0x314: {  	s6 =	sor.u32 s1, s25;
	[tilespmem:v59+s20+$0x0] =	vst.idx.add.f32.msk $0xffff, v39  }
0x315: {  	v62 =	vadd.s32 v19, v38;
	s7 =	sor.u32 $0xC400, s23;
	v39 =	vld [tilespmem:s6+$0x0]  }
0x316: {  	s5 =	sor.u32 s0, s7;
	s6 =	sor.u32 $0xE800, s29;
	[tilespmem:v63+s20+$0x0] =	vst.idx.add.f32.msk $0xffff, v44  }
0x317: {  	v50 =	vadd.s32 v20, v37;
	s31 =	sor.u32 s30, s6;
	v44 =	vld [tilespmem:s5+$0x0]  }
0x318: {  	v48 =	vadd.s32 v29, v36;
	v40 =	vld [tilespmem:s31+$0x0];
	_ =	sdelay $0x1  }
0x319: {  	s8 =	sor.u32 s1, s7;
	[tilespmem:v62+s20+$0x0] =	vst.idx.add.f32.msk $0xffff, v39  }
0x31a: {  	v49 =	vadd.s32 v20, v38;
	v39 =	vld [tilespmem:s8+$0x0]  }
0x31b: {  	s11 =	sor.u32 $0xC800, s23;
	[tilespmem:v50+s20+$0x0] =	vst.idx.add.f32.msk $0xffff, v44  }
0x31c: {  	v60 =	vadd.s32 v25, v35;
	s5 =	sor.u32 s0, s11;
	s8 =	sor.u32 $0xEC00, s29;
	[tilespmem:v48+s20+$0x0] =	vst.idx.add.f32.msk $0xffff, v40  }
0x31d: {  	v53 =	vadd.s32 v21, v37;
	s10 =	sor.u32 s30, s8;
	v44 =	vld [tilespmem:s5+$0x0]  }
0x31e: {  	v51 =	vadd.s32 v30, v36;
	v40 =	vld [tilespmem:s10+$0x0]  }
0x31f: {  	s10 =	sor.u32 s1, s11;
	[tilespmem:v49+s20+$0x0] =	vst.idx.add.f32.msk $0xffff, v39  }
0x320: {  	v52 =	vadd.s32 v21, v38;
	v39 =	vld [tilespmem:s10+$0x0]  }
0x321: {  	[tilespmem:v60+s20+$0x0] =	vst.idx.add.f32.msk $0xffff, v41  }
0x322: {  	s13 =	sor.u32 $0xCC00, s23;
	[tilespmem:v53+s20+$0x0] =	vst.idx.add.f32.msk $0xffff, v44  }
0x323: {  	s5 =	sor.u32 s0, s13;
	[tilespmem:v51+s20+$0x0] =	vst.idx.add.f32.msk $0xffff, v40  }
0x324: {  	v56 =	vadd.s32 v22, v37;
	v44 =	vld [tilespmem:s5+$0x0]  }
0x325: {  	s11 =	sor.u32 s1, s13;
	[tilespmem:v52+s20+$0x0] =	vst.idx.add.f32.msk $0xffff, v39  }
0x326: {  	s2 =	sor.u32 s28, s2;
	v55 =	vadd.s32 v22, v38;
	s10 =	sor.u32 $0xF000, s29;
	v39 =	vld [tilespmem:s11+$0x0]  }
0x327: {  	s12 =	sor.u32 s30, s10;
	v51 =	vld [tilespmem:s2+$0x0]  }
0x328: {  	v54 =	vadd.s32 v31, v36;
	s19 =	sor.u32 $0xD000, s23;
	v40 =	vld [tilespmem:s12+$0x0]  }
0x329: {  	s5 =	sor.u32 s0, s19;
	[tilespmem:v56+s20+$0x0] =	vst.idx.add.f32.msk $0xffff, v44  }
0x32a: {  	v59 =	vadd.s32 v23, v37;
	v44 =	vld [tilespmem:s5+$0x0]  }
0x32b: {  	s12 =	sor.u32 s1, s19;
	[tilespmem:v55+s20+$0x0] =	vst.idx.add.f32.msk $0xffff, v39  }
0x32c: {  	v58 =	vadd.s32 v23, v38;
	s11 =	sor.u32 $0xF400, s29;
	v39 =	vld [tilespmem:s12+$0x0]  }
0x32d: {  	[tilespmem:v54+s20+$0x0] =	vst.idx.add.f32.msk $0xffff, v40;
	s16 =	sor.u32 s30, s11  }
0x32e: {  	s31 =	sor.u32 $0xD400, s23;
	v52 =	vadd.s32 v26, v35;
	v40 =	vld [tilespmem:s16+$0x0]  }
0x32f: {  	v57 =	vadd.s32 v32, v36;
	s5 =	sor.u32 s0, s31;
	[tilespmem:v59+s20+$0x0] =	vst.idx.add.f32.msk $0xffff, v44  }
0x330: {  	v63 =	vadd.s32 v24, v37;
	v44 =	vld [tilespmem:s5+$0x0]  }
0x331: {  	s13 =	sor.u32 s1, s31;
	[tilespmem:v58+s20+$0x0] =	vst.idx.add.f32.msk $0xffff, v39  }
0x332: {  	v62 =	vadd.s32 v24, v38;
	v39 =	vld [tilespmem:s13+$0x0]  }
0x333: {  	[tilespmem:v52+s20+$0x0] =	vst.idx.add.f32.msk $0xffff, v51  }
0x334: {  	s7 =	sor.u32 $0xD800, s23;
	[tilespmem:v57+s20+$0x0] =	vst.idx.add.f32.msk $0xffff, v40  }
0x335: {  	s5 =	sor.u32 s0, s7;
	[tilespmem:v63+s20+$0x0] =	vst.idx.add.f32.msk $0xffff, v44  }
0x336: {  	v50 =	vadd.s32 v25, v37;
	v49 =	vld [tilespmem:s5+$0x0]  }
0x337: {  	s16 =	sor.u32 s1, s7;
	s12 =	sor.u32 $0xF800, s29;
	[tilespmem:v62+s20+$0x0] =	vst.idx.add.f32.msk $0xffff, v39  }
0x338: {  	v48 =	vadd.s32 v25, v38;
	s25 =	sor.u32 s30, s12;
	v39 =	vld [tilespmem:s16+$0x0]  }
0x339: {  	v42 =	vld [tilespmem:s25+$0x0];
	s13 =	sor.u32 $0xFC00, s29;
	s29 =	sor.u32 s28, s3  }
0x33a: {  	v61 =	vadd.s32 v33, v36;
	s19 =	sor.u32 $0xDC00, s23;
	v44 =	vld [tilespmem:s29+$0x0]  }
0x33b: {  	s2 =	sor.u32 s0, s19;
	v55 =	vadd.s32 v27, v35;
	[tilespmem:v50+s20+$0x0] =	vst.idx.add.f32.msk $0xffff, v49  }
0x33c: {  	v54 =	vadd.s32 v26, v37;
	v41 =	vld [tilespmem:s2+$0x0]  }
0x33d: {  	s25 =	sor.u32 s1, s19;
	[tilespmem:v48+s20+$0x0] =	vst.idx.add.f32.msk $0xffff, v39  }
0x33e: {  	v53 =	vadd.s32 v26, v38;
	v39 =	vld [tilespmem:s25+$0x0]  }
0x33f: {  	[tilespmem:v61+s20+$0x0] =	vst.idx.add.f32.msk $0xffff, v42  }
0x340: {  	s16 =	sor.u32 s30, s13;
	s30 =	sor.u32 $0xE000, s23;
	[tilespmem:v55+s20+$0x0] =	vst.idx.add.f32.msk $0xffff, v44  }
0x341: {  	s2 =	sor.u32 s0, s30;
	[tilespmem:v54+s20+$0x0] =	vst.idx.add.f32.msk $0xffff, v41  }
0x342: {  	v57 =	vadd.s32 v27, v37;
	v41 =	vld [tilespmem:s2+$0x0]  }
0x343: {  	s31 =	sor.u32 s1, s30;
	[tilespmem:v53+s20+$0x0] =	vst.idx.add.f32.msk $0xffff, v39  }
0x344: {  	v56 =	vadd.s32 v27, v38;
	v39 =	vld [tilespmem:s31+$0x0]  }
0x345: {  	s5 =	sor.u32 s28, s4;
	v43 =	vld [tilespmem:s16+$0x0]  }
0x346: {  	s7 =	sor.u32 $0xE400, s23;
	v58 =	vadd.s32 v28, v35;
	v44 =	vld [tilespmem:s5+$0x0]  }
0x347: {  	s2 =	sor.u32 s0, s7;
	[tilespmem:v57+s20+$0x0] =	vst.idx.add.f32.msk $0xffff, v41  }
0x348: {  	v60 =	vadd.s32 v28, v37;
	v41 =	vld [tilespmem:s2+$0x0]  }
0x349: {  	s16 =	sor.u32 s1, s7;
	[tilespmem:v56+s20+$0x0] =	vst.idx.add.f32.msk $0xffff, v39  }
0x34a: {  	v59 =	vadd.s32 v28, v38;
	v39 =	vld [tilespmem:s16+$0x0]  }
0x34b: {  	s19 =	sor.u32 s28, s6;
	[tilespmem:v58+s20+$0x0] =	vst.idx.add.f32.msk $0xffff, v44  }
0x34c: {  	v61 =	vadd.s32 v29, v35;
	s25 =	sor.u32 $0xE800, s23;
	v44 =	vld [tilespmem:s19+$0x0]  }
0x34d: {  	s2 =	sor.u32 s0, s25;
	[tilespmem:v60+s20+$0x0] =	vst.idx.add.f32.msk $0xffff, v41  }
0x34e: {  	v63 =	vadd.s32 v29, v37;
	v41 =	vld [tilespmem:s2+$0x0]  }
0x34f: {  	s29 =	sor.u32 s1, s25;
	[tilespmem:v59+s20+$0x0] =	vst.idx.add.f32.msk $0xffff, v39  }
0x350: {  	v62 =	vadd.s32 v29, v38;
	v39 =	vld [tilespmem:s29+$0x0]  }
0x351: {  	s30 =	sor.u32 s28, s8;
	[tilespmem:v61+s20+$0x0] =	vst.idx.add.f32.msk $0xffff, v44  }
0x352: {  	v48 =	vadd.s32 v30, v35;
	s31 =	sor.u32 $0xEC00, s23;
	v44 =	vld [tilespmem:s30+$0x0]  }
0x353: {  	s2 =	sor.u32 s0, s31;
	[tilespmem:v63+s20+$0x0] =	vst.idx.add.f32.msk $0xffff, v41  }
0x354: {  	v50 =	vadd.s32 v30, v37;
	v41 =	vld [tilespmem:s2+$0x0]  }
0x355: {  	s4 =	sor.u32 s1, s31;
	[tilespmem:v62+s20+$0x0] =	vst.idx.add.f32.msk $0xffff, v39  }
0x356: {  	v49 =	vadd.s32 v30, v38;
	v39 =	vld [tilespmem:s4+$0x0]  }
0x357: {  	s5 =	sor.u32 s28, s10;
	[tilespmem:v48+s20+$0x0] =	vst.idx.add.f32.msk $0xffff, v44  }
0x358: {  	v51 =	vadd.s32 v31, v35;
	s6 =	sor.u32 $0xF000, s23;
	v44 =	vld [tilespmem:s5+$0x0]  }
0x359: {  	s2 =	sor.u32 s0, s6;
	[tilespmem:v50+s20+$0x0] =	vst.idx.add.f32.msk $0xffff, v41  }
0x35a: {  	v53 =	vadd.s32 v31, v37;
	v41 =	vld [tilespmem:s2+$0x0]  }
0x35b: {  	s7 =	sor.u32 s1, s6;
	[tilespmem:v49+s20+$0x0] =	vst.idx.add.f32.msk $0xffff, v39  }
0x35c: {  	v52 =	vadd.s32 v31, v38;
	v39 =	vld [tilespmem:s7+$0x0]  }
0x35d: {  	s8 =	sor.u32 s28, s11;
	[tilespmem:v51+s20+$0x0] =	vst.idx.add.f32.msk $0xffff, v44  }
0x35e: {  	s10 =	sor.u32 $0xF400, s23;
	v54 =	vadd.s32 v32, v35;
	v44 =	vld [tilespmem:s8+$0x0]  }
0x35f: {  	s2 =	sor.u32 s0, s10;
	[tilespmem:v53+s20+$0x0] =	vst.idx.add.f32.msk $0xffff, v41  }
0x360: {  	v56 =	vadd.s32 v32, v37;
	v41 =	vld [tilespmem:s2+$0x0]  }
0x361: {  	s11 =	sor.u32 s1, s10;
	[tilespmem:v52+s20+$0x0] =	vst.idx.add.f32.msk $0xffff, v39  }
0x362: {  	v55 =	vadd.s32 v32, v38;
	v39 =	vld [tilespmem:s11+$0x0]  }
0x363: {  	s12 =	sor.u32 s28, s12;
	[tilespmem:v54+s20+$0x0] =	vst.idx.add.f32.msk $0xffff, v44  }
0x364: {  	v57 =	vadd.s32 v33, v35;
	s16 =	sor.u32 $0xF800, s23;
	v44 =	vld [tilespmem:s12+$0x0]  }
0x365: {  	s2 =	sor.u32 s0, s16;
	[tilespmem:v56+s20+$0x0] =	vst.idx.add.f32.msk $0xffff, v41  }
0x366: {  	v59 =	vadd.s32 v33, v37;
	v41 =	vld [tilespmem:s2+$0x0]  }
0x367: {  	s19 =	sor.u32 s1, s16;
	[tilespmem:v55+s20+$0x0] =	vst.idx.add.f32.msk $0xffff, v39  }
0x368: {  	v58 =	vadd.s32 v33, v38;
	v39 =	vld [tilespmem:s19+$0x0]  }
0x369: {  	s25 =	sor.u32 s28, s13;
	[tilespmem:v57+s20+$0x0] =	vst.idx.add.f32.msk $0xffff, v44  }
0x36a: {  	s28 =	sor.u32 $0xFC00, s23;
	v44 =	vld [tilespmem:s25+$0x0]  }
0x36b: {  	s30 =	sor.u32 s0, s28;
	v60 =	vadd.s32 v34, v36;
	[tilespmem:v59+s20+$0x0] =	vst.idx.add.f32.msk $0xffff, v41  }
0x36c: {  	v61 =	vadd.s32 v34, v35;
	v62 =	vld [tilespmem:s30+$0x0]  }
0x36d: {  	s29 =	sor.u32 s1, s28;
	v63 =	vadd.s32 v34, v37;
	[tilespmem:v58+s20+$0x0] =	vst.idx.add.f32.msk $0xffff, v39  }
0x36e: {  	v38 =	vadd.s32 v34, v38;
	v39 =	vld [tilespmem:s29+$0x0];
	_ =	sdelay $0x1  }
0x36f: {  	[tilespmem:v60+s20+$0x0] =	vst.idx.add.f32.msk $0xffff, v43  }
0x370: {  	[tilespmem:v61+s20+$0x0] =	vst.idx.add.f32.msk $0xffff, v44  }
0x371: {  	[tilespmem:v63+s20+$0x0] =	vst.idx.add.f32.msk $0xffff, v62  }
0x372: {  	[tilespmem:v38+s20+$0x0] =	vst.idx.add.f32.msk $0xffff, v39  }
0x373: {  	_ =	swait.ge [sflag:s17], $0x8000  }
0x374: {  	[sflag:s17] =	ssyncset.done $0x0  }
0x375: {  	[sflag:s17] =	ssyncadd.s32 $0xFFFF8000  }
0x376: {  	_ =	swait.ge [sflag:s18], $0x400  }
0x377: {  	s31 =	simm.s32 $0x8000;
	[sflag:s18] =	ssyncset.done $0x0  }
0x378: {  	s1 =	smov.u32 s9;
	s0 =	simm.s32 $0x1000;
	[sflag:s18] =	ssyncadd.s32 $0xFFFFFC00  }
0x379: {  	[tilespmem:s31], [sflag:$0x2] =	stream.strided.gather [hbm4b:s9+s14], $0x400, s15, s14, $0x38;
	[tilespmem:$0x13980] =	vst v63  }
.LBB2_14:
0x37a: {  	p0 =	sne.s32 s0, $0x1F000  }
.Ltmp6:
0x37b: {  	_ = 	snop;
	(pc) =	sbr.rel @p0 .LBB2_14-.Ltmp6, $4  }
0x37c: {  	_ = 	snop  }
0x37d: {  	s2 =	sshra.s32 s0, $0x2;
	s0 =	sadd.s32 $0x1000, s0  }
0x37e: {  	s1 =	sadd.s32 $0x10000, s1;
	s2 =	sadd.s32 $0x8000, s2  }
0x37f: {  	[tilespmem:s2], [sflag:$0x2] =	stream.strided.gather [hbm4b:s1+s14], $0x400, s15, s14, $0x38;
	[tilespmem:$0x13980] =	vst v63  }
0x380: {  	s0 =	rddreg [dreg:$0xa];
	s1 =	simm.s32 $0x10400;
	s5 =	simm.s32 $0x0  }
0x381: {  	[tilespmem:s1], [sflag:$0x4] =	stream.strided.gather [hbm4b:s0+s14], $0x400, s15, s14, $0x38;
	[tilespmem:$0x13980] =	vst v63  }
0x382: {  	s28 =	sand.u32 $0x60, s5  }
0x383: {  	s29 =	sand.u32 $0x380, s5;
	s30 =	sor.u32 $0x10, s28  }
0x384: {  	s6 =	sor.u32 s29, s30  }
0x385: {  	s2 =	simm.s32 $0x10000;
	v35 =	vld [tilespmem:s6+$0x10000]  }
0x386: {  	v37 =	vld [tilespmem:s2+$0x0];
	_ =	sdelay $0x3  }
0x387: {  	v36 =	vshll.u32 v35, $0x4  }
0x388: {  	v35 =	vshll.u32 v37, $0x4;
	v38 =	vadd.s32 v2, v36  }
0x389: {  	v37 =	vadd.s32 v2, v35;
	_ =	sdelay $0x3  }
0x38a: {  	[tilespmem:v38+s20+$0x0] =	vst.idx.add.f32.msk $0xffff, v3  }
0x38b: {  	[tilespmem:v37+s20+$0x0] =	vst.idx.add.f32.msk $0xffff, v3  }
0x38c: {  	v39 =	vor.u32 v1, v36;
	v38 =	vld [tilespmem:s6+$0x0]  }
0x38d: {  	v40 =	vor.u32 v1, v35;
	v37 =	vld [tilespmem:s5+$0x0];
	_ =	sdelay $0x3  }
0x38e: {  	s7 =	sor.u32 $0x400, s29;
	[tilespmem:v39+s20+$0x0] =	vst.idx.add.f32.msk $0xffff, v38  }
0x38f: {  	s8 =	sor.u32 s30, s7;
	[tilespmem:v40+s20+$0x0] =	vst.idx.add.f32.msk $0xffff, v37  }
0x390: {  	s0 =	sor.u32 s28, s7;
	v48 =	vadd.s32 v4, v36;
	v38 =	vld [tilespmem:s8+$0x0]  }
0x391: {  	v49 =	vadd.s32 v4, v35;
	v37 =	vld [tilespmem:s0+$0x0];
	_ =	sdelay $0x3  }
0x392: {  	s10 =	sor.u32 $0x800, s29;
	[tilespmem:v48+s20+$0x0] =	vst.idx.add.f32.msk $0xffff, v38  }
0x393: {  	s11 =	sor.u32 s30, s10;
	[tilespmem:v49+s20+$0x0] =	vst.idx.add.f32.msk $0xffff, v37  }
0x394: {  	v50 =	vadd.s32 v5, v36;
	s0 =	sor.u32 s28, s10;
	v38 =	vld [tilespmem:s11+$0x0]  }
0x395: {  	v51 =	vadd.s32 v5, v35;
	v37 =	vld [tilespmem:s0+$0x0];
	_ =	sdelay $0x3  }
0x396: {  	s12 =	sor.u32 $0xC00, s29;
	[tilespmem:v50+s20+$0x0] =	vst.idx.add.f32.msk $0xffff, v38  }
0x397: {  	s13 =	sor.u32 s30, s12;
	[tilespmem:v51+s20+$0x0] =	vst.idx.add.f32.msk $0xffff, v37  }
0x398: {  	v52 =	vadd.s32 v6, v36;
	s0 =	sor.u32 s28, s12;
	v38 =	vld [tilespmem:s13+$0x0]  }
0x399: {  	v53 =	vadd.s32 v6, v35;
	v37 =	vld [tilespmem:s0+$0x0];
	_ =	sdelay $0x3  }
0x39a: {  	s16 =	sor.u32 $0x1000, s29;
	[tilespmem:v52+s20+$0x0] =	vst.idx.add.f32.msk $0xffff, v38  }
0x39b: {  	s19 =	sor.u32 s30, s16;
	[tilespmem:v53+s20+$0x0] =	vst.idx.add.f32.msk $0xffff, v37  }
0x39c: {  	v54 =	vadd.s32 v7, v36;
	s0 =	sor.u32 s28, s16;
	v38 =	vld [tilespmem:s19+$0x0]  }
0x39d: {  	v55 =	vadd.s32 v7, v35;
	v37 =	vld [tilespmem:s0+$0x0];
	_ =	sdelay $0x3  }
0x39e: {  	s23 =	sor.u32 $0x1400, s29;
	[tilespmem:v54+s20+$0x0] =	vst.idx.add.f32.msk $0xffff, v38  }
0x39f: {  	s25 =	sor.u32 s30, s23;
	[tilespmem:v55+s20+$0x0] =	vst.idx.add.f32.msk $0xffff, v37  }
0x3a0: {  	v56 =	vadd.s32 v8, v36;
	s0 =	sor.u32 s28, s23;
	v38 =	vld [tilespmem:s25+$0x0]  }
0x3a1: {  	v57 =	vadd.s32 v8, v35;
	v37 =	vld [tilespmem:s0+$0x0];
	_ =	sdelay $0x3  }
0x3a2: {  	s31 =	sor.u32 $0x1800, s29;
	[tilespmem:v56+s20+$0x0] =	vst.idx.add.f32.msk $0xffff, v38  }
0x3a3: {  	s2 =	sor.u32 s30, s31;
	[tilespmem:v57+s20+$0x0] =	vst.idx.add.f32.msk $0xffff, v37  }
0x3a4: {  	v58 =	vadd.s32 v9, v36;
	s0 =	sor.u32 s28, s31;
	v38 =	vld [tilespmem:s2+$0x0]  }
0x3a5: {  	v59 =	vadd.s32 v9, v35;
	v37 =	vld [tilespmem:s0+$0x0];
	_ =	sdelay $0x3  }
0x3a6: {  	s3 =	sor.u32 $0x1C00, s29;
	[tilespmem:v58+s20+$0x0] =	vst.idx.add.f32.msk $0xffff, v38  }
0x3a7: {  	s4 =	sor.u32 s30, s3;
	[tilespmem:v59+s20+$0x0] =	vst.idx.add.f32.msk $0xffff, v37  }
0x3a8: {  	v60 =	vadd.s32 v10, v36;
	s0 =	sor.u32 s28, s3;
	v38 =	vld [tilespmem:s4+$0x0]  }
0x3a9: {  	v61 =	vadd.s32 v10, v35;
	v37 =	vld [tilespmem:s0+$0x0];
	_ =	sdelay $0x3  }
0x3aa: {  	s5 =	sor.u32 $0x2000, s29;
	[tilespmem:v60+s20+$0x0] =	vst.idx.add.f32.msk $0xffff, v38  }
0x3ab: {  	s6 =	sor.u32 s30, s5;
	[tilespmem:v61+s20+$0x0] =	vst.idx.add.f32.msk $0xffff, v37  }
0x3ac: {  	v62 =	vadd.s32 v11, v36;
	s0 =	sor.u32 s28, s5;
	v38 =	vld [tilespmem:s6+$0x0]  }
0x3ad: {  	v63 =	vadd.s32 v11, v35;
	v37 =	vld [tilespmem:s0+$0x0];
	_ =	sdelay $0x3  }
0x3ae: {  	s7 =	sor.u32 $0x2400, s29;
	[tilespmem:v62+s20+$0x0] =	vst.idx.add.f32.msk $0xffff, v38  }
0x3af: {  	s8 =	sor.u32 s30, s7;
	[tilespmem:v63+s20+$0x0] =	vst.idx.add.f32.msk $0xffff, v37  }
0x3b0: {  	v44 =	vadd.s32 v12, v36;
	s0 =	sor.u32 s28, s7;
	v38 =	vld [tilespmem:s8+$0x0]  }
0x3b1: {  	v45 =	vadd.s32 v12, v35;
	v37 =	vld [tilespmem:s0+$0x0];
	_ =	sdelay $0x3  }
0x3b2: {  	s10 =	sor.u32 $0x2800, s29;
	[tilespmem:v44+s20+$0x0] =	vst.idx.add.f32.msk $0xffff, v38  }
0x3b3: {  	s11 =	sor.u32 s30, s10;
	[tilespmem:v45+s20+$0x0] =	vst.idx.add.f32.msk $0xffff, v37  }
0x3b4: {  	v46 =	vadd.s32 v13, v36;
	s0 =	sor.u32 s28, s10;
	v38 =	vld [tilespmem:s11+$0x0]  }
0x3b5: {  	v47 =	vadd.s32 v13, v35;
	v37 =	vld [tilespmem:s0+$0x0];
	_ =	sdelay $0x3  }
0x3b6: {  	s12 =	sor.u32 $0x2C00, s29;
	[tilespmem:v46+s20+$0x0] =	vst.idx.add.f32.msk $0xffff, v38  }
0x3b7: {  	s13 =	sor.u32 s30, s12;
	[tilespmem:v47+s20+$0x0] =	vst.idx.add.f32.msk $0xffff, v37  }
0x3b8: {  	v48 =	vadd.s32 v14, v36;
	s0 =	sor.u32 s28, s12;
	v38 =	vld [tilespmem:s13+$0x0]  }
0x3b9: {  	v49 =	vadd.s32 v14, v35;
	v37 =	vld [tilespmem:s0+$0x0];
	_ =	sdelay $0x3  }
0x3ba: {  	s16 =	sor.u32 $0x3000, s29;
	[tilespmem:v48+s20+$0x0] =	vst.idx.add.f32.msk $0xffff, v38  }
0x3bb: {  	s19 =	sor.u32 s30, s16;
	[tilespmem:v49+s20+$0x0] =	vst.idx.add.f32.msk $0xffff, v37  }
0x3bc: {  	v50 =	vadd.s32 v15, v36;
	s0 =	sor.u32 s28, s16;
	v38 =	vld [tilespmem:s19+$0x0]  }
0x3bd: {  	v51 =	vadd.s32 v15, v35;
	v37 =	vld [tilespmem:s0+$0x0];
	_ =	sdelay $0x3  }
0x3be: {  	s23 =	sor.u32 $0x3400, s29;
	[tilespmem:v50+s20+$0x0] =	vst.idx.add.f32.msk $0xffff, v38  }
0x3bf: {  	s25 =	sor.u32 s30, s23;
	[tilespmem:v51+s20+$0x0] =	vst.idx.add.f32.msk $0xffff, v37  }
0x3c0: {  	v52 =	vadd.s32 v16, v36;
	s0 =	sor.u32 s28, s23;
	v38 =	vld [tilespmem:s25+$0x0]  }
0x3c1: {  	v53 =	vadd.s32 v16, v35;
	v37 =	vld [tilespmem:s0+$0x0];
	_ =	sdelay $0x3  }
0x3c2: {  	s31 =	sor.u32 $0x3800, s29;
	[tilespmem:v52+s20+$0x0] =	vst.idx.add.f32.msk $0xffff, v38  }
0x3c3: {  	s2 =	sor.u32 s30, s31;
	[tilespmem:v53+s20+$0x0] =	vst.idx.add.f32.msk $0xffff, v37  }
0x3c4: {  	v54 =	vadd.s32 v17, v36;
	s0 =	sor.u32 s28, s31;
	v38 =	vld [tilespmem:s2+$0x0]  }
0x3c5: {  	v55 =	vadd.s32 v17, v35;
	v37 =	vld [tilespmem:s0+$0x0];
	_ =	sdelay $0x3  }
0x3c6: {  	s3 =	sor.u32 $0x3C00, s29;
	[tilespmem:v54+s20+$0x0] =	vst.idx.add.f32.msk $0xffff, v38  }
0x3c7: {  	s4 =	sor.u32 s30, s3;
	[tilespmem:v55+s20+$0x0] =	vst.idx.add.f32.msk $0xffff, v37  }
0x3c8: {  	v56 =	vadd.s32 v18, v36;
	s0 =	sor.u32 s28, s3;
	v38 =	vld [tilespmem:s4+$0x0]  }
0x3c9: {  	v57 =	vadd.s32 v18, v35;
	v37 =	vld [tilespmem:s0+$0x0];
	_ =	sdelay $0x3  }
0x3ca: {  	s5 =	sor.u32 $0x4000, s29;
	[tilespmem:v56+s20+$0x0] =	vst.idx.add.f32.msk $0xffff, v38  }
0x3cb: {  	s6 =	sor.u32 s30, s5;
	[tilespmem:v57+s20+$0x0] =	vst.idx.add.f32.msk $0xffff, v37  }
0x3cc: {  	v58 =	vadd.s32 v19, v36;
	s0 =	sor.u32 s28, s5;
	v38 =	vld [tilespmem:s6+$0x0]  }
0x3cd: {  	v59 =	vadd.s32 v19, v35;
	v37 =	vld [tilespmem:s0+$0x0];
	_ =	sdelay $0x3  }
0x3ce: {  	s8 =	sor.u32 $0x4400, s29;
	[tilespmem:v58+s20+$0x0] =	vst.idx.add.f32.msk $0xffff, v38  }
0x3cf: {  	s10 =	sor.u32 s30, s8;
	[tilespmem:v59+s20+$0x0] =	vst.idx.add.f32.msk $0xffff, v37  }
0x3d0: {  	v60 =	vadd.s32 v20, v36;
	s0 =	sor.u32 s28, s8;
	v38 =	vld [tilespmem:s10+$0x0]  }
0x3d1: {  	v42 =	vadd.s32 v20, v35;
	v40 =	vld [tilespmem:s0+$0x0];
	_ =	sdelay $0x1  }
0x3d2: {  	s7 =	simm.s32 $0x10020  }
0x3d3: {  	v41 =	vld [tilespmem:s7+$0x0]  }
0x3d4: {  	s11 =	sor.u32 $0x4800, s29;
	[tilespmem:v60+s20+$0x0] =	vst.idx.add.f32.msk $0xffff, v38  }
0x3d5: {  	s12 =	sor.u32 s30, s11;
	[tilespmem:v42+s20+$0x0] =	vst.idx.add.f32.msk $0xffff, v40  }
0x3d6: {  	v61 =	vadd.s32 v21, v36;
	s0 =	sor.u32 s28, s11;
	v38 =	vld [tilespmem:s12+$0x0]  }
0x3d7: {  	v62 =	vadd.s32 v21, v35;
	v40 =	vld [tilespmem:s0+$0x0];
	_ =	sdelay $0x1  }
0x3d8: {  	v37 =	vshll.u32 v41, $0x4  }
0x3d9: {  	v41 =	vadd.s32 v2, v37  }
0x3da: {  	s13 =	sor.u32 $0x4C00, s29;
	[tilespmem:v61+s20+$0x0] =	vst.idx.add.f32.msk $0xffff, v38  }
0x3db: {  	s16 =	sor.u32 s30, s13;
	[tilespmem:v62+s20+$0x0] =	vst.idx.add.f32.msk $0xffff, v40  }
0x3dc: {  	v63 =	vadd.s32 v22, v36;
	s19 =	sor.u32 s28, s13;
	v38 =	vld [tilespmem:s16+$0x0];
	s16 =	simm.s32 $0x20  }
0x3dd: {  	v43 =	vadd.s32 v22, v35;
	v40 =	vld [tilespmem:s19+$0x0];
	s0 =	sand.u32 $0x60, s16  }
0x3de: {  	[tilespmem:v41+s20+$0x0] =	vst.idx.add.f32.msk $0xffff, v3;
	s23 =	sand.u32 $0x380, s16;
	s1 =	sor.u32 $0x10, s0  }
0x3df: {  	v44 =	vld [tilespmem:s16+$0x0];
	s3 =	sor.u32 s23, s1  }
0x3e0: {  	v39 =	vld [tilespmem:s3+$0x10000]  }
0x3e1: {  	s25 =	sor.u32 $0x5000, s29;
	[tilespmem:v63+s20+$0x0] =	vst.idx.add.f32.msk $0xffff, v38  }
0x3e2: {  	s4 =	sor.u32 s30, s25;
	v45 =	vor.u32 v1, v37;
	[tilespmem:v43+s20+$0x0] =	vst.idx.add.f32.msk $0xffff, v40  }
0x3e3: {  	v43 =	vadd.s32 v23, v36;
	v42 =	vld [tilespmem:s4+$0x0]  }
0x3e4: {  	s31 =	sor.u32 s28, s25  }
0x3e5: {  	s2 =	simm.s32 $0x2;
	v41 =	vadd.s32 v23, v35;
	s19 =	simm.s32 $0x10040;
	v40 =	vld [tilespmem:s31+$0x0];
	s4 =	simm.s32 $0x20  }
.LBB2_16:
0x3e6: {  	v38 =	vld [tilespmem:s19+$0x0];
	v39 =	vshll.u32 v39, $0x4  }
0x3e7: {  	s5 =	sor.u32 $0x5400, s29;
	[tilespmem:v45+s20+$0x0] =	vst.idx.add.f32.msk $0xffff, v44;
	v44 =	vadd.s32 v2, v39  }
0x3e8: {  	s6 =	sor.u32 s28, s5;
	s5 =	sor.u32 s30, s5;
	[tilespmem:v43+s20+$0x0] =	vst.idx.add.f32.msk $0xffff, v42  }
0x3e9: {  	v43 =	vadd.s32 v24, v36;
	v42 =	vld [tilespmem:s5+$0x0]  }
0x3ea: {  	[tilespmem:v41+s20+$0x0] =	vst.idx.add.f32.msk $0xffff, v40  }
0x3eb: {  	v41 =	vadd.s32 v24, v35;
	v40 =	vld [tilespmem:s6+$0x0]  }
0x3ec: {  	[tilespmem:v44+s20+$0x0] =	vst.idx.add.f32.msk $0xffff, v3  }
0x3ed: {  	v45 =	vor.u32 v1, v39;
	v44 =	vld [tilespmem:s3+$0x0];
	s3 =	sor.u32 $0x5800, s29  }
0x3ee: {  	s5 =	sor.u32 s28, s3;
	[tilespmem:v43+s20+$0x0] =	vst.idx.add.f32.msk $0xffff, v42;
	s3 =	sor.u32 s30, s3  }
0x3ef: {  	v43 =	vadd.s32 v25, v36;
	v42 =	vld [tilespmem:s3+$0x0]  }
0x3f0: {  	[tilespmem:v41+s20+$0x0] =	vst.idx.add.f32.msk $0xffff, v40  }
0x3f1: {  	s3 =	sor.u32 $0x400, s23;
	v40 =	vld [tilespmem:s5+$0x0]  }
0x3f2: {  	v41 =	vadd.s32 v25, v35;
	s5 =	sor.u32 s0, s3;
	s3 =	sor.u32 s1, s3;
	[tilespmem:v45+s20+$0x0] =	vst.idx.add.f32.msk $0xffff, v44  }
0x3f3: {  	v45 =	vadd.s32 v4, v39;
	v44 =	vld [tilespmem:s3+$0x0];
	s3 =	sor.u32 $0x5C00, s29  }
0x3f4: {  	s6 =	sor.u32 s28, s3;
	[tilespmem:v43+s20+$0x0] =	vst.idx.add.f32.msk $0xffff, v42;
	s3 =	sor.u32 s30, s3  }
0x3f5: {  	v43 =	vadd.s32 v26, v36;
	v42 =	vld [tilespmem:s3+$0x0]  }
0x3f6: {  	v46 =	vld [tilespmem:s5+$0x0]  }
0x3f7: {  	v47 =	vadd.s32 v4, v37;
	s3 =	sor.u32 $0x800, s23;
	[tilespmem:v41+s20+$0x0] =	vst.idx.add.f32.msk $0xffff, v40  }
0x3f8: {  	s5 =	sor.u32 s0, s3;
	s3 =	sor.u32 s1, s3;
	[tilespmem:v45+s20+$0x0] =	vst.idx.add.f32.msk $0xffff, v44  }
0x3f9: {  	v41 =	vadd.s32 v5, v39;
	v40 =	vld [tilespmem:s3+$0x0];
	s3 =	sor.u32 $0x6000, s29  }
0x3fa: {  	s25 =	sor.u32 s28, s3;
	[tilespmem:v43+s20+$0x0] =	vst.idx.add.f32.msk $0xffff, v42;
	s3 =	sor.u32 s30, s3  }
0x3fb: {  	v43 =	vadd.s32 v27, v36;
	v42 =	vld [tilespmem:s3+$0x0]  }
0x3fc: {  	[tilespmem:v47+s20+$0x0] =	vst.idx.add.f32.msk $0xffff, v46  }
0x3fd: {  	v45 =	vadd.s32 v5, v37;
	s3 =	sor.u32 $0xC00, s23;
	v44 =	vld [tilespmem:s5+$0x0]  }
0x3fe: {  	s5 =	sor.u32 s0, s3;
	s3 =	sor.u32 s1, s3;
	[tilespmem:v41+s20+$0x0] =	vst.idx.add.f32.msk $0xffff, v40  }
0x3ff: {  	v41 =	vadd.s32 v6, v39;
	v40 =	vld [tilespmem:s3+$0x0];
	s3 =	sor.u32 $0x6400, s29  }
0x400: {  	s8 =	sor.u32 s28, s3;
	[tilespmem:v43+s20+$0x0] =	vst.idx.add.f32.msk $0xffff, v42;
	s3 =	sor.u32 s30, s3  }
0x401: {  	v43 =	vadd.s32 v28, v36;
	v42 =	vld [tilespmem:s3+$0x0]  }
0x402: {  	[tilespmem:v45+s20+$0x0] =	vst.idx.add.f32.msk $0xffff, v44  }
0x403: {  	s3 =	sor.u32 $0x1000, s23;
	v45 =	vadd.s32 v6, v37;
	v44 =	vld [tilespmem:s5+$0x0]  }
0x404: {  	s5 =	sor.u32 s0, s3;
	s3 =	sor.u32 s1, s3;
	[tilespmem:v41+s20+$0x0] =	vst.idx.add.f32.msk $0xffff, v40  }
0x405: {  	v41 =	vadd.s32 v7, v39;
	v40 =	vld [tilespmem:s3+$0x0];
	s3 =	sor.u32 $0x6800, s29  }
0x406: {  	s10 =	sor.u32 s28, s3;
	[tilespmem:v43+s20+$0x0] =	vst.idx.add.f32.msk $0xffff, v42;
	s3 =	sor.u32 s30, s3  }
0x407: {  	v43 =	vadd.s32 v29, v36;
	v42 =	vld [tilespmem:s3+$0x0]  }
0x408: {  	[tilespmem:v45+s20+$0x0] =	vst.idx.add.f32.msk $0xffff, v44  }
0x409: {  	s3 =	sor.u32 $0x1400, s23;
	v45 =	vadd.s32 v7, v37;
	v44 =	vld [tilespmem:s5+$0x0]  }
0x40a: {  	s5 =	sor.u32 s0, s3;
	s3 =	sor.u32 s1, s3;
	[tilespmem:v41+s20+$0x0] =	vst.idx.add.f32.msk $0xffff, v40  }
0x40b: {  	v41 =	vadd.s32 v8, v39;
	v40 =	vld [tilespmem:s3+$0x0];
	s3 =	sor.u32 $0x6C00, s29  }
0x40c: {  	s11 =	sor.u32 s28, s3;
	[tilespmem:v43+s20+$0x0] =	vst.idx.add.f32.msk $0xffff, v42;
	s3 =	sor.u32 s30, s3  }
0x40d: {  	v43 =	vadd.s32 v30, v36;
	v42 =	vld [tilespmem:s3+$0x0]  }
0x40e: {  	[tilespmem:v45+s20+$0x0] =	vst.idx.add.f32.msk $0xffff, v44  }
0x40f: {  	s3 =	sor.u32 $0x1800, s23;
	v45 =	vadd.s32 v8, v37;
	v44 =	vld [tilespmem:s5+$0x0]  }
0x410: {  	s5 =	sor.u32 s0, s3;
	s3 =	sor.u32 s1, s3;
	[tilespmem:v41+s20+$0x0] =	vst.idx.add.f32.msk $0xffff, v40  }
0x411: {  	v41 =	vadd.s32 v9, v39;
	v40 =	vld [tilespmem:s3+$0x0];
	s3 =	sor.u32 $0x7000, s29  }
0x412: {  	s12 =	sor.u32 s28, s3;
	[tilespmem:v43+s20+$0x0] =	vst.idx.add.f32.msk $0xffff, v42;
	s3 =	sor.u32 s30, s3  }
0x413: {  	v43 =	vadd.s32 v31, v36;
	v42 =	vld [tilespmem:s3+$0x0]  }
0x414: {  	[tilespmem:v45+s20+$0x0] =	vst.idx.add.f32.msk $0xffff, v44  }
0x415: {  	s3 =	sor.u32 $0x1C00, s23;
	v45 =	vadd.s32 v9, v37;
	v44 =	vld [tilespmem:s5+$0x0]  }
0x416: {  	s5 =	sor.u32 s0, s3;
	s3 =	sor.u32 s1, s3;
	[tilespmem:v41+s20+$0x0] =	vst.idx.add.f32.msk $0xffff, v40  }
0x417: {  	v41 =	vadd.s32 v10, v39;
	v40 =	vld [tilespmem:s3+$0x0];
	s3 =	sor.u32 $0x7400, s29  }
0x418: {  	s13 =	sor.u32 s28, s3;
	[tilespmem:v43+s20+$0x0] =	vst.idx.add.f32.msk $0xffff, v42;
	s3 =	sor.u32 s30, s3  }
0x419: {  	v43 =	vadd.s32 v32, v36;
	v42 =	vld [tilespmem:s3+$0x0]  }
0x41a: {  	[tilespmem:v45+s20+$0x0] =	vst.idx.add.f32.msk $0xffff, v44  }
0x41b: {  	s3 =	sor.u32 $0x2000, s23;
	v45 =	vadd.s32 v10, v37;
	v44 =	vld [tilespmem:s5+$0x0]  }
0x41c: {  	s5 =	sor.u32 s0, s3;
	s3 =	sor.u32 s1, s3;
	[tilespmem:v41+s20+$0x0] =	vst.idx.add.f32.msk $0xffff, v40  }
0x41d: {  	s31 =	sor.u32 $0x7800, s29;
	v41 =	vadd.s32 v11, v39;
	v40 =	vld [tilespmem:s3+$0x0]  }
0x41e: {  	s3 =	sor.u32 s28, s31;
	s31 =	sor.u32 s30, s31;
	[tilespmem:v43+s20+$0x0] =	vst.idx.add.f32.msk $0xffff, v42  }
0x41f: {  	v43 =	vadd.s32 v33, v36;
	v42 =	vld [tilespmem:s31+$0x0]  }
0x420: {  	[tilespmem:v45+s20+$0x0] =	vst.idx.add.f32.msk $0xffff, v44  }
0x421: {  	v45 =	vadd.s32 v11, v37;
	v44 =	vld [tilespmem:s5+$0x0];
	s5 =	sor.u32 $0x2400, s23  }
0x422: {  	s31 =	sor.u32 s0, s5;
	[tilespmem:v41+s20+$0x0] =	vst.idx.add.f32.msk $0xffff, v40;
	s5 =	sor.u32 s1, s5  }
0x423: {  	v40 =	vld [tilespmem:s5+$0x0];
	s5 =	sor.u32 $0x7C00, s29;
	s29 =	smov.u32 s23  }
0x424: {  	v41 =	vadd.s32 v12, v39;
	s23 =	sor.u32 s28, s5;
	[tilespmem:v43+s20+$0x0] =	vst.idx.add.f32.msk $0xffff, v42;
	s5 =	sor.u32 s30, s5;
	s28 =	smov.u32 s0  }
0x425: {  	v43 =	vadd.s32 v34, v36;
	v36 =	vmov v39;
	s30 =	smov.u32 s1;
	v42 =	vld [tilespmem:s5+$0x0]  }
0x426: {  	[tilespmem:v45+s20+$0x0] =	vst.idx.add.f32.msk $0xffff, v44  }
0x427: {  	v44 =	vadd.s32 v12, v37;
	v39 =	vld [tilespmem:s31+$0x0]  }
0x428: {  	v45 =	vld [tilespmem:s6+$0x0]  }
0x429: {  	s0 =	sor.u32 $0x2800, s29;
	[tilespmem:v41+s20+$0x0] =	vst.idx.add.f32.msk $0xffff, v40;
	v40 =	vadd.s32 v26, v35  }
0x42a: {  	s1 =	sor.u32 s28, s0;
	s0 =	sor.u32 s30, s0;
	[tilespmem:v43+s20+$0x0] =	vst.idx.add.f32.msk $0xffff, v42  }
0x42b: {  	v42 =	vadd.s32 v13, v36;
	v41 =	vld [tilespmem:s0+$0x0]  }
0x42c: {  	[tilespmem:v44+s20+$0x0] =	vst.idx.add.f32.msk $0xffff, v39  }
0x42d: {  	v43 =	vadd.s32 v13, v37;
	v39 =	vld [tilespmem:s1+$0x0]  }
0x42e: {  	[tilespmem:v40+s20+$0x0] =	vst.idx.add.f32.msk $0xffff, v45  }
0x42f: {  	s0 =	sor.u32 $0x2C00, s29;
	v44 =	vadd.s32 v27, v35;
	v40 =	vld [tilespmem:s25+$0x0]  }
0x430: {  	s1 =	sor.u32 s28, s0;
	s0 =	sor.u32 s30, s0;
	[tilespmem:v42+s20+$0x0] =	vst.idx.add.f32.msk $0xffff, v41  }
0x431: {  	v42 =	vadd.s32 v14, v36;
	v41 =	vld [tilespmem:s0+$0x0]  }
0x432: {  	[tilespmem:v43+s20+$0x0] =	vst.idx.add.f32.msk $0xffff, v39  }
0x433: {  	v43 =	vadd.s32 v14, v37;
	v39 =	vld [tilespmem:s1+$0x0]  }
0x434: {  	[tilespmem:v44+s20+$0x0] =	vst.idx.add.f32.msk $0xffff, v40  }
0x435: {  	s0 =	sor.u32 $0x3000, s29;
	v44 =	vadd.s32 v28, v35;
	v40 =	vld [tilespmem:s8+$0x0]  }
0x436: {  	s1 =	sor.u32 s28, s0;
	s0 =	sor.u32 s30, s0;
	[tilespmem:v42+s20+$0x0] =	vst.idx.add.f32.msk $0xffff, v41  }
0x437: {  	v42 =	vadd.s32 v15, v36;
	v41 =	vld [tilespmem:s0+$0x0]  }
0x438: {  	[tilespmem:v43+s20+$0x0] =	vst.idx.add.f32.msk $0xffff, v39  }
0x439: {  	v43 =	vadd.s32 v15, v37;
	v39 =	vld [tilespmem:s1+$0x0]  }
0x43a: {  	[tilespmem:v44+s20+$0x0] =	vst.idx.add.f32.msk $0xffff, v40  }
0x43b: {  	s0 =	sor.u32 $0x3400, s29;
	v44 =	vadd.s32 v29, v35;
	v40 =	vld [tilespmem:s10+$0x0]  }
0x43c: {  	s1 =	sor.u32 s28, s0;
	s0 =	sor.u32 s30, s0;
	[tilespmem:v42+s20+$0x0] =	vst.idx.add.f32.msk $0xffff, v41  }
0x43d: {  	v42 =	vadd.s32 v16, v36;
	v41 =	vld [tilespmem:s0+$0x0]  }
0x43e: {  	[tilespmem:v43+s20+$0x0] =	vst.idx.add.f32.msk $0xffff, v39  }
0x43f: {  	v43 =	vadd.s32 v16, v37;
	v39 =	vld [tilespmem:s1+$0x0]  }
0x440: {  	[tilespmem:v44+s20+$0x0] =	vst.idx.add.f32.msk $0xffff, v40  }
0x441: {  	s0 =	sor.u32 $0x3800, s29;
	v44 =	vadd.s32 v30, v35;
	v40 =	vld [tilespmem:s11+$0x0]  }
0x442: {  	s1 =	sor.u32 s28, s0;
	s0 =	sor.u32 s30, s0;
	[tilespmem:v42+s20+$0x0] =	vst.idx.add.f32.msk $0xffff, v41  }
0x443: {  	v42 =	vadd.s32 v17, v36;
	v41 =	vld [tilespmem:s0+$0x0]  }
0x444: {  	[tilespmem:v43+s20+$0x0] =	vst.idx.add.f32.msk $0xffff, v39  }
0x445: {  	v43 =	vadd.s32 v17, v37;
	v39 =	vld [tilespmem:s1+$0x0]  }
0x446: {  	[tilespmem:v44+s20+$0x0] =	vst.idx.add.f32.msk $0xffff, v40  }
0x447: {  	s0 =	sor.u32 $0x3C00, s29;
	v44 =	vadd.s32 v31, v35;
	v40 =	vld [tilespmem:s12+$0x0]  }
0x448: {  	s1 =	sor.u32 s28, s0;
	s0 =	sor.u32 s30, s0;
	[tilespmem:v42+s20+$0x0] =	vst.idx.add.f32.msk $0xffff, v41  }
0x449: {  	v42 =	vadd.s32 v18, v36;
	v41 =	vld [tilespmem:s0+$0x0]  }
0x44a: {  	[tilespmem:v43+s20+$0x0] =	vst.idx.add.f32.msk $0xffff, v39  }
0x44b: {  	v43 =	vadd.s32 v18, v37;
	v39 =	vld [tilespmem:s1+$0x0]  }
0x44c: {  	[tilespmem:v44+s20+$0x0] =	vst.idx.add.f32.msk $0xffff, v40  }
0x44d: {  	s0 =	sor.u32 $0x4000, s29;
	v44 =	vadd.s32 v32, v35;
	v40 =	vld [tilespmem:s13+$0x0]  }
0x44e: {  	s1 =	sor.u32 s28, s0;
	s0 =	sor.u32 s30, s0;
	[tilespmem:v42+s20+$0x0] =	vst.idx.add.f32.msk $0xffff, v41  }
0x44f: {  	v42 =	vadd.s32 v19, v36;
	v41 =	vld [tilespmem:s0+$0x0]  }
0x450: {  	[tilespmem:v43+s20+$0x0] =	vst.idx.add.f32.msk $0xffff, v39  }
0x451: {  	v43 =	vadd.s32 v19, v37;
	v39 =	vld [tilespmem:s1+$0x0]  }
0x452: {  	[tilespmem:v44+s20+$0x0] =	vst.idx.add.f32.msk $0xffff, v40  }
0x453: {  	s0 =	sor.u32 $0x4400, s29;
	v44 =	vadd.s32 v33, v35;
	v40 =	vld [tilespmem:s3+$0x0]  }
0x454: {  	s1 =	sor.u32 s28, s0;
	s0 =	sor.u32 s30, s0;
	[tilespmem:v42+s20+$0x0] =	vst.idx.add.f32.msk $0xffff, v41  }
0x455: {  	v42 =	vadd.s32 v20, v36;
	v41 =	vld [tilespmem:s0+$0x0]  }
0x456: {  	[tilespmem:v43+s20+$0x0] =	vst.idx.add.f32.msk $0xffff, v39  }
0x457: {  	v43 =	vadd.s32 v20, v37;
	v39 =	vld [tilespmem:s1+$0x0]  }
0x458: {  	[tilespmem:v44+s20+$0x0] =	vst.idx.add.f32.msk $0xffff, v40  }
0x459: {  	s0 =	sor.u32 $0x4800, s29;
	v44 =	vadd.s32 v34, v35;
	v35 =	vmov v37;
	v37 =	vshll.u32 v38, $0x4;
	v40 =	vld [tilespmem:s23+$0x0]  }
0x45a: {  	s1 =	sor.u32 s28, s0;
	s0 =	sor.u32 s30, s0;
	v38 =	vadd.s32 v2, v37;
	[tilespmem:v42+s20+$0x0] =	vst.idx.add.f32.msk $0xffff, v41  }
0x45b: {  	v42 =	vadd.s32 v21, v36;
	v41 =	vld [tilespmem:s0+$0x0]  }
0x45c: {  	[tilespmem:v43+s20+$0x0] =	vst.idx.add.f32.msk $0xffff, v39  }
0x45d: {  	v43 =	vadd.s32 v21, v35;
	v39 =	vld [tilespmem:s1+$0x0]  }
0x45e: {  	[tilespmem:v44+s20+$0x0] =	vst.idx.add.f32.msk $0xffff, v40  }
0x45f: {  	s0 =	sor.u32 $0x4C00, s29;
	[tilespmem:v38+s20+$0x0] =	vst.idx.add.f32.msk $0xffff, v3  }
0x460: {  	s3 =	sor.u32 s28, s0;
	s0 =	sor.u32 s30, s0;
	[tilespmem:v42+s20+$0x0] =	vst.idx.add.f32.msk $0xffff, v41  }
0x461: {  	s16 =	sadd.s32 $0x20, s16;
	v40 =	vadd.s32 v22, v36;
	v38 =	vld [tilespmem:s0+$0x0]  }
0x462: {  	s4 =	sadd.s32 $0x20, s4;
	s0 =	sand.u32 $0x60, s16;
	[tilespmem:v43+s20+$0x0] =	vst.idx.add.f32.msk $0xffff, v39  }
0x463: {  	s2 =	sadd.s32 $0x2, s2;
	s23 =	sand.u32 $0x380, s16;
	v46 =	vadd.s32 v22, v35;
	s1 =	sor.u32 $0x10, s0;
	v41 =	vld [tilespmem:s3+$0x0]  }
0x464: {  	p0 =	slt.u32 s2, $0x3E;
	s3 =	sor.u32 s23, s1;
	v44 =	vld [tilespmem:s4+$0x0]  }
.Ltmp7:
0x465: {  	s5 =	sor.u32 $0x5000, s29;
	v39 =	vld [tilespmem:s3+$0x10000];
	(pc) =	sbr.rel @p0 .LBB2_16-.Ltmp7, $4  }
0x466: {  	s6 =	sor.u32 s28, s5;
	s5 =	sor.u32 s30, s5;
	v45 =	vor.u32 v1, v37;
	[tilespmem:v40+s20+$0x0] =	vst.idx.add.f32.msk $0xffff, v38  }
0x467: {  	v43 =	vadd.s32 v23, v36;
	v42 =	vld [tilespmem:s5+$0x0]  }
0x468: {  	[tilespmem:v46+s20+$0x0] =	vst.idx.add.f32.msk $0xffff, v41  }
0x469: {  	s19 =	sadd.s32 $0x20, s19;
	v41 =	vadd.s32 v23, v35;
	v40 =	vld [tilespmem:s6+$0x0]  }
0x46a: {  	v38 =	vshll.u32 v39, $0x4  }
0x46b: {  	v39 =	vadd.s32 v2, v38;
	_ =	sdelay $0x4  }
0x46c: {  	[tilespmem:v39+s20+$0x0] =	vst.idx.add.f32.msk $0xffff, v3  }
0x46d: {  	s2 =	sor.u32 $0x400, s23;
	v46 =	vor.u32 v1, v38;
	v39 =	vld [tilespmem:s3+$0x0]  }
0x46e: {  	[tilespmem:v45+s20+$0x0] =	vst.idx.add.f32.msk $0xffff, v44;
	s8 =	sor.u32 s1, s2;
	s2 =	sor.u32 s0, s2  }
0x46f: {  	v55 =	vadd.s32 v4, v37;
	v44 =	vld [tilespmem:s2+$0x0];
	_ =	sdelay $0x2  }
0x470: {  	[tilespmem:v46+s20+$0x0] =	vst.idx.add.f32.msk $0xffff, v39  }
0x471: {  	s10 =	sor.u32 $0x800, s23;
	v54 =	vadd.s32 v4, v38;
	v39 =	vld [tilespmem:s8+$0x0]  }
0x472: {  	s2 =	sor.u32 s0, s10;
	[tilespmem:v55+s20+$0x0] =	vst.idx.add.f32.msk $0xffff, v44  }
0x473: {  	v57 =	vadd.s32 v5, v37;
	v44 =	vld [tilespmem:s2+$0x0];
	_ =	sdelay $0x2  }
0x474: {  	s11 =	sor.u32 s1, s10;
	[tilespmem:v54+s20+$0x0] =	vst.idx.add.f32.msk $0xffff, v39  }
0x475: {  	s12 =	sor.u32 $0xC00, s23;
	v56 =	vadd.s32 v5, v38;
	v39 =	vld [tilespmem:s11+$0x0]  }
0x476: {  	s2 =	sor.u32 s0, s12;
	[tilespmem:v57+s20+$0x0] =	vst.idx.add.f32.msk $0xffff, v44  }
0x477: {  	v59 =	vadd.s32 v6, v37;
	v44 =	vld [tilespmem:s2+$0x0];
	_ =	sdelay $0x2  }
0x478: {  	s13 =	sor.u32 s1, s12;
	[tilespmem:v56+s20+$0x0] =	vst.idx.add.f32.msk $0xffff, v39  }
0x479: {  	s16 =	sor.u32 $0x1000, s23;
	v58 =	vadd.s32 v6, v38;
	v39 =	vld [tilespmem:s13+$0x0]  }
0x47a: {  	s2 =	sor.u32 s0, s16;
	[tilespmem:v59+s20+$0x0] =	vst.idx.add.f32.msk $0xffff, v44  }
0x47b: {  	v61 =	vadd.s32 v7, v37;
	v44 =	vld [tilespmem:s2+$0x0];
	_ =	sdelay $0x2  }
0x47c: {  	s19 =	sor.u32 s1, s16;
	[tilespmem:v58+s20+$0x0] =	vst.idx.add.f32.msk $0xffff, v39  }
0x47d: {  	s25 =	sor.u32 $0x1400, s23;
	v60 =	vadd.s32 v7, v38;
	v39 =	vld [tilespmem:s19+$0x0]  }
0x47e: {  	s2 =	sor.u32 s0, s25;
	[tilespmem:v61+s20+$0x0] =	vst.idx.add.f32.msk $0xffff, v44  }
0x47f: {  	v63 =	vadd.s32 v8, v37;
	v44 =	vld [tilespmem:s2+$0x0];
	_ =	sdelay $0x2  }
0x480: {  	s4 =	sor.u32 s1, s25;
	[tilespmem:v60+s20+$0x0] =	vst.idx.add.f32.msk $0xffff, v39  }
0x481: {  	s5 =	sor.u32 $0x1800, s23;
	v62 =	vadd.s32 v8, v38;
	v39 =	vld [tilespmem:s4+$0x0]  }
0x482: {  	s2 =	sor.u32 s0, s5;
	[tilespmem:v63+s20+$0x0] =	vst.idx.add.f32.msk $0xffff, v44  }
0x483: {  	v49 =	vadd.s32 v9, v37;
	v44 =	vld [tilespmem:s2+$0x0];
	_ =	sdelay $0x2  }
0x484: {  	s6 =	sor.u32 s1, s5;
	[tilespmem:v62+s20+$0x0] =	vst.idx.add.f32.msk $0xffff, v39  }
0x485: {  	s7 =	sor.u32 $0x1C00, s23;
	v48 =	vadd.s32 v9, v38;
	v39 =	vld [tilespmem:s6+$0x0]  }
0x486: {  	s2 =	sor.u32 s0, s7;
	[tilespmem:v49+s20+$0x0] =	vst.idx.add.f32.msk $0xffff, v44  }
0x487: {  	v51 =	vadd.s32 v10, v37;
	v44 =	vld [tilespmem:s2+$0x0];
	_ =	sdelay $0x2  }
0x488: {  	s8 =	sor.u32 s1, s7;
	[tilespmem:v48+s20+$0x0] =	vst.idx.add.f32.msk $0xffff, v39  }
0x489: {  	v50 =	vadd.s32 v10, v38;
	s10 =	sor.u32 $0x2000, s23;
	v39 =	vld [tilespmem:s8+$0x0]  }
0x48a: {  	s2 =	sor.u32 s0, s10;
	[tilespmem:v51+s20+$0x0] =	vst.idx.add.f32.msk $0xffff, v44  }
0x48b: {  	v53 =	vadd.s32 v11, v37;
	v44 =	vld [tilespmem:s2+$0x0];
	_ =	sdelay $0x2  }
0x48c: {  	s11 =	sor.u32 s1, s10;
	[tilespmem:v50+s20+$0x0] =	vst.idx.add.f32.msk $0xffff, v39  }
0x48d: {  	v52 =	vadd.s32 v11, v38;
	s12 =	sor.u32 $0x2400, s23;
	v39 =	vld [tilespmem:s11+$0x0]  }
0x48e: {  	s2 =	sor.u32 s0, s12;
	[tilespmem:v53+s20+$0x0] =	vst.idx.add.f32.msk $0xffff, v44  }
0x48f: {  	v55 =	vadd.s32 v12, v37;
	v44 =	vld [tilespmem:s2+$0x0]  }
0x490: {  	[tilespmem:v43+s20+$0x0] =	vst.idx.add.f32.msk $0xffff, v42  }
0x491: {  	[tilespmem:v41+s20+$0x0] =	vst.idx.add.f32.msk $0xffff, v40  }
0x492: {  	s13 =	sor.u32 s1, s12;
	[tilespmem:v52+s20+$0x0] =	vst.idx.add.f32.msk $0xffff, v39  }
0x493: {  	v54 =	vadd.s32 v12, v38;
	s25 =	sor.u32 $0x2800, s23;
	v39 =	vld [tilespmem:s13+$0x0]  }
0x494: {  	s16 =	sor.u32 $0x5400, s29;
	s2 =	sor.u32 s0, s25;
	[tilespmem:v55+s20+$0x0] =	vst.idx.add.f32.msk $0xffff, v44  }
0x495: {  	v57 =	vadd.s32 v13, v37;
	s5 =	sor.u32 s28, s16;
	v44 =	vld [tilespmem:s2+$0x0]  }
0x496: {  	v41 =	vld [tilespmem:s5+$0x0];
	s19 =	sor.u32 s30, s16  }
0x497: {  	v58 =	vadd.s32 v24, v36;
	v42 =	vld [tilespmem:s19+$0x0]  }
0x498: {  	s4 =	sor.u32 s1, s25;
	[tilespmem:v54+s20+$0x0] =	vst.idx.add.f32.msk $0xffff, v39  }
0x499: {  	v56 =	vadd.s32 v13, v38;
	s6 =	sor.u32 $0x2C00, s23;
	v39 =	vld [tilespmem:s4+$0x0]  }
0x49a: {  	s2 =	sor.u32 s0, s6;
	[tilespmem:v57+s20+$0x0] =	vst.idx.add.f32.msk $0xffff, v44  }
0x49b: {  	v60 =	vadd.s32 v14, v37;
	s8 =	sor.u32 $0x5800, s29;
	v44 =	vld [tilespmem:s2+$0x0]  }
0x49c: {  	[tilespmem:v58+s20+$0x0] =	vst.idx.add.f32.msk $0xffff, v42;
	s10 =	sor.u32 s30, s8  }
0x49d: {  	v61 =	vadd.s32 v24, v35;
	v42 =	vld [tilespmem:s10+$0x0]  }
0x49e: {  	s7 =	sor.u32 s1, s6;
	v48 =	vadd.s32 v25, v36;
	[tilespmem:v56+s20+$0x0] =	vst.idx.add.f32.msk $0xffff, v39  }
0x49f: {  	v59 =	vadd.s32 v14, v38;
	s11 =	sor.u32 $0x3000, s23;
	v39 =	vld [tilespmem:s7+$0x0]  }
0x4a0: {  	s2 =	sor.u32 s0, s11;
	[tilespmem:v60+s20+$0x0] =	vst.idx.add.f32.msk $0xffff, v44  }
0x4a1: {  	v63 =	vadd.s32 v15, v37;
	v44 =	vld [tilespmem:s2+$0x0]  }
0x4a2: {  	[tilespmem:v61+s20+$0x0] =	vst.idx.add.f32.msk $0xffff, v41  }
0x4a3: {  	[tilespmem:v48+s20+$0x0] =	vst.idx.add.f32.msk $0xffff, v42  }
0x4a4: {  	s12 =	sor.u32 s1, s11;
	[tilespmem:v59+s20+$0x0] =	vst.idx.add.f32.msk $0xffff, v39  }
0x4a5: {  	s16 =	sor.u32 $0x3400, s23;
	v62 =	vadd.s32 v15, v38;
	v39 =	vld [tilespmem:s12+$0x0]  }
0x4a6: {  	s25 =	sor.u32 s0, s16;
	[tilespmem:v63+s20+$0x0] =	vst.idx.add.f32.msk $0xffff, v44  }
0x4a7: {  	v50 =	vadd.s32 v16, v37;
	s13 =	sor.u32 s28, s8;
	s2 =	sor.u32 $0x5C00, s29;
	v44 =	vld [tilespmem:s25+$0x0]  }
0x4a8: {  	v41 =	vld [tilespmem:s13+$0x0];
	s4 =	sor.u32 s30, s2  }
0x4a9: {  	v51 =	vadd.s32 v26, v36;
	v40 =	vld [tilespmem:s4+$0x0]  }
0x4aa: {  	s19 =	sor.u32 s1, s16;
	[tilespmem:v62+s20+$0x0] =	vst.idx.add.f32.msk $0xffff, v39  }
0x4ab: {  	s5 =	sor.u32 $0x3800, s23;
	v49 =	vadd.s32 v16, v38;
	v39 =	vld [tilespmem:s19+$0x0]  }
0x4ac: {  	s7 =	sor.u32 s0, s5;
	[tilespmem:v50+s20+$0x0] =	vst.idx.add.f32.msk $0xffff, v44  }
0x4ad: {  	s3 =	sor.u32 $0x6000, s29;
	v53 =	vadd.s32 v17, v37;
	v44 =	vld [tilespmem:s7+$0x0]  }
0x4ae: {  	s8 =	sor.u32 s30, s3;
	[tilespmem:v51+s20+$0x0] =	vst.idx.add.f32.msk $0xffff, v40  }
0x4af: {  	v54 =	vadd.s32 v27, v36;
	v40 =	vld [tilespmem:s8+$0x0]  }
0x4b0: {  	s6 =	sor.u32 s1, s5;
	[tilespmem:v49+s20+$0x0] =	vst.idx.add.f32.msk $0xffff, v39  }
0x4b1: {  	s10 =	sor.u32 $0x3C00, s23;
	v52 =	vadd.s32 v17, v38;
	v39 =	vld [tilespmem:s6+$0x0]  }
0x4b2: {  	s11 =	sor.u32 s0, s10;
	[tilespmem:v53+s20+$0x0] =	vst.idx.add.f32.msk $0xffff, v44  }
0x4b3: {  	s4 =	sor.u32 $0x6400, s29;
	v56 =	vadd.s32 v18, v37;
	v44 =	vld [tilespmem:s11+$0x0]  }
0x4b4: {  	s12 =	sor.u32 s30, s4;
	[tilespmem:v54+s20+$0x0] =	vst.idx.add.f32.msk $0xffff, v40  }
0x4b5: {  	v40 =	vld [tilespmem:s12+$0x0]  }
0x4b6: {  	v57 =	vadd.s32 v28, v36;
	s5 =	sor.u32 s1, s10;
	[tilespmem:v52+s20+$0x0] =	vst.idx.add.f32.msk $0xffff, v39  }
0x4b7: {  	v55 =	vadd.s32 v18, v38;
	s13 =	sor.u32 $0x4000, s23;
	v39 =	vld [tilespmem:s5+$0x0]  }
0x4b8: {  	[tilespmem:v56+s20+$0x0] =	vst.idx.add.f32.msk $0xffff, v44;
	s5 =	sor.u32 s0, s13  }
0x4b9: {  	v59 =	vadd.s32 v19, v37;
	v44 =	vld [tilespmem:s5+$0x0];
	_ =	sdelay $0x1  }
0x4ba: {  	[tilespmem:v57+s20+$0x0] =	vst.idx.add.f32.msk $0xffff, v40  }
0x4bb: {  	s6 =	sor.u32 s1, s13;
	[tilespmem:v55+s20+$0x0] =	vst.idx.add.f32.msk $0xffff, v39  }
0x4bc: {  	v58 =	vadd.s32 v19, v38;
	s19 =	sor.u32 $0x4400, s23;
	v39 =	vld [tilespmem:s6+$0x0]  }
0x4bd: {  	s5 =	sor.u32 s0, s19;
	s6 =	sor.u32 $0x6800, s29;
	[tilespmem:v59+s20+$0x0] =	vst.idx.add.f32.msk $0xffff, v44  }
0x4be: {  	v62 =	vadd.s32 v20, v37;
	s16 =	sor.u32 s30, s6;
	v44 =	vld [tilespmem:s5+$0x0]  }
0x4bf: {  	v60 =	vadd.s32 v29, v36;
	v40 =	vld [tilespmem:s16+$0x0];
	_ =	sdelay $0x1  }
0x4c0: {  	s8 =	sor.u32 s1, s19;
	[tilespmem:v58+s20+$0x0] =	vst.idx.add.f32.msk $0xffff, v39  }
0x4c1: {  	v39 =	vld [tilespmem:s8+$0x0]  }
0x4c2: {  	v61 =	vadd.s32 v20, v38;
	s7 =	sor.u32 $0x4800, s23;
	[tilespmem:v62+s20+$0x0] =	vst.idx.add.f32.msk $0xffff, v44  }
0x4c3: {  	s5 =	sor.u32 s0, s7;
	s8 =	sor.u32 $0x6C00, s29;
	[tilespmem:v60+s20+$0x0] =	vst.idx.add.f32.msk $0xffff, v40  }
0x4c4: {  	v49 =	vadd.s32 v21, v37;
	s25 =	sor.u32 s30, s8;
	v44 =	vld [tilespmem:s5+$0x0]  }
0x4c5: {  	v63 =	vadd.s32 v30, v36;
	v40 =	vld [tilespmem:s25+$0x0];
	_ =	sdelay $0x1  }
0x4c6: {  	s10 =	sor.u32 s1, s7;
	[tilespmem:v61+s20+$0x0] =	vst.idx.add.f32.msk $0xffff, v39  }
0x4c7: {  	v48 =	vadd.s32 v21, v38;
	v39 =	vld [tilespmem:s10+$0x0]  }
0x4c8: {  	s12 =	sor.u32 $0x4C00, s23;
	[tilespmem:v49+s20+$0x0] =	vst.idx.add.f32.msk $0xffff, v44  }
0x4c9: {  	v56 =	vadd.s32 v25, v35;
	s5 =	sor.u32 s0, s12;
	s10 =	sor.u32 $0x7000, s29;
	[tilespmem:v63+s20+$0x0] =	vst.idx.add.f32.msk $0xffff, v40  }
0x4ca: {  	s11 =	sor.u32 s30, s10;
	v44 =	vld [tilespmem:s5+$0x0]  }
0x4cb: {  	v52 =	vadd.s32 v22, v37;
	v40 =	vld [tilespmem:s11+$0x0]  }
0x4cc: {  	s11 =	sor.u32 s1, s12;
	[tilespmem:v48+s20+$0x0] =	vst.idx.add.f32.msk $0xffff, v39  }
0x4cd: {  	v51 =	vadd.s32 v22, v38;
	v39 =	vld [tilespmem:s11+$0x0]  }
0x4ce: {  	s2 =	sor.u32 s28, s2;
	[tilespmem:v56+s20+$0x0] =	vst.idx.add.f32.msk $0xffff, v41  }
0x4cf: {  	v50 =	vadd.s32 v31, v36;
	s16 =	sor.u32 $0x5000, s23;
	v63 =	vld [tilespmem:s2+$0x0]  }
0x4d0: {  	s5 =	sor.u32 s0, s16;
	[tilespmem:v52+s20+$0x0] =	vst.idx.add.f32.msk $0xffff, v44  }
0x4d1: {  	v55 =	vadd.s32 v23, v37;
	v44 =	vld [tilespmem:s5+$0x0]  }
0x4d2: {  	s12 =	sor.u32 s1, s16;
	[tilespmem:v51+s20+$0x0] =	vst.idx.add.f32.msk $0xffff, v39  }
0x4d3: {  	v54 =	vadd.s32 v23, v38;
	s11 =	sor.u32 $0x7400, s29;
	v39 =	vld [tilespmem:s12+$0x0]  }
0x4d4: {  	[tilespmem:v50+s20+$0x0] =	vst.idx.add.f32.msk $0xffff, v40;
	s13 =	sor.u32 s30, s11  }
0x4d5: {  	s25 =	sor.u32 $0x5400, s23;
	v48 =	vadd.s32 v26, v35;
	v40 =	vld [tilespmem:s13+$0x0]  }
0x4d6: {  	v53 =	vadd.s32 v32, v36;
	s5 =	sor.u32 s0, s25;
	[tilespmem:v55+s20+$0x0] =	vst.idx.add.f32.msk $0xffff, v44  }
0x4d7: {  	v59 =	vadd.s32 v24, v37;
	v44 =	vld [tilespmem:s5+$0x0]  }
0x4d8: {  	s13 =	sor.u32 s1, s25;
	[tilespmem:v54+s20+$0x0] =	vst.idx.add.f32.msk $0xffff, v39  }
0x4d9: {  	v58 =	vadd.s32 v24, v38;
	v39 =	vld [tilespmem:s13+$0x0]  }
0x4da: {  	[tilespmem:v48+s20+$0x0] =	vst.idx.add.f32.msk $0xffff, v63  }
0x4db: {  	s7 =	sor.u32 $0x5800, s23;
	[tilespmem:v53+s20+$0x0] =	vst.idx.add.f32.msk $0xffff, v40  }
0x4dc: {  	s5 =	sor.u32 s0, s7;
	[tilespmem:v59+s20+$0x0] =	vst.idx.add.f32.msk $0xffff, v44  }
0x4dd: {  	v62 =	vadd.s32 v25, v37;
	v61 =	vld [tilespmem:s5+$0x0]  }
0x4de: {  	s16 =	sor.u32 s1, s7;
	s12 =	sor.u32 $0x7800, s29;
	[tilespmem:v58+s20+$0x0] =	vst.idx.add.f32.msk $0xffff, v39  }
0x4df: {  	v60 =	vadd.s32 v25, v38;
	s19 =	sor.u32 s30, s12;
	v39 =	vld [tilespmem:s16+$0x0]  }
0x4e0: {  	s3 =	sor.u32 s28, s3;
	v42 =	vld [tilespmem:s19+$0x0]  }
0x4e1: {  	v57 =	vadd.s32 v33, v36;
	s19 =	sor.u32 $0x5C00, s23;
	v44 =	vld [tilespmem:s3+$0x0]  }
0x4e2: {  	v51 =	vadd.s32 v27, v35;
	s2 =	sor.u32 s0, s19;
	[tilespmem:v62+s20+$0x0] =	vst.idx.add.f32.msk $0xffff, v61  }
0x4e3: {  	v50 =	vadd.s32 v26, v37;
	v41 =	vld [tilespmem:s2+$0x0]  }
0x4e4: {  	s25 =	sor.u32 s1, s19;
	[tilespmem:v60+s20+$0x0] =	vst.idx.add.f32.msk $0xffff, v39  }
0x4e5: {  	v49 =	vadd.s32 v26, v38;
	v39 =	vld [tilespmem:s25+$0x0]  }
0x4e6: {  	[tilespmem:v57+s20+$0x0] =	vst.idx.add.f32.msk $0xffff, v42  }
0x4e7: {  	s5 =	sor.u32 $0x6000, s23;
	[tilespmem:v51+s20+$0x0] =	vst.idx.add.f32.msk $0xffff, v44  }
0x4e8: {  	s2 =	sor.u32 s0, s5;
	[tilespmem:v50+s20+$0x0] =	vst.idx.add.f32.msk $0xffff, v41  }
0x4e9: {  	v53 =	vadd.s32 v27, v37;
	v41 =	vld [tilespmem:s2+$0x0]  }
0x4ea: {  	s13 =	sor.u32 $0x7C00, s29;
	s7 =	sor.u32 s1, s5;
	[tilespmem:v49+s20+$0x0] =	vst.idx.add.f32.msk $0xffff, v39  }
0x4eb: {  	v52 =	vadd.s32 v27, v38;
	s16 =	sor.u32 s30, s13;
	v39 =	vld [tilespmem:s7+$0x0]  }
0x4ec: {  	v43 =	vld [tilespmem:s16+$0x0];
	s16 =	sor.u32 s28, s4  }
0x4ed: {  	s19 =	sor.u32 $0x6400, s23;
	v54 =	vadd.s32 v28, v35;
	v44 =	vld [tilespmem:s16+$0x0]  }
0x4ee: {  	s2 =	sor.u32 s0, s19;
	[tilespmem:v53+s20+$0x0] =	vst.idx.add.f32.msk $0xffff, v41  }
0x4ef: {  	v56 =	vadd.s32 v28, v37;
	v41 =	vld [tilespmem:s2+$0x0]  }
0x4f0: {  	s25 =	sor.u32 s1, s19;
	[tilespmem:v52+s20+$0x0] =	vst.idx.add.f32.msk $0xffff, v39  }
0x4f1: {  	v55 =	vadd.s32 v28, v38;
	v39 =	vld [tilespmem:s25+$0x0]  }
0x4f2: {  	s4 =	sor.u32 s28, s6;
	[tilespmem:v54+s20+$0x0] =	vst.idx.add.f32.msk $0xffff, v44  }
0x4f3: {  	v57 =	vadd.s32 v29, v35;
	s5 =	sor.u32 $0x6800, s23;
	v44 =	vld [tilespmem:s4+$0x0]  }
0x4f4: {  	s2 =	sor.u32 s0, s5;
	[tilespmem:v56+s20+$0x0] =	vst.idx.add.f32.msk $0xffff, v41  }
0x4f5: {  	v59 =	vadd.s32 v29, v37;
	v41 =	vld [tilespmem:s2+$0x0]  }
0x4f6: {  	s6 =	sor.u32 s1, s5;
	[tilespmem:v55+s20+$0x0] =	vst.idx.add.f32.msk $0xffff, v39  }
0x4f7: {  	v58 =	vadd.s32 v29, v38;
	v39 =	vld [tilespmem:s6+$0x0]  }
0x4f8: {  	s7 =	sor.u32 s28, s8;
	[tilespmem:v57+s20+$0x0] =	vst.idx.add.f32.msk $0xffff, v44  }
0x4f9: {  	v60 =	vadd.s32 v30, v35;
	s8 =	sor.u32 $0x6C00, s23;
	v44 =	vld [tilespmem:s7+$0x0]  }
0x4fa: {  	s2 =	sor.u32 s0, s8;
	[tilespmem:v59+s20+$0x0] =	vst.idx.add.f32.msk $0xffff, v41  }
0x4fb: {  	v62 =	vadd.s32 v30, v37;
	v41 =	vld [tilespmem:s2+$0x0]  }
0x4fc: {  	s16 =	sor.u32 s1, s8;
	[tilespmem:v58+s20+$0x0] =	vst.idx.add.f32.msk $0xffff, v39  }
0x4fd: {  	v61 =	vadd.s32 v30, v38;
	v39 =	vld [tilespmem:s16+$0x0]  }
0x4fe: {  	s19 =	sor.u32 s28, s10;
	[tilespmem:v60+s20+$0x0] =	vst.idx.add.f32.msk $0xffff, v44  }
0x4ff: {  	v63 =	vadd.s32 v31, v35;
	s25 =	sor.u32 $0x7000, s23;
	v44 =	vld [tilespmem:s19+$0x0]  }
0x500: {  	s2 =	sor.u32 s0, s25;
	[tilespmem:v62+s20+$0x0] =	vst.idx.add.f32.msk $0xffff, v41  }
0x501: {  	v49 =	vadd.s32 v31, v37;
	v41 =	vld [tilespmem:s2+$0x0]  }
0x502: {  	s4 =	sor.u32 s1, s25;
	[tilespmem:v61+s20+$0x0] =	vst.idx.add.f32.msk $0xffff, v39  }
0x503: {  	v48 =	vadd.s32 v31, v38;
	v39 =	vld [tilespmem:s4+$0x0]  }
0x504: {  	s5 =	sor.u32 s28, s11;
	[tilespmem:v63+s20+$0x0] =	vst.idx.add.f32.msk $0xffff, v44  }
0x505: {  	v50 =	vadd.s32 v32, v35;
	s6 =	sor.u32 $0x7400, s23;
	v44 =	vld [tilespmem:s5+$0x0]  }
0x506: {  	s2 =	sor.u32 s0, s6;
	[tilespmem:v49+s20+$0x0] =	vst.idx.add.f32.msk $0xffff, v41  }
0x507: {  	v52 =	vadd.s32 v32, v37;
	v41 =	vld [tilespmem:s2+$0x0]  }
0x508: {  	s7 =	sor.u32 s1, s6;
	[tilespmem:v48+s20+$0x0] =	vst.idx.add.f32.msk $0xffff, v39  }
0x509: {  	v51 =	vadd.s32 v32, v38;
	v39 =	vld [tilespmem:s7+$0x0]  }
0x50a: {  	s8 =	sor.u32 s28, s12;
	[tilespmem:v50+s20+$0x0] =	vst.idx.add.f32.msk $0xffff, v44  }
0x50b: {  	s10 =	sor.u32 $0x7800, s23;
	v53 =	vadd.s32 v33, v35;
	v44 =	vld [tilespmem:s8+$0x0]  }
0x50c: {  	s2 =	sor.u32 s0, s10;
	[tilespmem:v52+s20+$0x0] =	vst.idx.add.f32.msk $0xffff, v41  }
0x50d: {  	v55 =	vadd.s32 v33, v37;
	v41 =	vld [tilespmem:s2+$0x0]  }
0x50e: {  	s11 =	sor.u32 s1, s10;
	[tilespmem:v51+s20+$0x0] =	vst.idx.add.f32.msk $0xffff, v39  }
0x50f: {  	v54 =	vadd.s32 v33, v38;
	v39 =	vld [tilespmem:s11+$0x0]  }
0x510: {  	s12 =	sor.u32 s28, s13;
	[tilespmem:v53+s20+$0x0] =	vst.idx.add.f32.msk $0xffff, v44  }
0x511: {  	s13 =	sor.u32 $0x7C00, s23;
	v44 =	vld [tilespmem:s12+$0x0]  }
0x512: {  	v56 =	vadd.s32 v34, v36;
	s19 =	sor.u32 s0, s13;
	[tilespmem:v55+s20+$0x0] =	vst.idx.add.f32.msk $0xffff, v41  }
0x513: {  	v57 =	vadd.s32 v34, v35;
	v58 =	vld [tilespmem:s19+$0x0]  }
0x514: {  	v59 =	vadd.s32 v34, v37;
	s16 =	sor.u32 s1, s13;
	[tilespmem:v54+s20+$0x0] =	vst.idx.add.f32.msk $0xffff, v39  }
0x515: {  	v38 =	vadd.s32 v34, v38;
	v39 =	vld [tilespmem:s16+$0x0];
	_ =	sdelay $0x1  }
0x516: {  	[tilespmem:v56+s20+$0x0] =	vst.idx.add.f32.msk $0xffff, v43  }
0x517: {  	[tilespmem:v57+s20+$0x0] =	vst.idx.add.f32.msk $0xffff, v44  }
0x518: {  	[tilespmem:v59+s20+$0x0] =	vst.idx.add.f32.msk $0xffff, v58  }
0x519: {  	[tilespmem:v38+s20+$0x0] =	vst.idx.add.f32.msk $0xffff, v39  }
0x51a: {  	_ =	swait.ge [sflag:s21], $0x8000  }
0x51b: {  	[sflag:s21] =	ssyncset.done $0x0  }
0x51c: {  	s28 =	simm.s32 $0x0;
	[sflag:s21] =	ssyncadd.s32 $0xFFFF8000  }
0x51d: {  	s29 =	sand.u32 $0x60, s28;
	_ =	swait.ge [sflag:s22], $0x400  }
0x51e: {  	s30 =	sand.u32 $0x380, s28;
	s31 =	sor.u32 $0x10, s29;
	[sflag:s22] =	ssyncset.done $0x0  }
0x51f: {  	s23 =	sor.u32 s30, s31;
	[sflag:s22] =	ssyncadd.s32 $0xFFFFFC00  }
0x520: {  	v60 =	vld [tilespmem:s23+$0x10400]  }
0x521: {  	s25 =	simm.s32 $0x10400  }
0x522: {  	v61 =	vld [tilespmem:s25+$0x0];
	_ =	sdelay $0x2  }
0x523: {  	v36 =	vshll.u32 v60, $0x4  }
0x524: {  	v62 =	vadd.s32 v2, v36  }
0x525: {  	v35 =	vshll.u32 v61, $0x4  }
0x526: {  	v37 =	vadd.s32 v2, v35;
	_ =	sdelay $0x2  }
0x527: {  	[tilespmem:v62+s20+$0x0] =	vst.idx.add.f32.msk $0xffff, v3  }
0x528: {  	v63 =	vor.u32 v1, v36;
	v38 =	vld [tilespmem:s23+$0x8000]  }
0x529: {  	s2 =	simm.s32 $0x8000;
	[tilespmem:v37+s20+$0x0] =	vst.idx.add.f32.msk $0xffff, v3  }
0x52a: {  	v44 =	vor.u32 v1, v35;
	v37 =	vld [tilespmem:s2+$0x0];
	_ =	sdelay $0x1  }
0x52b: {  	s3 =	sor.u32 $0x8400, s30  }
0x52c: {  	s4 =	sor.u32 s31, s3;
	[tilespmem:v63+s20+$0x0] =	vst.idx.add.f32.msk $0xffff, v38  }
0x52d: {  	v45 =	vadd.s32 v4, v36;
	v38 =	vld [tilespmem:s4+$0x0]  }
0x52e: {  	s0 =	sor.u32 s29, s3;
	[tilespmem:v44+s20+$0x0] =	vst.idx.add.f32.msk $0xffff, v37  }
0x52f: {  	v46 =	vadd.s32 v4, v35;
	v37 =	vld [tilespmem:s0+$0x0];
	_ =	sdelay $0x1  }
0x530: {  	s5 =	sor.u32 $0x8800, s30  }
0x531: {  	s6 =	sor.u32 s31, s5;
	[tilespmem:v45+s20+$0x0] =	vst.idx.add.f32.msk $0xffff, v38  }
0x532: {  	v47 =	vadd.s32 v5, v36;
	v38 =	vld [tilespmem:s6+$0x0]  }
0x533: {  	s0 =	sor.u32 s29, s5;
	[tilespmem:v46+s20+$0x0] =	vst.idx.add.f32.msk $0xffff, v37  }
0x534: {  	v48 =	vadd.s32 v5, v35;
	v37 =	vld [tilespmem:s0+$0x0];
	_ =	sdelay $0x1  }
0x535: {  	s7 =	sor.u32 $0x8C00, s30  }
0x536: {  	s8 =	sor.u32 s31, s7;
	[tilespmem:v47+s20+$0x0] =	vst.idx.add.f32.msk $0xffff, v38  }
0x537: {  	v49 =	vadd.s32 v6, v36;
	v38 =	vld [tilespmem:s8+$0x0]  }
0x538: {  	s0 =	sor.u32 s29, s7;
	[tilespmem:v48+s20+$0x0] =	vst.idx.add.f32.msk $0xffff, v37  }
0x539: {  	v50 =	vadd.s32 v6, v35;
	v37 =	vld [tilespmem:s0+$0x0];
	_ =	sdelay $0x1  }
0x53a: {  	s10 =	sor.u32 $0x9000, s30  }
0x53b: {  	s11 =	sor.u32 s31, s10;
	[tilespmem:v49+s20+$0x0] =	vst.idx.add.f32.msk $0xffff, v38  }
0x53c: {  	v51 =	vadd.s32 v7, v36;
	v38 =	vld [tilespmem:s11+$0x0]  }
0x53d: {  	s0 =	sor.u32 s29, s10;
	[tilespmem:v50+s20+$0x0] =	vst.idx.add.f32.msk $0xffff, v37  }
0x53e: {  	v52 =	vadd.s32 v7, v35;
	v37 =	vld [tilespmem:s0+$0x0];
	_ =	sdelay $0x1  }
0x53f: {  	s12 =	sor.u32 $0x9400, s30  }
0x540: {  	s13 =	sor.u32 s31, s12;
	[tilespmem:v51+s20+$0x0] =	vst.idx.add.f32.msk $0xffff, v38  }
0x541: {  	v53 =	vadd.s32 v8, v36;
	v38 =	vld [tilespmem:s13+$0x0]  }
0x542: {  	s0 =	sor.u32 s29, s12;
	[tilespmem:v52+s20+$0x0] =	vst.idx.add.f32.msk $0xffff, v37  }
0x543: {  	v54 =	vadd.s32 v8, v35;
	v37 =	vld [tilespmem:s0+$0x0];
	_ =	sdelay $0x1  }
0x544: {  	s16 =	sor.u32 $0x9800, s30  }
0x545: {  	s19 =	sor.u32 s31, s16;
	[tilespmem:v53+s20+$0x0] =	vst.idx.add.f32.msk $0xffff, v38  }
0x546: {  	v55 =	vadd.s32 v9, v36;
	v38 =	vld [tilespmem:s19+$0x0]  }
0x547: {  	s0 =	sor.u32 s29, s16;
	[tilespmem:v54+s20+$0x0] =	vst.idx.add.f32.msk $0xffff, v37  }
0x548: {  	v56 =	vadd.s32 v9, v35;
	v37 =	vld [tilespmem:s0+$0x0];
	_ =	sdelay $0x1  }
0x549: {  	s23 =	sor.u32 $0x9C00, s30  }
0x54a: {  	s25 =	sor.u32 s31, s23;
	[tilespmem:v55+s20+$0x0] =	vst.idx.add.f32.msk $0xffff, v38  }
0x54b: {  	v57 =	vadd.s32 v10, v36;
	v38 =	vld [tilespmem:s25+$0x0]  }
0x54c: {  	s0 =	sor.u32 s29, s23;
	[tilespmem:v56+s20+$0x0] =	vst.idx.add.f32.msk $0xffff, v37  }
0x54d: {  	v58 =	vadd.s32 v10, v35;
	v37 =	vld [tilespmem:s0+$0x0];
	_ =	sdelay $0x1  }
0x54e: {  	s2 =	sor.u32 $0xA000, s30  }
0x54f: {  	s3 =	sor.u32 s31, s2;
	[tilespmem:v57+s20+$0x0] =	vst.idx.add.f32.msk $0xffff, v38  }
0x550: {  	v59 =	vadd.s32 v11, v36;
	v38 =	vld [tilespmem:s3+$0x0]  }
0x551: {  	s0 =	sor.u32 s29, s2;
	[tilespmem:v58+s20+$0x0] =	vst.idx.add.f32.msk $0xffff, v37  }
0x552: {  	v60 =	vadd.s32 v11, v35;
	v37 =	vld [tilespmem:s0+$0x0];
	_ =	sdelay $0x1  }
0x553: {  	s4 =	sor.u32 $0xA400, s30  }
0x554: {  	s5 =	sor.u32 s31, s4;
	[tilespmem:v59+s20+$0x0] =	vst.idx.add.f32.msk $0xffff, v38  }
0x555: {  	v61 =	vadd.s32 v12, v36;
	v38 =	vld [tilespmem:s5+$0x0]  }
0x556: {  	s0 =	sor.u32 s29, s4;
	[tilespmem:v60+s20+$0x0] =	vst.idx.add.f32.msk $0xffff, v37  }
0x557: {  	v62 =	vadd.s32 v12, v35;
	v37 =	vld [tilespmem:s0+$0x0];
	_ =	sdelay $0x1  }
0x558: {  	s6 =	sor.u32 $0xA800, s30  }
0x559: {  	s7 =	sor.u32 s31, s6;
	[tilespmem:v61+s20+$0x0] =	vst.idx.add.f32.msk $0xffff, v38  }
0x55a: {  	v63 =	vadd.s32 v13, v36;
	v38 =	vld [tilespmem:s7+$0x0]  }
0x55b: {  	s0 =	sor.u32 s29, s6;
	[tilespmem:v62+s20+$0x0] =	vst.idx.add.f32.msk $0xffff, v37  }
0x55c: {  	v44 =	vadd.s32 v13, v35;
	v37 =	vld [tilespmem:s0+$0x0];
	_ =	sdelay $0x1  }
0x55d: {  	s8 =	sor.u32 $0xAC00, s30  }
0x55e: {  	s10 =	sor.u32 s31, s8;
	[tilespmem:v63+s20+$0x0] =	vst.idx.add.f32.msk $0xffff, v38  }
0x55f: {  	v45 =	vadd.s32 v14, v36;
	v38 =	vld [tilespmem:s10+$0x0]  }
0x560: {  	s0 =	sor.u32 s29, s8;
	[tilespmem:v44+s20+$0x0] =	vst.idx.add.f32.msk $0xffff, v37  }
0x561: {  	v46 =	vadd.s32 v14, v35;
	v37 =	vld [tilespmem:s0+$0x0];
	_ =	sdelay $0x1  }
0x562: {  	s11 =	sor.u32 $0xB000, s30  }
0x563: {  	s12 =	sor.u32 s31, s11;
	[tilespmem:v45+s20+$0x0] =	vst.idx.add.f32.msk $0xffff, v38  }
0x564: {  	v47 =	vadd.s32 v15, v36;
	v38 =	vld [tilespmem:s12+$0x0]  }
0x565: {  	s0 =	sor.u32 s29, s11;
	[tilespmem:v46+s20+$0x0] =	vst.idx.add.f32.msk $0xffff, v37  }
0x566: {  	v48 =	vadd.s32 v15, v35;
	v37 =	vld [tilespmem:s0+$0x0];
	_ =	sdelay $0x1  }
0x567: {  	s13 =	sor.u32 $0xB400, s30  }
0x568: {  	s16 =	sor.u32 s31, s13;
	[tilespmem:v47+s20+$0x0] =	vst.idx.add.f32.msk $0xffff, v38  }
0x569: {  	v49 =	vadd.s32 v16, v36;
	v38 =	vld [tilespmem:s16+$0x0]  }
0x56a: {  	s0 =	sor.u32 s29, s13;
	[tilespmem:v48+s20+$0x0] =	vst.idx.add.f32.msk $0xffff, v37  }
0x56b: {  	v50 =	vadd.s32 v16, v35;
	v37 =	vld [tilespmem:s0+$0x0];
	_ =	sdelay $0x1  }
0x56c: {  	s19 =	sor.u32 $0xB800, s30  }
0x56d: {  	s23 =	sor.u32 s31, s19;
	[tilespmem:v49+s20+$0x0] =	vst.idx.add.f32.msk $0xffff, v38  }
0x56e: {  	v51 =	vadd.s32 v17, v36;
	v38 =	vld [tilespmem:s23+$0x0]  }
0x56f: {  	s0 =	sor.u32 s29, s19;
	[tilespmem:v50+s20+$0x0] =	vst.idx.add.f32.msk $0xffff, v37  }
0x570: {  	v52 =	vadd.s32 v17, v35;
	v37 =	vld [tilespmem:s0+$0x0];
	_ =	sdelay $0x1  }
0x571: {  	s25 =	sor.u32 $0xBC00, s30  }
0x572: {  	s2 =	sor.u32 s31, s25;
	[tilespmem:v51+s20+$0x0] =	vst.idx.add.f32.msk $0xffff, v38  }
0x573: {  	v53 =	vadd.s32 v18, v36;
	v38 =	vld [tilespmem:s2+$0x0]  }
0x574: {  	s0 =	sor.u32 s29, s25;
	[tilespmem:v52+s20+$0x0] =	vst.idx.add.f32.msk $0xffff, v37  }
0x575: {  	v54 =	vadd.s32 v18, v35;
	v37 =	vld [tilespmem:s0+$0x0];
	_ =	sdelay $0x1  }
0x576: {  	s3 =	sor.u32 $0xC000, s30  }
0x577: {  	s4 =	sor.u32 s31, s3;
	[tilespmem:v53+s20+$0x0] =	vst.idx.add.f32.msk $0xffff, v38  }
0x578: {  	v55 =	vadd.s32 v19, v36;
	v38 =	vld [tilespmem:s4+$0x0]  }
0x579: {  	s0 =	sor.u32 s29, s3;
	[tilespmem:v54+s20+$0x0] =	vst.idx.add.f32.msk $0xffff, v37  }
0x57a: {  	v56 =	vadd.s32 v19, v35;
	v37 =	vld [tilespmem:s0+$0x0];
	_ =	sdelay $0x1  }
0x57b: {  	s6 =	sor.u32 $0xC400, s30  }
0x57c: {  	s7 =	sor.u32 s31, s6;
	[tilespmem:v55+s20+$0x0] =	vst.idx.add.f32.msk $0xffff, v38  }
0x57d: {  	v58 =	vadd.s32 v20, v36;
	v38 =	vld [tilespmem:s7+$0x0]  }
0x57e: {  	s0 =	sor.u32 s29, s6;
	[tilespmem:v56+s20+$0x0] =	vst.idx.add.f32.msk $0xffff, v37  }
0x57f: {  	v59 =	vadd.s32 v20, v35;
	v40 =	vld [tilespmem:s0+$0x0]  }
0x580: {  	s5 =	simm.s32 $0x10420  }
0x581: {  	v57 =	vld [tilespmem:s5+$0x0];
	s8 =	sor.u32 $0xC800, s30  }
0x582: {  	s10 =	sor.u32 s31, s8;
	[tilespmem:v58+s20+$0x0] =	vst.idx.add.f32.msk $0xffff, v38  }
0x583: {  	v60 =	vadd.s32 v21, v36;
	s16 =	simm.s32 $0x20;
	v38 =	vld [tilespmem:s10+$0x0]  }
0x584: {  	s1 =	sand.u32 $0x60, s16;
	s0 =	sor.u32 s29, s8;
	[tilespmem:v59+s20+$0x0] =	vst.idx.add.f32.msk $0xffff, v40  }
0x585: {  	v61 =	vadd.s32 v21, v35;
	s25 =	sand.u32 $0x380, s16;
	s23 =	sor.u32 $0x10, s1;
	v40 =	vld [tilespmem:s0+$0x0]  }
0x586: {  	s3 =	sor.u32 s25, s23;
	v37 =	vshll.u32 v57, $0x4  }
0x587: {  	s11 =	sor.u32 $0xCC00, s30;
	v39 =	vld [tilespmem:s3+$0x10400];
	v41 =	vadd.s32 v2, v37  }
0x588: {  	s12 =	sor.u32 s31, s11;
	[tilespmem:v60+s20+$0x0] =	vst.idx.add.f32.msk $0xffff, v38  }
0x589: {  	v62 =	vadd.s32 v22, v36;
	v38 =	vld [tilespmem:s12+$0x0]  }
0x58a: {  	s0 =	sor.u32 s29, s11;
	[tilespmem:v61+s20+$0x0] =	vst.idx.add.f32.msk $0xffff, v40  }
0x58b: {  	v63 =	vadd.s32 v22, v35;
	v40 =	vld [tilespmem:s0+$0x0]  }
0x58c: {  	s2 =	simm.s32 $0x8020;
	[tilespmem:v41+s20+$0x0] =	vst.idx.add.f32.msk $0xffff, v3  }
0x58d: {  	s13 =	sor.u32 $0xD000, s30;
	v44 =	vld [tilespmem:s2+$0x0]  }
0x58e: {  	s19 =	sor.u32 s31, s13;
	v45 =	vor.u32 v1, v37;
	[tilespmem:v62+s20+$0x0] =	vst.idx.add.f32.msk $0xffff, v38  }
0x58f: {  	v43 =	vadd.s32 v23, v36;
	v42 =	vld [tilespmem:s19+$0x0]  }
0x590: {  	s0 =	sor.u32 s29, s13;
	[tilespmem:v63+s20+$0x0] =	vst.idx.add.f32.msk $0xffff, v40  }
0x591: {  	s4 =	simm.s32 $0x10440;
	v41 =	vadd.s32 v23, v35;
	s19 =	simm.s32 $0x2;
	v40 =	vld [tilespmem:s0+$0x0]  }
.LBB2_18:
0x592: {  	v38 =	vld [tilespmem:s4+$0x0];
	v39 =	vshll.u32 v39, $0x4  }
0x593: {  	s0 =	sor.u32 $0xD400, s30;
	[tilespmem:v45+s20+$0x0] =	vst.idx.add.f32.msk $0xffff, v44;
	v44 =	vadd.s32 v2, v39  }
0x594: {  	s5 =	sor.u32 s29, s0;
	s0 =	sor.u32 s31, s0;
	[tilespmem:v43+s20+$0x0] =	vst.idx.add.f32.msk $0xffff, v42  }
0x595: {  	v43 =	vadd.s32 v24, v36;
	v42 =	vld [tilespmem:s0+$0x0]  }
0x596: {  	[tilespmem:v41+s20+$0x0] =	vst.idx.add.f32.msk $0xffff, v40  }
0x597: {  	v41 =	vadd.s32 v24, v35;
	v40 =	vld [tilespmem:s5+$0x0]  }
0x598: {  	[tilespmem:v44+s20+$0x0] =	vst.idx.add.f32.msk $0xffff, v3  }
0x599: {  	v45 =	vor.u32 v1, v39;
	s0 =	sor.u32 $0xD800, s30;
	v44 =	vld [tilespmem:s3+$0x8000]  }
0x59a: {  	s3 =	sor.u32 s29, s0;
	s0 =	sor.u32 s31, s0;
	[tilespmem:v43+s20+$0x0] =	vst.idx.add.f32.msk $0xffff, v42  }
0x59b: {  	v43 =	vadd.s32 v25, v36;
	v42 =	vld [tilespmem:s0+$0x0]  }
0x59c: {  	[tilespmem:v41+s20+$0x0] =	vst.idx.add.f32.msk $0xffff, v40  }
0x59d: {  	s0 =	sor.u32 $0x8400, s25;
	v40 =	vld [tilespmem:s3+$0x0]  }
0x59e: {  	v41 =	vadd.s32 v25, v35;
	s3 =	sor.u32 s1, s0;
	s0 =	sor.u32 s23, s0;
	[tilespmem:v45+s20+$0x0] =	vst.idx.add.f32.msk $0xffff, v44  }
0x59f: {  	s5 =	sor.u32 $0xDC00, s30;
	v45 =	vadd.s32 v4, v39;
	v44 =	vld [tilespmem:s0+$0x0]  }
0x5a0: {  	s0 =	sor.u32 s29, s5;
	s5 =	sor.u32 s31, s5;
	[tilespmem:v43+s20+$0x0] =	vst.idx.add.f32.msk $0xffff, v42  }
0x5a1: {  	v43 =	vadd.s32 v26, v36;
	v42 =	vld [tilespmem:s5+$0x0]  }
0x5a2: {  	v46 =	vld [tilespmem:s3+$0x0]  }
0x5a3: {  	v47 =	vadd.s32 v4, v37;
	s3 =	sor.u32 $0x8800, s25;
	[tilespmem:v41+s20+$0x0] =	vst.idx.add.f32.msk $0xffff, v40  }
0x5a4: {  	s5 =	sor.u32 s1, s3;
	s3 =	sor.u32 s23, s3;
	[tilespmem:v45+s20+$0x0] =	vst.idx.add.f32.msk $0xffff, v44  }
0x5a5: {  	v41 =	vadd.s32 v5, v39;
	v40 =	vld [tilespmem:s3+$0x0];
	s3 =	sor.u32 $0xE000, s30  }
0x5a6: {  	s6 =	sor.u32 s29, s3;
	[tilespmem:v43+s20+$0x0] =	vst.idx.add.f32.msk $0xffff, v42;
	s3 =	sor.u32 s31, s3  }
0x5a7: {  	v43 =	vadd.s32 v27, v36;
	v42 =	vld [tilespmem:s3+$0x0]  }
0x5a8: {  	[tilespmem:v47+s20+$0x0] =	vst.idx.add.f32.msk $0xffff, v46  }
0x5a9: {  	v45 =	vadd.s32 v5, v37;
	s3 =	sor.u32 $0x8C00, s25;
	v44 =	vld [tilespmem:s5+$0x0]  }
0x5aa: {  	s5 =	sor.u32 s1, s3;
	s3 =	sor.u32 s23, s3;
	[tilespmem:v41+s20+$0x0] =	vst.idx.add.f32.msk $0xffff, v40  }
0x5ab: {  	v41 =	vadd.s32 v6, v39;
	v40 =	vld [tilespmem:s3+$0x0];
	s3 =	sor.u32 $0xE400, s30  }
0x5ac: {  	s8 =	sor.u32 s29, s3;
	[tilespmem:v43+s20+$0x0] =	vst.idx.add.f32.msk $0xffff, v42;
	s3 =	sor.u32 s31, s3  }
0x5ad: {  	v43 =	vadd.s32 v28, v36;
	v42 =	vld [tilespmem:s3+$0x0]  }
0x5ae: {  	[tilespmem:v45+s20+$0x0] =	vst.idx.add.f32.msk $0xffff, v44  }
0x5af: {  	s3 =	sor.u32 $0x9000, s25;
	v45 =	vadd.s32 v6, v37;
	v44 =	vld [tilespmem:s5+$0x0]  }
0x5b0: {  	s5 =	sor.u32 s1, s3;
	s3 =	sor.u32 s23, s3;
	[tilespmem:v41+s20+$0x0] =	vst.idx.add.f32.msk $0xffff, v40  }
0x5b1: {  	v41 =	vadd.s32 v7, v39;
	v40 =	vld [tilespmem:s3+$0x0];
	s3 =	sor.u32 $0xE800, s30  }
0x5b2: {  	s10 =	sor.u32 s29, s3;
	[tilespmem:v43+s20+$0x0] =	vst.idx.add.f32.msk $0xffff, v42;
	s3 =	sor.u32 s31, s3  }
0x5b3: {  	v43 =	vadd.s32 v29, v36;
	v42 =	vld [tilespmem:s3+$0x0]  }
0x5b4: {  	[tilespmem:v45+s20+$0x0] =	vst.idx.add.f32.msk $0xffff, v44  }
0x5b5: {  	s3 =	sor.u32 $0x9400, s25;
	v45 =	vadd.s32 v7, v37;
	v44 =	vld [tilespmem:s5+$0x0]  }
0x5b6: {  	s5 =	sor.u32 s1, s3;
	s3 =	sor.u32 s23, s3;
	[tilespmem:v41+s20+$0x0] =	vst.idx.add.f32.msk $0xffff, v40  }
0x5b7: {  	v41 =	vadd.s32 v8, v39;
	v40 =	vld [tilespmem:s3+$0x0];
	s3 =	sor.u32 $0xEC00, s30  }
0x5b8: {  	s11 =	sor.u32 s29, s3;
	[tilespmem:v43+s20+$0x0] =	vst.idx.add.f32.msk $0xffff, v42;
	s3 =	sor.u32 s31, s3  }
0x5b9: {  	v43 =	vadd.s32 v30, v36;
	v42 =	vld [tilespmem:s3+$0x0]  }
0x5ba: {  	[tilespmem:v45+s20+$0x0] =	vst.idx.add.f32.msk $0xffff, v44  }
0x5bb: {  	s3 =	sor.u32 $0x9800, s25;
	v45 =	vadd.s32 v8, v37;
	v44 =	vld [tilespmem:s5+$0x0]  }
0x5bc: {  	s5 =	sor.u32 s1, s3;
	s3 =	sor.u32 s23, s3;
	[tilespmem:v41+s20+$0x0] =	vst.idx.add.f32.msk $0xffff, v40  }
0x5bd: {  	v41 =	vadd.s32 v9, v39;
	v40 =	vld [tilespmem:s3+$0x0];
	s3 =	sor.u32 $0xF000, s30  }
0x5be: {  	s12 =	sor.u32 s29, s3;
	[tilespmem:v43+s20+$0x0] =	vst.idx.add.f32.msk $0xffff, v42;
	s3 =	sor.u32 s31, s3  }
0x5bf: {  	v43 =	vadd.s32 v31, v36;
	v42 =	vld [tilespmem:s3+$0x0]  }
0x5c0: {  	[tilespmem:v45+s20+$0x0] =	vst.idx.add.f32.msk $0xffff, v44  }
0x5c1: {  	s3 =	sor.u32 $0x9C00, s25;
	v45 =	vadd.s32 v9, v37;
	v44 =	vld [tilespmem:s5+$0x0]  }
0x5c2: {  	s5 =	sor.u32 s1, s3;
	s3 =	sor.u32 s23, s3;
	[tilespmem:v41+s20+$0x0] =	vst.idx.add.f32.msk $0xffff, v40  }
0x5c3: {  	v41 =	vadd.s32 v10, v39;
	v40 =	vld [tilespmem:s3+$0x0];
	s3 =	sor.u32 $0xF400, s30  }
0x5c4: {  	s13 =	sor.u32 s29, s3;
	[tilespmem:v43+s20+$0x0] =	vst.idx.add.f32.msk $0xffff, v42;
	s3 =	sor.u32 s31, s3  }
0x5c5: {  	v43 =	vadd.s32 v32, v36;
	v42 =	vld [tilespmem:s3+$0x0]  }
0x5c6: {  	[tilespmem:v45+s20+$0x0] =	vst.idx.add.f32.msk $0xffff, v44  }
0x5c7: {  	s3 =	sor.u32 $0xA000, s25;
	v45 =	vadd.s32 v10, v37;
	v44 =	vld [tilespmem:s5+$0x0]  }
0x5c8: {  	s5 =	sor.u32 s1, s3;
	s3 =	sor.u32 s23, s3;
	[tilespmem:v41+s20+$0x0] =	vst.idx.add.f32.msk $0xffff, v40  }
0x5c9: {  	s7 =	sor.u32 $0xF800, s30;
	v41 =	vadd.s32 v11, v39;
	v40 =	vld [tilespmem:s3+$0x0]  }
0x5ca: {  	s3 =	sor.u32 s29, s7;
	s7 =	sor.u32 s31, s7;
	[tilespmem:v43+s20+$0x0] =	vst.idx.add.f32.msk $0xffff, v42  }
0x5cb: {  	v43 =	vadd.s32 v33, v36;
	v42 =	vld [tilespmem:s7+$0x0]  }
0x5cc: {  	[tilespmem:v45+s20+$0x0] =	vst.idx.add.f32.msk $0xffff, v44  }
0x5cd: {  	v45 =	vadd.s32 v11, v37;
	v44 =	vld [tilespmem:s5+$0x0];
	s5 =	sor.u32 $0xA400, s25  }
0x5ce: {  	s7 =	sor.u32 s1, s5;
	[tilespmem:v41+s20+$0x0] =	vst.idx.add.f32.msk $0xffff, v40;
	s5 =	sor.u32 s23, s5  }
0x5cf: {  	v40 =	vld [tilespmem:s5+$0x0];
	s5 =	sor.u32 $0xFC00, s30;
	s30 =	smov.u32 s25  }
0x5d0: {  	v41 =	vadd.s32 v12, v39;
	s25 =	sor.u32 s29, s5;
	[tilespmem:v43+s20+$0x0] =	vst.idx.add.f32.msk $0xffff, v42;
	s5 =	sor.u32 s31, s5;
	s29 =	smov.u32 s1  }
0x5d1: {  	v43 =	vadd.s32 v34, v36;
	v36 =	vmov v39;
	s31 =	smov.u32 s23;
	v42 =	vld [tilespmem:s5+$0x0]  }
0x5d2: {  	[tilespmem:v45+s20+$0x0] =	vst.idx.add.f32.msk $0xffff, v44  }
0x5d3: {  	v44 =	vadd.s32 v12, v37;
	v39 =	vld [tilespmem:s7+$0x0]  }
0x5d4: {  	v45 =	vld [tilespmem:s0+$0x0]  }
0x5d5: {  	s0 =	sor.u32 $0xA800, s30;
	[tilespmem:v41+s20+$0x0] =	vst.idx.add.f32.msk $0xffff, v40;
	v40 =	vadd.s32 v26, v35  }
0x5d6: {  	s1 =	sor.u32 s29, s0;
	s5 =	sor.u32 s31, s0;
	s0 =	simm.s32 $0x10880;
	[tilespmem:v43+s20+$0x0] =	vst.idx.add.f32.msk $0xffff, v42  }
0x5d7: {  	v42 =	vadd.s32 v13, v36;
	v41 =	vld [tilespmem:s5+$0x0]  }
0x5d8: {  	[tilespmem:v44+s20+$0x0] =	vst.idx.add.f32.msk $0xffff, v39  }
0x5d9: {  	v43 =	vadd.s32 v13, v37;
	v39 =	vld [tilespmem:s1+$0x0]  }
0x5da: {  	[tilespmem:v40+s20+$0x0] =	vst.idx.add.f32.msk $0xffff, v45  }
0x5db: {  	v44 =	vadd.s32 v27, v35;
	s1 =	sor.u32 $0xAC00, s30;
	v40 =	vld [tilespmem:s6+$0x0]  }
0x5dc: {  	s5 =	sor.u32 s29, s1;
	s1 =	sor.u32 s31, s1;
	[tilespmem:v42+s20+$0x0] =	vst.idx.add.f32.msk $0xffff, v41  }
0x5dd: {  	v42 =	vadd.s32 v14, v36;
	v41 =	vld [tilespmem:s1+$0x0]  }
0x5de: {  	[tilespmem:v43+s20+$0x0] =	vst.idx.add.f32.msk $0xffff, v39  }
0x5df: {  	v43 =	vadd.s32 v14, v37;
	v39 =	vld [tilespmem:s5+$0x0]  }
0x5e0: {  	[tilespmem:v44+s20+$0x0] =	vst.idx.add.f32.msk $0xffff, v40  }
0x5e1: {  	s1 =	sor.u32 $0xB000, s30;
	v44 =	vadd.s32 v28, v35;
	v40 =	vld [tilespmem:s8+$0x0]  }
0x5e2: {  	s5 =	sor.u32 s29, s1;
	s1 =	sor.u32 s31, s1;
	[tilespmem:v42+s20+$0x0] =	vst.idx.add.f32.msk $0xffff, v41  }
0x5e3: {  	v42 =	vadd.s32 v15, v36;
	v41 =	vld [tilespmem:s1+$0x0]  }
0x5e4: {  	[tilespmem:v43+s20+$0x0] =	vst.idx.add.f32.msk $0xffff, v39  }
0x5e5: {  	v43 =	vadd.s32 v15, v37;
	v39 =	vld [tilespmem:s5+$0x0]  }
0x5e6: {  	[tilespmem:v44+s20+$0x0] =	vst.idx.add.f32.msk $0xffff, v40  }
0x5e7: {  	s1 =	sor.u32 $0xB400, s30;
	v44 =	vadd.s32 v29, v35;
	v40 =	vld [tilespmem:s10+$0x0]  }
0x5e8: {  	s5 =	sor.u32 s29, s1;
	s1 =	sor.u32 s31, s1;
	[tilespmem:v42+s20+$0x0] =	vst.idx.add.f32.msk $0xffff, v41  }
0x5e9: {  	v42 =	vadd.s32 v16, v36;
	v41 =	vld [tilespmem:s1+$0x0]  }
0x5ea: {  	[tilespmem:v43+s20+$0x0] =	vst.idx.add.f32.msk $0xffff, v39  }
0x5eb: {  	v43 =	vadd.s32 v16, v37;
	v39 =	vld [tilespmem:s5+$0x0]  }
0x5ec: {  	[tilespmem:v44+s20+$0x0] =	vst.idx.add.f32.msk $0xffff, v40  }
0x5ed: {  	s1 =	sor.u32 $0xB800, s30;
	v44 =	vadd.s32 v30, v35;
	v40 =	vld [tilespmem:s11+$0x0]  }
0x5ee: {  	s5 =	sor.u32 s29, s1;
	s1 =	sor.u32 s31, s1;
	[tilespmem:v42+s20+$0x0] =	vst.idx.add.f32.msk $0xffff, v41  }
0x5ef: {  	v42 =	vadd.s32 v17, v36;
	v41 =	vld [tilespmem:s1+$0x0]  }
0x5f0: {  	[tilespmem:v43+s20+$0x0] =	vst.idx.add.f32.msk $0xffff, v39  }
0x5f1: {  	v43 =	vadd.s32 v17, v37;
	v39 =	vld [tilespmem:s5+$0x0]  }
0x5f2: {  	[tilespmem:v44+s20+$0x0] =	vst.idx.add.f32.msk $0xffff, v40  }
0x5f3: {  	s1 =	sor.u32 $0xBC00, s30;
	v44 =	vadd.s32 v31, v35;
	v40 =	vld [tilespmem:s12+$0x0]  }
0x5f4: {  	s5 =	sor.u32 s29, s1;
	s1 =	sor.u32 s31, s1;
	[tilespmem:v42+s20+$0x0] =	vst.idx.add.f32.msk $0xffff, v41  }
0x5f5: {  	v42 =	vadd.s32 v18, v36;
	v41 =	vld [tilespmem:s1+$0x0]  }
0x5f6: {  	[tilespmem:v43+s20+$0x0] =	vst.idx.add.f32.msk $0xffff, v39  }
0x5f7: {  	v43 =	vadd.s32 v18, v37;
	v39 =	vld [tilespmem:s5+$0x0]  }
0x5f8: {  	[tilespmem:v44+s20+$0x0] =	vst.idx.add.f32.msk $0xffff, v40  }
0x5f9: {  	s1 =	sor.u32 $0xC000, s30;
	v44 =	vadd.s32 v32, v35;
	v40 =	vld [tilespmem:s13+$0x0]  }
0x5fa: {  	s5 =	sor.u32 s29, s1;
	s1 =	sor.u32 s31, s1;
	[tilespmem:v42+s20+$0x0] =	vst.idx.add.f32.msk $0xffff, v41  }
0x5fb: {  	v42 =	vadd.s32 v19, v36;
	v41 =	vld [tilespmem:s1+$0x0]  }
0x5fc: {  	[tilespmem:v43+s20+$0x0] =	vst.idx.add.f32.msk $0xffff, v39  }
0x5fd: {  	v43 =	vadd.s32 v19, v37;
	v39 =	vld [tilespmem:s5+$0x0]  }
0x5fe: {  	[tilespmem:v44+s20+$0x0] =	vst.idx.add.f32.msk $0xffff, v40  }
0x5ff: {  	s1 =	sor.u32 $0xC400, s30;
	v44 =	vadd.s32 v33, v35;
	v40 =	vld [tilespmem:s3+$0x0]  }
0x600: {  	s3 =	sor.u32 s29, s1;
	s1 =	sor.u32 s31, s1;
	[tilespmem:v42+s20+$0x0] =	vst.idx.add.f32.msk $0xffff, v41  }
0x601: {  	v42 =	vadd.s32 v20, v36;
	v41 =	vld [tilespmem:s1+$0x0]  }
0x602: {  	[tilespmem:v43+s20+$0x0] =	vst.idx.add.f32.msk $0xffff, v39  }
0x603: {  	v43 =	vadd.s32 v20, v37;
	v39 =	vld [tilespmem:s3+$0x0]  }
0x604: {  	[tilespmem:v44+s20+$0x0] =	vst.idx.add.f32.msk $0xffff, v40  }
0x605: {  	s1 =	sor.u32 $0xC800, s30;
	v44 =	vadd.s32 v34, v35;
	v35 =	vmov v37;
	v37 =	vshll.u32 v38, $0x4;
	v40 =	vld [tilespmem:s25+$0x0]  }
0x606: {  	s3 =	sor.u32 s29, s1;
	s1 =	sor.u32 s31, s1;
	v38 =	vadd.s32 v2, v37;
	[tilespmem:v42+s20+$0x0] =	vst.idx.add.f32.msk $0xffff, v41  }
0x607: {  	v42 =	vadd.s32 v21, v36;
	v41 =	vld [tilespmem:s1+$0x0]  }
0x608: {  	[tilespmem:v43+s20+$0x0] =	vst.idx.add.f32.msk $0xffff, v39  }
0x609: {  	v43 =	vadd.s32 v21, v35;
	v39 =	vld [tilespmem:s3+$0x0]  }
0x60a: {  	[tilespmem:v44+s20+$0x0] =	vst.idx.add.f32.msk $0xffff, v40  }
0x60b: {  	s1 =	sor.u32 $0xCC00, s30;
	[tilespmem:v38+s20+$0x0] =	vst.idx.add.f32.msk $0xffff, v3  }
0x60c: {  	s3 =	sor.u32 s29, s1;
	s1 =	sor.u32 s31, s1;
	[tilespmem:v42+s20+$0x0] =	vst.idx.add.f32.msk $0xffff, v41  }
0x60d: {  	s16 =	sadd.s32 $0x20, s16;
	v40 =	vadd.s32 v22, v36;
	v38 =	vld [tilespmem:s1+$0x0]  }
0x60e: {  	s2 =	sadd.s32 $0x20, s2;
	s1 =	sand.u32 $0x60, s16;
	[tilespmem:v43+s20+$0x0] =	vst.idx.add.f32.msk $0xffff, v39  }
0x60f: {  	s19 =	sadd.s32 $0x2, s19;
	s25 =	sand.u32 $0x380, s16;
	v46 =	vadd.s32 v22, v35;
	s23 =	sor.u32 $0x10, s1;
	v41 =	vld [tilespmem:s3+$0x0]  }
0x610: {  	p0 =	slt.u32 s19, $0x3E;
	s3 =	sor.u32 s25, s23;
	v44 =	vld [tilespmem:s2+$0x0]  }
.Ltmp8:
0x611: {  	s5 =	sor.u32 $0xD000, s30;
	v39 =	vld [tilespmem:s3+$0x10400];
	(pc) =	sbr.rel @p0 .LBB2_18-.Ltmp8, $4  }
0x612: {  	s6 =	sor.u32 s29, s5;
	s5 =	sor.u32 s31, s5;
	v45 =	vor.u32 v1, v37;
	[tilespmem:v40+s20+$0x0] =	vst.idx.add.f32.msk $0xffff, v38  }
0x613: {  	v43 =	vadd.s32 v23, v36;
	v42 =	vld [tilespmem:s5+$0x0]  }
0x614: {  	[tilespmem:v46+s20+$0x0] =	vst.idx.add.f32.msk $0xffff, v41  }
0x615: {  	s4 =	sadd.s32 $0x20, s4;
	v41 =	vadd.s32 v23, v35;
	v40 =	vld [tilespmem:s6+$0x0]  }
0x616: {  	v38 =	vshll.u32 v39, $0x4  }
0x617: {  	v39 =	vadd.s32 v2, v38;
	_ =	sdelay $0x4  }
0x618: {  	[tilespmem:v39+s20+$0x0] =	vst.idx.add.f32.msk $0xffff, v3  }
0x619: {  	s2 =	sor.u32 $0x8400, s25;
	v46 =	vor.u32 v1, v38;
	v39 =	vld [tilespmem:s3+$0x8000]  }
0x61a: {  	[tilespmem:v45+s20+$0x0] =	vst.idx.add.f32.msk $0xffff, v44;
	s8 =	sor.u32 s23, s2;
	s2 =	sor.u32 s1, s2  }
0x61b: {  	v59 =	vadd.s32 v4, v37;
	v44 =	vld [tilespmem:s2+$0x0];
	_ =	sdelay $0x2  }
0x61c: {  	[tilespmem:v46+s20+$0x0] =	vst.idx.add.f32.msk $0xffff, v39  }
0x61d: {  	s10 =	sor.u32 $0x8800, s25;
	v58 =	vadd.s32 v4, v38;
	v39 =	vld [tilespmem:s8+$0x0]  }
0x61e: {  	s2 =	sor.u32 s1, s10;
	[tilespmem:v59+s20+$0x0] =	vst.idx.add.f32.msk $0xffff, v44  }
0x61f: {  	v61 =	vadd.s32 v5, v37;
	v44 =	vld [tilespmem:s2+$0x0];
	_ =	sdelay $0x2  }
0x620: {  	s11 =	sor.u32 s23, s10;
	[tilespmem:v58+s20+$0x0] =	vst.idx.add.f32.msk $0xffff, v39  }
0x621: {  	s12 =	sor.u32 $0x8C00, s25;
	v60 =	vadd.s32 v5, v38;
	v39 =	vld [tilespmem:s11+$0x0]  }
0x622: {  	s2 =	sor.u32 s1, s12;
	[tilespmem:v61+s20+$0x0] =	vst.idx.add.f32.msk $0xffff, v44  }
0x623: {  	v63 =	vadd.s32 v6, v37;
	v44 =	vld [tilespmem:s2+$0x0];
	_ =	sdelay $0x2  }
0x624: {  	s13 =	sor.u32 s23, s12;
	[tilespmem:v60+s20+$0x0] =	vst.idx.add.f32.msk $0xffff, v39  }
0x625: {  	s16 =	sor.u32 $0x9000, s25;
	v62 =	vadd.s32 v6, v38;
	v39 =	vld [tilespmem:s13+$0x0]  }
0x626: {  	s2 =	sor.u32 s1, s16;
	[tilespmem:v63+s20+$0x0] =	vst.idx.add.f32.msk $0xffff, v44  }
0x627: {  	v49 =	vadd.s32 v7, v37;
	v44 =	vld [tilespmem:s2+$0x0];
	_ =	sdelay $0x2  }
0x628: {  	s19 =	sor.u32 s23, s16;
	[tilespmem:v62+s20+$0x0] =	vst.idx.add.f32.msk $0xffff, v39  }
0x629: {  	s4 =	sor.u32 $0x9400, s25;
	v48 =	vadd.s32 v7, v38;
	v39 =	vld [tilespmem:s19+$0x0]  }
0x62a: {  	s2 =	sor.u32 s1, s4;
	[tilespmem:v49+s20+$0x0] =	vst.idx.add.f32.msk $0xffff, v44  }
0x62b: {  	v51 =	vadd.s32 v8, v37;
	v44 =	vld [tilespmem:s2+$0x0];
	_ =	sdelay $0x2  }
0x62c: {  	s5 =	sor.u32 s23, s4;
	[tilespmem:v48+s20+$0x0] =	vst.idx.add.f32.msk $0xffff, v39  }
0x62d: {  	s6 =	sor.u32 $0x9800, s25;
	v50 =	vadd.s32 v8, v38;
	v39 =	vld [tilespmem:s5+$0x0]  }
0x62e: {  	s2 =	sor.u32 s1, s6;
	[tilespmem:v51+s20+$0x0] =	vst.idx.add.f32.msk $0xffff, v44  }
0x62f: {  	v53 =	vadd.s32 v9, v37;
	v44 =	vld [tilespmem:s2+$0x0];
	_ =	sdelay $0x2  }
0x630: {  	s7 =	sor.u32 s23, s6;
	[tilespmem:v50+s20+$0x0] =	vst.idx.add.f32.msk $0xffff, v39  }
0x631: {  	v52 =	vadd.s32 v9, v38;
	s8 =	sor.u32 $0x9C00, s25;
	v39 =	vld [tilespmem:s7+$0x0]  }
0x632: {  	s2 =	sor.u32 s1, s8;
	[tilespmem:v53+s20+$0x0] =	vst.idx.add.f32.msk $0xffff, v44  }
0x633: {  	v55 =	vadd.s32 v10, v37;
	v44 =	vld [tilespmem:s2+$0x0];
	_ =	sdelay $0x2  }
0x634: {  	s10 =	sor.u32 s23, s8;
	[tilespmem:v52+s20+$0x0] =	vst.idx.add.f32.msk $0xffff, v39  }
0x635: {  	v54 =	vadd.s32 v10, v38;
	s11 =	sor.u32 $0xA000, s25;
	v39 =	vld [tilespmem:s10+$0x0]  }
0x636: {  	s2 =	sor.u32 s1, s11;
	[tilespmem:v55+s20+$0x0] =	vst.idx.add.f32.msk $0xffff, v44  }
0x637: {  	v57 =	vadd.s32 v11, v37;
	v44 =	vld [tilespmem:s2+$0x0];
	_ =	sdelay $0x2  }
0x638: {  	s12 =	sor.u32 s23, s11;
	[tilespmem:v54+s20+$0x0] =	vst.idx.add.f32.msk $0xffff, v39  }
0x639: {  	v56 =	vadd.s32 v11, v38;
	s13 =	sor.u32 $0xA400, s25;
	v39 =	vld [tilespmem:s12+$0x0]  }
0x63a: {  	s2 =	sor.u32 s1, s13;
	[tilespmem:v57+s20+$0x0] =	vst.idx.add.f32.msk $0xffff, v44  }
0x63b: {  	v59 =	vadd.s32 v12, v37;
	v44 =	vld [tilespmem:s2+$0x0]  }
0x63c: {  	[tilespmem:v43+s20+$0x0] =	vst.idx.add.f32.msk $0xffff, v42  }
0x63d: {  	[tilespmem:v41+s20+$0x0] =	vst.idx.add.f32.msk $0xffff, v40  }
0x63e: {  	s16 =	sor.u32 s23, s13;
	[tilespmem:v56+s20+$0x0] =	vst.idx.add.f32.msk $0xffff, v39  }
0x63f: {  	v58 =	vadd.s32 v12, v38;
	s5 =	sor.u32 $0xA800, s25;
	v39 =	vld [tilespmem:s16+$0x0]  }
0x640: {  	s19 =	sor.u32 $0xD400, s30;
	s2 =	sor.u32 s1, s5;
	[tilespmem:v59+s20+$0x0] =	vst.idx.add.f32.msk $0xffff, v44  }
0x641: {  	v61 =	vadd.s32 v13, v37;
	s4 =	sor.u32 s31, s19;
	v44 =	vld [tilespmem:s2+$0x0]  }
0x642: {  	s6 =	sor.u32 s29, s19;
	v42 =	vld [tilespmem:s4+$0x0]  }
0x643: {  	v62 =	vadd.s32 v24, v36;
	v41 =	vld [tilespmem:s6+$0x0]  }
0x644: {  	s4 =	sor.u32 s23, s5;
	[tilespmem:v58+s20+$0x0] =	vst.idx.add.f32.msk $0xffff, v39  }
0x645: {  	v60 =	vadd.s32 v13, v38;
	s7 =	sor.u32 $0xAC00, s25;
	v39 =	vld [tilespmem:s4+$0x0]  }
0x646: {  	s2 =	sor.u32 s1, s7;
	[tilespmem:v61+s20+$0x0] =	vst.idx.add.f32.msk $0xffff, v44  }
0x647: {  	v48 =	vadd.s32 v14, v37;
	s10 =	sor.u32 $0xD800, s30;
	v44 =	vld [tilespmem:s2+$0x0]  }
0x648: {  	[tilespmem:v62+s20+$0x0] =	vst.idx.add.f32.msk $0xffff, v42;
	s11 =	sor.u32 s31, s10  }
0x649: {  	v49 =	vadd.s32 v24, v35;
	v42 =	vld [tilespmem:s11+$0x0]  }
0x64a: {  	s8 =	sor.u32 s23, s7;
	v52 =	vadd.s32 v25, v36;
	[tilespmem:v60+s20+$0x0] =	vst.idx.add.f32.msk $0xffff, v39  }
0x64b: {  	v63 =	vadd.s32 v14, v38;
	s12 =	sor.u32 $0xB000, s25;
	v39 =	vld [tilespmem:s8+$0x0]  }
0x64c: {  	s2 =	sor.u32 s1, s12;
	[tilespmem:v48+s20+$0x0] =	vst.idx.add.f32.msk $0xffff, v44  }
0x64d: {  	v51 =	vadd.s32 v15, v37;
	v44 =	vld [tilespmem:s2+$0x0]  }
0x64e: {  	[tilespmem:v49+s20+$0x0] =	vst.idx.add.f32.msk $0xffff, v41  }
0x64f: {  	[tilespmem:v52+s20+$0x0] =	vst.idx.add.f32.msk $0xffff, v42  }
0x650: {  	s13 =	sor.u32 s23, s12;
	[tilespmem:v63+s20+$0x0] =	vst.idx.add.f32.msk $0xffff, v39  }
0x651: {  	s19 =	sor.u32 $0xB400, s25;
	v50 =	vadd.s32 v15, v38;
	v39 =	vld [tilespmem:s13+$0x0]  }
0x652: {  	s5 =	sor.u32 s1, s19;
	[tilespmem:v51+s20+$0x0] =	vst.idx.add.f32.msk $0xffff, v44  }
0x653: {  	v54 =	vadd.s32 v16, v37;
	s16 =	sor.u32 s29, s10;
	s2 =	sor.u32 $0xDC00, s30;
	v44 =	vld [tilespmem:s5+$0x0]  }
0x654: {  	v41 =	vld [tilespmem:s16+$0x0];
	s6 =	sor.u32 s31, s2  }
0x655: {  	v55 =	vadd.s32 v26, v36;
	v40 =	vld [tilespmem:s6+$0x0]  }
0x656: {  	s4 =	sor.u32 s23, s19;
	[tilespmem:v50+s20+$0x0] =	vst.idx.add.f32.msk $0xffff, v39  }
0x657: {  	v53 =	vadd.s32 v16, v38;
	s7 =	sor.u32 $0xB800, s25;
	v39 =	vld [tilespmem:s4+$0x0]  }
0x658: {  	s10 =	sor.u32 s1, s7;
	[tilespmem:v54+s20+$0x0] =	vst.idx.add.f32.msk $0xffff, v44  }
0x659: {  	s3 =	sor.u32 $0xE000, s30;
	v57 =	vadd.s32 v17, v37;
	v44 =	vld [tilespmem:s10+$0x0]  }
0x65a: {  	s11 =	sor.u32 s31, s3;
	[tilespmem:v55+s20+$0x0] =	vst.idx.add.f32.msk $0xffff, v40  }
0x65b: {  	v58 =	vadd.s32 v27, v36;
	v40 =	vld [tilespmem:s11+$0x0]  }
0x65c: {  	s8 =	sor.u32 s23, s7;
	[tilespmem:v53+s20+$0x0] =	vst.idx.add.f32.msk $0xffff, v39  }
0x65d: {  	v56 =	vadd.s32 v17, v38;
	s12 =	sor.u32 $0xBC00, s25;
	v39 =	vld [tilespmem:s8+$0x0]  }
0x65e: {  	s13 =	sor.u32 s1, s12;
	[tilespmem:v57+s20+$0x0] =	vst.idx.add.f32.msk $0xffff, v44  }
0x65f: {  	v60 =	vadd.s32 v18, v37;
	s4 =	sor.u32 $0xE400, s30;
	v44 =	vld [tilespmem:s13+$0x0]  }
0x660: {  	[tilespmem:v58+s20+$0x0] =	vst.idx.add.f32.msk $0xffff, v40;
	s16 =	sor.u32 s31, s4  }
0x661: {  	v40 =	vld [tilespmem:s16+$0x0]  }
0x662: {  	v61 =	vadd.s32 v28, v36;
	s5 =	sor.u32 s23, s12;
	[tilespmem:v56+s20+$0x0] =	vst.idx.add.f32.msk $0xffff, v39  }
0x663: {  	v59 =	vadd.s32 v18, v38;
	s19 =	sor.u32 $0xC000, s25;
	v39 =	vld [tilespmem:s5+$0x0]  }
0x664: {  	[tilespmem:v60+s20+$0x0] =	vst.idx.add.f32.msk $0xffff, v44;
	s5 =	sor.u32 s1, s19  }
0x665: {  	v63 =	vadd.s32 v19, v37;
	v44 =	vld [tilespmem:s5+$0x0];
	_ =	sdelay $0x1  }
0x666: {  	[tilespmem:v61+s20+$0x0] =	vst.idx.add.f32.msk $0xffff, v40  }
0x667: {  	s6 =	sor.u32 s23, s19;
	[tilespmem:v59+s20+$0x0] =	vst.idx.add.f32.msk $0xffff, v39  }
0x668: {  	v62 =	vadd.s32 v19, v38;
	s8 =	sor.u32 $0xC400, s25;
	v39 =	vld [tilespmem:s6+$0x0]  }
0x669: {  	s5 =	sor.u32 s1, s8;
	s6 =	sor.u32 $0xE800, s30;
	[tilespmem:v63+s20+$0x0] =	vst.idx.add.f32.msk $0xffff, v44  }
0x66a: {  	v50 =	vadd.s32 v20, v37;
	s7 =	sor.u32 s31, s6;
	v44 =	vld [tilespmem:s5+$0x0]  }
0x66b: {  	v48 =	vadd.s32 v29, v36;
	v40 =	vld [tilespmem:s7+$0x0];
	_ =	sdelay $0x1  }
0x66c: {  	s7 =	sor.u32 s23, s8;
	[tilespmem:v62+s20+$0x0] =	vst.idx.add.f32.msk $0xffff, v39  }
0x66d: {  	v49 =	vadd.s32 v20, v38;
	v39 =	vld [tilespmem:s7+$0x0]  }
0x66e: {  	s11 =	sor.u32 $0xC800, s25;
	[tilespmem:v50+s20+$0x0] =	vst.idx.add.f32.msk $0xffff, v44  }
0x66f: {  	v60 =	vadd.s32 v25, v35;
	s5 =	sor.u32 s1, s11;
	s8 =	sor.u32 $0xEC00, s30;
	[tilespmem:v48+s20+$0x0] =	vst.idx.add.f32.msk $0xffff, v40  }
0x670: {  	v53 =	vadd.s32 v21, v37;
	s10 =	sor.u32 s31, s8;
	v44 =	vld [tilespmem:s5+$0x0]  }
0x671: {  	v51 =	vadd.s32 v30, v36;
	v40 =	vld [tilespmem:s10+$0x0]  }
0x672: {  	s12 =	sor.u32 s23, s11;
	[tilespmem:v49+s20+$0x0] =	vst.idx.add.f32.msk $0xffff, v39  }
0x673: {  	v52 =	vadd.s32 v21, v38;
	v39 =	vld [tilespmem:s12+$0x0]  }
0x674: {  	[tilespmem:v60+s20+$0x0] =	vst.idx.add.f32.msk $0xffff, v41  }
0x675: {  	s16 =	sor.u32 $0xCC00, s25;
	[tilespmem:v53+s20+$0x0] =	vst.idx.add.f32.msk $0xffff, v44  }
0x676: {  	s5 =	sor.u32 s1, s16;
	[tilespmem:v51+s20+$0x0] =	vst.idx.add.f32.msk $0xffff, v40  }
0x677: {  	v56 =	vadd.s32 v22, v37;
	v44 =	vld [tilespmem:s5+$0x0]  }
0x678: {  	s19 =	sor.u32 s23, s16;
	[tilespmem:v52+s20+$0x0] =	vst.idx.add.f32.msk $0xffff, v39  }
0x679: {  	s2 =	sor.u32 s29, s2;
	v55 =	vadd.s32 v22, v38;
	s10 =	sor.u32 $0xF000, s30;
	v39 =	vld [tilespmem:s19+$0x0]  }
0x67a: {  	s13 =	sor.u32 s31, s10;
	v51 =	vld [tilespmem:s2+$0x0]  }
0x67b: {  	v54 =	vadd.s32 v31, v36;
	s12 =	sor.u32 $0xD000, s25;
	v40 =	vld [tilespmem:s13+$0x0]  }
0x67c: {  	s5 =	sor.u32 s1, s12;
	[tilespmem:v56+s20+$0x0] =	vst.idx.add.f32.msk $0xffff, v44  }
0x67d: {  	v59 =	vadd.s32 v23, v37;
	v44 =	vld [tilespmem:s5+$0x0]  }
0x67e: {  	s13 =	sor.u32 s23, s12;
	[tilespmem:v55+s20+$0x0] =	vst.idx.add.f32.msk $0xffff, v39  }
0x67f: {  	v58 =	vadd.s32 v23, v38;
	s11 =	sor.u32 $0xF400, s30;
	v39 =	vld [tilespmem:s13+$0x0]  }
0x680: {  	s7 =	sor.u32 s31, s11;
	[tilespmem:v54+s20+$0x0] =	vst.idx.add.f32.msk $0xffff, v40  }
0x681: {  	v57 =	vadd.s32 v32, v36;
	s19 =	sor.u32 $0xD400, s25;
	v40 =	vld [tilespmem:s7+$0x0]  }
0x682: {  	s5 =	sor.u32 s1, s19;
	[tilespmem:v59+s20+$0x0] =	vst.idx.add.f32.msk $0xffff, v44  }
0x683: {  	v63 =	vadd.s32 v24, v37;
	v44 =	vld [tilespmem:s5+$0x0]  }
0x684: {  	s13 =	sor.u32 s23, s19;
	[tilespmem:v58+s20+$0x0] =	vst.idx.add.f32.msk $0xffff, v39  }
0x685: {  	v62 =	vadd.s32 v24, v38;
	s12 =	sor.u32 $0xF800, s30;
	v39 =	vld [tilespmem:s13+$0x0]  }
0x686: {  	s16 =	sor.u32 s31, s12;
	[tilespmem:v57+s20+$0x0] =	vst.idx.add.f32.msk $0xffff, v40  }
0x687: {  	v52 =	vadd.s32 v26, v35;
	v42 =	vld [tilespmem:s16+$0x0];
	s16 =	sor.u32 $0xD800, s25  }
0x688: {  	v61 =	vadd.s32 v33, v36;
	s5 =	sor.u32 s1, s16;
	[tilespmem:v63+s20+$0x0] =	vst.idx.add.f32.msk $0xffff, v44  }
0x689: {  	v50 =	vadd.s32 v25, v37;
	v49 =	vld [tilespmem:s5+$0x0]  }
0x68a: {  	s19 =	sor.u32 s23, s16;
	[tilespmem:v62+s20+$0x0] =	vst.idx.add.f32.msk $0xffff, v39  }
0x68b: {  	v48 =	vadd.s32 v25, v38;
	v39 =	vld [tilespmem:s19+$0x0]  }
0x68c: {  	[tilespmem:v52+s20+$0x0] =	vst.idx.add.f32.msk $0xffff, v51  }
0x68d: {  	s7 =	sor.u32 $0xDC00, s25;
	[tilespmem:v61+s20+$0x0] =	vst.idx.add.f32.msk $0xffff, v42  }
0x68e: {  	s2 =	sor.u32 s1, s7;
	[tilespmem:v50+s20+$0x0] =	vst.idx.add.f32.msk $0xffff, v49  }
0x68f: {  	v54 =	vadd.s32 v26, v37;
	v41 =	vld [tilespmem:s2+$0x0]  }
0x690: {  	s16 =	sor.u32 s23, s7;
	s13 =	sor.u32 $0xFC00, s30;
	[tilespmem:v48+s20+$0x0] =	vst.idx.add.f32.msk $0xffff, v39  }
0x691: {  	v53 =	vadd.s32 v26, v38;
	s31 =	sor.u32 s31, s13;
	v39 =	vld [tilespmem:s16+$0x0]  }
0x692: {  	v43 =	vld [tilespmem:s31+$0x0];
	s19 =	sor.u32 s29, s3  }
0x693: {  	v55 =	vadd.s32 v27, v35;
	s30 =	sor.u32 $0xE000, s25;
	v44 =	vld [tilespmem:s19+$0x0]  }
0x694: {  	s2 =	sor.u32 s1, s30;
	[tilespmem:v54+s20+$0x0] =	vst.idx.add.f32.msk $0xffff, v41  }
0x695: {  	v57 =	vadd.s32 v27, v37;
	v41 =	vld [tilespmem:s2+$0x0]  }
0x696: {  	s31 =	sor.u32 s23, s30;
	[tilespmem:v53+s20+$0x0] =	vst.idx.add.f32.msk $0xffff, v39  }
0x697: {  	v56 =	vadd.s32 v27, v38;
	v39 =	vld [tilespmem:s31+$0x0]  }
0x698: {  	s3 =	sor.u32 s29, s4;
	[tilespmem:v55+s20+$0x0] =	vst.idx.add.f32.msk $0xffff, v44  }
0x699: {  	v58 =	vadd.s32 v28, v35;
	s4 =	sor.u32 $0xE400, s25;
	v44 =	vld [tilespmem:s3+$0x0]  }
0x69a: {  	s2 =	sor.u32 s1, s4;
	[tilespmem:v57+s20+$0x0] =	vst.idx.add.f32.msk $0xffff, v41  }
0x69b: {  	v60 =	vadd.s32 v28, v37;
	v41 =	vld [tilespmem:s2+$0x0]  }
0x69c: {  	s5 =	sor.u32 s23, s4;
	[tilespmem:v56+s20+$0x0] =	vst.idx.add.f32.msk $0xffff, v39  }
0x69d: {  	v59 =	vadd.s32 v28, v38;
	v39 =	vld [tilespmem:s5+$0x0]  }
0x69e: {  	s6 =	sor.u32 s29, s6;
	[tilespmem:v58+s20+$0x0] =	vst.idx.add.f32.msk $0xffff, v44  }
0x69f: {  	s7 =	sor.u32 $0xE800, s25;
	v61 =	vadd.s32 v29, v35;
	v44 =	vld [tilespmem:s6+$0x0]  }
0x6a0: {  	s2 =	sor.u32 s1, s7;
	[tilespmem:v60+s20+$0x0] =	vst.idx.add.f32.msk $0xffff, v41  }
0x6a1: {  	v63 =	vadd.s32 v29, v37;
	v41 =	vld [tilespmem:s2+$0x0]  }
0x6a2: {  	s16 =	sor.u32 s23, s7;
	[tilespmem:v59+s20+$0x0] =	vst.idx.add.f32.msk $0xffff, v39  }
0x6a3: {  	v62 =	vadd.s32 v29, v38;
	v39 =	vld [tilespmem:s16+$0x0]  }
0x6a4: {  	s19 =	sor.u32 s29, s8;
	[tilespmem:v61+s20+$0x0] =	vst.idx.add.f32.msk $0xffff, v44  }
0x6a5: {  	s30 =	sor.u32 $0xEC00, s25;
	v48 =	vadd.s32 v30, v35;
	v44 =	vld [tilespmem:s19+$0x0]  }
0x6a6: {  	s2 =	sor.u32 s1, s30;
	[tilespmem:v63+s20+$0x0] =	vst.idx.add.f32.msk $0xffff, v41  }
0x6a7: {  	v50 =	vadd.s32 v30, v37;
	v41 =	vld [tilespmem:s2+$0x0]  }
0x6a8: {  	s31 =	sor.u32 s23, s30;
	[tilespmem:v62+s20+$0x0] =	vst.idx.add.f32.msk $0xffff, v39  }
0x6a9: {  	v49 =	vadd.s32 v30, v38;
	v39 =	vld [tilespmem:s31+$0x0]  }
0x6aa: {  	s4 =	sor.u32 s29, s10;
	[tilespmem:v48+s20+$0x0] =	vst.idx.add.f32.msk $0xffff, v44  }
0x6ab: {  	v51 =	vadd.s32 v31, v35;
	s5 =	sor.u32 $0xF000, s25;
	v44 =	vld [tilespmem:s4+$0x0]  }
0x6ac: {  	s2 =	sor.u32 s1, s5;
	[tilespmem:v50+s20+$0x0] =	vst.idx.add.f32.msk $0xffff, v41  }
0x6ad: {  	v53 =	vadd.s32 v31, v37;
	v41 =	vld [tilespmem:s2+$0x0]  }
0x6ae: {  	s6 =	sor.u32 s23, s5;
	[tilespmem:v49+s20+$0x0] =	vst.idx.add.f32.msk $0xffff, v39  }
0x6af: {  	v52 =	vadd.s32 v31, v38;
	v39 =	vld [tilespmem:s6+$0x0]  }
0x6b0: {  	s7 =	sor.u32 s29, s11;
	[tilespmem:v51+s20+$0x0] =	vst.idx.add.f32.msk $0xffff, v44  }
0x6b1: {  	s8 =	sor.u32 $0xF400, s25;
	v54 =	vadd.s32 v32, v35;
	v44 =	vld [tilespmem:s7+$0x0]  }
0x6b2: {  	s2 =	sor.u32 s1, s8;
	[tilespmem:v53+s20+$0x0] =	vst.idx.add.f32.msk $0xffff, v41  }
0x6b3: {  	v56 =	vadd.s32 v32, v37;
	v41 =	vld [tilespmem:s2+$0x0]  }
0x6b4: {  	s10 =	sor.u32 s23, s8;
	[tilespmem:v52+s20+$0x0] =	vst.idx.add.f32.msk $0xffff, v39  }
0x6b5: {  	v55 =	vadd.s32 v32, v38;
	v39 =	vld [tilespmem:s10+$0x0]  }
0x6b6: {  	s11 =	sor.u32 s29, s12;
	[tilespmem:v54+s20+$0x0] =	vst.idx.add.f32.msk $0xffff, v44  }
0x6b7: {  	v57 =	vadd.s32 v33, v35;
	s12 =	sor.u32 $0xF800, s25;
	v44 =	vld [tilespmem:s11+$0x0]  }
0x6b8: {  	s2 =	sor.u32 s1, s12;
	[tilespmem:v56+s20+$0x0] =	vst.idx.add.f32.msk $0xffff, v41  }
0x6b9: {  	v59 =	vadd.s32 v33, v37;
	v41 =	vld [tilespmem:s2+$0x0]  }
0x6ba: {  	s16 =	sor.u32 s23, s12;
	[tilespmem:v55+s20+$0x0] =	vst.idx.add.f32.msk $0xffff, v39  }
0x6bb: {  	v58 =	vadd.s32 v33, v38;
	v39 =	vld [tilespmem:s16+$0x0]  }
0x6bc: {  	s19 =	sor.u32 s29, s13;
	[tilespmem:v57+s20+$0x0] =	vst.idx.add.f32.msk $0xffff, v44  }
0x6bd: {  	s29 =	sor.u32 $0xFC00, s25;
	v44 =	vld [tilespmem:s19+$0x0]  }
0x6be: {  	v60 =	vadd.s32 v34, v36;
	s31 =	sor.u32 s1, s29;
	[tilespmem:v59+s20+$0x0] =	vst.idx.add.f32.msk $0xffff, v41  }
0x6bf: {  	v61 =	vadd.s32 v34, v35;
	v62 =	vld [tilespmem:s31+$0x0]  }
0x6c0: {  	s30 =	sor.u32 s23, s29;
	v63 =	vadd.s32 v34, v37;
	[tilespmem:v58+s20+$0x0] =	vst.idx.add.f32.msk $0xffff, v39  }
0x6c1: {  	v38 =	vadd.s32 v34, v38;
	v39 =	vld [tilespmem:s30+$0x0];
	_ =	sdelay $0x1  }
0x6c2: {  	[tilespmem:v60+s20+$0x0] =	vst.idx.add.f32.msk $0xffff, v43  }
0x6c3: {  	[tilespmem:v61+s20+$0x0] =	vst.idx.add.f32.msk $0xffff, v44  }
0x6c4: {  	[tilespmem:v63+s20+$0x0] =	vst.idx.add.f32.msk $0xffff, v62  }
0x6c5: {  	[tilespmem:v38+s20+$0x0] =	vst.idx.add.f32.msk $0xffff, v39  }
.LBB2_20:
0x6c6: {  	v35 =	vld [tilespmem:s0+$0xFFFFFF80]  }
0x6c7: {  	v36 =	vld [tilespmem:s0+$0xFFFFFF90]  }
0x6c8: {  	v37 =	vld [tilespmem:s0+$0xFFFFFFA0]  }
0x6c9: {  	v38 =	vld [tilespmem:s0+$0xFFFFFFB0]  }
0x6ca: {  	v39 =	vld [tilespmem:s0+$0xFFFFFFC0]  }
0x6cb: {  	v46 =	vld [tilespmem:s0+$0xFFFFFFD0];
	(xrf2) =	vadd.scan.msk.f32 $0xffff, v35  }
0x6cc: {  	v47 =	vld [tilespmem:s0+$0xFFFFFFE0];
	(xrf2) =	vadd.scan.msk.f32 $0xffff, v36  }
0x6cd: {  	v48 =	vld [tilespmem:s0+$0xFFFFFFF0];
	(xrf2) =	vadd.scan.msk.f32 $0xffff, v37  }
0x6ce: {  	v49 =	vld [tilespmem:s0+$0x0];
	(xrf2) =	vadd.scan.msk.f32 $0xffff, v38  }
0x6cf: {  	v50 =	vld [tilespmem:s0+$0x10];
	(xrf2) =	vadd.scan.msk.f32 $0xffff, v39  }
0x6d0: {  	v51 =	vld [tilespmem:s0+$0x20];
	(xrf2) =	vadd.scan.msk.f32 $0xffff, v46  }
0x6d1: {  	v52 =	vld [tilespmem:s0+$0x30];
	(xrf2) =	vadd.scan.msk.f32 $0xffff, v47  }
0x6d2: {  	v53 =	vld [tilespmem:s0+$0x40];
	(xrf2) =	vadd.scan.msk.f32 $0xffff, v48  }
0x6d3: {  	v54 =	vld [tilespmem:s0+$0x50];
	(xrf2) =	vadd.scan.msk.f32 $0xffff, v49  }
0x6d4: {  	v55 =	vld [tilespmem:s0+$0x60];
	(xrf2) =	vadd.scan.msk.f32 $0xffff, v50  }
0x6d5: {  	v40, _, _ =	vpop (xrf2);
	(xrf2) =	vadd.scan.msk.f32 $0xffff, v51  }
0x6d6: {  	v56, _, _ =	vpop (xrf2);
	(xrf2) =	vadd.scan.msk.f32 $0xffff, v52  }
0x6d7: {  	v59 =	vld [tilespmem:s0+$0x70];
	v57 =	vbroadcast v40, $0xF;
	v35 =	vbroadcast v56, $0xF;
	v58, _, _ =	vpop (xrf2);
	(xrf2) =	vadd.scan.msk.f32 $0xffff, v53  }
0x6d8: {  	v41, _, _ =	vpop (xrf2);
	(xrf2) =	vadd.scan.msk.f32 $0xffff, v54;
	v60 =	vbroadcast v58, $0xF  }
0x6d9: {  	v35 =	vsel vm0, v57, v35;
	v61 =	vbroadcast v41, $0xF;
	v62, _, _ =	vpop (xrf2);
	(xrf2) =	vadd.scan.msk.f32 $0xffff, v55  }
0x6da: {  	v63, _, _ =	vpop (xrf2);
	v35 =	vsel vm1, v35, v60;
	v44 =	vbroadcast v62, $0xF  }
0x6db: {  	v45, _, _ =	vpop (xrf2);
	v35 =	vsel vm2, v35, v61;
	v46 =	vbroadcast v63, $0xF  }
0x6dc: {  	(xrf2) =	vadd.scan.msk.f32 $0xffff, v59;
	v35 =	vsel vm3, v35, v44;
	v47 =	vbroadcast v45, $0xF;
	v48, _, _ =	vpop (xrf2)  }
0x6dd: {  	v49, _, _ =	vpop (xrf2);
	v35 =	vsel vm4, v35, v46;
	v50 =	vbroadcast v48, $0xF  }
0x6de: {  	v51, _, _ =	vpop (xrf2);
	v35 =	vsel vm5, v35, v47;
	v37 =	vbroadcast v49, $0xF  }
0x6df: {  	v52, _, _ =	vpop (xrf2);
	v35 =	vsel vm6, v35, v50;
	v53 =	vbroadcast v51, $0xF  }
0x6e0: {  	v54, _, _ =	vpop (xrf2);
	v35 =	vsel vm7, v35, v37;
	v55 =	vbroadcast v52, $0xF  }
0x6e1: {  	v56, _, _ =	vpop (xrf2);
	v35 =	vsel vm8, v35, v53;
	v57 =	vbroadcast v54, $0xF  }
0x6e2: {  	v58, _, _ =	vpop (xrf2);
	v35 =	vsel vm9, v35, v55;
	v59 =	vbroadcast v56, $0xF  }
0x6e3: {  	p0 =	sne.s32 s28, $0x3E00;
	v60, _, _ =	vpop (xrf2);
	v35 =	vsel vm10, v35, v57;
	v61 =	vbroadcast v58, $0xF  }
.Ltmp9:
0x6e4: {  	v35 =	vsel vm11, v35, v59;
	v62 =	vbroadcast v60, $0xF;
	(pc) =	sbr.rel @p0 .LBB2_20-.Ltmp9, $4  }
0x6e5: {  	v35 =	vsel vm12, v35, v61  }
0x6e6: {  	v63, _, _ =	vpop (xrf2);
	v35 =	vsel vm13, v35, v62  }
0x6e7: {  	s1 =	sshra.s32 s28, $0x2;
	v35 =	vsel vm14, v35, v63  }
0x6e8: {  	s0 =	sadd.s32 $0x100, s0;
	s28 =	sadd.s32 $0x200, s28;
	[tilespmem:s1+$0x12900] =	vst v35  }
0x6e9: {  	v35 =	vld [tilespmem:$0x12800]  }
0x6ea: {  	v36 =	vld [tilespmem:$0x12810]  }
0x6eb: {  	v37 =	vld [tilespmem:$0x12820]  }
0x6ec: {  	v38 =	vld [tilespmem:$0x12830]  }
0x6ed: {  	v39 =	vld [tilespmem:$0x12840]  }
0x6ee: {  	v46 =	vld [tilespmem:$0x12850];
	(xrf2) =	vadd.scan.msk.f32 $0xffff, v35  }
0x6ef: {  	v47 =	vld [tilespmem:$0x12860];
	(xrf2) =	vadd.scan.msk.f32 $0xffff, v36  }
0x6f0: {  	v48 =	vld [tilespmem:$0x12870];
	(xrf2) =	vadd.scan.msk.f32 $0xffff, v37  }
0x6f1: {  	v49 =	vld [tilespmem:$0x12880];
	(xrf2) =	vadd.scan.msk.f32 $0xffff, v38  }
0x6f2: {  	v50 =	vld [tilespmem:$0x12890];
	(xrf2) =	vadd.scan.msk.f32 $0xffff, v39  }
0x6f3: {  	v51 =	vld [tilespmem:$0x128A0];
	(xrf2) =	vadd.scan.msk.f32 $0xffff, v46  }
0x6f4: {  	v52 =	vld [tilespmem:$0x128B0];
	(xrf2) =	vadd.scan.msk.f32 $0xffff, v47  }
0x6f5: {  	v53 =	vld [tilespmem:$0x128C0];
	(xrf2) =	vadd.scan.msk.f32 $0xffff, v48  }
0x6f6: {  	v54 =	vld [tilespmem:$0x128D0];
	(xrf2) =	vadd.scan.msk.f32 $0xffff, v49  }
0x6f7: {  	v55 =	vld [tilespmem:$0x128E0];
	(xrf2) =	vadd.scan.msk.f32 $0xffff, v50  }
0x6f8: {  	v40, _, _ =	vpop (xrf2);
	(xrf2) =	vadd.scan.msk.f32 $0xffff, v51  }
0x6f9: {  	v56, _, _ =	vpop (xrf2);
	(xrf2) =	vadd.scan.msk.f32 $0xffff, v52  }
0x6fa: {  	v59 =	vld [tilespmem:$0x128F0];
	v57 =	vbroadcast v40, $0xF;
	v35 =	vbroadcast v56, $0xF;
	v58, _, _ =	vpop (xrf2);
	(xrf2) =	vadd.scan.msk.f32 $0xffff, v53  }
0x6fb: {  	v41, _, _ =	vpop (xrf2);
	(xrf2) =	vadd.scan.msk.f32 $0xffff, v54;
	v60 =	vbroadcast v58, $0xF  }
0x6fc: {  	v35 =	vsel vm0, v57, v35;
	v61 =	vbroadcast v41, $0xF;
	v62, _, _ =	vpop (xrf2);
	(xrf2) =	vadd.scan.msk.f32 $0xffff, v55  }
0x6fd: {  	v63, _, _ =	vpop (xrf2);
	v35 =	vsel vm1, v35, v60;
	v44 =	vbroadcast v62, $0xF  }
0x6fe: {  	v45, _, _ =	vpop (xrf2);
	v35 =	vsel vm2, v35, v61;
	v46 =	vbroadcast v63, $0xF  }
0x6ff: {  	(xrf2) =	vadd.scan.msk.f32 $0xffff, v59;
	v35 =	vsel vm3, v35, v44;
	v47 =	vbroadcast v45, $0xF;
	v48, _, _ =	vpop (xrf2)  }
0x700: {  	v49, _, _ =	vpop (xrf2);
	v35 =	vsel vm4, v35, v46;
	v50 =	vbroadcast v48, $0xF  }
0x701: {  	v51, _, _ =	vpop (xrf2);
	v35 =	vsel vm5, v35, v47;
	v37 =	vbroadcast v49, $0xF  }
0x702: {  	v52, _, _ =	vpop (xrf2);
	v35 =	vsel vm6, v35, v50;
	v53 =	vbroadcast v51, $0xF  }
0x703: {  	v54, _, _ =	vpop (xrf2);
	v35 =	vsel vm7, v35, v37;
	v55 =	vbroadcast v52, $0xF  }
0x704: {  	v56, _, _ =	vpop (xrf2);
	v35 =	vsel vm8, v35, v53;
	v57 =	vbroadcast v54, $0xF  }
0x705: {  	v58, _, _ =	vpop (xrf2);
	v35 =	vsel vm9, v35, v55;
	v59 =	vbroadcast v56, $0xF  }
0x706: {  	v60, _, _ =	vpop (xrf2);
	v35 =	vsel vm10, v35, v57;
	v61 =	vbroadcast v58, $0xF  }
0x707: {  	v35 =	vsel vm11, v35, v59;
	v62 =	vbroadcast v60, $0xF  }
0x708: {  	v35 =	vsel vm12, v35, v61  }
0x709: {  	v63, _, _ =	vpop (xrf2);
	v35 =	vsel vm13, v35, v62  }
0x70a: {  	v35 =	vsel vm14, v35, v63  }
0x70b: {  	s0 =	simm.s32 $0x0;
	s1 =	rddreg [dreg:$0xb];
	s2 =	simm.s32 $0x12900;
	[tilespmem:$0x13900] =	vst v35  }
0x70c: {  	[hbm4b:s1+s0] =	stream.linear.scatter [tilespmem:s2], [sflag:$0x5], $0x1000, $0x38;
	[tilespmem:$0x13980] =	vst v63  }
0x70d: {  	_ =	swait.ge [sflag:s24], $0x1000  }
0x70e: {  	[sflag:s24] =	ssyncset.done $0x0  }
0x70f: {  	s30 =	simm.s32 $0x13900;
	s29 =	rddreg [dreg:$0xc];
	[sflag:s24] =	ssyncadd.s32 $0xFFFFF000  }
0x710: {  	[hbm4b:s29+s0] =	stream.linear.scatter [tilespmem:s30], [sflag:$0x5], $0x80, $0x38;
	[tilespmem:$0x13980] =	vst v63  }
0x711: {  	_ =	swait.ge [sflag:s24], $0x80  }
0x712: {  	s26 =	sadd.s32 $0x1, s26;
	s31 =	rddreg [dreg:$0xd]  }
0x713: {  	p0 =	sne.s32 s26, s31  }
.Ltmp10:
0x714: {  	_ = 	snop;
	(pc) =	sbr.rel @p0 .LBB2_1-.Ltmp10, $3  }
0x715: {  	_ =	sdelay $0x1  }
0x716: {  	[sflag:s24] =	ssyncset.done $0x0  }
0x717: {  	s7 =	simm.s32 $0x10000;
	[sflag:s24] =	ssyncadd.s32 $0xFFFFFF80  }
0x718: {  	_ =	sfence.sel $0x180000  }
0x719: {  	[bflag:$0x0] =	sbarrier.arrive $0xFFFF  }
0x71a: {  	_ =	strace $0x90000047  }
0x71b: {  	s0 =	stileid.u32;
	[bflag:$0x2] =	sbarrier.arrive $0xFFFF  }
0x71c: {  	p0 =	sne.s32 s0, $0x0;
	s0 =	rddreg [dreg:$0x3]  }
0x71d: {  	s0 =	sadd.s32 @!p0 $0x100000, s0  }
0x71e: {  	[sflag:s0] =	ssyncadd.tile.s32 @!p0 $0x1;
	_ =	shalt  }
.Lfunc_end2:
_tile_overlayer_lowered:
.L_overlay_start_2:
0x71f: {  	(tag) =	ssettag $0x2  }
0x720: {  	s0 =	rddreg [dreg:$0x0];
	s2 =	stileid.u32  }
0x721: {  	s1 =	rddreg [dreg:$0x1];
	p0 =	sne.s32 s2, $0x0  }
0x722: {  	s3 =	rddreg [dreg:$0x2];
	[bflag:$0x3] =	sbarrier.arrive $0xFFFF;
	s2 =	simm.s32 @!p0 $0x1C05  }
0x723: {  	[timem:s3], [sflag:s2] =	dma.local @!p0 [hbm:s0], s1  }
0x724: {  	s0 =	simm.s32 @!p0 $0x5  }
0x725: {  	_ =	swait.ge @!p0 [sflag:s0], s1  }
0x726: {  	s1 =	ssub.s32 @!p0 $0x0, s1;
	[sflag:s0] =	ssyncset.done @!p0 $0x0  }
0x727: {  	[sflag:s0] =	ssyncadd.s32 @!p0 s1  }
0x728: {  	[bflag:$0x3] =	sbarrier.arrive $0xFFFF  }
0x729: {  	_ =	shalt  }

</sc_bundles>
